<compile_context>
chip_gen: v7x
topology: tpu7x:2x2x1
jax: 0.10.2.dev20260603
libtpu: 0.0.44.dev20260713+nightly
codegen_flags: <defaults>
</compile_context>

<pallas_src>
import functools

import jax
import jax.numpy as jnp
from jax import lax
from jax.experimental import pallas as pl
from jax.experimental.pallas import tpu as pltpu
from jax.experimental.pallas import tpu_sc as plsc

_N = 10000
_E = 320000
_D = 128
_C = 19
_G = 64

_NC = 2
_NS = 16
_NW = _NC * _NS
_NP = 10240
_STR = _NP // _NS
_K = 80
_EPT = _E // _NW
_CH = _EPT // _K
_NSL = 4
_SG = (_CH - 1) // _NSL

_BR = 1024
_NB = _NP // _BR

_mesh = plsc.VectorSubcoreMesh(core_axis_name="c", subcore_axis_name="s",
                               num_cores=_NC, num_subcores=_NS)


def _deg_count_body(dst_hbm, ones_hbm, zrows_hbm, out_hbm,
                    acc, d0, d1, d2, d3, rows_v,
                    id0, id1, id2, id3, s0, s1, s2, s3):
    dslot = (d0, d1, d2, d3)
    idsem = (id0, id1, id2, id3)
    ssem = (s0, s1, s2, s3)
    c = lax.axis_index("c")
    s = lax.axis_index("s")
    base = (c * _NS + s) * _EPT

    def idx_load(chunk, q):
        pltpu.async_copy(dst_hbm.at[pl.ds(base + chunk * _K, _K)], dslot[q],
                         idsem[q])

    def idx_wait(chunk, q):
        pltpu.make_async_copy(dst_hbm.at[pl.ds(base + chunk * _K, _K)],
                              dslot[q], idsem[q]).wait()

    for q in range(_NSL):
        idx_load(q, q)

    pltpu.sync_copy(zrows_hbm, rows_v)

    @pl.loop(0, _STR // _K)
    def _zero(j):
        pltpu.sync_copy(rows_v, acc.at[pl.ds(s * _STR + j * _K, _K)])

    plsc.subcore_barrier()

    pltpu.sync_copy(ones_hbm, rows_v)

    @pl.loop(0, _SG)
    def _count(gg):
        for q in range(_NSL):
            i = gg * _NSL + q
            idx_wait(i, q)
            pltpu.async_copy(rows_v, acc.at[dslot[q]], ssem[q], add=True)

            @pl.when(i + _NSL < _CH)
            def _():
                pltpu.make_async_copy(rows_v, acc.at[dslot[q]],
                                      ssem[q]).wait()
                idx_load(i + _NSL, q)

    last = _CH - 1
    idx_wait(last, 0)
    pltpu.async_copy(rows_v, acc.at[dslot[0]], ssem[0], add=True)
    for q in range(_NSL):
        pltpu.make_async_copy(rows_v, acc.at[dslot[q]], ssem[q]).wait()

    plsc.subcore_barrier()

    @pl.loop(0, _STR // _K)
    def _out(j):
        row = s * _STR + j * _K
        pltpu.sync_copy(acc.at[pl.ds(row, _K)], rows_v)
        pltpu.sync_copy(rows_v, out_hbm.at[pl.ds(c * _NP + row, _K)])


def _edge_scatter_body(t_hbm, src_hbm, dst_hbm, zrows_hbm, out_hbm,
                       acc, sv0, sv1, sv2, sv3, dv0, dv1, dv2, dv3,
                       r0, r1, r2, r3,
                       gs0, gs1, gs2, gs3, ss0, ss1, ss2, ss3,
                       is0, is1, is2, is3, id0, id1, id2, id3):
    sslot = (sv0, sv1, sv2, sv3)
    dslot = (dv0, dv1, dv2, dv3)
    rows = (r0, r1, r2, r3)
    gsem = (gs0, gs1, gs2, gs3)
    ssem = (ss0, ss1, ss2, ss3)
    issem = (is0, is1, is2, is3)
    idsem = (id0, id1, id2, id3)
    c = lax.axis_index("c")
    s = lax.axis_index("s")
    base = (c * _NS + s) * _EPT

    def idx_load(chunk, q):
        pltpu.async_copy(src_hbm.at[pl.ds(base + chunk * _K, _K)], sslot[q],
                         issem[q])
        pltpu.async_copy(dst_hbm.at[pl.ds(base + chunk * _K, _K)], dslot[q],
                         idsem[q])

    def idx_wait(sems, slots, chunk, q):
        pltpu.make_async_copy(src_hbm.at[pl.ds(base + chunk * _K, _K)],
                              slots[q], sems[q]).wait()

    for q in range(_NSL):
        idx_load(q, q)

    pltpu.sync_copy(zrows_hbm, rows[0])

    @pl.loop(0, _STR // _K)
    def _zero(j):
        pltpu.sync_copy(rows[0], acc.at[pl.ds(s * _STR + j * _K, _K)])

    plsc.subcore_barrier()

    for q in range(_NSL):
        idx_wait(issem, sslot, q, q)
        pltpu.async_copy(t_hbm.at[sslot[q]], rows[q], gsem[q])

    @pl.loop(0, _SG)
    def _edges(gg):
        for q in range(_NSL):
            i = gg * _NSL + q
            pltpu.make_async_copy(t_hbm.at[sslot[q]], rows[q],
                                  gsem[q]).wait()
            idx_wait(idsem, dslot, i, q)
            pltpu.async_copy(rows[q], acc.at[dslot[q]], ssem[q], add=True)
            pltpu.make_async_copy(rows[q], acc.at[dslot[q]],
                                  ssem[q]).wait()

            @pl.when(i + _NSL < _CH)
            def _():
                idx_load(i + _NSL, q)
                idx_wait(issem, sslot, i + _NSL, q)
                pltpu.async_copy(t_hbm.at[sslot[q]], rows[q], gsem[q])

    last = _CH - 1
    pltpu.make_async_copy(t_hbm.at[sslot[0]], rows[0], gsem[0]).wait()
    idx_wait(idsem, dslot, last, 0)
    pltpu.sync_copy(rows[0], acc.at[dslot[0]], add=True)

    plsc.subcore_barrier()

    @pl.loop(0, _STR // _K)
    def _out(j):
        row = s * _STR + j * _K
        pltpu.sync_copy(acc.at[pl.ds(row, _K)], rows[0])
        pltpu.sync_copy(rows[0], out_hbm.at[pl.ds(c * _NP + row, _K)])


def _build_deg_count(interpret=False):
    return pl.kernel(
        _deg_count_body,
        out_type=jax.ShapeDtypeStruct((_NC * _NP, _D), jnp.float32),
        mesh=_mesh,
        scratch_types=(
            [pltpu.VMEM_SHARED((_NP, _D), jnp.float32)]
            + [pltpu.VMEM((_K,), jnp.int32)] * _NSL
            + [pltpu.VMEM((_K, _D), jnp.float32)]
            + [pltpu.SemaphoreType.DMA] * (2 * _NSL)),
        interpret=interpret,
    )


def _build_edge_scatter(interpret=False):
    return pl.kernel(
        _edge_scatter_body,
        out_type=jax.ShapeDtypeStruct((_NC * _NP, _D), jnp.float32),
        mesh=_mesh,
        scratch_types=(
            [pltpu.VMEM_SHARED((_NP, _D), jnp.float32)]
            + [pltpu.VMEM((_K,), jnp.int32)] * (2 * _NSL)
            + [pltpu.VMEM((_K, _D), jnp.float32)] * _NSL
            + [pltpu.SemaphoreType.DMA] * (4 * _NSL)),
        interpret=interpret,
    )


_deg_count = _build_deg_count()
_edge_scatter = _build_edge_scatter()


def _dinv_block(degp_blk):
    deg = degp_blk[0, :, 0] + degp_blk[1, :, 0] + 1.0
    return lax.rsqrt(deg)[:, None]


def _stage1_body(x_ref, w_ref, degp_ref, t_ref):
    dinv = _dinv_block(degp_ref[...])
    t_ref[...] = jnp.dot(x_ref[...], w_ref[...],
                         preferred_element_type=jnp.float32) * dinv


def _stage_mid_body(acc_ref, t_ref, degp_ref, b_ref, w_ref, out_ref):
    dinv = _dinv_block(degp_ref[...])
    prev = (acc_ref[0] + acc_ref[1] + t_ref[...]) * dinv + b_ref[...]
    z = jnp.maximum(prev, 0.0)
    out_ref[...] = jnp.dot(z, w_ref[...],
                           preferred_element_type=jnp.float32) * dinv


def _final_body(acc_ref, t_ref, degp_ref, b_ref, batch_ref, wl_ref, bl_ref,
                out_ref, sums, cnt):
    i = pl.program_id(0)

    @pl.when(i == 0)
    def _():
        sums[...] = jnp.zeros_like(sums)
        cnt[...] = jnp.zeros_like(cnt)

    dinv = _dinv_block(degp_ref[...])
    h3 = (acc_ref[0] + acc_ref[1] + t_ref[...]) * dinv + b_ref[...]
    bt = batch_ref[0, 0, :]
    gid = lax.broadcasted_iota(jnp.int32, (_G, 1), 0)
    oh = (bt[None, :] == gid).astype(jnp.float32)
    sums[...] += jnp.dot(oh, h3, preferred_element_type=jnp.float32)
    cnt[...] += jnp.broadcast_to(jnp.sum(oh, axis=1, keepdims=True),
                                 (_G, _D))

    @pl.when(i == _NB - 1)
    def _():
        pooled = sums[...] / jnp.clip(cnt[...], 1.0)
        out_ref[...] = jnp.dot(pooled, wl_ref[...],
                               preferred_element_type=jnp.float32) + bl_ref[...]


def _rows_spec():
    return pl.BlockSpec((_BR, _D), lambda i: (i, 0))


def _acc_spec():
    return pl.BlockSpec((_NC, _BR, _D), lambda i: (0, i, 0))


def _degp_spec():
    return pl.BlockSpec((_NC, _BR, _D), lambda i: (0, i, 0))


def _full_spec(shape):
    return pl.BlockSpec(shape, lambda i: tuple(0 for _ in shape))


def _stage1(x_p, w1, degp):
    return pl.pallas_call(
        _stage1_body,
        grid=(_NB,),
        in_specs=[_rows_spec(), _full_spec((_D, _D)), _degp_spec()],
        out_specs=_rows_spec(),
        out_shape=jax.ShapeDtypeStruct((_NP, _D), jnp.float32),
    )(x_p, w1, degp)


def _stage_mid(acc, t_prev, degp, b, w):
    return pl.pallas_call(
        _stage_mid_body,
        grid=(_NB,),
        in_specs=[_acc_spec(), _rows_spec(), _degp_spec(),
                  _full_spec((1, _D)), _full_spec((_D, _D))],
        out_specs=_rows_spec(),
        out_shape=jax.ShapeDtypeStruct((_NP, _D), jnp.float32),
    )(acc, t_prev, degp, b, w)


def _final(acc, t3, degp, b3, batch3d, wl, bl):
    return pl.pallas_call(
        _final_body,
        grid=(_NB,),
        in_specs=[_acc_spec(), _rows_spec(), _degp_spec(),
                  _full_spec((1, _D)),
                  pl.BlockSpec((1, 1, _BR), lambda i: (i, 0, 0)),
                  _full_spec((_D, _C)), _full_spec((1, _C))],
        out_specs=_full_spec((_G, _C)),
        out_shape=jax.ShapeDtypeStruct((_G, _C), jnp.float32),
        scratch_shapes=[pltpu.VMEM((_G, _D), jnp.float32),
                        pltpu.VMEM((_G, _D), jnp.float32)],
    )(acc, t3, degp, b3, batch3d, wl, bl)


@jax.jit
def kernel(x, edge_index, batch, W1, b1, W2, b2, W3, b3, Wl, bl):
    src = edge_index[0]
    dst = edge_index[1]
    x_p = jnp.pad(x, ((0, _NP - _N), (0, 0)))
    batch3d = jnp.pad(batch, (0, _NP - _N), constant_values=-1).reshape(
        _NB, 1, _BR)
    zrows = jnp.zeros((_K, _D), jnp.float32)
    orows = jnp.ones((_K, _D), jnp.float32)

    degp = _deg_count(dst, orows, zrows).reshape(_NC, _NP, _D)

    t1 = _stage1(x_p, W1, degp)
    acc1 = _edge_scatter(t1, src, dst, zrows).reshape(_NC, _NP, _D)
    t2 = _stage_mid(acc1, t1, degp, b1.reshape(1, _D), W2)
    acc2 = _edge_scatter(t2, src, dst, zrows).reshape(_NC, _NP, _D)
    t3 = _stage_mid(acc2, t2, degp, b2.reshape(1, _D), W3)
    acc3 = _edge_scatter(t3, src, dst, zrows).reshape(_NC, _NP, _D)

    return _final(acc3, t3, degp, b3.reshape(1, _D), batch3d,
                  Wl, bl.reshape(1, _C))

# --- scband reference (transcript-rebuilt; emitter-appended) ---
"""Pipeline reference for scband-gcn-5488968204990 (READ-ONLY COPY).

The authoritative reference and input builder live on the scoring server;
editing this copy changes nothing except your own understanding.
"""

import jax, jax.numpy as jnp
import numpy as np

N = 10000
E = 320000
D_IN = 128
H = 128
C = 19
G = 64


def _glorot(key, shape):
    fan = shape[0] + shape[1]
    return (jax.random.normal(key, shape, dtype=jnp.float32) * jnp.sqrt(2.0 / fan)).astype(jnp.float32)


def setup_inputs(seed: int = 0) -> dict:
    key = jax.random.key(seed)
    ks = jax.random.split(key, 12)
    x = jax.random.normal(ks[0], (N, D_IN), dtype=jnp.float32)
    edge_index = jax.random.randint(ks[1], (2, E), 0, N, dtype=jnp.int32)
    batch = jnp.sort(jax.random.randint(ks[2], (N,), 0, G, dtype=jnp.int32))
    W1 = _glorot(ks[3], (D_IN, H)); b1 = jnp.zeros((H,), dtype=jnp.float32)
    W2 = _glorot(ks[4], (H, H));    b2 = jnp.zeros((H,), dtype=jnp.float32)
    W3 = _glorot(ks[5], (H, H));    b3 = jnp.zeros((H,), dtype=jnp.float32)
    Wl = _glorot(ks[6], (H, C));    bl = jnp.zeros((C,), dtype=jnp.float32)
    return {"x": x, "edge_index": edge_index, "batch": batch,
            "W1": W1, "b1": b1, "W2": W2, "b2": b2, "W3": W3, "b3": b3,
            "Wl": Wl, "bl": bl}


def _gcn_conv(x, src, dst, norm, W, b):
    h = x @ W
    msg = h[src] * norm[:, None]
    out = jax.ops.segment_sum(msg, dst, num_segments=N)
    return out + b


def reference(x, edge_index, batch, W1, b1, W2, b2, W3, b3, Wl, bl):
    # GCNConv with added self-loops and symmetric degree normalization (PyG default)
    loops = jnp.arange(N, dtype=edge_index.dtype)
    src = jnp.concatenate([edge_index[0], loops])
    dst = jnp.concatenate([edge_index[1], loops])
    deg = jnp.zeros((N,), dtype=jnp.float32).at[dst].add(1.0)
    dinv = jax.lax.rsqrt(deg)
    norm = dinv[src] * dinv[dst]

    h = _gcn_conv(x, src, dst, norm, W1, b1)
    h = jax.nn.relu(h)
    h = _gcn_conv(h, src, dst, norm, W2, b2)
    h = jax.nn.relu(h)
    h = _gcn_conv(h, src, dst, norm, W3, b3)

    # global_mean_pool over graph ids
    sums = jax.ops.segment_sum(h, batch, num_segments=G)
    cnt = jax.ops.segment_sum(jnp.ones((N,), dtype=jnp.float32), batch, num_segments=G)
    pooled = sums / jnp.clip(cnt, 1.0)[:, None]

    # dropout p=0.5 is identity in eval mode
    out = pooled @ Wl + bl
    return out

if __name__ == "__main__":
    import jax
    _d = setup_inputs()
    print(jax.jit(kernel)(*tuple(_d.values())))

</pallas_src>

<mosaic_0001>
#map = affine_map<(d0, d1) -> (0, 0)>
#map1 = affine_map<(d0, d1) -> (0)>
module attributes {stable_mosaic.version = 14 : i64} {
  func.func @_edge_scatter_body(%arg0: i32, %arg1: i32, %arg2: memref<10240x128xf32, #tpu.memory_space<hbm>>, %arg3: memref<320000xi32, #tpu.memory_space<hbm>>, %arg4: memref<320000xi32, #tpu.memory_space<hbm>>, %arg5: memref<80x128xf32, #tpu.memory_space<hbm>>, %arg6: memref<20480x128xf32, #tpu.memory_space<hbm>>, %arg7: memref<10240x128xf32, #tpu.memory_space<vmem_shared>>, %arg8: memref<80xi32, #tpu.memory_space<vmem>>, %arg9: memref<80xi32, #tpu.memory_space<vmem>>, %arg10: memref<80xi32, #tpu.memory_space<vmem>>, %arg11: memref<80xi32, #tpu.memory_space<vmem>>, %arg12: memref<80xi32, #tpu.memory_space<vmem>>, %arg13: memref<80xi32, #tpu.memory_space<vmem>>, %arg14: memref<80xi32, #tpu.memory_space<vmem>>, %arg15: memref<80xi32, #tpu.memory_space<vmem>>, %arg16: memref<80x128xf32, #tpu.memory_space<vmem>>, %arg17: memref<80x128xf32, #tpu.memory_space<vmem>>, %arg18: memref<80x128xf32, #tpu.memory_space<vmem>>, %arg19: memref<80x128xf32, #tpu.memory_space<vmem>>, %arg20: memref<!tpu.dma_semaphore, #tpu.memory_space<semaphore_mem>>, %arg21: memref<!tpu.dma_semaphore, #tpu.memory_space<semaphore_mem>>, %arg22: memref<!tpu.dma_semaphore, #tpu.memory_space<semaphore_mem>>, %arg23: memref<!tpu.dma_semaphore, #tpu.memory_space<semaphore_mem>>, %arg24: memref<!tpu.dma_semaphore, #tpu.memory_space<semaphore_mem>>, %arg25: memref<!tpu.dma_semaphore, #tpu.memory_space<semaphore_mem>>, %arg26: memref<!tpu.dma_semaphore, #tpu.memory_space<semaphore_mem>>, %arg27: memref<!tpu.dma_semaphore, #tpu.memory_space<semaphore_mem>>, %arg28: memref<!tpu.dma_semaphore, #tpu.memory_space<semaphore_mem>>, %arg29: memref<!tpu.dma_semaphore, #tpu.memory_space<semaphore_mem>>, %arg30: memref<!tpu.dma_semaphore, #tpu.memory_space<semaphore_mem>>, %arg31: memref<!tpu.dma_semaphore, #tpu.memory_space<semaphore_mem>>, %arg32: memref<!tpu.dma_semaphore, #tpu.memory_space<semaphore_mem>>, %arg33: memref<!tpu.dma_semaphore, #tpu.memory_space<semaphore_mem>>, %arg34: memref<!tpu.dma_semaphore, #tpu.memory_space<semaphore_mem>>, %arg35: memref<!tpu.dma_semaphore, #tpu.memory_space<semaphore_mem>>) attributes {dimension_semantics = [#tpu.dimension_semantics<core_parallel>, #tpu.dimension_semantics<subcore_parallel>], iteration_bounds = array<i64: 2, 16>, scalar_prefetch = 0 : i64, scratch_operands = 29 : i64, tpu.core_type = #tpu.core_type<sc_vector_subcore>, window_params = [{transform_indices = #map}, {transform_indices = #map1}, {transform_indices = #map1}, {transform_indices = #map}, {transform_indices = #map}]} {
    %mul3A = arith.constant 16 : i32
    %mul3A_0 = arith.muli %arg0, %mul3A : i32
    %add3A = arith.addi %mul3A_0, %arg1 : i32
    %mul3A_1 = arith.constant 10000 : i32
    %mul3A_2 = arith.muli %add3A, %mul3A_1 : i32
    %add3A_3 = arith.constant 0 : i32
    %add3A_4 = arith.addi %mul3A_2, %add3A_3 : i32
    %dma_start3A = tpu.memref_slice %arg3[%add3A_4] : memref<320000xi32, #tpu.memory_space<hbm>> -> memref<80xi32, #tpu.memory_space<hbm>>
    %dma_start3A_5 = tpu.memref_slice %arg3[%add3A_4] : memref<320000xi32, #tpu.memory_space<hbm>> -> memref<80xi32, #tpu.memory_space<hbm>>
    tpu.enqueue_dma source(%dma_start3A_5 : memref<80xi32, #tpu.memory_space<hbm>>) target(%arg8 : memref<80xi32, #tpu.memory_space<vmem>>) target_semaphore(%arg28 : memref<!tpu.dma_semaphore, #tpu.memory_space<semaphore_mem>>)
    %add3A_6 = arith.constant 0 : i32
    %add3A_7 = arith.addi %mul3A_2, %add3A_6 : i32
    %dma_start3A_8 = tpu.memref_slice %arg4[%add3A_7] : memref<320000xi32, #tpu.memory_space<hbm>> -> memref<80xi32, #tpu.memory_space<hbm>>
    %dma_start3A_9 = tpu.memref_slice %arg4[%add3A_7] : memref<320000xi32, #tpu.memory_space<hbm>> -> memref<80xi32, #tpu.memory_space<hbm>>
    tpu.enqueue_dma source(%dma_start3A_9 : memref<80xi32, #tpu.memory_space<hbm>>) target(%arg12 : memref<80xi32, #tpu.memory_space<vmem>>) target_semaphore(%arg32 : memref<!tpu.dma_semaphore, #tpu.memory_space<semaphore_mem>>)
    %add3A_10 = arith.constant 80 : i32
    %add3A_11 = arith.addi %mul3A_2, %add3A_10 : i32
    %dma_start3A_12 = tpu.memref_slice %arg3[%add3A_11] : memref<320000xi32, #tpu.memory_space<hbm>> -> memref<80xi32, #tpu.memory_space<hbm>>
    %dma_start3A_13 = tpu.memref_slice %arg3[%add3A_11] : memref<320000xi32, #tpu.memory_space<hbm>> -> memref<80xi32, #tpu.memory_space<hbm>>
    tpu.enqueue_dma source(%dma_start3A_13 : memref<80xi32, #tpu.memory_space<hbm>>) target(%arg9 : memref<80xi32, #tpu.memory_space<vmem>>) target_semaphore(%arg29 : memref<!tpu.dma_semaphore, #tpu.memory_space<semaphore_mem>>)
    %add3A_14 = arith.constant 80 : i32
    %add3A_15 = arith.addi %mul3A_2, %add3A_14 : i32
    %dma_start3A_16 = tpu.memref_slice %arg4[%add3A_15] : memref<320000xi32, #tpu.memory_space<hbm>> -> memref<80xi32, #tpu.memory_space<hbm>>
    %dma_start3A_17 = tpu.memref_slice %arg4[%add3A_15] : memref<320000xi32, #tpu.memory_space<hbm>> -> memref<80xi32, #tpu.memory_space<hbm>>
    tpu.enqueue_dma source(%dma_start3A_17 : memref<80xi32, #tpu.memory_space<hbm>>) target(%arg13 : memref<80xi32, #tpu.memory_space<vmem>>) target_semaphore(%arg33 : memref<!tpu.dma_semaphore, #tpu.memory_space<semaphore_mem>>)
    %add3A_18 = arith.constant 160 : i32
    %add3A_19 = arith.addi %mul3A_2, %add3A_18 : i32
    %dma_start3A_20 = tpu.memref_slice %arg3[%add3A_19] : memref<320000xi32, #tpu.memory_space<hbm>> -> memref<80xi32, #tpu.memory_space<hbm>>
    %dma_start3A_21 = tpu.memref_slice %arg3[%add3A_19] : memref<320000xi32, #tpu.memory_space<hbm>> -> memref<80xi32, #tpu.memory_space<hbm>>
    tpu.enqueue_dma source(%dma_start3A_21 : memref<80xi32, #tpu.memory_space<hbm>>) target(%arg10 : memref<80xi32, #tpu.memory_space<vmem>>) target_semaphore(%arg30 : memref<!tpu.dma_semaphore, #tpu.memory_space<semaphore_mem>>)
    %add3A_22 = arith.constant 160 : i32
    %add3A_23 = arith.addi %mul3A_2, %add3A_22 : i32
    %dma_start3A_24 = tpu.memref_slice %arg4[%add3A_23] : memref<320000xi32, #tpu.memory_space<hbm>> -> memref<80xi32, #tpu.memory_space<hbm>>
    %dma_start3A_25 = tpu.memref_slice %arg4[%add3A_23] : memref<320000xi32, #tpu.memory_space<hbm>> -> memref<80xi32, #tpu.memory_space<hbm>>
    tpu.enqueue_dma source(%dma_start3A_25 : memref<80xi32, #tpu.memory_space<hbm>>) target(%arg14 : memref<80xi32, #tpu.memory_space<vmem>>) target_semaphore(%arg34 : memref<!tpu.dma_semaphore, #tpu.memory_space<semaphore_mem>>)
    %add3A_26 = arith.constant 240 : i32
    %add3A_27 = arith.addi %mul3A_2, %add3A_26 : i32
    %dma_start3A_28 = tpu.memref_slice %arg3[%add3A_27] : memref<320000xi32, #tpu.memory_space<hbm>> -> memref<80xi32, #tpu.memory_space<hbm>>
    %dma_start3A_29 = tpu.memref_slice %arg3[%add3A_27] : memref<320000xi32, #tpu.memory_space<hbm>> -> memref<80xi32, #tpu.memory_space<hbm>>
    tpu.enqueue_dma source(%dma_start3A_29 : memref<80xi32, #tpu.memory_space<hbm>>) target(%arg11 : memref<80xi32, #tpu.memory_space<vmem>>) target_semaphore(%arg31 : memref<!tpu.dma_semaphore, #tpu.memory_space<semaphore_mem>>)
    %add3A_30 = arith.constant 240 : i32
    %add3A_31 = arith.addi %mul3A_2, %add3A_30 : i32
    %dma_start3A_32 = tpu.memref_slice %arg4[%add3A_31] : memref<320000xi32, #tpu.memory_space<hbm>> -> memref<80xi32, #tpu.memory_space<hbm>>
    %dma_start3A_33 = tpu.memref_slice %arg4[%add3A_31] : memref<320000xi32, #tpu.memory_space<hbm>> -> memref<80xi32, #tpu.memory_space<hbm>>
    tpu.enqueue_dma source(%dma_start3A_33 : memref<80xi32, #tpu.memory_space<hbm>>) target(%arg15 : memref<80xi32, #tpu.memory_space<vmem>>) target_semaphore(%arg35 : memref<!tpu.dma_semaphore, #tpu.memory_space<semaphore_mem>>)
    "tpu.region"() ({
      %run_scoped3A = tpu.sem_alloc : memref<!tpu.dma_semaphore, #tpu.memory_space<semaphore_mem>>
      tpu.enqueue_dma source(%arg5 : memref<80x128xf32, #tpu.memory_space<hbm>>) target(%arg16 : memref<80x128xf32, #tpu.memory_space<vmem>>) target_semaphore(%run_scoped3A : memref<!tpu.dma_semaphore, #tpu.memory_space<semaphore_mem>>)
      tpu.wait_dma2 semaphore(%run_scoped3A : memref<!tpu.dma_semaphore, #tpu.memory_space<semaphore_mem>>) src(%arg5 : memref<80x128xf32, #tpu.memory_space<hbm>>) dst(%arg16 : memref<80x128xf32, #tpu.memory_space<vmem>>)
      tpu.yield
    }) : () -> ()
    %scan3A = arith.constant 0 : i32
    %scan3A_34 = arith.constant 8 : i32
    %scan3A_35 = arith.addi %scan3A, %scan3A_34 : i32
    %scan3A_36 = arith.constant 1 : i32
    scf.for %scan3A_83 = %scan3A to %scan3A_35 step %scan3A_36  : i32 {
      %mul3A_84 = arith.constant 1 : i32
      %mul3A_85 = arith.muli %scan3A_83, %mul3A_84 : i32
      %add3A_86 = arith.constant 0 : i32
      %add3A_87 = arith.addi %add3A_86, %mul3A_85 : i32
      %mul3A_88 = arith.constant 640 : i32
      %mul3A_89 = arith.muli %arg1, %mul3A_88 : i32
      %mul3A_90 = arith.constant 80 : i32
      %mul3A_91 = arith.muli %add3A_87, %mul3A_90 : i32
      %add3A_92 = arith.addi %mul3A_89, %mul3A_91 : i32
      "tpu.region"() ({
        %run_scoped3A = tpu.sem_alloc : memref<!tpu.dma_semaphore, #tpu.memory_space<semaphore_mem>>
        %dma_start3A_93 = arith.constant 0 : i32
        %dma_start3A_94 = tpu.memref_slice %arg7[%add3A_92, %dma_start3A_93] : memref<10240x128xf32, #tpu.memory_space<vmem_shared>> -> memref<80x128xf32, #tpu.memory_space<vmem_shared>>
        %dma_start3A_95 = arith.constant 0 : i32
        %dma_start3A_96 = tpu.memref_slice %arg7[%add3A_92, %dma_start3A_95] : memref<10240x128xf32, #tpu.memory_space<vmem_shared>> -> memref<80x128xf32, #tpu.memory_space<vmem_shared>>
        tpu.enqueue_dma source(%arg16 : memref<80x128xf32, #tpu.memory_space<vmem>>) target(%dma_start3A_96 : memref<80x128xf32, #tpu.memory_space<vmem_shared>>) target_semaphore(%run_scoped3A : memref<!tpu.dma_semaphore, #tpu.memory_space<semaphore_mem>>)
        %dma_wait3A_97 = arith.constant 0 : i32
        %dma_wait3A_98 = tpu.memref_slice %arg7[%add3A_92, %dma_wait3A_97] : memref<10240x128xf32, #tpu.memory_space<vmem_shared>> -> memref<80x128xf32, #tpu.memory_space<vmem_shared>>
        %dma_wait3A_99 = arith.constant 0 : i32
        %dma_wait3A_100 = tpu.memref_slice %arg7[%add3A_92, %dma_wait3A_99] : memref<10240x128xf32, #tpu.memory_space<vmem_shared>> -> memref<80x128xf32, #tpu.memory_space<vmem_shared>>
        tpu.wait_dma2 semaphore(%run_scoped3A : memref<!tpu.dma_semaphore, #tpu.memory_space<semaphore_mem>>) src(%arg16 : memref<80x128xf32, #tpu.memory_space<vmem>>) dst(%dma_wait3A_100 : memref<80x128xf32, #tpu.memory_space<vmem_shared>>)
        tpu.yield
      }) : () -> ()
    }
    %scan3A_37 = arith.constant 8 : i32
    %barrier3A = arith.constant 0 : index
    tpu.barrier barrier_id(%barrier3A)
    %add3A_38 = arith.constant 0 : i32
    %add3A_39 = arith.addi %mul3A_2, %add3A_38 : i32
    %dma_wait3A = tpu.memref_slice %arg3[%add3A_39] : memref<320000xi32, #tpu.memory_space<hbm>> -> memref<80xi32, #tpu.memory_space<hbm>>
    %dma_wait3A_40 = tpu.memref_slice %arg3[%add3A_39] : memref<320000xi32, #tpu.memory_space<hbm>> -> memref<80xi32, #tpu.memory_space<hbm>>
    tpu.wait_dma2 semaphore(%arg28 : memref<!tpu.dma_semaphore, #tpu.memory_space<semaphore_mem>>) src(%dma_wait3A_40 : memref<80xi32, #tpu.memory_space<hbm>>) dst(%arg8 : memref<80xi32, #tpu.memory_space<vmem>>)
    %dma_start3A_41 = arith.constant 0 : i32
    %dma_start3A_42 = arith.constant 0 : i32
    %dma_start3A_43 = tpu.memref_slice %arg2[%dma_start3A_41, %dma_start3A_42] : memref<10240x128xf32, #tpu.memory_space<hbm>> -> memref<10240x128xf32, #tpu.memory_space<hbm>>
    tpu.enqueue_indirect_dma source(%dma_start3A_43 : memref<10240x128xf32, #tpu.memory_space<hbm>>) target(%arg16 : memref<80x128xf32, #tpu.memory_space<vmem>>) offsets(%arg8 : memref<80xi32, #tpu.memory_space<vmem>>) semaphore(%arg20 : memref<!tpu.dma_semaphore, #tpu.memory_space<semaphore_mem>>)
    %add3A_44 = arith.constant 80 : i32
    %add3A_45 = arith.addi %mul3A_2, %add3A_44 : i32
    %dma_wait3A_46 = tpu.memref_slice %arg3[%add3A_45] : memref<320000xi32, #tpu.memory_space<hbm>> -> memref<80xi32, #tpu.memory_space<hbm>>
    %dma_wait3A_47 = tpu.memref_slice %arg3[%add3A_45] : memref<320000xi32, #tpu.memory_space<hbm>> -> memref<80xi32, #tpu.memory_space<hbm>>
    tpu.wait_dma2 semaphore(%arg29 : memref<!tpu.dma_semaphore, #tpu.memory_space<semaphore_mem>>) src(%dma_wait3A_47 : memref<80xi32, #tpu.memory_space<hbm>>) dst(%arg9 : memref<80xi32, #tpu.memory_space<vmem>>)
    %dma_start3A_48 = arith.constant 0 : i32
    %dma_start3A_49 = arith.constant 0 : i32
    %dma_start3A_50 = tpu.memref_slice %arg2[%dma_start3A_48, %dma_start3A_49] : memref<10240x128xf32, #tpu.memory_space<hbm>> -> memref<10240x128xf32, #tpu.memory_space<hbm>>
    tpu.enqueue_indirect_dma source(%dma_start3A_50 : memref<10240x128xf32, #tpu.memory_space<hbm>>) target(%arg17 : memref<80x128xf32, #tpu.memory_space<vmem>>) offsets(%arg9 : memref<80xi32, #tpu.memory_space<vmem>>) semaphore(%arg21 : memref<!tpu.dma_semaphore, #tpu.memory_space<semaphore_mem>>)
    %add3A_51 = arith.constant 160 : i32
    %add3A_52 = arith.addi %mul3A_2, %add3A_51 : i32
    %dma_wait3A_53 = tpu.memref_slice %arg3[%add3A_52] : memref<320000xi32, #tpu.memory_space<hbm>> -> memref<80xi32, #tpu.memory_space<hbm>>
    %dma_wait3A_54 = tpu.memref_slice %arg3[%add3A_52] : memref<320000xi32, #tpu.memory_space<hbm>> -> memref<80xi32, #tpu.memory_space<hbm>>
    tpu.wait_dma2 semaphore(%arg30 : memref<!tpu.dma_semaphore, #tpu.memory_space<semaphore_mem>>) src(%dma_wait3A_54 : memref<80xi32, #tpu.memory_space<hbm>>) dst(%arg10 : memref<80xi32, #tpu.memory_space<vmem>>)
    %dma_start3A_55 = arith.constant 0 : i32
    %dma_start3A_56 = arith.constant 0 : i32
    %dma_start3A_57 = tpu.memref_slice %arg2[%dma_start3A_55, %dma_start3A_56] : memref<10240x128xf32, #tpu.memory_space<hbm>> -> memref<10240x128xf32, #tpu.memory_space<hbm>>
    tpu.enqueue_indirect_dma source(%dma_start3A_57 : memref<10240x128xf32, #tpu.memory_space<hbm>>) target(%arg18 : memref<80x128xf32, #tpu.memory_space<vmem>>) offsets(%arg10 : memref<80xi32, #tpu.memory_space<vmem>>) semaphore(%arg22 : memref<!tpu.dma_semaphore, #tpu.memory_space<semaphore_mem>>)
    %add3A_58 = arith.constant 240 : i32
    %add3A_59 = arith.addi %mul3A_2, %add3A_58 : i32
    %dma_wait3A_60 = tpu.memref_slice %arg3[%add3A_59] : memref<320000xi32, #tpu.memory_space<hbm>> -> memref<80xi32, #tpu.memory_space<hbm>>
    %dma_wait3A_61 = tpu.memref_slice %arg3[%add3A_59] : memref<320000xi32, #tpu.memory_space<hbm>> -> memref<80xi32, #tpu.memory_space<hbm>>
    tpu.wait_dma2 semaphore(%arg31 : memref<!tpu.dma_semaphore, #tpu.memory_space<semaphore_mem>>) src(%dma_wait3A_61 : memref<80xi32, #tpu.memory_space<hbm>>) dst(%arg11 : memref<80xi32, #tpu.memory_space<vmem>>)
    %dma_start3A_62 = arith.constant 0 : i32
    %dma_start3A_63 = arith.constant 0 : i32
    %dma_start3A_64 = tpu.memref_slice %arg2[%dma_start3A_62, %dma_start3A_63] : memref<10240x128xf32, #tpu.memory_space<hbm>> -> memref<10240x128xf32, #tpu.memory_space<hbm>>
    tpu.enqueue_indirect_dma source(%dma_start3A_64 : memref<10240x128xf32, #tpu.memory_space<hbm>>) target(%arg19 : memref<80x128xf32, #tpu.memory_space<vmem>>) offsets(%arg11 : memref<80xi32, #tpu.memory_space<vmem>>) semaphore(%arg23 : memref<!tpu.dma_semaphore, #tpu.memory_space<semaphore_mem>>)
    %scan3A_65 = arith.constant 0 : i32
    %scan3A_66 = arith.constant 31 : i32
    %scan3A_67 = arith.addi %scan3A_65, %scan3A_66 : i32
    %scan3A_68 = arith.constant 1 : i32
    scf.for %scan3A_83 = %scan3A_65 to %scan3A_67 step %scan3A_68  : i32 {
      %mul3A_84 = arith.constant 1 : i32
      %mul3A_85 = arith.muli %scan3A_83, %mul3A_84 : i32
      %add3A_86 = arith.constant 0 : i32
      %add3A_87 = arith.addi %add3A_86, %mul3A_85 : i32
      %mul3A_88 = arith.constant 4 : i32
      %mul3A_89 = arith.muli %add3A_87, %mul3A_88 : i32
      %add3A_90 = arith.constant 0 : i32
      %add3A_91 = arith.addi %mul3A_89, %add3A_90 : i32
      %dma_wait3A_92 = arith.constant 0 : i32
      %dma_wait3A_93 = arith.constant 0 : i32
      %dma_wait3A_94 = tpu.memref_slice %arg2[%dma_wait3A_92, %dma_wait3A_93] : memref<10240x128xf32, #tpu.memory_space<hbm>> -> memref<10240x128xf32, #tpu.memory_space<hbm>>
      tpu.wait_indirect_dma semaphore(%arg20 : memref<!tpu.dma_semaphore, #tpu.memory_space<semaphore_mem>>) src(%dma_wait3A_94 : memref<10240x128xf32, #tpu.memory_space<hbm>>) dst(%arg16 : memref<80x128xf32, #tpu.memory_space<vmem>>)
      %mul3A_95 = arith.constant 80 : i32
      %mul3A_96 = arith.muli %add3A_91, %mul3A_95 : i32
      %add3A_97 = arith.addi %mul3A_2, %mul3A_96 : i32
      %dma_wait3A_98 = tpu.memref_slice %arg3[%add3A_97] : memref<320000xi32, #tpu.memory_space<hbm>> -> memref<80xi32, #tpu.memory_space<hbm>>
      %dma_wait3A_99 = tpu.memref_slice %arg3[%add3A_97] : memref<320000xi32, #tpu.memory_space<hbm>> -> memref<80xi32, #tpu.memory_space<hbm>>
      tpu.wait_dma2 semaphore(%arg32 : memref<!tpu.dma_semaphore, #tpu.memory_space<semaphore_mem>>) src(%dma_wait3A_99 : memref<80xi32, #tpu.memory_space<hbm>>) dst(%arg12 : memref<80xi32, #tpu.memory_space<vmem>>)
      %dma_start3A_100 = arith.constant 0 : i32
      %dma_start3A_101 = arith.constant 0 : i32
      %dma_start3A_102 = tpu.memref_slice %arg7[%dma_start3A_100, %dma_start3A_101] : memref<10240x128xf32, #tpu.memory_space<vmem_shared>> -> memref<10240x128xf32, #tpu.memory_space<vmem_shared>>
      tpu.enqueue_indirect_dma source(%arg16 : memref<80x128xf32, #tpu.memory_space<vmem>>) target(%dma_start3A_102 : memref<10240x128xf32, #tpu.memory_space<vmem_shared>>) offsets(%arg12 : memref<80xi32, #tpu.memory_space<vmem>>) semaphore(%arg24 : memref<!tpu.dma_semaphore, #tpu.memory_space<semaphore_mem>>) {add = true}
      %dma_wait3A_103 = arith.constant 0 : i32
      %dma_wait3A_104 = arith.constant 0 : i32
      %dma_wait3A_105 = tpu.memref_slice %arg7[%dma_wait3A_103, %dma_wait3A_104] : memref<10240x128xf32, #tpu.memory_space<vmem_shared>> -> memref<10240x128xf32, #tpu.memory_space<vmem_shared>>
      tpu.wait_indirect_dma semaphore(%arg24 : memref<!tpu.dma_semaphore, #tpu.memory_space<semaphore_mem>>) src(%arg16 : memref<80x128xf32, #tpu.memory_space<vmem>>) dst(%dma_wait3A_105 : memref<10240x128xf32, #tpu.memory_space<vmem_shared>>)
      %add3A_106 = arith.constant 4 : i32
      %add3A_107 = arith.addi %add3A_91, %add3A_106 : i32
      %lt3A = arith.constant 125 : i32
      %lt3A_108 = arith.cmpi slt, %add3A_107, %lt3A : i32
      %convert_element_type3A = arith.extui %lt3A_108 : i1 to i32
      %cond3A = arith.constant 0 : i32
      %cond3A_109 = arith.cmpi ne, %convert_element_type3A, %cond3A : i32
      scf.if %cond3A_109 {
        %add3A_185 = arith.constant 4 : i32
        %add3A_186 = arith.addi %add3A_91, %add3A_185 : i32
        %mul3A_187 = arith.constant 80 : i32
        %mul3A_188 = arith.muli %add3A_186, %mul3A_187 : i32
        %add3A_189 = arith.addi %mul3A_2, %mul3A_188 : i32
        %dma_start3A_190 = tpu.memref_slice %arg3[%add3A_189] : memref<320000xi32, #tpu.memory_space<hbm>> -> memref<80xi32, #tpu.memory_space<hbm>>
        %dma_start3A_191 = tpu.memref_slice %arg3[%add3A_189] : memref<320000xi32, #tpu.memory_space<hbm>> -> memref<80xi32, #tpu.memory_space<hbm>>
        tpu.enqueue_dma source(%dma_start3A_191 : memref<80xi32, #tpu.memory_space<hbm>>) target(%arg8 : memref<80xi32, #tpu.memory_space<vmem>>) target_semaphore(%arg28 : memref<!tpu.dma_semaphore, #tpu.memory_space<semaphore_mem>>)
        %mul3A_192 = arith.constant 80 : i32
        %mul3A_193 = arith.muli %add3A_186, %mul3A_192 : i32
        %add3A_194 = arith.addi %mul3A_2, %mul3A_193 : i32
        %dma_start3A_195 = tpu.memref_slice %arg4[%add3A_194] : memref<320000xi32, #tpu.memory_space<hbm>> -> memref<80xi32, #tpu.memory_space<hbm>>
        %dma_start3A_196 = tpu.memref_slice %arg4[%add3A_194] : memref<320000xi32, #tpu.memory_space<hbm>> -> memref<80xi32, #tpu.memory_space<hbm>>
        tpu.enqueue_dma source(%dma_start3A_196 : memref<80xi32, #tpu.memory_space<hbm>>) target(%arg12 : memref<80xi32, #tpu.memory_space<vmem>>) target_semaphore(%arg32 : memref<!tpu.dma_semaphore, #tpu.memory_space<semaphore_mem>>)
        %add3A_197 = arith.constant 4 : i32
        %add3A_198 = arith.addi %add3A_91, %add3A_197 : i32
        %mul3A_199 = arith.constant 80 : i32
        %mul3A_200 = arith.muli %add3A_198, %mul3A_199 : i32
        %add3A_201 = arith.addi %mul3A_2, %mul3A_200 : i32
        %dma_wait3A_202 = tpu.memref_slice %arg3[%add3A_201] : memref<320000xi32, #tpu.memory_space<hbm>> -> memref<80xi32, #tpu.memory_space<hbm>>
        %dma_wait3A_203 = tpu.memref_slice %arg3[%add3A_201] : memref<320000xi32, #tpu.memory_space<hbm>> -> memref<80xi32, #tpu.memory_space<hbm>>
        tpu.wait_dma2 semaphore(%arg28 : memref<!tpu.dma_semaphore, #tpu.memory_space<semaphore_mem>>) src(%dma_wait3A_203 : memref<80xi32, #tpu.memory_space<hbm>>) dst(%arg8 : memref<80xi32, #tpu.memory_space<vmem>>)
        %dma_start3A_204 = arith.constant 0 : i32
        %dma_start3A_205 = arith.constant 0 : i32
        %dma_start3A_206 = tpu.memref_slice %arg2[%dma_start3A_204, %dma_start3A_205] : memref<10240x128xf32, #tpu.memory_space<hbm>> -> memref<10240x128xf32, #tpu.memory_space<hbm>>
        tpu.enqueue_indirect_dma source(%dma_start3A_206 : memref<10240x128xf32, #tpu.memory_space<hbm>>) target(%arg16 : memref<80x128xf32, #tpu.memory_space<vmem>>) offsets(%arg8 : memref<80xi32, #tpu.memory_space<vmem>>) semaphore(%arg20 : memref<!tpu.dma_semaphore, #tpu.memory_space<semaphore_mem>>)
      } else {
      }
      %mul3A_110 = arith.constant 4 : i32
      %mul3A_111 = arith.muli %add3A_87, %mul3A_110 : i32
      %add3A_112 = arith.constant 1 : i32
      %add3A_113 = arith.addi %mul3A_111, %add3A_112 : i32
      %dma_wait3A_114 = arith.constant 0 : i32
      %dma_wait3A_115 = arith.constant 0 : i32
      %dma_wait3A_116 = tpu.memref_slice %arg2[%dma_wait3A_114, %dma_wait3A_115] : memref<10240x128xf32, #tpu.memory_space<hbm>> -> memref<10240x128xf32, #tpu.memory_space<hbm>>
      tpu.wait_indirect_dma semaphore(%arg21 : memref<!tpu.dma_semaphore, #tpu.memory_space<semaphore_mem>>) src(%dma_wait3A_116 : memref<10240x128xf32, #tpu.memory_space<hbm>>) dst(%arg17 : memref<80x128xf32, #tpu.memory_space<vmem>>)
      %mul3A_117 = arith.constant 80 : i32
      %mul3A_118 = arith.muli %add3A_113, %mul3A_117 : i32
      %add3A_119 = arith.addi %mul3A_2, %mul3A_118 : i32
      %dma_wait3A_120 = tpu.memref_slice %arg3[%add3A_119] : memref<320000xi32, #tpu.memory_space<hbm>> -> memref<80xi32, #tpu.memory_space<hbm>>
      %dma_wait3A_121 = tpu.memref_slice %arg3[%add3A_119] : memref<320000xi32, #tpu.memory_space<hbm>> -> memref<80xi32, #tpu.memory_space<hbm>>
      tpu.wait_dma2 semaphore(%arg33 : memref<!tpu.dma_semaphore, #tpu.memory_space<semaphore_mem>>) src(%dma_wait3A_121 : memref<80xi32, #tpu.memory_space<hbm>>) dst(%arg13 : memref<80xi32, #tpu.memory_space<vmem>>)
      %dma_start3A_122 = arith.constant 0 : i32
      %dma_start3A_123 = arith.constant 0 : i32
      %dma_start3A_124 = tpu.memref_slice %arg7[%dma_start3A_122, %dma_start3A_123] : memref<10240x128xf32, #tpu.memory_space<vmem_shared>> -> memref<10240x128xf32, #tpu.memory_space<vmem_shared>>
      tpu.enqueue_indirect_dma source(%arg17 : memref<80x128xf32, #tpu.memory_space<vmem>>) target(%dma_start3A_124 : memref<10240x128xf32, #tpu.memory_space<vmem_shared>>) offsets(%arg13 : memref<80xi32, #tpu.memory_space<vmem>>) semaphore(%arg25 : memref<!tpu.dma_semaphore, #tpu.memory_space<semaphore_mem>>) {add = true}
      %dma_wait3A_125 = arith.constant 0 : i32
      %dma_wait3A_126 = arith.constant 0 : i32
      %dma_wait3A_127 = tpu.memref_slice %arg7[%dma_wait3A_125, %dma_wait3A_126] : memref<10240x128xf32, #tpu.memory_space<vmem_shared>> -> memref<10240x128xf32, #tpu.memory_space<vmem_shared>>
      tpu.wait_indirect_dma semaphore(%arg25 : memref<!tpu.dma_semaphore, #tpu.memory_space<semaphore_mem>>) src(%arg17 : memref<80x128xf32, #tpu.memory_space<vmem>>) dst(%dma_wait3A_127 : memref<10240x128xf32, #tpu.memory_space<vmem_shared>>)
      %add3A_128 = arith.constant 4 : i32
      %add3A_129 = arith.addi %add3A_113, %add3A_128 : i32
      %lt3A_130 = arith.constant 125 : i32
      %lt3A_131 = arith.cmpi slt, %add3A_129, %lt3A_130 : i32
      %convert_element_type3A_132 = arith.extui %lt3A_131 : i1 to i32
      %cond3A_133 = arith.constant 0 : i32
      %cond3A_134 = arith.cmpi ne, %convert_element_type3A_132, %cond3A_133 : i32
      scf.if %cond3A_134 {
        %add3A_185 = arith.constant 4 : i32
        %add3A_186 = arith.addi %add3A_113, %add3A_185 : i32
        %mul3A_187 = arith.constant 80 : i32
        %mul3A_188 = arith.muli %add3A_186, %mul3A_187 : i32
        %add3A_189 = arith.addi %mul3A_2, %mul3A_188 : i32
        %dma_start3A_190 = tpu.memref_slice %arg3[%add3A_189] : memref<320000xi32, #tpu.memory_space<hbm>> -> memref<80xi32, #tpu.memory_space<hbm>>
        %dma_start3A_191 = tpu.memref_slice %arg3[%add3A_189] : memref<320000xi32, #tpu.memory_space<hbm>> -> memref<80xi32, #tpu.memory_space<hbm>>
        tpu.enqueue_dma source(%dma_start3A_191 : memref<80xi32, #tpu.memory_space<hbm>>) target(%arg9 : memref<80xi32, #tpu.memory_space<vmem>>) target_semaphore(%arg29 : memref<!tpu.dma_semaphore, #tpu.memory_space<semaphore_mem>>)
        %mul3A_192 = arith.constant 80 : i32
        %mul3A_193 = arith.muli %add3A_186, %mul3A_192 : i32
        %add3A_194 = arith.addi %mul3A_2, %mul3A_193 : i32
        %dma_start3A_195 = tpu.memref_slice %arg4[%add3A_194] : memref<320000xi32, #tpu.memory_space<hbm>> -> memref<80xi32, #tpu.memory_space<hbm>>
        %dma_start3A_196 = tpu.memref_slice %arg4[%add3A_194] : memref<320000xi32, #tpu.memory_space<hbm>> -> memref<80xi32, #tpu.memory_space<hbm>>
        tpu.enqueue_dma source(%dma_start3A_196 : memref<80xi32, #tpu.memory_space<hbm>>) target(%arg13 : memref<80xi32, #tpu.memory_space<vmem>>) target_semaphore(%arg33 : memref<!tpu.dma_semaphore, #tpu.memory_space<semaphore_mem>>)
        %add3A_197 = arith.constant 4 : i32
        %add3A_198 = arith.addi %add3A_113, %add3A_197 : i32
        %mul3A_199 = arith.constant 80 : i32
        %mul3A_200 = arith.muli %add3A_198, %mul3A_199 : i32
        %add3A_201 = arith.addi %mul3A_2, %mul3A_200 : i32
        %dma_wait3A_202 = tpu.memref_slice %arg3[%add3A_201] : memref<320000xi32, #tpu.memory_space<hbm>> -> memref<80xi32, #tpu.memory_space<hbm>>
        %dma_wait3A_203 = tpu.memref_slice %arg3[%add3A_201] : memref<320000xi32, #tpu.memory_space<hbm>> -> memref<80xi32, #tpu.memory_space<hbm>>
        tpu.wait_dma2 semaphore(%arg29 : memref<!tpu.dma_semaphore, #tpu.memory_space<semaphore_mem>>) src(%dma_wait3A_203 : memref<80xi32, #tpu.memory_space<hbm>>) dst(%arg9 : memref<80xi32, #tpu.memory_space<vmem>>)
        %dma_start3A_204 = arith.constant 0 : i32
        %dma_start3A_205 = arith.constant 0 : i32
        %dma_start3A_206 = tpu.memref_slice %arg2[%dma_start3A_204, %dma_start3A_205] : memref<10240x128xf32, #tpu.memory_space<hbm>> -> memref<10240x128xf32, #tpu.memory_space<hbm>>
        tpu.enqueue_indirect_dma source(%dma_start3A_206 : memref<10240x128xf32, #tpu.memory_space<hbm>>) target(%arg17 : memref<80x128xf32, #tpu.memory_space<vmem>>) offsets(%arg9 : memref<80xi32, #tpu.memory_space<vmem>>) semaphore(%arg21 : memref<!tpu.dma_semaphore, #tpu.memory_space<semaphore_mem>>)
      } else {
      }
      %mul3A_135 = arith.constant 4 : i32
      %mul3A_136 = arith.muli %add3A_87, %mul3A_135 : i32
      %add3A_137 = arith.constant 2 : i32
      %add3A_138 = arith.addi %mul3A_136, %add3A_137 : i32
      %dma_wait3A_139 = arith.constant 0 : i32
      %dma_wait3A_140 = arith.constant 0 : i32
      %dma_wait3A_141 = tpu.memref_slice %arg2[%dma_wait3A_139, %dma_wait3A_140] : memref<10240x128xf32, #tpu.memory_space<hbm>> -> memref<10240x128xf32, #tpu.memory_space<hbm>>
      tpu.wait_indirect_dma semaphore(%arg22 : memref<!tpu.dma_semaphore, #tpu.memory_space<semaphore_mem>>) src(%dma_wait3A_141 : memref<10240x128xf32, #tpu.memory_space<hbm>>) dst(%arg18 : memref<80x128xf32, #tpu.memory_space<vmem>>)
      %mul3A_142 = arith.constant 80 : i32
      %mul3A_143 = arith.muli %add3A_138, %mul3A_142 : i32
      %add3A_144 = arith.addi %mul3A_2, %mul3A_143 : i32
      %dma_wait3A_145 = tpu.memref_slice %arg3[%add3A_144] : memref<320000xi32, #tpu.memory_space<hbm>> -> memref<80xi32, #tpu.memory_space<hbm>>
      %dma_wait3A_146 = tpu.memref_slice %arg3[%add3A_144] : memref<320000xi32, #tpu.memory_space<hbm>> -> memref<80xi32, #tpu.memory_space<hbm>>
      tpu.wait_dma2 semaphore(%arg34 : memref<!tpu.dma_semaphore, #tpu.memory_space<semaphore_mem>>) src(%dma_wait3A_146 : memref<80xi32, #tpu.memory_space<hbm>>) dst(%arg14 : memref<80xi32, #tpu.memory_space<vmem>>)
      %dma_start3A_147 = arith.constant 0 : i32
      %dma_start3A_148 = arith.constant 0 : i32
      %dma_start3A_149 = tpu.memref_slice %arg7[%dma_start3A_147, %dma_start3A_148] : memref<10240x128xf32, #tpu.memory_space<vmem_shared>> -> memref<10240x128xf32, #tpu.memory_space<vmem_shared>>
      tpu.enqueue_indirect_dma source(%arg18 : memref<80x128xf32, #tpu.memory_space<vmem>>) target(%dma_start3A_149 : memref<10240x128xf32, #tpu.memory_space<vmem_shared>>) offsets(%arg14 : memref<80xi32, #tpu.memory_space<vmem>>) semaphore(%arg26 : memref<!tpu.dma_semaphore, #tpu.memory_space<semaphore_mem>>) {add = true}
      %dma_wait3A_150 = arith.constant 0 : i32
      %dma_wait3A_151 = arith.constant 0 : i32
      %dma_wait3A_152 = tpu.memref_slice %arg7[%dma_wait3A_150, %dma_wait3A_151] : memref<10240x128xf32, #tpu.memory_space<vmem_shared>> -> memref<10240x128xf32, #tpu.memory_space<vmem_shared>>
      tpu.wait_indirect_dma semaphore(%arg26 : memref<!tpu.dma_semaphore, #tpu.memory_space<semaphore_mem>>) src(%arg18 : memref<80x128xf32, #tpu.memory_space<vmem>>) dst(%dma_wait3A_152 : memref<10240x128xf32, #tpu.memory_space<vmem_shared>>)
      %add3A_153 = arith.constant 4 : i32
      %add3A_154 = arith.addi %add3A_138, %add3A_153 : i32
      %lt3A_155 = arith.constant 125 : i32
      %lt3A_156 = arith.cmpi slt, %add3A_154, %lt3A_155 : i32
      %convert_element_type3A_157 = arith.extui %lt3A_156 : i1 to i32
      %cond3A_158 = arith.constant 0 : i32
      %cond3A_159 = arith.cmpi ne, %convert_element_type3A_157, %cond3A_158 : i32
      scf.if %cond3A_159 {
        %add3A_185 = arith.constant 4 : i32
        %add3A_186 = arith.addi %add3A_138, %add3A_185 : i32
        %mul3A_187 = arith.constant 80 : i32
        %mul3A_188 = arith.muli %add3A_186, %mul3A_187 : i32
        %add3A_189 = arith.addi %mul3A_2, %mul3A_188 : i32
        %dma_start3A_190 = tpu.memref_slice %arg3[%add3A_189] : memref<320000xi32, #tpu.memory_space<hbm>> -> memref<80xi32, #tpu.memory_space<hbm>>
        %dma_start3A_191 = tpu.memref_slice %arg3[%add3A_189] : memref<320000xi32, #tpu.memory_space<hbm>> -> memref<80xi32, #tpu.memory_space<hbm>>
        tpu.enqueue_dma source(%dma_start3A_191 : memref<80xi32, #tpu.memory_space<hbm>>) target(%arg10 : memref<80xi32, #tpu.memory_space<vmem>>) target_semaphore(%arg30 : memref<!tpu.dma_semaphore, #tpu.memory_space<semaphore_mem>>)
        %mul3A_192 = arith.constant 80 : i32
        %mul3A_193 = arith.muli %add3A_186, %mul3A_192 : i32
        %add3A_194 = arith.addi %mul3A_2, %mul3A_193 : i32
        %dma_start3A_195 = tpu.memref_slice %arg4[%add3A_194] : memref<320000xi32, #tpu.memory_space<hbm>> -> memref<80xi32, #tpu.memory_space<hbm>>
        %dma_start3A_196 = tpu.memref_slice %arg4[%add3A_194] : memref<320000xi32, #tpu.memory_space<hbm>> -> memref<80xi32, #tpu.memory_space<hbm>>
        tpu.enqueue_dma source(%dma_start3A_196 : memref<80xi32, #tpu.memory_space<hbm>>) target(%arg14 : memref<80xi32, #tpu.memory_space<vmem>>) target_semaphore(%arg34 : memref<!tpu.dma_semaphore, #tpu.memory_space<semaphore_mem>>)
        %add3A_197 = arith.constant 4 : i32
        %add3A_198 = arith.addi %add3A_138, %add3A_197 : i32
        %mul3A_199 = arith.constant 80 : i32
        %mul3A_200 = arith.muli %add3A_198, %mul3A_199 : i32
        %add3A_201 = arith.addi %mul3A_2, %mul3A_200 : i32
        %dma_wait3A_202 = tpu.memref_slice %arg3[%add3A_201] : memref<320000xi32, #tpu.memory_space<hbm>> -> memref<80xi32, #tpu.memory_space<hbm>>
        %dma_wait3A_203 = tpu.memref_slice %arg3[%add3A_201] : memref<320000xi32, #tpu.memory_space<hbm>> -> memref<80xi32, #tpu.memory_space<hbm>>
        tpu.wait_dma2 semaphore(%arg30 : memref<!tpu.dma_semaphore, #tpu.memory_space<semaphore_mem>>) src(%dma_wait3A_203 : memref<80xi32, #tpu.memory_space<hbm>>) dst(%arg10 : memref<80xi32, #tpu.memory_space<vmem>>)
        %dma_start3A_204 = arith.constant 0 : i32
        %dma_start3A_205 = arith.constant 0 : i32
        %dma_start3A_206 = tpu.memref_slice %arg2[%dma_start3A_204, %dma_start3A_205] : memref<10240x128xf32, #tpu.memory_space<hbm>> -> memref<10240x128xf32, #tpu.memory_space<hbm>>
        tpu.enqueue_indirect_dma source(%dma_start3A_206 : memref<10240x128xf32, #tpu.memory_space<hbm>>) target(%arg18 : memref<80x128xf32, #tpu.memory_space<vmem>>) offsets(%arg10 : memref<80xi32, #tpu.memory_space<vmem>>) semaphore(%arg22 : memref<!tpu.dma_semaphore, #tpu.memory_space<semaphore_mem>>)
      } else {
      }
      %mul3A_160 = arith.constant 4 : i32
      %mul3A_161 = arith.muli %add3A_87, %mul3A_160 : i32
      %add3A_162 = arith.constant 3 : i32
      %add3A_163 = arith.addi %mul3A_161, %add3A_162 : i32
      %dma_wait3A_164 = arith.constant 0 : i32
      %dma_wait3A_165 = arith.constant 0 : i32
      %dma_wait3A_166 = tpu.memref_slice %arg2[%dma_wait3A_164, %dma_wait3A_165] : memref<10240x128xf32, #tpu.memory_space<hbm>> -> memref<10240x128xf32, #tpu.memory_space<hbm>>
      tpu.wait_indirect_dma semaphore(%arg23 : memref<!tpu.dma_semaphore, #tpu.memory_space<semaphore_mem>>) src(%dma_wait3A_166 : memref<10240x128xf32, #tpu.memory_space<hbm>>) dst(%arg19 : memref<80x128xf32, #tpu.memory_space<vmem>>)
      %mul3A_167 = arith.constant 80 : i32
      %mul3A_168 = arith.muli %add3A_163, %mul3A_167 : i32
      %add3A_169 = arith.addi %mul3A_2, %mul3A_168 : i32
      %dma_wait3A_170 = tpu.memref_slice %arg3[%add3A_169] : memref<320000xi32, #tpu.memory_space<hbm>> -> memref<80xi32, #tpu.memory_space<hbm>>
      %dma_wait3A_171 = tpu.memref_slice %arg3[%add3A_169] : memref<320000xi32, #tpu.memory_space<hbm>> -> memref<80xi32, #tpu.memory_space<hbm>>
      tpu.wait_dma2 semaphore(%arg35 : memref<!tpu.dma_semaphore, #tpu.memory_space<semaphore_mem>>) src(%dma_wait3A_171 : memref<80xi32, #tpu.memory_space<hbm>>) dst(%arg15 : memref<80xi32, #tpu.memory_space<vmem>>)
      %dma_start3A_172 = arith.constant 0 : i32
      %dma_start3A_173 = arith.constant 0 : i32
      %dma_start3A_174 = tpu.memref_slice %arg7[%dma_start3A_172, %dma_start3A_173] : memref<10240x128xf32, #tpu.memory_space<vmem_shared>> -> memref<10240x128xf32, #tpu.memory_space<vmem_shared>>
      tpu.enqueue_indirect_dma source(%arg19 : memref<80x128xf32, #tpu.memory_space<vmem>>) target(%dma_start3A_174 : memref<10240x128xf32, #tpu.memory_space<vmem_shared>>) offsets(%arg15 : memref<80xi32, #tpu.memory_space<vmem>>) semaphore(%arg27 : memref<!tpu.dma_semaphore, #tpu.memory_space<semaphore_mem>>) {add = true}
      %dma_wait3A_175 = arith.constant 0 : i32
      %dma_wait3A_176 = arith.constant 0 : i32
      %dma_wait3A_177 = tpu.memref_slice %arg7[%dma_wait3A_175, %dma_wait3A_176] : memref<10240x128xf32, #tpu.memory_space<vmem_shared>> -> memref<10240x128xf32, #tpu.memory_space<vmem_shared>>
      tpu.wait_indirect_dma semaphore(%arg27 : memref<!tpu.dma_semaphore, #tpu.memory_space<semaphore_mem>>) src(%arg19 : memref<80x128xf32, #tpu.memory_space<vmem>>) dst(%dma_wait3A_177 : memref<10240x128xf32, #tpu.memory_space<vmem_shared>>)
      %add3A_178 = arith.constant 4 : i32
      %add3A_179 = arith.addi %add3A_163, %add3A_178 : i32
      %lt3A_180 = arith.constant 125 : i32
      %lt3A_181 = arith.cmpi slt, %add3A_179, %lt3A_180 : i32
      %convert_element_type3A_182 = arith.extui %lt3A_181 : i1 to i32
      %cond3A_183 = arith.constant 0 : i32
      %cond3A_184 = arith.cmpi ne, %convert_element_type3A_182, %cond3A_183 : i32
      scf.if %cond3A_184 {
        %add3A_185 = arith.constant 4 : i32
        %add3A_186 = arith.addi %add3A_163, %add3A_185 : i32
        %mul3A_187 = arith.constant 80 : i32
        %mul3A_188 = arith.muli %add3A_186, %mul3A_187 : i32
        %add3A_189 = arith.addi %mul3A_2, %mul3A_188 : i32
        %dma_start3A_190 = tpu.memref_slice %arg3[%add3A_189] : memref<320000xi32, #tpu.memory_space<hbm>> -> memref<80xi32, #tpu.memory_space<hbm>>
        %dma_start3A_191 = tpu.memref_slice %arg3[%add3A_189] : memref<320000xi32, #tpu.memory_space<hbm>> -> memref<80xi32, #tpu.memory_space<hbm>>
        tpu.enqueue_dma source(%dma_start3A_191 : memref<80xi32, #tpu.memory_space<hbm>>) target(%arg11 : memref<80xi32, #tpu.memory_space<vmem>>) target_semaphore(%arg31 : memref<!tpu.dma_semaphore, #tpu.memory_space<semaphore_mem>>)
        %mul3A_192 = arith.constant 80 : i32
        %mul3A_193 = arith.muli %add3A_186, %mul3A_192 : i32
        %add3A_194 = arith.addi %mul3A_2, %mul3A_193 : i32
        %dma_start3A_195 = tpu.memref_slice %arg4[%add3A_194] : memref<320000xi32, #tpu.memory_space<hbm>> -> memref<80xi32, #tpu.memory_space<hbm>>
        %dma_start3A_196 = tpu.memref_slice %arg4[%add3A_194] : memref<320000xi32, #tpu.memory_space<hbm>> -> memref<80xi32, #tpu.memory_space<hbm>>
        tpu.enqueue_dma source(%dma_start3A_196 : memref<80xi32, #tpu.memory_space<hbm>>) target(%arg15 : memref<80xi32, #tpu.memory_space<vmem>>) target_semaphore(%arg35 : memref<!tpu.dma_semaphore, #tpu.memory_space<semaphore_mem>>)
        %add3A_197 = arith.constant 4 : i32
        %add3A_198 = arith.addi %add3A_163, %add3A_197 : i32
        %mul3A_199 = arith.constant 80 : i32
        %mul3A_200 = arith.muli %add3A_198, %mul3A_199 : i32
        %add3A_201 = arith.addi %mul3A_2, %mul3A_200 : i32
        %dma_wait3A_202 = tpu.memref_slice %arg3[%add3A_201] : memref<320000xi32, #tpu.memory_space<hbm>> -> memref<80xi32, #tpu.memory_space<hbm>>
        %dma_wait3A_203 = tpu.memref_slice %arg3[%add3A_201] : memref<320000xi32, #tpu.memory_space<hbm>> -> memref<80xi32, #tpu.memory_space<hbm>>
        tpu.wait_dma2 semaphore(%arg31 : memref<!tpu.dma_semaphore, #tpu.memory_space<semaphore_mem>>) src(%dma_wait3A_203 : memref<80xi32, #tpu.memory_space<hbm>>) dst(%arg11 : memref<80xi32, #tpu.memory_space<vmem>>)
        %dma_start3A_204 = arith.constant 0 : i32
        %dma_start3A_205 = arith.constant 0 : i32
        %dma_start3A_206 = tpu.memref_slice %arg2[%dma_start3A_204, %dma_start3A_205] : memref<10240x128xf32, #tpu.memory_space<hbm>> -> memref<10240x128xf32, #tpu.memory_space<hbm>>
        tpu.enqueue_indirect_dma source(%dma_start3A_206 : memref<10240x128xf32, #tpu.memory_space<hbm>>) target(%arg19 : memref<80x128xf32, #tpu.memory_space<vmem>>) offsets(%arg11 : memref<80xi32, #tpu.memory_space<vmem>>) semaphore(%arg23 : memref<!tpu.dma_semaphore, #tpu.memory_space<semaphore_mem>>)
      } else {
      }
    }
    %scan3A_69 = arith.constant 31 : i32
    %dma_wait3A_70 = arith.constant 0 : i32
    %dma_wait3A_71 = arith.constant 0 : i32
    %dma_wait3A_72 = tpu.memref_slice %arg2[%dma_wait3A_70, %dma_wait3A_71] : memref<10240x128xf32, #tpu.memory_space<hbm>> -> memref<10240x128xf32, #tpu.memory_space<hbm>>
    tpu.wait_indirect_dma semaphore(%arg20 : memref<!tpu.dma_semaphore, #tpu.memory_space<semaphore_mem>>) src(%dma_wait3A_72 : memref<10240x128xf32, #tpu.memory_space<hbm>>) dst(%arg16 : memref<80x128xf32, #tpu.memory_space<vmem>>)
    %add3A_73 = arith.constant 9920 : i32
    %add3A_74 = arith.addi %mul3A_2, %add3A_73 : i32
    %dma_wait3A_75 = tpu.memref_slice %arg3[%add3A_74] : memref<320000xi32, #tpu.memory_space<hbm>> -> memref<80xi32, #tpu.memory_space<hbm>>
    %dma_wait3A_76 = tpu.memref_slice %arg3[%add3A_74] : memref<320000xi32, #tpu.memory_space<hbm>> -> memref<80xi32, #tpu.memory_space<hbm>>
    tpu.wait_dma2 semaphore(%arg32 : memref<!tpu.dma_semaphore, #tpu.memory_space<semaphore_mem>>) src(%dma_wait3A_76 : memref<80xi32, #tpu.memory_space<hbm>>) dst(%arg12 : memref<80xi32, #tpu.memory_space<vmem>>)
    "tpu.region"() ({
      %run_scoped3A = tpu.sem_alloc : memref<!tpu.dma_semaphore, #tpu.memory_space<semaphore_mem>>
      %dma_start3A_83 = arith.constant 0 : i32
      %dma_start3A_84 = arith.constant 0 : i32
      %dma_start3A_85 = tpu.memref_slice %arg7[%dma_start3A_83, %dma_start3A_84] : memref<10240x128xf32, #tpu.memory_space<vmem_shared>> -> memref<10240x128xf32, #tpu.memory_space<vmem_shared>>
      tpu.enqueue_indirect_dma source(%arg16 : memref<80x128xf32, #tpu.memory_space<vmem>>) target(%dma_start3A_85 : memref<10240x128xf32, #tpu.memory_space<vmem_shared>>) offsets(%arg12 : memref<80xi32, #tpu.memory_space<vmem>>) semaphore(%run_scoped3A : memref<!tpu.dma_semaphore, #tpu.memory_space<semaphore_mem>>) {add = true}
      %dma_wait3A_86 = arith.constant 0 : i32
      %dma_wait3A_87 = arith.constant 0 : i32
      %dma_wait3A_88 = tpu.memref_slice %arg7[%dma_wait3A_86, %dma_wait3A_87] : memref<10240x128xf32, #tpu.memory_space<vmem_shared>> -> memref<10240x128xf32, #tpu.memory_space<vmem_shared>>
      tpu.wait_indirect_dma semaphore(%run_scoped3A : memref<!tpu.dma_semaphore, #tpu.memory_space<semaphore_mem>>) src(%arg16 : memref<80x128xf32, #tpu.memory_space<vmem>>) dst(%dma_wait3A_88 : memref<10240x128xf32, #tpu.memory_space<vmem_shared>>)
      tpu.yield
    }) : () -> ()
    %barrier3A_77 = arith.constant 0 : index
    tpu.barrier barrier_id(%barrier3A_77)
    %scan3A_78 = arith.constant 0 : i32
    %scan3A_79 = arith.constant 8 : i32
    %scan3A_80 = arith.addi %scan3A_78, %scan3A_79 : i32
    %scan3A_81 = arith.constant 1 : i32
    scf.for %scan3A_83 = %scan3A_78 to %scan3A_80 step %scan3A_81  : i32 {
      %mul3A_84 = arith.constant 1 : i32
      %mul3A_85 = arith.muli %scan3A_83, %mul3A_84 : i32
      %add3A_86 = arith.constant 0 : i32
      %add3A_87 = arith.addi %add3A_86, %mul3A_85 : i32
      %mul3A_88 = arith.constant 640 : i32
      %mul3A_89 = arith.muli %arg1, %mul3A_88 : i32
      %mul3A_90 = arith.constant 80 : i32
      %mul3A_91 = arith.muli %add3A_87, %mul3A_90 : i32
      %add3A_92 = arith.addi %mul3A_89, %mul3A_91 : i32
      "tpu.region"() ({
        %run_scoped3A = tpu.sem_alloc : memref<!tpu.dma_semaphore, #tpu.memory_space<semaphore_mem>>
        %dma_start3A_96 = arith.constant 0 : i32
        %dma_start3A_97 = tpu.memref_slice %arg7[%add3A_92, %dma_start3A_96] : memref<10240x128xf32, #tpu.memory_space<vmem_shared>> -> memref<80x128xf32, #tpu.memory_space<vmem_shared>>
        %dma_start3A_98 = arith.constant 0 : i32
        %dma_start3A_99 = tpu.memref_slice %arg7[%add3A_92, %dma_start3A_98] : memref<10240x128xf32, #tpu.memory_space<vmem_shared>> -> memref<80x128xf32, #tpu.memory_space<vmem_shared>>
        tpu.enqueue_dma source(%dma_start3A_99 : memref<80x128xf32, #tpu.memory_space<vmem_shared>>) target(%arg16 : memref<80x128xf32, #tpu.memory_space<vmem>>) target_semaphore(%run_scoped3A : memref<!tpu.dma_semaphore, #tpu.memory_space<semaphore_mem>>)
        %dma_wait3A_100 = arith.constant 0 : i32
        %dma_wait3A_101 = tpu.memref_slice %arg7[%add3A_92, %dma_wait3A_100] : memref<10240x128xf32, #tpu.memory_space<vmem_shared>> -> memref<80x128xf32, #tpu.memory_space<vmem_shared>>
        %dma_wait3A_102 = arith.constant 0 : i32
        %dma_wait3A_103 = tpu.memref_slice %arg7[%add3A_92, %dma_wait3A_102] : memref<10240x128xf32, #tpu.memory_space<vmem_shared>> -> memref<80x128xf32, #tpu.memory_space<vmem_shared>>
        tpu.wait_dma2 semaphore(%run_scoped3A : memref<!tpu.dma_semaphore, #tpu.memory_space<semaphore_mem>>) src(%dma_wait3A_103 : memref<80x128xf32, #tpu.memory_space<vmem_shared>>) dst(%arg16 : memref<80x128xf32, #tpu.memory_space<vmem>>)
        tpu.yield
      }) : () -> ()
      %mul3A_93 = arith.constant 10240 : i32
      %mul3A_94 = arith.muli %arg0, %mul3A_93 : i32
      %add3A_95 = arith.addi %mul3A_94, %add3A_92 : i32
      "tpu.region"() ({
        %run_scoped3A = tpu.sem_alloc : memref<!tpu.dma_semaphore, #tpu.memory_space<semaphore_mem>>
        %dma_start3A_96 = arith.constant 0 : i32
        %dma_start3A_97 = tpu.memref_slice %arg6[%add3A_95, %dma_start3A_96] : memref<20480x128xf32, #tpu.memory_space<hbm>> -> memref<80x128xf32, #tpu.memory_space<hbm>>
        %dma_start3A_98 = arith.constant 0 : i32
        %dma_start3A_99 = tpu.memref_slice %arg6[%add3A_95, %dma_start3A_98] : memref<20480x128xf32, #tpu.memory_space<hbm>> -> memref<80x128xf32, #tpu.memory_space<hbm>>
        tpu.enqueue_dma source(%arg16 : memref<80x128xf32, #tpu.memory_space<vmem>>) target(%dma_start3A_99 : memref<80x128xf32, #tpu.memory_space<hbm>>) target_semaphore(%run_scoped3A : memref<!tpu.dma_semaphore, #tpu.memory_space<semaphore_mem>>)
        %dma_wait3A_100 = arith.constant 0 : i32
        %dma_wait3A_101 = tpu.memref_slice %arg6[%add3A_95, %dma_wait3A_100] : memref<20480x128xf32, #tpu.memory_space<hbm>> -> memref<80x128xf32, #tpu.memory_space<hbm>>
        %dma_wait3A_102 = arith.constant 0 : i32
        %dma_wait3A_103 = tpu.memref_slice %arg6[%add3A_95, %dma_wait3A_102] : memref<20480x128xf32, #tpu.memory_space<hbm>> -> memref<80x128xf32, #tpu.memory_space<hbm>>
        tpu.wait_dma2 semaphore(%run_scoped3A : memref<!tpu.dma_semaphore, #tpu.memory_space<semaphore_mem>>) src(%arg16 : memref<80x128xf32, #tpu.memory_space<vmem>>) dst(%dma_wait3A_103 : memref<80x128xf32, #tpu.memory_space<hbm>>)
        tpu.yield
      }) : () -> ()
    }
    %scan3A_82 = arith.constant 8 : i32
    return
  }
}

#map = affine_map<(d0, d1) -> (0, 0)>
#map1 = affine_map<(d0, d1) -> (0)>
module attributes {stable_mosaic.version = 14 : i64} {
  func.func @_edge_scatter_body(%arg0: i32, %arg1: i32, %arg2: memref<10240x128xf32, #tpu.memory_space<hbm>>, %arg3: memref<320000xi32, #tpu.memory_space<hbm>>, %arg4: memref<320000xi32, #tpu.memory_space<hbm>>, %arg5: memref<80x128xf32, #tpu.memory_space<hbm>>, %arg6: memref<20480x128xf32, #tpu.memory_space<hbm>>, %arg7: memref<10240x128xf32, #tpu.memory_space<vmem_shared>>, %arg8: memref<80xi32, #tpu.memory_space<vmem>>, %arg9: memref<80xi32, #tpu.memory_space<vmem>>, %arg10: memref<80xi32, #tpu.memory_space<vmem>>, %arg11: memref<80xi32, #tpu.memory_space<vmem>>, %arg12: memref<80xi32, #tpu.memory_space<vmem>>, %arg13: memref<80xi32, #tpu.memory_space<vmem>>, %arg14: memref<80xi32, #tpu.memory_space<vmem>>, %arg15: memref<80xi32, #tpu.memory_space<vmem>>, %arg16: memref<80x128xf32, #tpu.memory_space<vmem>>, %arg17: memref<80x128xf32, #tpu.memory_space<vmem>>, %arg18: memref<80x128xf32, #tpu.memory_space<vmem>>, %arg19: memref<80x128xf32, #tpu.memory_space<vmem>>, %arg20: memref<!tpu.dma_semaphore, #tpu.memory_space<semaphore_mem>>, %arg21: memref<!tpu.dma_semaphore, #tpu.memory_space<semaphore_mem>>, %arg22: memref<!tpu.dma_semaphore, #tpu.memory_space<semaphore_mem>>, %arg23: memref<!tpu.dma_semaphore, #tpu.memory_space<semaphore_mem>>, %arg24: memref<!tpu.dma_semaphore, #tpu.memory_space<semaphore_mem>>, %arg25: memref<!tpu.dma_semaphore, #tpu.memory_space<semaphore_mem>>, %arg26: memref<!tpu.dma_semaphore, #tpu.memory_space<semaphore_mem>>, %arg27: memref<!tpu.dma_semaphore, #tpu.memory_space<semaphore_mem>>, %arg28: memref<!tpu.dma_semaphore, #tpu.memory_space<semaphore_mem>>, %arg29: memref<!tpu.dma_semaphore, #tpu.memory_space<semaphore_mem>>, %arg30: memref<!tpu.dma_semaphore, #tpu.memory_space<semaphore_mem>>, %arg31: memref<!tpu.dma_semaphore, #tpu.memory_space<semaphore_mem>>, %arg32: memref<!tpu.dma_semaphore, #tpu.memory_space<semaphore_mem>>, %arg33: memref<!tpu.dma_semaphore, #tpu.memory_space<semaphore_mem>>, %arg34: memref<!tpu.dma_semaphore, #tpu.memory_space<semaphore_mem>>, %arg35: memref<!tpu.dma_semaphore, #tpu.memory_space<semaphore_mem>>) attributes {dimension_semantics = [#tpu.dimension_semantics<core_parallel>, #tpu.dimension_semantics<subcore_parallel>], iteration_bounds = array<i64: 2, 16>, scalar_prefetch = 0 : i64, scratch_operands = 29 : i64, tpu.core_type = #tpu.core_type<sc_vector_subcore>, window_params = [{transform_indices = #map}, {transform_indices = #map1}, {transform_indices = #map1}, {transform_indices = #map}, {transform_indices = #map}]} {
    %mul3A = arith.constant 16 : i32
    %mul3A_0 = arith.muli %arg0, %mul3A : i32
    %add3A = arith.addi %mul3A_0, %arg1 : i32
    %mul3A_1 = arith.constant 10000 : i32
    %mul3A_2 = arith.muli %add3A, %mul3A_1 : i32
    %add3A_3 = arith.constant 0 : i32
    %add3A_4 = arith.addi %mul3A_2, %add3A_3 : i32
    %dma_start3A = tpu.memref_slice %arg3[%add3A_4] : memref<320000xi32, #tpu.memory_space<hbm>> -> memref<80xi32, #tpu.memory_space<hbm>>
    %dma_start3A_5 = tpu.memref_slice %arg3[%add3A_4] : memref<320000xi32, #tpu.memory_space<hbm>> -> memref<80xi32, #tpu.memory_space<hbm>>
    tpu.enqueue_dma source(%dma_start3A_5 : memref<80xi32, #tpu.memory_space<hbm>>) target(%arg8 : memref<80xi32, #tpu.memory_space<vmem>>) target_semaphore(%arg28 : memref<!tpu.dma_semaphore, #tpu.memory_space<semaphore_mem>>)
    %add3A_6 = arith.constant 0 : i32
    %add3A_7 = arith.addi %mul3A_2, %add3A_6 : i32
    %dma_start3A_8 = tpu.memref_slice %arg4[%add3A_7] : memref<320000xi32, #tpu.memory_space<hbm>> -> memref<80xi32, #tpu.memory_space<hbm>>
    %dma_start3A_9 = tpu.memref_slice %arg4[%add3A_7] : memref<320000xi32, #tpu.memory_space<hbm>> -> memref<80xi32, #tpu.memory_space<hbm>>
    tpu.enqueue_dma source(%dma_start3A_9 : memref<80xi32, #tpu.memory_space<hbm>>) target(%arg12 : memref<80xi32, #tpu.memory_space<vmem>>) target_semaphore(%arg32 : memref<!tpu.dma_semaphore, #tpu.memory_space<semaphore_mem>>)
    %add3A_10 = arith.constant 80 : i32
    %add3A_11 = arith.addi %mul3A_2, %add3A_10 : i32
    %dma_start3A_12 = tpu.memref_slice %arg3[%add3A_11] : memref<320000xi32, #tpu.memory_space<hbm>> -> memref<80xi32, #tpu.memory_space<hbm>>
    %dma_start3A_13 = tpu.memref_slice %arg3[%add3A_11] : memref<320000xi32, #tpu.memory_space<hbm>> -> memref<80xi32, #tpu.memory_space<hbm>>
    tpu.enqueue_dma source(%dma_start3A_13 : memref<80xi32, #tpu.memory_space<hbm>>) target(%arg9 : memref<80xi32, #tpu.memory_space<vmem>>) target_semaphore(%arg29 : memref<!tpu.dma_semaphore, #tpu.memory_space<semaphore_mem>>)
    %add3A_14 = arith.constant 80 : i32
    %add3A_15 = arith.addi %mul3A_2, %add3A_14 : i32
    %dma_start3A_16 = tpu.memref_slice %arg4[%add3A_15] : memref<320000xi32, #tpu.memory_space<hbm>> -> memref<80xi32, #tpu.memory_space<hbm>>
    %dma_start3A_17 = tpu.memref_slice %arg4[%add3A_15] : memref<320000xi32, #tpu.memory_space<hbm>> -> memref<80xi32, #tpu.memory_space<hbm>>
    tpu.enqueue_dma source(%dma_start3A_17 : memref<80xi32, #tpu.memory_space<hbm>>) target(%arg13 : memref<80xi32, #tpu.memory_space<vmem>>) target_semaphore(%arg33 : memref<!tpu.dma_semaphore, #tpu.memory_space<semaphore_mem>>)
    %add3A_18 = arith.constant 160 : i32
    %add3A_19 = arith.addi %mul3A_2, %add3A_18 : i32
    %dma_start3A_20 = tpu.memref_slice %arg3[%add3A_19] : memref<320000xi32, #tpu.memory_space<hbm>> -> memref<80xi32, #tpu.memory_space<hbm>>
    %dma_start3A_21 = tpu.memref_slice %arg3[%add3A_19] : memref<320000xi32, #tpu.memory_space<hbm>> -> memref<80xi32, #tpu.memory_space<hbm>>
    tpu.enqueue_dma source(%dma_start3A_21 : memref<80xi32, #tpu.memory_space<hbm>>) target(%arg10 : memref<80xi32, #tpu.memory_space<vmem>>) target_semaphore(%arg30 : memref<!tpu.dma_semaphore, #tpu.memory_space<semaphore_mem>>)
    %add3A_22 = arith.constant 160 : i32
    %add3A_23 = arith.addi %mul3A_2, %add3A_22 : i32
    %dma_start3A_24 = tpu.memref_slice %arg4[%add3A_23] : memref<320000xi32, #tpu.memory_space<hbm>> -> memref<80xi32, #tpu.memory_space<hbm>>
    %dma_start3A_25 = tpu.memref_slice %arg4[%add3A_23] : memref<320000xi32, #tpu.memory_space<hbm>> -> memref<80xi32, #tpu.memory_space<hbm>>
    tpu.enqueue_dma source(%dma_start3A_25 : memref<80xi32, #tpu.memory_space<hbm>>) target(%arg14 : memref<80xi32, #tpu.memory_space<vmem>>) target_semaphore(%arg34 : memref<!tpu.dma_semaphore, #tpu.memory_space<semaphore_mem>>)
    %add3A_26 = arith.constant 240 : i32
    %add3A_27 = arith.addi %mul3A_2, %add3A_26 : i32
    %dma_start3A_28 = tpu.memref_slice %arg3[%add3A_27] : memref<320000xi32, #tpu.memory_space<hbm>> -> memref<80xi32, #tpu.memory_space<hbm>>
    %dma_start3A_29 = tpu.memref_slice %arg3[%add3A_27] : memref<320000xi32, #tpu.memory_space<hbm>> -> memref<80xi32, #tpu.memory_space<hbm>>
    tpu.enqueue_dma source(%dma_start3A_29 : memref<80xi32, #tpu.memory_space<hbm>>) target(%arg11 : memref<80xi32, #tpu.memory_space<vmem>>) target_semaphore(%arg31 : memref<!tpu.dma_semaphore, #tpu.memory_space<semaphore_mem>>)
    %add3A_30 = arith.constant 240 : i32
    %add3A_31 = arith.addi %mul3A_2, %add3A_30 : i32
    %dma_start3A_32 = tpu.memref_slice %arg4[%add3A_31] : memref<320000xi32, #tpu.memory_space<hbm>> -> memref<80xi32, #tpu.memory_space<hbm>>
    %dma_start3A_33 = tpu.memref_slice %arg4[%add3A_31] : memref<320000xi32, #tpu.memory_space<hbm>> -> memref<80xi32, #tpu.memory_space<hbm>>
    tpu.enqueue_dma source(%dma_start3A_33 : memref<80xi32, #tpu.memory_space<hbm>>) target(%arg15 : memref<80xi32, #tpu.memory_space<vmem>>) target_semaphore(%arg35 : memref<!tpu.dma_semaphore, #tpu.memory_space<semaphore_mem>>)
    "tpu.region"() ({
      %run_scoped3A = tpu.sem_alloc : memref<!tpu.dma_semaphore, #tpu.memory_space<semaphore_mem>>
      tpu.enqueue_dma source(%arg5 : memref<80x128xf32, #tpu.memory_space<hbm>>) target(%arg16 : memref<80x128xf32, #tpu.memory_space<vmem>>) target_semaphore(%run_scoped3A : memref<!tpu.dma_semaphore, #tpu.memory_space<semaphore_mem>>)
      tpu.wait_dma2 semaphore(%run_scoped3A : memref<!tpu.dma_semaphore, #tpu.memory_space<semaphore_mem>>) src(%arg5 : memref<80x128xf32, #tpu.memory_space<hbm>>) dst(%arg16 : memref<80x128xf32, #tpu.memory_space<vmem>>)
      tpu.yield
    }) : () -> ()
    %scan3A = arith.constant 0 : i32
    %scan3A_34 = arith.constant 8 : i32
    %scan3A_35 = arith.addi %scan3A, %scan3A_34 : i32
    %scan3A_36 = arith.constant 1 : i32
    scf.for %scan3A_83 = %scan3A to %scan3A_35 step %scan3A_36  : i32 {
      %mul3A_84 = arith.constant 1 : i32
      %mul3A_85 = arith.muli %scan3A_83, %mul3A_84 : i32
      %add3A_86 = arith.constant 0 : i32
      %add3A_87 = arith.addi %add3A_86, %mul3A_85 : i32
      %mul3A_88 = arith.constant 640 : i32
      %mul3A_89 = arith.muli %arg1, %mul3A_88 : i32
      %mul3A_90 = arith.constant 80 : i32
      %mul3A_91 = arith.muli %add3A_87, %mul3A_90 : i32
      %add3A_92 = arith.addi %mul3A_89, %mul3A_91 : i32
      "tpu.region"() ({
        %run_scoped3A = tpu.sem_alloc : memref<!tpu.dma_semaphore, #tpu.memory_space<semaphore_mem>>
        %dma_start3A_93 = arith.constant 0 : i32
        %dma_start3A_94 = tpu.memref_slice %arg7[%add3A_92, %dma_start3A_93] : memref<10240x128xf32, #tpu.memory_space<vmem_shared>> -> memref<80x128xf32, #tpu.memory_space<vmem_shared>>
        %dma_start3A_95 = arith.constant 0 : i32
        %dma_start3A_96 = tpu.memref_slice %arg7[%add3A_92, %dma_start3A_95] : memref<10240x128xf32, #tpu.memory_space<vmem_shared>> -> memref<80x128xf32, #tpu.memory_space<vmem_shared>>
        tpu.enqueue_dma source(%arg16 : memref<80x128xf32, #tpu.memory_space<vmem>>) target(%dma_start3A_96 : memref<80x128xf32, #tpu.memory_space<vmem_shared>>) target_semaphore(%run_scoped3A : memref<!tpu.dma_semaphore, #tpu.memory_space<semaphore_mem>>)
        %dma_wait3A_97 = arith.constant 0 : i32
        %dma_wait3A_98 = tpu.memref_slice %arg7[%add3A_92, %dma_wait3A_97] : memref<10240x128xf32, #tpu.memory_space<vmem_shared>> -> memref<80x128xf32, #tpu.memory_space<vmem_shared>>
        %dma_wait3A_99 = arith.constant 0 : i32
        %dma_wait3A_100 = tpu.memref_slice %arg7[%add3A_92, %dma_wait3A_99] : memref<10240x128xf32, #tpu.memory_space<vmem_shared>> -> memref<80x128xf32, #tpu.memory_space<vmem_shared>>
        tpu.wait_dma2 semaphore(%run_scoped3A : memref<!tpu.dma_semaphore, #tpu.memory_space<semaphore_mem>>) src(%arg16 : memref<80x128xf32, #tpu.memory_space<vmem>>) dst(%dma_wait3A_100 : memref<80x128xf32, #tpu.memory_space<vmem_shared>>)
        tpu.yield
      }) : () -> ()
    }
    %scan3A_37 = arith.constant 8 : i32
    %barrier3A = arith.constant 0 : index
    tpu.barrier barrier_id(%barrier3A)
    %add3A_38 = arith.constant 0 : i32
    %add3A_39 = arith.addi %mul3A_2, %add3A_38 : i32
    %dma_wait3A = tpu.memref_slice %arg3[%add3A_39] : memref<320000xi32, #tpu.memory_space<hbm>> -> memref<80xi32, #tpu.memory_space<hbm>>
    %dma_wait3A_40 = tpu.memref_slice %arg3[%add3A_39] : memref<320000xi32, #tpu.memory_space<hbm>> -> memref<80xi32, #tpu.memory_space<hbm>>
    tpu.wait_dma2 semaphore(%arg28 : memref<!tpu.dma_semaphore, #tpu.memory_space<semaphore_mem>>) src(%dma_wait3A_40 : memref<80xi32, #tpu.memory_space<hbm>>) dst(%arg8 : memref<80xi32, #tpu.memory_space<vmem>>)
    %dma_start3A_41 = arith.constant 0 : i32
    %dma_start3A_42 = arith.constant 0 : i32
    %dma_start3A_43 = tpu.memref_slice %arg2[%dma_start3A_41, %dma_start3A_42] : memref<10240x128xf32, #tpu.memory_space<hbm>> -> memref<10240x128xf32, #tpu.memory_space<hbm>>
    tpu.enqueue_indirect_dma source(%dma_start3A_43 : memref<10240x128xf32, #tpu.memory_space<hbm>>) target(%arg16 : memref<80x128xf32, #tpu.memory_space<vmem>>) offsets(%arg8 : memref<80xi32, #tpu.memory_space<vmem>>) semaphore(%arg20 : memref<!tpu.dma_semaphore, #tpu.memory_space<semaphore_mem>>)
    %add3A_44 = arith.constant 80 : i32
    %add3A_45 = arith.addi %mul3A_2, %add3A_44 : i32
    %dma_wait3A_46 = tpu.memref_slice %arg3[%add3A_45] : memref<320000xi32, #tpu.memory_space<hbm>> -> memref<80xi32, #tpu.memory_space<hbm>>
    %dma_wait3A_47 = tpu.memref_slice %arg3[%add3A_45] : memref<320000xi32, #tpu.memory_space<hbm>> -> memref<80xi32, #tpu.memory_space<hbm>>
    tpu.wait_dma2 semaphore(%arg29 : memref<!tpu.dma_semaphore, #tpu.memory_space<semaphore_mem>>) src(%dma_wait3A_47 : memref<80xi32, #tpu.memory_space<hbm>>) dst(%arg9 : memref<80xi32, #tpu.memory_space<vmem>>)
    %dma_start3A_48 = arith.constant 0 : i32
    %dma_start3A_49 = arith.constant 0 : i32
    %dma_start3A_50 = tpu.memref_slice %arg2[%dma_start3A_48, %dma_start3A_49] : memref<10240x128xf32, #tpu.memory_space<hbm>> -> memref<10240x128xf32, #tpu.memory_space<hbm>>
    tpu.enqueue_indirect_dma source(%dma_start3A_50 : memref<10240x128xf32, #tpu.memory_space<hbm>>) target(%arg17 : memref<80x128xf32, #tpu.memory_space<vmem>>) offsets(%arg9 : memref<80xi32, #tpu.memory_space<vmem>>) semaphore(%arg21 : memref<!tpu.dma_semaphore, #tpu.memory_space<semaphore_mem>>)
    %add3A_51 = arith.constant 160 : i32
    %add3A_52 = arith.addi %mul3A_2, %add3A_51 : i32
    %dma_wait3A_53 = tpu.memref_slice %arg3[%add3A_52] : memref<320000xi32, #tpu.memory_space<hbm>> -> memref<80xi32, #tpu.memory_space<hbm>>
    %dma_wait3A_54 = tpu.memref_slice %arg3[%add3A_52] : memref<320000xi32, #tpu.memory_space<hbm>> -> memref<80xi32, #tpu.memory_space<hbm>>
    tpu.wait_dma2 semaphore(%arg30 : memref<!tpu.dma_semaphore, #tpu.memory_space<semaphore_mem>>) src(%dma_wait3A_54 : memref<80xi32, #tpu.memory_space<hbm>>) dst(%arg10 : memref<80xi32, #tpu.memory_space<vmem>>)
    %dma_start3A_55 = arith.constant 0 : i32
    %dma_start3A_56 = arith.constant 0 : i32
    %dma_start3A_57 = tpu.memref_slice %arg2[%dma_start3A_55, %dma_start3A_56] : memref<10240x128xf32, #tpu.memory_space<hbm>> -> memref<10240x128xf32, #tpu.memory_space<hbm>>
    tpu.enqueue_indirect_dma source(%dma_start3A_57 : memref<10240x128xf32, #tpu.memory_space<hbm>>) target(%arg18 : memref<80x128xf32, #tpu.memory_space<vmem>>) offsets(%arg10 : memref<80xi32, #tpu.memory_space<vmem>>) semaphore(%arg22 : memref<!tpu.dma_semaphore, #tpu.memory_space<semaphore_mem>>)
    %add3A_58 = arith.constant 240 : i32
    %add3A_59 = arith.addi %mul3A_2, %add3A_58 : i32
    %dma_wait3A_60 = tpu.memref_slice %arg3[%add3A_59] : memref<320000xi32, #tpu.memory_space<hbm>> -> memref<80xi32, #tpu.memory_space<hbm>>
    %dma_wait3A_61 = tpu.memref_slice %arg3[%add3A_59] : memref<320000xi32, #tpu.memory_space<hbm>> -> memref<80xi32, #tpu.memory_space<hbm>>
    tpu.wait_dma2 semaphore(%arg31 : memref<!tpu.dma_semaphore, #tpu.memory_space<semaphore_mem>>) src(%dma_wait3A_61 : memref<80xi32, #tpu.memory_space<hbm>>) dst(%arg11 : memref<80xi32, #tpu.memory_space<vmem>>)
    %dma_start3A_62 = arith.constant 0 : i32
    %dma_start3A_63 = arith.constant 0 : i32
    %dma_start3A_64 = tpu.memref_slice %arg2[%dma_start3A_62, %dma_start3A_63] : memref<10240x128xf32, #tpu.memory_space<hbm>> -> memref<10240x128xf32, #tpu.memory_space<hbm>>
    tpu.enqueue_indirect_dma source(%dma_start3A_64 : memref<10240x128xf32, #tpu.memory_space<hbm>>) target(%arg19 : memref<80x128xf32, #tpu.memory_space<vmem>>) offsets(%arg11 : memref<80xi32, #tpu.memory_space<vmem>>) semaphore(%arg23 : memref<!tpu.dma_semaphore, #tpu.memory_space<semaphore_mem>>)
    %scan3A_65 = arith.constant 0 : i32
    %scan3A_66 = arith.constant 31 : i32
    %scan3A_67 = arith.addi %scan3A_65, %scan3A_66 : i32
    %scan3A_68 = arith.constant 1 : i32
    scf.for %scan3A_83 = %scan3A_65 to %scan3A_67 step %scan3A_68  : i32 {
      %mul3A_84 = arith.constant 1 : i32
      %mul3A_85 = arith.muli %scan3A_83, %mul3A_84 : i32
      %add3A_86 = arith.constant 0 : i32
      %add3A_87 = arith.addi %add3A_86, %mul3A_85 : i32
      %mul3A_88 = arith.constant 4 : i32
      %mul3A_89 = arith.muli %add3A_87, %mul3A_88 : i32
      %add3A_90 = arith.constant 0 : i32
      %add3A_91 = arith.addi %mul3A_89, %add3A_90 : i32
      %dma_wait3A_92 = arith.constant 0 : i32
      %dma_wait3A_93 = arith.constant 0 : i32
      %dma_wait3A_94 = tpu.memref_slice %arg2[%dma_wait3A_92, %dma_wait3A_93] : memref<10240x128xf32, #tpu.memory_space<hbm>> -> memref<10240x128xf32, #tpu.memory_space<hbm>>
      tpu.wait_indirect_dma semaphore(%arg20 : memref<!tpu.dma_semaphore, #tpu.memory_space<semaphore_mem>>) src(%dma_wait3A_94 : memref<10240x128xf32, #tpu.memory_space<hbm>>) dst(%arg16 : memref<80x128xf32, #tpu.memory_space<vmem>>)
      %mul3A_95 = arith.constant 80 : i32
      %mul3A_96 = arith.muli %add3A_91, %mul3A_95 : i32
      %add3A_97 = arith.addi %mul3A_2, %mul3A_96 : i32
      %dma_wait3A_98 = tpu.memref_slice %arg3[%add3A_97] : memref<320000xi32, #tpu.memory_space<hbm>> -> memref<80xi32, #tpu.memory_space<hbm>>
      %dma_wait3A_99 = tpu.memref_slice %arg3[%add3A_97] : memref<320000xi32, #tpu.memory_space<hbm>> -> memref<80xi32, #tpu.memory_space<hbm>>
      tpu.wait_dma2 semaphore(%arg32 : memref<!tpu.dma_semaphore, #tpu.memory_space<semaphore_mem>>) src(%dma_wait3A_99 : memref<80xi32, #tpu.memory_space<hbm>>) dst(%arg12 : memref<80xi32, #tpu.memory_space<vmem>>)
      %dma_start3A_100 = arith.constant 0 : i32
      %dma_start3A_101 = arith.constant 0 : i32
      %dma_start3A_102 = tpu.memref_slice %arg7[%dma_start3A_100, %dma_start3A_101] : memref<10240x128xf32, #tpu.memory_space<vmem_shared>> -> memref<10240x128xf32, #tpu.memory_space<vmem_shared>>
      tpu.enqueue_indirect_dma source(%arg16 : memref<80x128xf32, #tpu.memory_space<vmem>>) target(%dma_start3A_102 : memref<10240x128xf32, #tpu.memory_space<vmem_shared>>) offsets(%arg12 : memref<80xi32, #tpu.memory_space<vmem>>) semaphore(%arg24 : memref<!tpu.dma_semaphore, #tpu.memory_space<semaphore_mem>>) {add = true}
      %dma_wait3A_103 = arith.constant 0 : i32
      %dma_wait3A_104 = arith.constant 0 : i32
      %dma_wait3A_105 = tpu.memref_slice %arg7[%dma_wait3A_103, %dma_wait3A_104] : memref<10240x128xf32, #tpu.memory_space<vmem_shared>> -> memref<10240x128xf32, #tpu.memory_space<vmem_shared>>
      tpu.wait_indirect_dma semaphore(%arg24 : memref<!tpu.dma_semaphore, #tpu.memory_space<semaphore_mem>>) src(%arg16 : memref<80x128xf32, #tpu.memory_space<vmem>>) dst(%dma_wait3A_105 : memref<10240x128xf32, #tpu.memory_space<vmem_shared>>)
      %add3A_106 = arith.constant 4 : i32
      %add3A_107 = arith.addi %add3A_91, %add3A_106 : i32
      %lt3A = arith.constant 125 : i32
      %lt3A_108 = arith.cmpi slt, %add3A_107, %lt3A : i32
      %convert_element_type3A = arith.extui %lt3A_108 : i1 to i32
      %cond3A = arith.constant 0 : i32
      %cond3A_109 = arith.cmpi ne, %convert_element_type3A, %cond3A : i32
      scf.if %cond3A_109 {
        %add3A_185 = arith.constant 4 : i32
        %add3A_186 = arith.addi %add3A_91, %add3A_185 : i32
        %mul3A_187 = arith.constant 80 : i32
        %mul3A_188 = arith.muli %add3A_186, %mul3A_187 : i32
        %add3A_189 = arith.addi %mul3A_2, %mul3A_188 : i32
        %dma_start3A_190 = tpu.memref_slice %arg3[%add3A_189] : memref<320000xi32, #tpu.memory_space<hbm>> -> memref<80xi32, #tpu.memory_space<hbm>>
        %dma_start3A_191 = tpu.memref_slice %arg3[%add3A_189] : memref<320000xi32, #tpu.memory_space<hbm>> -> memref<80xi32, #tpu.memory_space<hbm>>
        tpu.enqueue_dma source(%dma_start3A_191 : memref<80xi32, #tpu.memory_space<hbm>>) target(%arg8 : memref<80xi32, #tpu.memory_space<vmem>>) target_semaphore(%arg28 : memref<!tpu.dma_semaphore, #tpu.memory_space<semaphore_mem>>)
        %mul3A_192 = arith.constant 80 : i32
        %mul3A_193 = arith.muli %add3A_186, %mul3A_192 : i32
        %add3A_194 = arith.addi %mul3A_2, %mul3A_193 : i32
        %dma_start3A_195 = tpu.memref_slice %arg4[%add3A_194] : memref<320000xi32, #tpu.memory_space<hbm>> -> memref<80xi32, #tpu.memory_space<hbm>>
        %dma_start3A_196 = tpu.memref_slice %arg4[%add3A_194] : memref<320000xi32, #tpu.memory_space<hbm>> -> memref<80xi32, #tpu.memory_space<hbm>>
        tpu.enqueue_dma source(%dma_start3A_196 : memref<80xi32, #tpu.memory_space<hbm>>) target(%arg12 : memref<80xi32, #tpu.memory_space<vmem>>) target_semaphore(%arg32 : memref<!tpu.dma_semaphore, #tpu.memory_space<semaphore_mem>>)
        %add3A_197 = arith.constant 4 : i32
        %add3A_198 = arith.addi %add3A_91, %add3A_197 : i32
        %mul3A_199 = arith.constant 80 : i32
        %mul3A_200 = arith.muli %add3A_198, %mul3A_199 : i32
        %add3A_201 = arith.addi %mul3A_2, %mul3A_200 : i32
        %dma_wait3A_202 = tpu.memref_slice %arg3[%add3A_201] : memref<320000xi32, #tpu.memory_space<hbm>> -> memref<80xi32, #tpu.memory_space<hbm>>
        %dma_wait3A_203 = tpu.memref_slice %arg3[%add3A_201] : memref<320000xi32, #tpu.memory_space<hbm>> -> memref<80xi32, #tpu.memory_space<hbm>>
        tpu.wait_dma2 semaphore(%arg28 : memref<!tpu.dma_semaphore, #tpu.memory_space<semaphore_mem>>) src(%dma_wait3A_203 : memref<80xi32, #tpu.memory_space<hbm>>) dst(%arg8 : memref<80xi32, #tpu.memory_space<vmem>>)
        %dma_start3A_204 = arith.constant 0 : i32
        %dma_start3A_205 = arith.constant 0 : i32
        %dma_start3A_206 = tpu.memref_slice %arg2[%dma_start3A_204, %dma_start3A_205] : memref<10240x128xf32, #tpu.memory_space<hbm>> -> memref<10240x128xf32, #tpu.memory_space<hbm>>
        tpu.enqueue_indirect_dma source(%dma_start3A_206 : memref<10240x128xf32, #tpu.memory_space<hbm>>) target(%arg16 : memref<80x128xf32, #tpu.memory_space<vmem>>) offsets(%arg8 : memref<80xi32, #tpu.memory_space<vmem>>) semaphore(%arg20 : memref<!tpu.dma_semaphore, #tpu.memory_space<semaphore_mem>>)
      } else {
      }
      %mul3A_110 = arith.constant 4 : i32
      %mul3A_111 = arith.muli %add3A_87, %mul3A_110 : i32
      %add3A_112 = arith.constant 1 : i32
      %add3A_113 = arith.addi %mul3A_111, %add3A_112 : i32
      %dma_wait3A_114 = arith.constant 0 : i32
      %dma_wait3A_115 = arith.constant 0 : i32
      %dma_wait3A_116 = tpu.memref_slice %arg2[%dma_wait3A_114, %dma_wait3A_115] : memref<10240x128xf32, #tpu.memory_space<hbm>> -> memref<10240x128xf32, #tpu.memory_space<hbm>>
      tpu.wait_indirect_dma semaphore(%arg21 : memref<!tpu.dma_semaphore, #tpu.memory_space<semaphore_mem>>) src(%dma_wait3A_116 : memref<10240x128xf32, #tpu.memory_space<hbm>>) dst(%arg17 : memref<80x128xf32, #tpu.memory_space<vmem>>)
      %mul3A_117 = arith.constant 80 : i32
      %mul3A_118 = arith.muli %add3A_113, %mul3A_117 : i32
      %add3A_119 = arith.addi %mul3A_2, %mul3A_118 : i32
      %dma_wait3A_120 = tpu.memref_slice %arg3[%add3A_119] : memref<320000xi32, #tpu.memory_space<hbm>> -> memref<80xi32, #tpu.memory_space<hbm>>
      %dma_wait3A_121 = tpu.memref_slice %arg3[%add3A_119] : memref<320000xi32, #tpu.memory_space<hbm>> -> memref<80xi32, #tpu.memory_space<hbm>>
      tpu.wait_dma2 semaphore(%arg33 : memref<!tpu.dma_semaphore, #tpu.memory_space<semaphore_mem>>) src(%dma_wait3A_121 : memref<80xi32, #tpu.memory_space<hbm>>) dst(%arg13 : memref<80xi32, #tpu.memory_space<vmem>>)
      %dma_start3A_122 = arith.constant 0 : i32
      %dma_start3A_123 = arith.constant 0 : i32
      %dma_start3A_124 = tpu.memref_slice %arg7[%dma_start3A_122, %dma_start3A_123] : memref<10240x128xf32, #tpu.memory_space<vmem_shared>> -> memref<10240x128xf32, #tpu.memory_space<vmem_shared>>
      tpu.enqueue_indirect_dma source(%arg17 : memref<80x128xf32, #tpu.memory_space<vmem>>) target(%dma_start3A_124 : memref<10240x128xf32, #tpu.memory_space<vmem_shared>>) offsets(%arg13 : memref<80xi32, #tpu.memory_space<vmem>>) semaphore(%arg25 : memref<!tpu.dma_semaphore, #tpu.memory_space<semaphore_mem>>) {add = true}
      %dma_wait3A_125 = arith.constant 0 : i32
      %dma_wait3A_126 = arith.constant 0 : i32
      %dma_wait3A_127 = tpu.memref_slice %arg7[%dma_wait3A_125, %dma_wait3A_126] : memref<10240x128xf32, #tpu.memory_space<vmem_shared>> -> memref<10240x128xf32, #tpu.memory_space<vmem_shared>>
      tpu.wait_indirect_dma semaphore(%arg25 : memref<!tpu.dma_semaphore, #tpu.memory_space<semaphore_mem>>) src(%arg17 : memref<80x128xf32, #tpu.memory_space<vmem>>) dst(%dma_wait3A_127 : memref<10240x128xf32, #tpu.memory_space<vmem_shared>>)
      %add3A_128 = arith.constant 4 : i32
      %add3A_129 = arith.addi %add3A_113, %add3A_128 : i32
      %lt3A_130 = arith.constant 125 : i32
      %lt3A_131 = arith.cmpi slt, %add3A_129, %lt3A_130 : i32
      %convert_element_type3A_132 = arith.extui %lt3A_131 : i1 to i32
      %cond3A_133 = arith.constant 0 : i32
      %cond3A_134 = arith.cmpi ne, %convert_element_type3A_132, %cond3A_133 : i32
      scf.if %cond3A_134 {
        %add3A_185 = arith.constant 4 : i32
        %add3A_186 = arith.addi %add3A_113, %add3A_185 : i32
        %mul3A_187 = arith.constant 80 : i32
        %mul3A_188 = arith.muli %add3A_186, %mul3A_187 : i32
        %add3A_189 = arith.addi %mul3A_2, %mul3A_188 : i32
        %dma_start3A_190 = tpu.memref_slice %arg3[%add3A_189] : memref<320000xi32, #tpu.memory_space<hbm>> -> memref<80xi32, #tpu.memory_space<hbm>>
        %dma_start3A_191 = tpu.memref_slice %arg3[%add3A_189] : memref<320000xi32, #tpu.memory_space<hbm>> -> memref<80xi32, #tpu.memory_space<hbm>>
        tpu.enqueue_dma source(%dma_start3A_191 : memref<80xi32, #tpu.memory_space<hbm>>) target(%arg9 : memref<80xi32, #tpu.memory_space<vmem>>) target_semaphore(%arg29 : memref<!tpu.dma_semaphore, #tpu.memory_space<semaphore_mem>>)
        %mul3A_192 = arith.constant 80 : i32
        %mul3A_193 = arith.muli %add3A_186, %mul3A_192 : i32
        %add3A_194 = arith.addi %mul3A_2, %mul3A_193 : i32
        %dma_start3A_195 = tpu.memref_slice %arg4[%add3A_194] : memref<320000xi32, #tpu.memory_space<hbm>> -> memref<80xi32, #tpu.memory_space<hbm>>
        %dma_start3A_196 = tpu.memref_slice %arg4[%add3A_194] : memref<320000xi32, #tpu.memory_space<hbm>> -> memref<80xi32, #tpu.memory_space<hbm>>
        tpu.enqueue_dma source(%dma_start3A_196 : memref<80xi32, #tpu.memory_space<hbm>>) target(%arg13 : memref<80xi32, #tpu.memory_space<vmem>>) target_semaphore(%arg33 : memref<!tpu.dma_semaphore, #tpu.memory_space<semaphore_mem>>)
        %add3A_197 = arith.constant 4 : i32
        %add3A_198 = arith.addi %add3A_113, %add3A_197 : i32
        %mul3A_199 = arith.constant 80 : i32
        %mul3A_200 = arith.muli %add3A_198, %mul3A_199 : i32
        %add3A_201 = arith.addi %mul3A_2, %mul3A_200 : i32
        %dma_wait3A_202 = tpu.memref_slice %arg3[%add3A_201] : memref<320000xi32, #tpu.memory_space<hbm>> -> memref<80xi32, #tpu.memory_space<hbm>>
        %dma_wait3A_203 = tpu.memref_slice %arg3[%add3A_201] : memref<320000xi32, #tpu.memory_space<hbm>> -> memref<80xi32, #tpu.memory_space<hbm>>
        tpu.wait_dma2 semaphore(%arg29 : memref<!tpu.dma_semaphore, #tpu.memory_space<semaphore_mem>>) src(%dma_wait3A_203 : memref<80xi32, #tpu.memory_space<hbm>>) dst(%arg9 : memref<80xi32, #tpu.memory_space<vmem>>)
        %dma_start3A_204 = arith.constant 0 : i32
        %dma_start3A_205 = arith.constant 0 : i32
        %dma_start3A_206 = tpu.memref_slice %arg2[%dma_start3A_204, %dma_start3A_205] : memref<10240x128xf32, #tpu.memory_space<hbm>> -> memref<10240x128xf32, #tpu.memory_space<hbm>>
        tpu.enqueue_indirect_dma source(%dma_start3A_206 : memref<10240x128xf32, #tpu.memory_space<hbm>>) target(%arg17 : memref<80x128xf32, #tpu.memory_space<vmem>>) offsets(%arg9 : memref<80xi32, #tpu.memory_space<vmem>>) semaphore(%arg21 : memref<!tpu.dma_semaphore, #tpu.memory_space<semaphore_mem>>)
      } else {
      }
      %mul3A_135 = arith.constant 4 : i32
      %mul3A_136 = arith.muli %add3A_87, %mul3A_135 : i32
      %add3A_137 = arith.constant 2 : i32
      %add3A_138 = arith.addi %mul3A_136, %add3A_137 : i32
      %dma_wait3A_139 = arith.constant 0 : i32
      %dma_wait3A_140 = arith.constant 0 : i32
      %dma_wait3A_141 = tpu.memref_slice %arg2[%dma_wait3A_139, %dma_wait3A_140] : memref<10240x128xf32, #tpu.memory_space<hbm>> -> memref<10240x128xf32, #tpu.memory_space<hbm>>
      tpu.wait_indirect_dma semaphore(%arg22 : memref<!tpu.dma_semaphore, #tpu.memory_space<semaphore_mem>>) src(%dma_wait3A_141 : memref<10240x128xf32, #tpu.memory_space<hbm>>) dst(%arg18 : memref<80x128xf32, #tpu.memory_space<vmem>>)
      %mul3A_142 = arith.constant 80 : i32
      %mul3A_143 = arith.muli %add3A_138, %mul3A_142 : i32
      %add3A_144 = arith.addi %mul3A_2, %mul3A_143 : i32
      %dma_wait3A_145 = tpu.memref_slice %arg3[%add3A_144] : memref<320000xi32, #tpu.memory_space<hbm>> -> memref<80xi32, #tpu.memory_space<hbm>>
      %dma_wait3A_146 = tpu.memref_slice %arg3[%add3A_144] : memref<320000xi32, #tpu.memory_space<hbm>> -> memref<80xi32, #tpu.memory_space<hbm>>
      tpu.wait_dma2 semaphore(%arg34 : memref<!tpu.dma_semaphore, #tpu.memory_space<semaphore_mem>>) src(%dma_wait3A_146 : memref<80xi32, #tpu.memory_space<hbm>>) dst(%arg14 : memref<80xi32, #tpu.memory_space<vmem>>)
      %dma_start3A_147 = arith.constant 0 : i32
      %dma_start3A_148 = arith.constant 0 : i32
      %dma_start3A_149 = tpu.memref_slice %arg7[%dma_start3A_147, %dma_start3A_148] : memref<10240x128xf32, #tpu.memory_space<vmem_shared>> -> memref<10240x128xf32, #tpu.memory_space<vmem_shared>>
      tpu.enqueue_indirect_dma source(%arg18 : memref<80x128xf32, #tpu.memory_space<vmem>>) target(%dma_start3A_149 : memref<10240x128xf32, #tpu.memory_space<vmem_shared>>) offsets(%arg14 : memref<80xi32, #tpu.memory_space<vmem>>) semaphore(%arg26 : memref<!tpu.dma_semaphore, #tpu.memory_space<semaphore_mem>>) {add = true}
      %dma_wait3A_150 = arith.constant 0 : i32
      %dma_wait3A_151 = arith.constant 0 : i32
      %dma_wait3A_152 = tpu.memref_slice %arg7[%dma_wait3A_150, %dma_wait3A_151] : memref<10240x128xf32, #tpu.memory_space<vmem_shared>> -> memref<10240x128xf32, #tpu.memory_space<vmem_shared>>
      tpu.wait_indirect_dma semaphore(%arg26 : memref<!tpu.dma_semaphore, #tpu.memory_space<semaphore_mem>>) src(%arg18 : memref<80x128xf32, #tpu.memory_space<vmem>>) dst(%dma_wait3A_152 : memref<10240x128xf32, #tpu.memory_space<vmem_shared>>)
      %add3A_153 = arith.constant 4 : i32
      %add3A_154 = arith.addi %add3A_138, %add3A_153 : i32
      %lt3A_155 = arith.constant 125 : i32
      %lt3A_156 = arith.cmpi slt, %add3A_154, %lt3A_155 : i32
      %convert_element_type3A_157 = arith.extui %lt3A_156 : i1 to i32
      %cond3A_158 = arith.constant 0 : i32
      %cond3A_159 = arith.cmpi ne, %convert_element_type3A_157, %cond3A_158 : i32
      scf.if %cond3A_159 {
        %add3A_185 = arith.constant 4 : i32
        %add3A_186 = arith.addi %add3A_138, %add3A_185 : i32
        %mul3A_187 = arith.constant 80 : i32
        %mul3A_188 = arith.muli %add3A_186, %mul3A_187 : i32
        %add3A_189 = arith.addi %mul3A_2, %mul3A_188 : i32
        %dma_start3A_190 = tpu.memref_slice %arg3[%add3A_189] : memref<320000xi32, #tpu.memory_space<hbm>> -> memref<80xi32, #tpu.memory_space<hbm>>
        %dma_start3A_191 = tpu.memref_slice %arg3[%add3A_189] : memref<320000xi32, #tpu.memory_space<hbm>> -> memref<80xi32, #tpu.memory_space<hbm>>
        tpu.enqueue_dma source(%dma_start3A_191 : memref<80xi32, #tpu.memory_space<hbm>>) target(%arg10 : memref<80xi32, #tpu.memory_space<vmem>>) target_semaphore(%arg30 : memref<!tpu.dma_semaphore, #tpu.memory_space<semaphore_mem>>)
        %mul3A_192 = arith.constant 80 : i32
        %mul3A_193 = arith.muli %add3A_186, %mul3A_192 : i32
        %add3A_194 = arith.addi %mul3A_2, %mul3A_193 : i32
        %dma_start3A_195 = tpu.memref_slice %arg4[%add3A_194] : memref<320000xi32, #tpu.memory_space<hbm>> -> memref<80xi32, #tpu.memory_space<hbm>>
        %dma_start3A_196 = tpu.memref_slice %arg4[%add3A_194] : memref<320000xi32, #tpu.memory_space<hbm>> -> memref<80xi32, #tpu.memory_space<hbm>>
        tpu.enqueue_dma source(%dma_start3A_196 : memref<80xi32, #tpu.memory_space<hbm>>) target(%arg14 : memref<80xi32, #tpu.memory_space<vmem>>) target_semaphore(%arg34 : memref<!tpu.dma_semaphore, #tpu.memory_space<semaphore_mem>>)
        %add3A_197 = arith.constant 4 : i32
        %add3A_198 = arith.addi %add3A_138, %add3A_197 : i32
        %mul3A_199 = arith.constant 80 : i32
        %mul3A_200 = arith.muli %add3A_198, %mul3A_199 : i32
        %add3A_201 = arith.addi %mul3A_2, %mul3A_200 : i32
        %dma_wait3A_202 = tpu.memref_slice %arg3[%add3A_201] : memref<320000xi32, #tpu.memory_space<hbm>> -> memref<80xi32, #tpu.memory_space<hbm>>
        %dma_wait3A_203 = tpu.memref_slice %arg3[%add3A_201] : memref<320000xi32, #tpu.memory_space<hbm>> -> memref<80xi32, #tpu.memory_space<hbm>>
        tpu.wait_dma2 semaphore(%arg30 : memref<!tpu.dma_semaphore, #tpu.memory_space<semaphore_mem>>) src(%dma_wait3A_203 : memref<80xi32, #tpu.memory_space<hbm>>) dst(%arg10 : memref<80xi32, #tpu.memory_space<vmem>>)
        %dma_start3A_204 = arith.constant 0 : i32
        %dma_start3A_205 = arith.constant 0 : i32
        %dma_start3A_206 = tpu.memref_slice %arg2[%dma_start3A_204, %dma_start3A_205] : memref<10240x128xf32, #tpu.memory_space<hbm>> -> memref<10240x128xf32, #tpu.memory_space<hbm>>
        tpu.enqueue_indirect_dma source(%dma_start3A_206 : memref<10240x128xf32, #tpu.memory_space<hbm>>) target(%arg18 : memref<80x128xf32, #tpu.memory_space<vmem>>) offsets(%arg10 : memref<80xi32, #tpu.memory_space<vmem>>) semaphore(%arg22 : memref<!tpu.dma_semaphore, #tpu.memory_space<semaphore_mem>>)
      } else {
      }
      %mul3A_160 = arith.constant 4 : i32
      %mul3A_161 = arith.muli %add3A_87, %mul3A_160 : i32
      %add3A_162 = arith.constant 3 : i32
      %add3A_163 = arith.addi %mul3A_161, %add3A_162 : i32
      %dma_wait3A_164 = arith.constant 0 : i32
      %dma_wait3A_165 = arith.constant 0 : i32
      %dma_wait3A_166 = tpu.memref_slice %arg2[%dma_wait3A_164, %dma_wait3A_165] : memref<10240x128xf32, #tpu.memory_space<hbm>> -> memref<10240x128xf32, #tpu.memory_space<hbm>>
      tpu.wait_indirect_dma semaphore(%arg23 : memref<!tpu.dma_semaphore, #tpu.memory_space<semaphore_mem>>) src(%dma_wait3A_166 : memref<10240x128xf32, #tpu.memory_space<hbm>>) dst(%arg19 : memref<80x128xf32, #tpu.memory_space<vmem>>)
      %mul3A_167 = arith.constant 80 : i32
      %mul3A_168 = arith.muli %add3A_163, %mul3A_167 : i32
      %add3A_169 = arith.addi %mul3A_2, %mul3A_168 : i32
      %dma_wait3A_170 = tpu.memref_slice %arg3[%add3A_169] : memref<320000xi32, #tpu.memory_space<hbm>> -> memref<80xi32, #tpu.memory_space<hbm>>
      %dma_wait3A_171 = tpu.memref_slice %arg3[%add3A_169] : memref<320000xi32, #tpu.memory_space<hbm>> -> memref<80xi32, #tpu.memory_space<hbm>>
      tpu.wait_dma2 semaphore(%arg35 : memref<!tpu.dma_semaphore, #tpu.memory_space<semaphore_mem>>) src(%dma_wait3A_171 : memref<80xi32, #tpu.memory_space<hbm>>) dst(%arg15 : memref<80xi32, #tpu.memory_space<vmem>>)
      %dma_start3A_172 = arith.constant 0 : i32
      %dma_start3A_173 = arith.constant 0 : i32
      %dma_start3A_174 = tpu.memref_slice %arg7[%dma_start3A_172, %dma_start3A_173] : memref<10240x128xf32, #tpu.memory_space<vmem_shared>> -> memref<10240x128xf32, #tpu.memory_space<vmem_shared>>
      tpu.enqueue_indirect_dma source(%arg19 : memref<80x128xf32, #tpu.memory_space<vmem>>) target(%dma_start3A_174 : memref<10240x128xf32, #tpu.memory_space<vmem_shared>>) offsets(%arg15 : memref<80xi32, #tpu.memory_space<vmem>>) semaphore(%arg27 : memref<!tpu.dma_semaphore, #tpu.memory_space<semaphore_mem>>) {add = true}
      %dma_wait3A_175 = arith.constant 0 : i32
      %dma_wait3A_176 = arith.constant 0 : i32
      %dma_wait3A_177 = tpu.memref_slice %arg7[%dma_wait3A_175, %dma_wait3A_176] : memref<10240x128xf32, #tpu.memory_space<vmem_shared>> -> memref<10240x128xf32, #tpu.memory_space<vmem_shared>>
      tpu.wait_indirect_dma semaphore(%arg27 : memref<!tpu.dma_semaphore, #tpu.memory_space<semaphore_mem>>) src(%arg19 : memref<80x128xf32, #tpu.memory_space<vmem>>) dst(%dma_wait3A_177 : memref<10240x128xf32, #tpu.memory_space<vmem_shared>>)
      %add3A_178 = arith.constant 4 : i32
      %add3A_179 = arith.addi %add3A_163, %add3A_178 : i32
      %lt3A_180 = arith.constant 125 : i32
      %lt3A_181 = arith.cmpi slt, %add3A_179, %lt3A_180 : i32
      %convert_element_type3A_182 = arith.extui %lt3A_181 : i1 to i32
      %cond3A_183 = arith.constant 0 : i32
      %cond3A_184 = arith.cmpi ne, %convert_element_type3A_182, %cond3A_183 : i32
      scf.if %cond3A_184 {
        %add3A_185 = arith.constant 4 : i32
        %add3A_186 = arith.addi %add3A_163, %add3A_185 : i32
        %mul3A_187 = arith.constant 80 : i32
        %mul3A_188 = arith.muli %add3A_186, %mul3A_187 : i32
        %add3A_189 = arith.addi %mul3A_2, %mul3A_188 : i32
        %dma_start3A_190 = tpu.memref_slice %arg3[%add3A_189] : memref<320000xi32, #tpu.memory_space<hbm>> -> memref<80xi32, #tpu.memory_space<hbm>>
        %dma_start3A_191 = tpu.memref_slice %arg3[%add3A_189] : memref<320000xi32, #tpu.memory_space<hbm>> -> memref<80xi32, #tpu.memory_space<hbm>>
        tpu.enqueue_dma source(%dma_start3A_191 : memref<80xi32, #tpu.memory_space<hbm>>) target(%arg11 : memref<80xi32, #tpu.memory_space<vmem>>) target_semaphore(%arg31 : memref<!tpu.dma_semaphore, #tpu.memory_space<semaphore_mem>>)
        %mul3A_192 = arith.constant 80 : i32
        %mul3A_193 = arith.muli %add3A_186, %mul3A_192 : i32
        %add3A_194 = arith.addi %mul3A_2, %mul3A_193 : i32
        %dma_start3A_195 = tpu.memref_slice %arg4[%add3A_194] : memref<320000xi32, #tpu.memory_space<hbm>> -> memref<80xi32, #tpu.memory_space<hbm>>
        %dma_start3A_196 = tpu.memref_slice %arg4[%add3A_194] : memref<320000xi32, #tpu.memory_space<hbm>> -> memref<80xi32, #tpu.memory_space<hbm>>
        tpu.enqueue_dma source(%dma_start3A_196 : memref<80xi32, #tpu.memory_space<hbm>>) target(%arg15 : memref<80xi32, #tpu.memory_space<vmem>>) target_semaphore(%arg35 : memref<!tpu.dma_semaphore, #tpu.memory_space<semaphore_mem>>)
        %add3A_197 = arith.constant 4 : i32
        %add3A_198 = arith.addi %add3A_163, %add3A_197 : i32
        %mul3A_199 = arith.constant 80 : i32
        %mul3A_200 = arith.muli %add3A_198, %mul3A_199 : i32
        %add3A_201 = arith.addi %mul3A_2, %mul3A_200 : i32
        %dma_wait3A_202 = tpu.memref_slice %arg3[%add3A_201] : memref<320000xi32, #tpu.memory_space<hbm>> -> memref<80xi32, #tpu.memory_space<hbm>>
        %dma_wait3A_203 = tpu.memref_slice %arg3[%add3A_201] : memref<320000xi32, #tpu.memory_space<hbm>> -> memref<80xi32, #tpu.memory_space<hbm>>
        tpu.wait_dma2 semaphore(%arg31 : memref<!tpu.dma_semaphore, #tpu.memory_space<semaphore_mem>>) src(%dma_wait3A_203 : memref<80xi32, #tpu.memory_space<hbm>>) dst(%arg11 : memref<80xi32, #tpu.memory_space<vmem>>)
        %dma_start3A_204 = arith.constant 0 : i32
        %dma_start3A_205 = arith.constant 0 : i32
        %dma_start3A_206 = tpu.memref_slice %arg2[%dma_start3A_204, %dma_start3A_205] : memref<10240x128xf32, #tpu.memory_space<hbm>> -> memref<10240x128xf32, #tpu.memory_space<hbm>>
        tpu.enqueue_indirect_dma source(%dma_start3A_206 : memref<10240x128xf32, #tpu.memory_space<hbm>>) target(%arg19 : memref<80x128xf32, #tpu.memory_space<vmem>>) offsets(%arg11 : memref<80xi32, #tpu.memory_space<vmem>>) semaphore(%arg23 : memref<!tpu.dma_semaphore, #tpu.memory_space<semaphore_mem>>)
      } else {
      }
    }
    %scan3A_69 = arith.constant 31 : i32
    %dma_wait3A_70 = arith.constant 0 : i32
    %dma_wait3A_71 = arith.constant 0 : i32
    %dma_wait3A_72 = tpu.memref_slice %arg2[%dma_wait3A_70, %dma_wait3A_71] : memref<10240x128xf32, #tpu.memory_space<hbm>> -> memref<10240x128xf32, #tpu.memory_space<hbm>>
    tpu.wait_indirect_dma semaphore(%arg20 : memref<!tpu.dma_semaphore, #tpu.memory_space<semaphore_mem>>) src(%dma_wait3A_72 : memref<10240x128xf32, #tpu.memory_space<hbm>>) dst(%arg16 : memref<80x128xf32, #tpu.memory_space<vmem>>)
    %add3A_73 = arith.constant 9920 : i32
    %add3A_74 = arith.addi %mul3A_2, %add3A_73 : i32
    %dma_wait3A_75 = tpu.memref_slice %arg3[%add3A_74] : memref<320000xi32, #tpu.memory_space<hbm>> -> memref<80xi32, #tpu.memory_space<hbm>>
    %dma_wait3A_76 = tpu.memref_slice %arg3[%add3A_74] : memref<320000xi32, #tpu.memory_space<hbm>> -> memref<80xi32, #tpu.memory_space<hbm>>
    tpu.wait_dma2 semaphore(%arg32 : memref<!tpu.dma_semaphore, #tpu.memory_space<semaphore_mem>>) src(%dma_wait3A_76 : memref<80xi32, #tpu.memory_space<hbm>>) dst(%arg12 : memref<80xi32, #tpu.memory_space<vmem>>)
    "tpu.region"() ({
      %run_scoped3A = tpu.sem_alloc : memref<!tpu.dma_semaphore, #tpu.memory_space<semaphore_mem>>
      %dma_start3A_83 = arith.constant 0 : i32
      %dma_start3A_84 = arith.constant 0 : i32
      %dma_start3A_85 = tpu.memref_slice %arg7[%dma_start3A_83, %dma_start3A_84] : memref<10240x128xf32, #tpu.memory_space<vmem_shared>> -> memref<10240x128xf32, #tpu.memory_space<vmem_shared>>
      tpu.enqueue_indirect_dma source(%arg16 : memref<80x128xf32, #tpu.memory_space<vmem>>) target(%dma_start3A_85 : memref<10240x128xf32, #tpu.memory_space<vmem_shared>>) offsets(%arg12 : memref<80xi32, #tpu.memory_space<vmem>>) semaphore(%run_scoped3A : memref<!tpu.dma_semaphore, #tpu.memory_space<semaphore_mem>>) {add = true}
      %dma_wait3A_86 = arith.constant 0 : i32
      %dma_wait3A_87 = arith.constant 0 : i32
      %dma_wait3A_88 = tpu.memref_slice %arg7[%dma_wait3A_86, %dma_wait3A_87] : memref<10240x128xf32, #tpu.memory_space<vmem_shared>> -> memref<10240x128xf32, #tpu.memory_space<vmem_shared>>
      tpu.wait_indirect_dma semaphore(%run_scoped3A : memref<!tpu.dma_semaphore, #tpu.memory_space<semaphore_mem>>) src(%arg16 : memref<80x128xf32, #tpu.memory_space<vmem>>) dst(%dma_wait3A_88 : memref<10240x128xf32, #tpu.memory_space<vmem_shared>>)
      tpu.yield
    }) : () -> ()
    %barrier3A_77 = arith.constant 0 : index
    tpu.barrier barrier_id(%barrier3A_77)
    %scan3A_78 = arith.constant 0 : i32
    %scan3A_79 = arith.constant 8 : i32
    %scan3A_80 = arith.addi %scan3A_78, %scan3A_79 : i32
    %scan3A_81 = arith.constant 1 : i32
    scf.for %scan3A_83 = %scan3A_78 to %scan3A_80 step %scan3A_81  : i32 {
      %mul3A_84 = arith.constant 1 : i32
      %mul3A_85 = arith.muli %scan3A_83, %mul3A_84 : i32
      %add3A_86 = arith.constant 0 : i32
      %add3A_87 = arith.addi %add3A_86, %mul3A_85 : i32
      %mul3A_88 = arith.constant 640 : i32
      %mul3A_89 = arith.muli %arg1, %mul3A_88 : i32
      %mul3A_90 = arith.constant 80 : i32
      %mul3A_91 = arith.muli %add3A_87, %mul3A_90 : i32
      %add3A_92 = arith.addi %mul3A_89, %mul3A_91 : i32
      "tpu.region"() ({
        %run_scoped3A = tpu.sem_alloc : memref<!tpu.dma_semaphore, #tpu.memory_space<semaphore_mem>>
        %dma_start3A_96 = arith.constant 0 : i32
        %dma_start3A_97 = tpu.memref_slice %arg7[%add3A_92, %dma_start3A_96] : memref<10240x128xf32, #tpu.memory_space<vmem_shared>> -> memref<80x128xf32, #tpu.memory_space<vmem_shared>>
        %dma_start3A_98 = arith.constant 0 : i32
        %dma_start3A_99 = tpu.memref_slice %arg7[%add3A_92, %dma_start3A_98] : memref<10240x128xf32, #tpu.memory_space<vmem_shared>> -> memref<80x128xf32, #tpu.memory_space<vmem_shared>>
        tpu.enqueue_dma source(%dma_start3A_99 : memref<80x128xf32, #tpu.memory_space<vmem_shared>>) target(%arg16 : memref<80x128xf32, #tpu.memory_space<vmem>>) target_semaphore(%run_scoped3A : memref<!tpu.dma_semaphore, #tpu.memory_space<semaphore_mem>>)
        %dma_wait3A_100 = arith.constant 0 : i32
        %dma_wait3A_101 = tpu.memref_slice %arg7[%add3A_92, %dma_wait3A_100] : memref<10240x128xf32, #tpu.memory_space<vmem_shared>> -> memref<80x128xf32, #tpu.memory_space<vmem_shared>>
        %dma_wait3A_102 = arith.constant 0 : i32
        %dma_wait3A_103 = tpu.memref_slice %arg7[%add3A_92, %dma_wait3A_102] : memref<10240x128xf32, #tpu.memory_space<vmem_shared>> -> memref<80x128xf32, #tpu.memory_space<vmem_shared>>
        tpu.wait_dma2 semaphore(%run_scoped3A : memref<!tpu.dma_semaphore, #tpu.memory_space<semaphore_mem>>) src(%dma_wait3A_103 : memref<80x128xf32, #tpu.memory_space<vmem_shared>>) dst(%arg16 : memref<80x128xf32, #tpu.memory_space<vmem>>)
        tpu.yield
      }) : () -> ()
      %mul3A_93 = arith.constant 10240 : i32
      %mul3A_94 = arith.muli %arg0, %mul3A_93 : i32
      %add3A_95 = arith.addi %mul3A_94, %add3A_92 : i32
      "tpu.region"() ({
        %run_scoped3A = tpu.sem_alloc : memref<!tpu.dma_semaphore, #tpu.memory_space<semaphore_mem>>
        %dma_start3A_96 = arith.constant 0 : i32
        %dma_start3A_97 = tpu.memref_slice %arg6[%add3A_95, %dma_start3A_96] : memref<20480x128xf32, #tpu.memory_space<hbm>> -> memref<80x128xf32, #tpu.memory_space<hbm>>
        %dma_start3A_98 = arith.constant 0 : i32
        %dma_start3A_99 = tpu.memref_slice %arg6[%add3A_95, %dma_start3A_98] : memref<20480x128xf32, #tpu.memory_space<hbm>> -> memref<80x128xf32, #tpu.memory_space<hbm>>
        tpu.enqueue_dma source(%arg16 : memref<80x128xf32, #tpu.memory_space<vmem>>) target(%dma_start3A_99 : memref<80x128xf32, #tpu.memory_space<hbm>>) target_semaphore(%run_scoped3A : memref<!tpu.dma_semaphore, #tpu.memory_space<semaphore_mem>>)
        %dma_wait3A_100 = arith.constant 0 : i32
        %dma_wait3A_101 = tpu.memref_slice %arg6[%add3A_95, %dma_wait3A_100] : memref<20480x128xf32, #tpu.memory_space<hbm>> -> memref<80x128xf32, #tpu.memory_space<hbm>>
        %dma_wait3A_102 = arith.constant 0 : i32
        %dma_wait3A_103 = tpu.memref_slice %arg6[%add3A_95, %dma_wait3A_102] : memref<20480x128xf32, #tpu.memory_space<hbm>> -> memref<80x128xf32, #tpu.memory_space<hbm>>
        tpu.wait_dma2 semaphore(%run_scoped3A : memref<!tpu.dma_semaphore, #tpu.memory_space<semaphore_mem>>) src(%arg16 : memref<80x128xf32, #tpu.memory_space<vmem>>) dst(%dma_wait3A_103 : memref<80x128xf32, #tpu.memory_space<hbm>>)
        tpu.yield
      }) : () -> ()
    }
    %scan3A_82 = arith.constant 8 : i32
    return
  }
}

#map = affine_map<(d0, d1) -> (0)>
#map1 = affine_map<(d0, d1) -> (0, 0)>
module attributes {stable_mosaic.version = 14 : i64} {
  func.func @_deg_count_body(%arg0: i32, %arg1: i32, %arg2: memref<320000xi32, #tpu.memory_space<hbm>>, %arg3: memref<80x128xf32, #tpu.memory_space<hbm>>, %arg4: memref<80x128xf32, #tpu.memory_space<hbm>>, %arg5: memref<20480x128xf32, #tpu.memory_space<hbm>>, %arg6: memref<10240x128xf32, #tpu.memory_space<vmem_shared>>, %arg7: memref<80xi32, #tpu.memory_space<vmem>>, %arg8: memref<80xi32, #tpu.memory_space<vmem>>, %arg9: memref<80xi32, #tpu.memory_space<vmem>>, %arg10: memref<80xi32, #tpu.memory_space<vmem>>, %arg11: memref<80x128xf32, #tpu.memory_space<vmem>>, %arg12: memref<!tpu.dma_semaphore, #tpu.memory_space<semaphore_mem>>, %arg13: memref<!tpu.dma_semaphore, #tpu.memory_space<semaphore_mem>>, %arg14: memref<!tpu.dma_semaphore, #tpu.memory_space<semaphore_mem>>, %arg15: memref<!tpu.dma_semaphore, #tpu.memory_space<semaphore_mem>>, %arg16: memref<!tpu.dma_semaphore, #tpu.memory_space<semaphore_mem>>, %arg17: memref<!tpu.dma_semaphore, #tpu.memory_space<semaphore_mem>>, %arg18: memref<!tpu.dma_semaphore, #tpu.memory_space<semaphore_mem>>, %arg19: memref<!tpu.dma_semaphore, #tpu.memory_space<semaphore_mem>>) attributes {dimension_semantics = [#tpu.dimension_semantics<core_parallel>, #tpu.dimension_semantics<subcore_parallel>], iteration_bounds = array<i64: 2, 16>, scalar_prefetch = 0 : i64, scratch_operands = 14 : i64, tpu.core_type = #tpu.core_type<sc_vector_subcore>, window_params = [{transform_indices = #map}, {transform_indices = #map1}, {transform_indices = #map1}, {transform_indices = #map1}]} {
    %mul3A = arith.constant 16 : i32
    %mul3A_0 = arith.muli %arg0, %mul3A : i32
    %add3A = arith.addi %mul3A_0, %arg1 : i32
    %mul3A_1 = arith.constant 10000 : i32
    %mul3A_2 = arith.muli %add3A, %mul3A_1 : i32
    %add3A_3 = arith.constant 0 : i32
    %add3A_4 = arith.addi %mul3A_2, %add3A_3 : i32
    %dma_start3A = tpu.memref_slice %arg2[%add3A_4] : memref<320000xi32, #tpu.memory_space<hbm>> -> memref<80xi32, #tpu.memory_space<hbm>>
    %dma_start3A_5 = tpu.memref_slice %arg2[%add3A_4] : memref<320000xi32, #tpu.memory_space<hbm>> -> memref<80xi32, #tpu.memory_space<hbm>>
    tpu.enqueue_dma source(%dma_start3A_5 : memref<80xi32, #tpu.memory_space<hbm>>) target(%arg7 : memref<80xi32, #tpu.memory_space<vmem>>) target_semaphore(%arg12 : memref<!tpu.dma_semaphore, #tpu.memory_space<semaphore_mem>>)
    %add3A_6 = arith.constant 80 : i32
    %add3A_7 = arith.addi %mul3A_2, %add3A_6 : i32
    %dma_start3A_8 = tpu.memref_slice %arg2[%add3A_7] : memref<320000xi32, #tpu.memory_space<hbm>> -> memref<80xi32, #tpu.memory_space<hbm>>
    %dma_start3A_9 = tpu.memref_slice %arg2[%add3A_7] : memref<320000xi32, #tpu.memory_space<hbm>> -> memref<80xi32, #tpu.memory_space<hbm>>
    tpu.enqueue_dma source(%dma_start3A_9 : memref<80xi32, #tpu.memory_space<hbm>>) target(%arg8 : memref<80xi32, #tpu.memory_space<vmem>>) target_semaphore(%arg13 : memref<!tpu.dma_semaphore, #tpu.memory_space<semaphore_mem>>)
    %add3A_10 = arith.constant 160 : i32
    %add3A_11 = arith.addi %mul3A_2, %add3A_10 : i32
    %dma_start3A_12 = tpu.memref_slice %arg2[%add3A_11] : memref<320000xi32, #tpu.memory_space<hbm>> -> memref<80xi32, #tpu.memory_space<hbm>>
    %dma_start3A_13 = tpu.memref_slice %arg2[%add3A_11] : memref<320000xi32, #tpu.memory_space<hbm>> -> memref<80xi32, #tpu.memory_space<hbm>>
    tpu.enqueue_dma source(%dma_start3A_13 : memref<80xi32, #tpu.memory_space<hbm>>) target(%arg9 : memref<80xi32, #tpu.memory_space<vmem>>) target_semaphore(%arg14 : memref<!tpu.dma_semaphore, #tpu.memory_space<semaphore_mem>>)
    %add3A_14 = arith.constant 240 : i32
    %add3A_15 = arith.addi %mul3A_2, %add3A_14 : i32
    %dma_start3A_16 = tpu.memref_slice %arg2[%add3A_15] : memref<320000xi32, #tpu.memory_space<hbm>> -> memref<80xi32, #tpu.memory_space<hbm>>
    %dma_start3A_17 = tpu.memref_slice %arg2[%add3A_15] : memref<320000xi32, #tpu.memory_space<hbm>> -> memref<80xi32, #tpu.memory_space<hbm>>
    tpu.enqueue_dma source(%dma_start3A_17 : memref<80xi32, #tpu.memory_space<hbm>>) target(%arg10 : memref<80xi32, #tpu.memory_space<vmem>>) target_semaphore(%arg15 : memref<!tpu.dma_semaphore, #tpu.memory_space<semaphore_mem>>)
    "tpu.region"() ({
      %run_scoped3A = tpu.sem_alloc : memref<!tpu.dma_semaphore, #tpu.memory_space<semaphore_mem>>
      tpu.enqueue_dma source(%arg4 : memref<80x128xf32, #tpu.memory_space<hbm>>) target(%arg11 : memref<80x128xf32, #tpu.memory_space<vmem>>) target_semaphore(%run_scoped3A : memref<!tpu.dma_semaphore, #tpu.memory_space<semaphore_mem>>)
      tpu.wait_dma2 semaphore(%run_scoped3A : memref<!tpu.dma_semaphore, #tpu.memory_space<semaphore_mem>>) src(%arg4 : memref<80x128xf32, #tpu.memory_space<hbm>>) dst(%arg11 : memref<80x128xf32, #tpu.memory_space<vmem>>)
      tpu.yield
    }) : () -> ()
    %scan3A = arith.constant 0 : i32
    %scan3A_18 = arith.constant 8 : i32
    %scan3A_19 = arith.addi %scan3A, %scan3A_18 : i32
    %scan3A_20 = arith.constant 1 : i32
    scf.for %scan3A_51 = %scan3A to %scan3A_19 step %scan3A_20  : i32 {
      %mul3A_52 = arith.constant 1 : i32
      %mul3A_53 = arith.muli %scan3A_51, %mul3A_52 : i32
      %add3A_54 = arith.constant 0 : i32
      %add3A_55 = arith.addi %add3A_54, %mul3A_53 : i32
      %mul3A_56 = arith.constant 640 : i32
      %mul3A_57 = arith.muli %arg1, %mul3A_56 : i32
      %mul3A_58 = arith.constant 80 : i32
      %mul3A_59 = arith.muli %add3A_55, %mul3A_58 : i32
      %add3A_60 = arith.addi %mul3A_57, %mul3A_59 : i32
      "tpu.region"() ({
        %run_scoped3A = tpu.sem_alloc : memref<!tpu.dma_semaphore, #tpu.memory_space<semaphore_mem>>
        %dma_start3A_61 = arith.constant 0 : i32
        %dma_start3A_62 = tpu.memref_slice %arg6[%add3A_60, %dma_start3A_61] : memref<10240x128xf32, #tpu.memory_space<vmem_shared>> -> memref<80x128xf32, #tpu.memory_space<vmem_shared>>
        %dma_start3A_63 = arith.constant 0 : i32
        %dma_start3A_64 = tpu.memref_slice %arg6[%add3A_60, %dma_start3A_63] : memref<10240x128xf32, #tpu.memory_space<vmem_shared>> -> memref<80x128xf32, #tpu.memory_space<vmem_shared>>
        tpu.enqueue_dma source(%arg11 : memref<80x128xf32, #tpu.memory_space<vmem>>) target(%dma_start3A_64 : memref<80x128xf32, #tpu.memory_space<vmem_shared>>) target_semaphore(%run_scoped3A : memref<!tpu.dma_semaphore, #tpu.memory_space<semaphore_mem>>)
        %dma_wait3A_65 = arith.constant 0 : i32
        %dma_wait3A_66 = tpu.memref_slice %arg6[%add3A_60, %dma_wait3A_65] : memref<10240x128xf32, #tpu.memory_space<vmem_shared>> -> memref<80x128xf32, #tpu.memory_space<vmem_shared>>
        %dma_wait3A_67 = arith.constant 0 : i32
        %dma_wait3A_68 = tpu.memref_slice %arg6[%add3A_60, %dma_wait3A_67] : memref<10240x128xf32, #tpu.memory_space<vmem_shared>> -> memref<80x128xf32, #tpu.memory_space<vmem_shared>>
        tpu.wait_dma2 semaphore(%run_scoped3A : memref<!tpu.dma_semaphore, #tpu.memory_space<semaphore_mem>>) src(%arg11 : memref<80x128xf32, #tpu.memory_space<vmem>>) dst(%dma_wait3A_68 : memref<80x128xf32, #tpu.memory_space<vmem_shared>>)
        tpu.yield
      }) : () -> ()
    }
    %scan3A_21 = arith.constant 8 : i32
    %barrier3A = arith.constant 0 : index
    tpu.barrier barrier_id(%barrier3A)
    "tpu.region"() ({
      %run_scoped3A = tpu.sem_alloc : memref<!tpu.dma_semaphore, #tpu.memory_space<semaphore_mem>>
      tpu.enqueue_dma source(%arg3 : memref<80x128xf32, #tpu.memory_space<hbm>>) target(%arg11 : memref<80x128xf32, #tpu.memory_space<vmem>>) target_semaphore(%run_scoped3A : memref<!tpu.dma_semaphore, #tpu.memory_space<semaphore_mem>>)
      tpu.wait_dma2 semaphore(%run_scoped3A : memref<!tpu.dma_semaphore, #tpu.memory_space<semaphore_mem>>) src(%arg3 : memref<80x128xf32, #tpu.memory_space<hbm>>) dst(%arg11 : memref<80x128xf32, #tpu.memory_space<vmem>>)
      tpu.yield
    }) : () -> ()
    %scan3A_22 = arith.constant 0 : i32
    %scan3A_23 = arith.constant 31 : i32
    %scan3A_24 = arith.addi %scan3A_22, %scan3A_23 : i32
    %scan3A_25 = arith.constant 1 : i32
    scf.for %scan3A_51 = %scan3A_22 to %scan3A_24 step %scan3A_25  : i32 {
      %mul3A_52 = arith.constant 1 : i32
      %mul3A_53 = arith.muli %scan3A_51, %mul3A_52 : i32
      %add3A_54 = arith.constant 0 : i32
      %add3A_55 = arith.addi %add3A_54, %mul3A_53 : i32
      %mul3A_56 = arith.constant 4 : i32
      %mul3A_57 = arith.muli %add3A_55, %mul3A_56 : i32
      %add3A_58 = arith.constant 0 : i32
      %add3A_59 = arith.addi %mul3A_57, %add3A_58 : i32
      %mul3A_60 = arith.constant 80 : i32
      %mul3A_61 = arith.muli %add3A_59, %mul3A_60 : i32
      %add3A_62 = arith.addi %mul3A_2, %mul3A_61 : i32
      %dma_wait3A_63 = tpu.memref_slice %arg2[%add3A_62] : memref<320000xi32, #tpu.memory_space<hbm>> -> memref<80xi32, #tpu.memory_space<hbm>>
      %dma_wait3A_64 = tpu.memref_slice %arg2[%add3A_62] : memref<320000xi32, #tpu.memory_space<hbm>> -> memref<80xi32, #tpu.memory_space<hbm>>
      tpu.wait_dma2 semaphore(%arg12 : memref<!tpu.dma_semaphore, #tpu.memory_space<semaphore_mem>>) src(%dma_wait3A_64 : memref<80xi32, #tpu.memory_space<hbm>>) dst(%arg7 : memref<80xi32, #tpu.memory_space<vmem>>)
      %dma_start3A_65 = arith.constant 0 : i32
      %dma_start3A_66 = arith.constant 0 : i32
      %dma_start3A_67 = tpu.memref_slice %arg6[%dma_start3A_65, %dma_start3A_66] : memref<10240x128xf32, #tpu.memory_space<vmem_shared>> -> memref<10240x128xf32, #tpu.memory_space<vmem_shared>>
      tpu.enqueue_indirect_dma source(%arg11 : memref<80x128xf32, #tpu.memory_space<vmem>>) target(%dma_start3A_67 : memref<10240x128xf32, #tpu.memory_space<vmem_shared>>) offsets(%arg7 : memref<80xi32, #tpu.memory_space<vmem>>) semaphore(%arg16 : memref<!tpu.dma_semaphore, #tpu.memory_space<semaphore_mem>>) {add = true}
      %add3A_68 = arith.constant 4 : i32
      %add3A_69 = arith.addi %add3A_59, %add3A_68 : i32
      %lt3A = arith.constant 125 : i32
      %lt3A_70 = arith.cmpi slt, %add3A_69, %lt3A : i32
      %convert_element_type3A = arith.extui %lt3A_70 : i1 to i32
      %cond3A = arith.constant 0 : i32
      %cond3A_71 = arith.cmpi ne, %convert_element_type3A, %cond3A : i32
      scf.if %cond3A_71 {
        %dma_wait3A_129 = arith.constant 0 : i32
        %dma_wait3A_130 = arith.constant 0 : i32
        %dma_wait3A_131 = tpu.memref_slice %arg6[%dma_wait3A_129, %dma_wait3A_130] : memref<10240x128xf32, #tpu.memory_space<vmem_shared>> -> memref<10240x128xf32, #tpu.memory_space<vmem_shared>>
        tpu.wait_indirect_dma semaphore(%arg16 : memref<!tpu.dma_semaphore, #tpu.memory_space<semaphore_mem>>) src(%arg11 : memref<80x128xf32, #tpu.memory_space<vmem>>) dst(%dma_wait3A_131 : memref<10240x128xf32, #tpu.memory_space<vmem_shared>>)
        %add3A_132 = arith.constant 4 : i32
        %add3A_133 = arith.addi %add3A_59, %add3A_132 : i32
        %mul3A_134 = arith.constant 80 : i32
        %mul3A_135 = arith.muli %add3A_133, %mul3A_134 : i32
        %add3A_136 = arith.addi %mul3A_2, %mul3A_135 : i32
        %dma_start3A_137 = tpu.memref_slice %arg2[%add3A_136] : memref<320000xi32, #tpu.memory_space<hbm>> -> memref<80xi32, #tpu.memory_space<hbm>>
        %dma_start3A_138 = tpu.memref_slice %arg2[%add3A_136] : memref<320000xi32, #tpu.memory_space<hbm>> -> memref<80xi32, #tpu.memory_space<hbm>>
        tpu.enqueue_dma source(%dma_start3A_138 : memref<80xi32, #tpu.memory_space<hbm>>) target(%arg7 : memref<80xi32, #tpu.memory_space<vmem>>) target_semaphore(%arg12 : memref<!tpu.dma_semaphore, #tpu.memory_space<semaphore_mem>>)
      } else {
      }
      %mul3A_72 = arith.constant 4 : i32
      %mul3A_73 = arith.muli %add3A_55, %mul3A_72 : i32
      %add3A_74 = arith.constant 1 : i32
      %add3A_75 = arith.addi %mul3A_73, %add3A_74 : i32
      %mul3A_76 = arith.constant 80 : i32
      %mul3A_77 = arith.muli %add3A_75, %mul3A_76 : i32
      %add3A_78 = arith.addi %mul3A_2, %mul3A_77 : i32
      %dma_wait3A_79 = tpu.memref_slice %arg2[%add3A_78] : memref<320000xi32, #tpu.memory_space<hbm>> -> memref<80xi32, #tpu.memory_space<hbm>>
      %dma_wait3A_80 = tpu.memref_slice %arg2[%add3A_78] : memref<320000xi32, #tpu.memory_space<hbm>> -> memref<80xi32, #tpu.memory_space<hbm>>
      tpu.wait_dma2 semaphore(%arg13 : memref<!tpu.dma_semaphore, #tpu.memory_space<semaphore_mem>>) src(%dma_wait3A_80 : memref<80xi32, #tpu.memory_space<hbm>>) dst(%arg8 : memref<80xi32, #tpu.memory_space<vmem>>)
      %dma_start3A_81 = arith.constant 0 : i32
      %dma_start3A_82 = arith.constant 0 : i32
      %dma_start3A_83 = tpu.memref_slice %arg6[%dma_start3A_81, %dma_start3A_82] : memref<10240x128xf32, #tpu.memory_space<vmem_shared>> -> memref<10240x128xf32, #tpu.memory_space<vmem_shared>>
      tpu.enqueue_indirect_dma source(%arg11 : memref<80x128xf32, #tpu.memory_space<vmem>>) target(%dma_start3A_83 : memref<10240x128xf32, #tpu.memory_space<vmem_shared>>) offsets(%arg8 : memref<80xi32, #tpu.memory_space<vmem>>) semaphore(%arg17 : memref<!tpu.dma_semaphore, #tpu.memory_space<semaphore_mem>>) {add = true}
      %add3A_84 = arith.constant 4 : i32
      %add3A_85 = arith.addi %add3A_75, %add3A_84 : i32
      %lt3A_86 = arith.constant 125 : i32
      %lt3A_87 = arith.cmpi slt, %add3A_85, %lt3A_86 : i32
      %convert_element_type3A_88 = arith.extui %lt3A_87 : i1 to i32
      %cond3A_89 = arith.constant 0 : i32
      %cond3A_90 = arith.cmpi ne, %convert_element_type3A_88, %cond3A_89 : i32
      scf.if %cond3A_90 {
        %dma_wait3A_129 = arith.constant 0 : i32
        %dma_wait3A_130 = arith.constant 0 : i32
        %dma_wait3A_131 = tpu.memref_slice %arg6[%dma_wait3A_129, %dma_wait3A_130] : memref<10240x128xf32, #tpu.memory_space<vmem_shared>> -> memref<10240x128xf32, #tpu.memory_space<vmem_shared>>
        tpu.wait_indirect_dma semaphore(%arg17 : memref<!tpu.dma_semaphore, #tpu.memory_space<semaphore_mem>>) src(%arg11 : memref<80x128xf32, #tpu.memory_space<vmem>>) dst(%dma_wait3A_131 : memref<10240x128xf32, #tpu.memory_space<vmem_shared>>)
        %add3A_132 = arith.constant 4 : i32
        %add3A_133 = arith.addi %add3A_75, %add3A_132 : i32
        %mul3A_134 = arith.constant 80 : i32
        %mul3A_135 = arith.muli %add3A_133, %mul3A_134 : i32
        %add3A_136 = arith.addi %mul3A_2, %mul3A_135 : i32
        %dma_start3A_137 = tpu.memref_slice %arg2[%add3A_136] : memref<320000xi32, #tpu.memory_space<hbm>> -> memref<80xi32, #tpu.memory_space<hbm>>
        %dma_start3A_138 = tpu.memref_slice %arg2[%add3A_136] : memref<320000xi32, #tpu.memory_space<hbm>> -> memref<80xi32, #tpu.memory_space<hbm>>
        tpu.enqueue_dma source(%dma_start3A_138 : memref<80xi32, #tpu.memory_space<hbm>>) target(%arg8 : memref<80xi32, #tpu.memory_space<vmem>>) target_semaphore(%arg13 : memref<!tpu.dma_semaphore, #tpu.memory_space<semaphore_mem>>)
      } else {
      }
      %mul3A_91 = arith.constant 4 : i32
      %mul3A_92 = arith.muli %add3A_55, %mul3A_91 : i32
      %add3A_93 = arith.constant 2 : i32
      %add3A_94 = arith.addi %mul3A_92, %add3A_93 : i32
      %mul3A_95 = arith.constant 80 : i32
      %mul3A_96 = arith.muli %add3A_94, %mul3A_95 : i32
      %add3A_97 = arith.addi %mul3A_2, %mul3A_96 : i32
      %dma_wait3A_98 = tpu.memref_slice %arg2[%add3A_97] : memref<320000xi32, #tpu.memory_space<hbm>> -> memref<80xi32, #tpu.memory_space<hbm>>
      %dma_wait3A_99 = tpu.memref_slice %arg2[%add3A_97] : memref<320000xi32, #tpu.memory_space<hbm>> -> memref<80xi32, #tpu.memory_space<hbm>>
      tpu.wait_dma2 semaphore(%arg14 : memref<!tpu.dma_semaphore, #tpu.memory_space<semaphore_mem>>) src(%dma_wait3A_99 : memref<80xi32, #tpu.memory_space<hbm>>) dst(%arg9 : memref<80xi32, #tpu.memory_space<vmem>>)
      %dma_start3A_100 = arith.constant 0 : i32
      %dma_start3A_101 = arith.constant 0 : i32
      %dma_start3A_102 = tpu.memref_slice %arg6[%dma_start3A_100, %dma_start3A_101] : memref<10240x128xf32, #tpu.memory_space<vmem_shared>> -> memref<10240x128xf32, #tpu.memory_space<vmem_shared>>
      tpu.enqueue_indirect_dma source(%arg11 : memref<80x128xf32, #tpu.memory_space<vmem>>) target(%dma_start3A_102 : memref<10240x128xf32, #tpu.memory_space<vmem_shared>>) offsets(%arg9 : memref<80xi32, #tpu.memory_space<vmem>>) semaphore(%arg18 : memref<!tpu.dma_semaphore, #tpu.memory_space<semaphore_mem>>) {add = true}
      %add3A_103 = arith.constant 4 : i32
      %add3A_104 = arith.addi %add3A_94, %add3A_103 : i32
      %lt3A_105 = arith.constant 125 : i32
      %lt3A_106 = arith.cmpi slt, %add3A_104, %lt3A_105 : i32
      %convert_element_type3A_107 = arith.extui %lt3A_106 : i1 to i32
      %cond3A_108 = arith.constant 0 : i32
      %cond3A_109 = arith.cmpi ne, %convert_element_type3A_107, %cond3A_108 : i32
      scf.if %cond3A_109 {
        %dma_wait3A_129 = arith.constant 0 : i32
        %dma_wait3A_130 = arith.constant 0 : i32
        %dma_wait3A_131 = tpu.memref_slice %arg6[%dma_wait3A_129, %dma_wait3A_130] : memref<10240x128xf32, #tpu.memory_space<vmem_shared>> -> memref<10240x128xf32, #tpu.memory_space<vmem_shared>>
        tpu.wait_indirect_dma semaphore(%arg18 : memref<!tpu.dma_semaphore, #tpu.memory_space<semaphore_mem>>) src(%arg11 : memref<80x128xf32, #tpu.memory_space<vmem>>) dst(%dma_wait3A_131 : memref<10240x128xf32, #tpu.memory_space<vmem_shared>>)
        %add3A_132 = arith.constant 4 : i32
        %add3A_133 = arith.addi %add3A_94, %add3A_132 : i32
        %mul3A_134 = arith.constant 80 : i32
        %mul3A_135 = arith.muli %add3A_133, %mul3A_134 : i32
        %add3A_136 = arith.addi %mul3A_2, %mul3A_135 : i32
        %dma_start3A_137 = tpu.memref_slice %arg2[%add3A_136] : memref<320000xi32, #tpu.memory_space<hbm>> -> memref<80xi32, #tpu.memory_space<hbm>>
        %dma_start3A_138 = tpu.memref_slice %arg2[%add3A_136] : memref<320000xi32, #tpu.memory_space<hbm>> -> memref<80xi32, #tpu.memory_space<hbm>>
        tpu.enqueue_dma source(%dma_start3A_138 : memref<80xi32, #tpu.memory_space<hbm>>) target(%arg9 : memref<80xi32, #tpu.memory_space<vmem>>) target_semaphore(%arg14 : memref<!tpu.dma_semaphore, #tpu.memory_space<semaphore_mem>>)
      } else {
      }
      %mul3A_110 = arith.constant 4 : i32
      %mul3A_111 = arith.muli %add3A_55, %mul3A_110 : i32
      %add3A_112 = arith.constant 3 : i32
      %add3A_113 = arith.addi %mul3A_111, %add3A_112 : i32
      %mul3A_114 = arith.constant 80 : i32
      %mul3A_115 = arith.muli %add3A_113, %mul3A_114 : i32
      %add3A_116 = arith.addi %mul3A_2, %mul3A_115 : i32
      %dma_wait3A_117 = tpu.memref_slice %arg2[%add3A_116] : memref<320000xi32, #tpu.memory_space<hbm>> -> memref<80xi32, #tpu.memory_space<hbm>>
      %dma_wait3A_118 = tpu.memref_slice %arg2[%add3A_116] : memref<320000xi32, #tpu.memory_space<hbm>> -> memref<80xi32, #tpu.memory_space<hbm>>
      tpu.wait_dma2 semaphore(%arg15 : memref<!tpu.dma_semaphore, #tpu.memory_space<semaphore_mem>>) src(%dma_wait3A_118 : memref<80xi32, #tpu.memory_space<hbm>>) dst(%arg10 : memref<80xi32, #tpu.memory_space<vmem>>)
      %dma_start3A_119 = arith.constant 0 : i32
      %dma_start3A_120 = arith.constant 0 : i32
      %dma_start3A_121 = tpu.memref_slice %arg6[%dma_start3A_119, %dma_start3A_120] : memref<10240x128xf32, #tpu.memory_space<vmem_shared>> -> memref<10240x128xf32, #tpu.memory_space<vmem_shared>>
      tpu.enqueue_indirect_dma source(%arg11 : memref<80x128xf32, #tpu.memory_space<vmem>>) target(%dma_start3A_121 : memref<10240x128xf32, #tpu.memory_space<vmem_shared>>) offsets(%arg10 : memref<80xi32, #tpu.memory_space<vmem>>) semaphore(%arg19 : memref<!tpu.dma_semaphore, #tpu.memory_space<semaphore_mem>>) {add = true}
      %add3A_122 = arith.constant 4 : i32
      %add3A_123 = arith.addi %add3A_113, %add3A_122 : i32
      %lt3A_124 = arith.constant 125 : i32
      %lt3A_125 = arith.cmpi slt, %add3A_123, %lt3A_124 : i32
      %convert_element_type3A_126 = arith.extui %lt3A_125 : i1 to i32
      %cond3A_127 = arith.constant 0 : i32
      %cond3A_128 = arith.cmpi ne, %convert_element_type3A_126, %cond3A_127 : i32
      scf.if %cond3A_128 {
        %dma_wait3A_129 = arith.constant 0 : i32
        %dma_wait3A_130 = arith.constant 0 : i32
        %dma_wait3A_131 = tpu.memref_slice %arg6[%dma_wait3A_129, %dma_wait3A_130] : memref<10240x128xf32, #tpu.memory_space<vmem_shared>> -> memref<10240x128xf32, #tpu.memory_space<vmem_shared>>
        tpu.wait_indirect_dma semaphore(%arg19 : memref<!tpu.dma_semaphore, #tpu.memory_space<semaphore_mem>>) src(%arg11 : memref<80x128xf32, #tpu.memory_space<vmem>>) dst(%dma_wait3A_131 : memref<10240x128xf32, #tpu.memory_space<vmem_shared>>)
        %add3A_132 = arith.constant 4 : i32
        %add3A_133 = arith.addi %add3A_113, %add3A_132 : i32
        %mul3A_134 = arith.constant 80 : i32
        %mul3A_135 = arith.muli %add3A_133, %mul3A_134 : i32
        %add3A_136 = arith.addi %mul3A_2, %mul3A_135 : i32
        %dma_start3A_137 = tpu.memref_slice %arg2[%add3A_136] : memref<320000xi32, #tpu.memory_space<hbm>> -> memref<80xi32, #tpu.memory_space<hbm>>
        %dma_start3A_138 = tpu.memref_slice %arg2[%add3A_136] : memref<320000xi32, #tpu.memory_space<hbm>> -> memref<80xi32, #tpu.memory_space<hbm>>
        tpu.enqueue_dma source(%dma_start3A_138 : memref<80xi32, #tpu.memory_space<hbm>>) target(%arg10 : memref<80xi32, #tpu.memory_space<vmem>>) target_semaphore(%arg15 : memref<!tpu.dma_semaphore, #tpu.memory_space<semaphore_mem>>)
      } else {
      }
    }
    %scan3A_26 = arith.constant 31 : i32
    %add3A_27 = arith.constant 9920 : i32
    %add3A_28 = arith.addi %mul3A_2, %add3A_27 : i32
    %dma_wait3A = tpu.memref_slice %arg2[%add3A_28] : memref<320000xi32, #tpu.memory_space<hbm>> -> memref<80xi32, #tpu.memory_space<hbm>>
    %dma_wait3A_29 = tpu.memref_slice %arg2[%add3A_28] : memref<320000xi32, #tpu.memory_space<hbm>> -> memref<80xi32, #tpu.memory_space<hbm>>
    tpu.wait_dma2 semaphore(%arg12 : memref<!tpu.dma_semaphore, #tpu.memory_space<semaphore_mem>>) src(%dma_wait3A_29 : memref<80xi32, #tpu.memory_space<hbm>>) dst(%arg7 : memref<80xi32, #tpu.memory_space<vmem>>)
    %dma_start3A_30 = arith.constant 0 : i32
    %dma_start3A_31 = arith.constant 0 : i32
    %dma_start3A_32 = tpu.memref_slice %arg6[%dma_start3A_30, %dma_start3A_31] : memref<10240x128xf32, #tpu.memory_space<vmem_shared>> -> memref<10240x128xf32, #tpu.memory_space<vmem_shared>>
    tpu.enqueue_indirect_dma source(%arg11 : memref<80x128xf32, #tpu.memory_space<vmem>>) target(%dma_start3A_32 : memref<10240x128xf32, #tpu.memory_space<vmem_shared>>) offsets(%arg7 : memref<80xi32, #tpu.memory_space<vmem>>) semaphore(%arg16 : memref<!tpu.dma_semaphore, #tpu.memory_space<semaphore_mem>>) {add = true}
    %dma_wait3A_33 = arith.constant 0 : i32
    %dma_wait3A_34 = arith.constant 0 : i32
    %dma_wait3A_35 = tpu.memref_slice %arg6[%dma_wait3A_33, %dma_wait3A_34] : memref<10240x128xf32, #tpu.memory_space<vmem_shared>> -> memref<10240x128xf32, #tpu.memory_space<vmem_shared>>
    tpu.wait_indirect_dma semaphore(%arg16 : memref<!tpu.dma_semaphore, #tpu.memory_space<semaphore_mem>>) src(%arg11 : memref<80x128xf32, #tpu.memory_space<vmem>>) dst(%dma_wait3A_35 : memref<10240x128xf32, #tpu.memory_space<vmem_shared>>)
    %dma_wait3A_36 = arith.constant 0 : i32
    %dma_wait3A_37 = arith.constant 0 : i32
    %dma_wait3A_38 = tpu.memref_slice %arg6[%dma_wait3A_36, %dma_wait3A_37] : memref<10240x128xf32, #tpu.memory_space<vmem_shared>> -> memref<10240x128xf32, #tpu.memory_space<vmem_shared>>
    tpu.wait_indirect_dma semaphore(%arg17 : memref<!tpu.dma_semaphore, #tpu.memory_space<semaphore_mem>>) src(%arg11 : memref<80x128xf32, #tpu.memory_space<vmem>>) dst(%dma_wait3A_38 : memref<10240x128xf32, #tpu.memory_space<vmem_shared>>)
    %dma_wait3A_39 = arith.constant 0 : i32
    %dma_wait3A_40 = arith.constant 0 : i32
    %dma_wait3A_41 = tpu.memref_slice %arg6[%dma_wait3A_39, %dma_wait3A_40] : memref<10240x128xf32, #tpu.memory_space<vmem_shared>> -> memref<10240x128xf32, #tpu.memory_space<vmem_shared>>
    tpu.wait_indirect_dma semaphore(%arg18 : memref<!tpu.dma_semaphore, #tpu.memory_space<semaphore_mem>>) src(%arg11 : memref<80x128xf32, #tpu.memory_space<vmem>>) dst(%dma_wait3A_41 : memref<10240x128xf32, #tpu.memory_space<vmem_shared>>)
    %dma_wait3A_42 = arith.constant 0 : i32
    %dma_wait3A_43 = arith.constant 0 : i32
    %dma_wait3A_44 = tpu.memref_slice %arg6[%dma_wait3A_42, %dma_wait3A_43] : memref<10240x128xf32, #tpu.memory_space<vmem_shared>> -> memref<10240x128xf32, #tpu.memory_space<vmem_shared>>
    tpu.wait_indirect_dma semaphore(%arg19 : memref<!tpu.dma_semaphore, #tpu.memory_space<semaphore_mem>>) src(%arg11 : memref<80x128xf32, #tpu.memory_space<vmem>>) dst(%dma_wait3A_44 : memref<10240x128xf32, #tpu.memory_space<vmem_shared>>)
    %barrier3A_45 = arith.constant 0 : index
    tpu.barrier barrier_id(%barrier3A_45)
    %scan3A_46 = arith.constant 0 : i32
    %scan3A_47 = arith.constant 8 : i32
    %scan3A_48 = arith.addi %scan3A_46, %scan3A_47 : i32
    %scan3A_49 = arith.constant 1 : i32
    scf.for %scan3A_51 = %scan3A_46 to %scan3A_48 step %scan3A_49  : i32 {
      %mul3A_52 = arith.constant 1 : i32
      %mul3A_53 = arith.muli %scan3A_51, %mul3A_52 : i32
      %add3A_54 = arith.constant 0 : i32
      %add3A_55 = arith.addi %add3A_54, %mul3A_53 : i32
      %mul3A_56 = arith.constant 640 : i32
      %mul3A_57 = arith.muli %arg1, %mul3A_56 : i32
      %mul3A_58 = arith.constant 80 : i32
      %mul3A_59 = arith.muli %add3A_55, %mul3A_58 : i32
      %add3A_60 = arith.addi %mul3A_57, %mul3A_59 : i32
      "tpu.region"() ({
        %run_scoped3A = tpu.sem_alloc : memref<!tpu.dma_semaphore, #tpu.memory_space<semaphore_mem>>
        %dma_start3A_64 = arith.constant 0 : i32
        %dma_start3A_65 = tpu.memref_slice %arg6[%add3A_60, %dma_start3A_64] : memref<10240x128xf32, #tpu.memory_space<vmem_shared>> -> memref<80x128xf32, #tpu.memory_space<vmem_shared>>
        %dma_start3A_66 = arith.constant 0 : i32
        %dma_start3A_67 = tpu.memref_slice %arg6[%add3A_60, %dma_start3A_66] : memref<10240x128xf32, #tpu.memory_space<vmem_shared>> -> memref<80x128xf32, #tpu.memory_space<vmem_shared>>
        tpu.enqueue_dma source(%dma_start3A_67 : memref<80x128xf32, #tpu.memory_space<vmem_shared>>) target(%arg11 : memref<80x128xf32, #tpu.memory_space<vmem>>) target_semaphore(%run_scoped3A : memref<!tpu.dma_semaphore, #tpu.memory_space<semaphore_mem>>)
        %dma_wait3A_68 = arith.constant 0 : i32
        %dma_wait3A_69 = tpu.memref_slice %arg6[%add3A_60, %dma_wait3A_68] : memref<10240x128xf32, #tpu.memory_space<vmem_shared>> -> memref<80x128xf32, #tpu.memory_space<vmem_shared>>
        %dma_wait3A_70 = arith.constant 0 : i32
        %dma_wait3A_71 = tpu.memref_slice %arg6[%add3A_60, %dma_wait3A_70] : memref<10240x128xf32, #tpu.memory_space<vmem_shared>> -> memref<80x128xf32, #tpu.memory_space<vmem_shared>>
        tpu.wait_dma2 semaphore(%run_scoped3A : memref<!tpu.dma_semaphore, #tpu.memory_space<semaphore_mem>>) src(%dma_wait3A_71 : memref<80x128xf32, #tpu.memory_space<vmem_shared>>) dst(%arg11 : memref<80x128xf32, #tpu.memory_space<vmem>>)
        tpu.yield
      }) : () -> ()
      %mul3A_61 = arith.constant 10240 : i32
      %mul3A_62 = arith.muli %arg0, %mul3A_61 : i32
      %add3A_63 = arith.addi %mul3A_62, %add3A_60 : i32
      "tpu.region"() ({
        %run_scoped3A = tpu.sem_alloc : memref<!tpu.dma_semaphore, #tpu.memory_space<semaphore_mem>>
        %dma_start3A_64 = arith.constant 0 : i32
        %dma_start3A_65 = tpu.memref_slice %arg5[%add3A_63, %dma_start3A_64] : memref<20480x128xf32, #tpu.memory_space<hbm>> -> memref<80x128xf32, #tpu.memory_space<hbm>>
        %dma_start3A_66 = arith.constant 0 : i32
        %dma_start3A_67 = tpu.memref_slice %arg5[%add3A_63, %dma_start3A_66] : memref<20480x128xf32, #tpu.memory_space<hbm>> -> memref<80x128xf32, #tpu.memory_space<hbm>>
        tpu.enqueue_dma source(%arg11 : memref<80x128xf32, #tpu.memory_space<vmem>>) target(%dma_start3A_67 : memref<80x128xf32, #tpu.memory_space<hbm>>) target_semaphore(%run_scoped3A : memref<!tpu.dma_semaphore, #tpu.memory_space<semaphore_mem>>)
        %dma_wait3A_68 = arith.constant 0 : i32
        %dma_wait3A_69 = tpu.memref_slice %arg5[%add3A_63, %dma_wait3A_68] : memref<20480x128xf32, #tpu.memory_space<hbm>> -> memref<80x128xf32, #tpu.memory_space<hbm>>
        %dma_wait3A_70 = arith.constant 0 : i32
        %dma_wait3A_71 = tpu.memref_slice %arg5[%add3A_63, %dma_wait3A_70] : memref<20480x128xf32, #tpu.memory_space<hbm>> -> memref<80x128xf32, #tpu.memory_space<hbm>>
        tpu.wait_dma2 semaphore(%run_scoped3A : memref<!tpu.dma_semaphore, #tpu.memory_space<semaphore_mem>>) src(%arg11 : memref<80x128xf32, #tpu.memory_space<vmem>>) dst(%dma_wait3A_71 : memref<80x128xf32, #tpu.memory_space<hbm>>)
        tpu.yield
      }) : () -> ()
    }
    %scan3A_50 = arith.constant 8 : i32
    return
  }
}

#map = affine_map<(d0, d1) -> (0, 0)>
#map1 = affine_map<(d0, d1) -> (0)>
module attributes {stable_mosaic.version = 14 : i64} {
  func.func @_edge_scatter_body(%arg0: i32, %arg1: i32, %arg2: memref<10240x128xf32, #tpu.memory_space<hbm>>, %arg3: memref<320000xi32, #tpu.memory_space<hbm>>, %arg4: memref<320000xi32, #tpu.memory_space<hbm>>, %arg5: memref<80x128xf32, #tpu.memory_space<hbm>>, %arg6: memref<20480x128xf32, #tpu.memory_space<hbm>>, %arg7: memref<10240x128xf32, #tpu.memory_space<vmem_shared>>, %arg8: memref<80xi32, #tpu.memory_space<vmem>>, %arg9: memref<80xi32, #tpu.memory_space<vmem>>, %arg10: memref<80xi32, #tpu.memory_space<vmem>>, %arg11: memref<80xi32, #tpu.memory_space<vmem>>, %arg12: memref<80xi32, #tpu.memory_space<vmem>>, %arg13: memref<80xi32, #tpu.memory_space<vmem>>, %arg14: memref<80xi32, #tpu.memory_space<vmem>>, %arg15: memref<80xi32, #tpu.memory_space<vmem>>, %arg16: memref<80x128xf32, #tpu.memory_space<vmem>>, %arg17: memref<80x128xf32, #tpu.memory_space<vmem>>, %arg18: memref<80x128xf32, #tpu.memory_space<vmem>>, %arg19: memref<80x128xf32, #tpu.memory_space<vmem>>, %arg20: memref<!tpu.dma_semaphore, #tpu.memory_space<semaphore_mem>>, %arg21: memref<!tpu.dma_semaphore, #tpu.memory_space<semaphore_mem>>, %arg22: memref<!tpu.dma_semaphore, #tpu.memory_space<semaphore_mem>>, %arg23: memref<!tpu.dma_semaphore, #tpu.memory_space<semaphore_mem>>, %arg24: memref<!tpu.dma_semaphore, #tpu.memory_space<semaphore_mem>>, %arg25: memref<!tpu.dma_semaphore, #tpu.memory_space<semaphore_mem>>, %arg26: memref<!tpu.dma_semaphore, #tpu.memory_space<semaphore_mem>>, %arg27: memref<!tpu.dma_semaphore, #tpu.memory_space<semaphore_mem>>, %arg28: memref<!tpu.dma_semaphore, #tpu.memory_space<semaphore_mem>>, %arg29: memref<!tpu.dma_semaphore, #tpu.memory_space<semaphore_mem>>, %arg30: memref<!tpu.dma_semaphore, #tpu.memory_space<semaphore_mem>>, %arg31: memref<!tpu.dma_semaphore, #tpu.memory_space<semaphore_mem>>, %arg32: memref<!tpu.dma_semaphore, #tpu.memory_space<semaphore_mem>>, %arg33: memref<!tpu.dma_semaphore, #tpu.memory_space<semaphore_mem>>, %arg34: memref<!tpu.dma_semaphore, #tpu.memory_space<semaphore_mem>>, %arg35: memref<!tpu.dma_semaphore, #tpu.memory_space<semaphore_mem>>) attributes {dimension_semantics = [#tpu.dimension_semantics<core_parallel>, #tpu.dimension_semantics<subcore_parallel>], iteration_bounds = array<i64: 2, 16>, scalar_prefetch = 0 : i64, scratch_operands = 29 : i64, tpu.core_type = #tpu.core_type<sc_vector_subcore>, window_params = [{transform_indices = #map}, {transform_indices = #map1}, {transform_indices = #map1}, {transform_indices = #map}, {transform_indices = #map}]} {
    %mul3A = arith.constant 16 : i32
    %mul3A_0 = arith.muli %arg0, %mul3A : i32
    %add3A = arith.addi %mul3A_0, %arg1 : i32
    %mul3A_1 = arith.constant 10000 : i32
    %mul3A_2 = arith.muli %add3A, %mul3A_1 : i32
    %add3A_3 = arith.constant 0 : i32
    %add3A_4 = arith.addi %mul3A_2, %add3A_3 : i32
    %dma_start3A = tpu.memref_slice %arg3[%add3A_4] : memref<320000xi32, #tpu.memory_space<hbm>> -> memref<80xi32, #tpu.memory_space<hbm>>
    %dma_start3A_5 = tpu.memref_slice %arg3[%add3A_4] : memref<320000xi32, #tpu.memory_space<hbm>> -> memref<80xi32, #tpu.memory_space<hbm>>
    tpu.enqueue_dma source(%dma_start3A_5 : memref<80xi32, #tpu.memory_space<hbm>>) target(%arg8 : memref<80xi32, #tpu.memory_space<vmem>>) target_semaphore(%arg28 : memref<!tpu.dma_semaphore, #tpu.memory_space<semaphore_mem>>)
    %add3A_6 = arith.constant 0 : i32
    %add3A_7 = arith.addi %mul3A_2, %add3A_6 : i32
    %dma_start3A_8 = tpu.memref_slice %arg4[%add3A_7] : memref<320000xi32, #tpu.memory_space<hbm>> -> memref<80xi32, #tpu.memory_space<hbm>>
    %dma_start3A_9 = tpu.memref_slice %arg4[%add3A_7] : memref<320000xi32, #tpu.memory_space<hbm>> -> memref<80xi32, #tpu.memory_space<hbm>>
    tpu.enqueue_dma source(%dma_start3A_9 : memref<80xi32, #tpu.memory_space<hbm>>) target(%arg12 : memref<80xi32, #tpu.memory_space<vmem>>) target_semaphore(%arg32 : memref<!tpu.dma_semaphore, #tpu.memory_space<semaphore_mem>>)
    %add3A_10 = arith.constant 80 : i32
    %add3A_11 = arith.addi %mul3A_2, %add3A_10 : i32
    %dma_start3A_12 = tpu.memref_slice %arg3[%add3A_11] : memref<320000xi32, #tpu.memory_space<hbm>> -> memref<80xi32, #tpu.memory_space<hbm>>
    %dma_start3A_13 = tpu.memref_slice %arg3[%add3A_11] : memref<320000xi32, #tpu.memory_space<hbm>> -> memref<80xi32, #tpu.memory_space<hbm>>
    tpu.enqueue_dma source(%dma_start3A_13 : memref<80xi32, #tpu.memory_space<hbm>>) target(%arg9 : memref<80xi32, #tpu.memory_space<vmem>>) target_semaphore(%arg29 : memref<!tpu.dma_semaphore, #tpu.memory_space<semaphore_mem>>)
    %add3A_14 = arith.constant 80 : i32
    %add3A_15 = arith.addi %mul3A_2, %add3A_14 : i32
    %dma_start3A_16 = tpu.memref_slice %arg4[%add3A_15] : memref<320000xi32, #tpu.memory_space<hbm>> -> memref<80xi32, #tpu.memory_space<hbm>>
    %dma_start3A_17 = tpu.memref_slice %arg4[%add3A_15] : memref<320000xi32, #tpu.memory_space<hbm>> -> memref<80xi32, #tpu.memory_space<hbm>>
    tpu.enqueue_dma source(%dma_start3A_17 : memref<80xi32, #tpu.memory_space<hbm>>) target(%arg13 : memref<80xi32, #tpu.memory_space<vmem>>) target_semaphore(%arg33 : memref<!tpu.dma_semaphore, #tpu.memory_space<semaphore_mem>>)
    %add3A_18 = arith.constant 160 : i32
    %add3A_19 = arith.addi %mul3A_2, %add3A_18 : i32
    %dma_start3A_20 = tpu.memref_slice %arg3[%add3A_19] : memref<320000xi32, #tpu.memory_space<hbm>> -> memref<80xi32, #tpu.memory_space<hbm>>
    %dma_start3A_21 = tpu.memref_slice %arg3[%add3A_19] : memref<320000xi32, #tpu.memory_space<hbm>> -> memref<80xi32, #tpu.memory_space<hbm>>
    tpu.enqueue_dma source(%dma_start3A_21 : memref<80xi32, #tpu.memory_space<hbm>>) target(%arg10 : memref<80xi32, #tpu.memory_space<vmem>>) target_semaphore(%arg30 : memref<!tpu.dma_semaphore, #tpu.memory_space<semaphore_mem>>)
    %add3A_22 = arith.constant 160 : i32
    %add3A_23 = arith.addi %mul3A_2, %add3A_22 : i32
    %dma_start3A_24 = tpu.memref_slice %arg4[%add3A_23] : memref<320000xi32, #tpu.memory_space<hbm>> -> memref<80xi32, #tpu.memory_space<hbm>>
    %dma_start3A_25 = tpu.memref_slice %arg4[%add3A_23] : memref<320000xi32, #tpu.memory_space<hbm>> -> memref<80xi32, #tpu.memory_space<hbm>>
    tpu.enqueue_dma source(%dma_start3A_25 : memref<80xi32, #tpu.memory_space<hbm>>) target(%arg14 : memref<80xi32, #tpu.memory_space<vmem>>) target_semaphore(%arg34 : memref<!tpu.dma_semaphore, #tpu.memory_space<semaphore_mem>>)
    %add3A_26 = arith.constant 240 : i32
    %add3A_27 = arith.addi %mul3A_2, %add3A_26 : i32
    %dma_start3A_28 = tpu.memref_slice %arg3[%add3A_27] : memref<320000xi32, #tpu.memory_space<hbm>> -> memref<80xi32, #tpu.memory_space<hbm>>
    %dma_start3A_29 = tpu.memref_slice %arg3[%add3A_27] : memref<320000xi32, #tpu.memory_space<hbm>> -> memref<80xi32, #tpu.memory_space<hbm>>
    tpu.enqueue_dma source(%dma_start3A_29 : memref<80xi32, #tpu.memory_space<hbm>>) target(%arg11 : memref<80xi32, #tpu.memory_space<vmem>>) target_semaphore(%arg31 : memref<!tpu.dma_semaphore, #tpu.memory_space<semaphore_mem>>)
    %add3A_30 = arith.constant 240 : i32
    %add3A_31 = arith.addi %mul3A_2, %add3A_30 : i32
    %dma_start3A_32 = tpu.memref_slice %arg4[%add3A_31] : memref<320000xi32, #tpu.memory_space<hbm>> -> memref<80xi32, #tpu.memory_space<hbm>>
    %dma_start3A_33 = tpu.memref_slice %arg4[%add3A_31] : memref<320000xi32, #tpu.memory_space<hbm>> -> memref<80xi32, #tpu.memory_space<hbm>>
    tpu.enqueue_dma source(%dma_start3A_33 : memref<80xi32, #tpu.memory_space<hbm>>) target(%arg15 : memref<80xi32, #tpu.memory_space<vmem>>) target_semaphore(%arg35 : memref<!tpu.dma_semaphore, #tpu.memory_space<semaphore_mem>>)
    "tpu.region"() ({
      %run_scoped3A = tpu.sem_alloc : memref<!tpu.dma_semaphore, #tpu.memory_space<semaphore_mem>>
      tpu.enqueue_dma source(%arg5 : memref<80x128xf32, #tpu.memory_space<hbm>>) target(%arg16 : memref<80x128xf32, #tpu.memory_space<vmem>>) target_semaphore(%run_scoped3A : memref<!tpu.dma_semaphore, #tpu.memory_space<semaphore_mem>>)
      tpu.wait_dma2 semaphore(%run_scoped3A : memref<!tpu.dma_semaphore, #tpu.memory_space<semaphore_mem>>) src(%arg5 : memref<80x128xf32, #tpu.memory_space<hbm>>) dst(%arg16 : memref<80x128xf32, #tpu.memory_space<vmem>>)
      tpu.yield
    }) : () -> ()
    %scan3A = arith.constant 0 : i32
    %scan3A_34 = arith.constant 8 : i32
    %scan3A_35 = arith.addi %scan3A, %scan3A_34 : i32
    %scan3A_36 = arith.constant 1 : i32
    scf.for %scan3A_83 = %scan3A to %scan3A_35 step %scan3A_36  : i32 {
      %mul3A_84 = arith.constant 1 : i32
      %mul3A_85 = arith.muli %scan3A_83, %mul3A_84 : i32
      %add3A_86 = arith.constant 0 : i32
      %add3A_87 = arith.addi %add3A_86, %mul3A_85 : i32
      %mul3A_88 = arith.constant 640 : i32
      %mul3A_89 = arith.muli %arg1, %mul3A_88 : i32
      %mul3A_90 = arith.constant 80 : i32
      %mul3A_91 = arith.muli %add3A_87, %mul3A_90 : i32
      %add3A_92 = arith.addi %mul3A_89, %mul3A_91 : i32
      "tpu.region"() ({
        %run_scoped3A = tpu.sem_alloc : memref<!tpu.dma_semaphore, #tpu.memory_space<semaphore_mem>>
        %dma_start3A_93 = arith.constant 0 : i32
        %dma_start3A_94 = tpu.memref_slice %arg7[%add3A_92, %dma_start3A_93] : memref<10240x128xf32, #tpu.memory_space<vmem_shared>> -> memref<80x128xf32, #tpu.memory_space<vmem_shared>>
        %dma_start3A_95 = arith.constant 0 : i32
        %dma_start3A_96 = tpu.memref_slice %arg7[%add3A_92, %dma_start3A_95] : memref<10240x128xf32, #tpu.memory_space<vmem_shared>> -> memref<80x128xf32, #tpu.memory_space<vmem_shared>>
        tpu.enqueue_dma source(%arg16 : memref<80x128xf32, #tpu.memory_space<vmem>>) target(%dma_start3A_96 : memref<80x128xf32, #tpu.memory_space<vmem_shared>>) target_semaphore(%run_scoped3A : memref<!tpu.dma_semaphore, #tpu.memory_space<semaphore_mem>>)
        %dma_wait3A_97 = arith.constant 0 : i32
        %dma_wait3A_98 = tpu.memref_slice %arg7[%add3A_92, %dma_wait3A_97] : memref<10240x128xf32, #tpu.memory_space<vmem_shared>> -> memref<80x128xf32, #tpu.memory_space<vmem_shared>>
        %dma_wait3A_99 = arith.constant 0 : i32
        %dma_wait3A_100 = tpu.memref_slice %arg7[%add3A_92, %dma_wait3A_99] : memref<10240x128xf32, #tpu.memory_space<vmem_shared>> -> memref<80x128xf32, #tpu.memory_space<vmem_shared>>
        tpu.wait_dma2 semaphore(%run_scoped3A : memref<!tpu.dma_semaphore, #tpu.memory_space<semaphore_mem>>) src(%arg16 : memref<80x128xf32, #tpu.memory_space<vmem>>) dst(%dma_wait3A_100 : memref<80x128xf32, #tpu.memory_space<vmem_shared>>)
        tpu.yield
      }) : () -> ()
    }
    %scan3A_37 = arith.constant 8 : i32
    %barrier3A = arith.constant 0 : index
    tpu.barrier barrier_id(%barrier3A)
    %add3A_38 = arith.constant 0 : i32
    %add3A_39 = arith.addi %mul3A_2, %add3A_38 : i32
    %dma_wait3A = tpu.memref_slice %arg3[%add3A_39] : memref<320000xi32, #tpu.memory_space<hbm>> -> memref<80xi32, #tpu.memory_space<hbm>>
    %dma_wait3A_40 = tpu.memref_slice %arg3[%add3A_39] : memref<320000xi32, #tpu.memory_space<hbm>> -> memref<80xi32, #tpu.memory_space<hbm>>
    tpu.wait_dma2 semaphore(%arg28 : memref<!tpu.dma_semaphore, #tpu.memory_space<semaphore_mem>>) src(%dma_wait3A_40 : memref<80xi32, #tpu.memory_space<hbm>>) dst(%arg8 : memref<80xi32, #tpu.memory_space<vmem>>)
    %dma_start3A_41 = arith.constant 0 : i32
    %dma_start3A_42 = arith.constant 0 : i32
    %dma_start3A_43 = tpu.memref_slice %arg2[%dma_start3A_41, %dma_start3A_42] : memref<10240x128xf32, #tpu.memory_space<hbm>> -> memref<10240x128xf32, #tpu.memory_space<hbm>>
    tpu.enqueue_indirect_dma source(%dma_start3A_43 : memref<10240x128xf32, #tpu.memory_space<hbm>>) target(%arg16 : memref<80x128xf32, #tpu.memory_space<vmem>>) offsets(%arg8 : memref<80xi32, #tpu.memory_space<vmem>>) semaphore(%arg20 : memref<!tpu.dma_semaphore, #tpu.memory_space<semaphore_mem>>)
    %add3A_44 = arith.constant 80 : i32
    %add3A_45 = arith.addi %mul3A_2, %add3A_44 : i32
    %dma_wait3A_46 = tpu.memref_slice %arg3[%add3A_45] : memref<320000xi32, #tpu.memory_space<hbm>> -> memref<80xi32, #tpu.memory_space<hbm>>
    %dma_wait3A_47 = tpu.memref_slice %arg3[%add3A_45] : memref<320000xi32, #tpu.memory_space<hbm>> -> memref<80xi32, #tpu.memory_space<hbm>>
    tpu.wait_dma2 semaphore(%arg29 : memref<!tpu.dma_semaphore, #tpu.memory_space<semaphore_mem>>) src(%dma_wait3A_47 : memref<80xi32, #tpu.memory_space<hbm>>) dst(%arg9 : memref<80xi32, #tpu.memory_space<vmem>>)
    %dma_start3A_48 = arith.constant 0 : i32
    %dma_start3A_49 = arith.constant 0 : i32
    %dma_start3A_50 = tpu.memref_slice %arg2[%dma_start3A_48, %dma_start3A_49] : memref<10240x128xf32, #tpu.memory_space<hbm>> -> memref<10240x128xf32, #tpu.memory_space<hbm>>
    tpu.enqueue_indirect_dma source(%dma_start3A_50 : memref<10240x128xf32, #tpu.memory_space<hbm>>) target(%arg17 : memref<80x128xf32, #tpu.memory_space<vmem>>) offsets(%arg9 : memref<80xi32, #tpu.memory_space<vmem>>) semaphore(%arg21 : memref<!tpu.dma_semaphore, #tpu.memory_space<semaphore_mem>>)
    %add3A_51 = arith.constant 160 : i32
    %add3A_52 = arith.addi %mul3A_2, %add3A_51 : i32
    %dma_wait3A_53 = tpu.memref_slice %arg3[%add3A_52] : memref<320000xi32, #tpu.memory_space<hbm>> -> memref<80xi32, #tpu.memory_space<hbm>>
    %dma_wait3A_54 = tpu.memref_slice %arg3[%add3A_52] : memref<320000xi32, #tpu.memory_space<hbm>> -> memref<80xi32, #tpu.memory_space<hbm>>
    tpu.wait_dma2 semaphore(%arg30 : memref<!tpu.dma_semaphore, #tpu.memory_space<semaphore_mem>>) src(%dma_wait3A_54 : memref<80xi32, #tpu.memory_space<hbm>>) dst(%arg10 : memref<80xi32, #tpu.memory_space<vmem>>)
    %dma_start3A_55 = arith.constant 0 : i32
    %dma_start3A_56 = arith.constant 0 : i32
    %dma_start3A_57 = tpu.memref_slice %arg2[%dma_start3A_55, %dma_start3A_56] : memref<10240x128xf32, #tpu.memory_space<hbm>> -> memref<10240x128xf32, #tpu.memory_space<hbm>>
    tpu.enqueue_indirect_dma source(%dma_start3A_57 : memref<10240x128xf32, #tpu.memory_space<hbm>>) target(%arg18 : memref<80x128xf32, #tpu.memory_space<vmem>>) offsets(%arg10 : memref<80xi32, #tpu.memory_space<vmem>>) semaphore(%arg22 : memref<!tpu.dma_semaphore, #tpu.memory_space<semaphore_mem>>)
    %add3A_58 = arith.constant 240 : i32
    %add3A_59 = arith.addi %mul3A_2, %add3A_58 : i32
    %dma_wait3A_60 = tpu.memref_slice %arg3[%add3A_59] : memref<320000xi32, #tpu.memory_space<hbm>> -> memref<80xi32, #tpu.memory_space<hbm>>
    %dma_wait3A_61 = tpu.memref_slice %arg3[%add3A_59] : memref<320000xi32, #tpu.memory_space<hbm>> -> memref<80xi32, #tpu.memory_space<hbm>>
    tpu.wait_dma2 semaphore(%arg31 : memref<!tpu.dma_semaphore, #tpu.memory_space<semaphore_mem>>) src(%dma_wait3A_61 : memref<80xi32, #tpu.memory_space<hbm>>) dst(%arg11 : memref<80xi32, #tpu.memory_space<vmem>>)
    %dma_start3A_62 = arith.constant 0 : i32
    %dma_start3A_63 = arith.constant 0 : i32
    %dma_start3A_64 = tpu.memref_slice %arg2[%dma_start3A_62, %dma_start3A_63] : memref<10240x128xf32, #tpu.memory_space<hbm>> -> memref<10240x128xf32, #tpu.memory_space<hbm>>
    tpu.enqueue_indirect_dma source(%dma_start3A_64 : memref<10240x128xf32, #tpu.memory_space<hbm>>) target(%arg19 : memref<80x128xf32, #tpu.memory_space<vmem>>) offsets(%arg11 : memref<80xi32, #tpu.memory_space<vmem>>) semaphore(%arg23 : memref<!tpu.dma_semaphore, #tpu.memory_space<semaphore_mem>>)
    %scan3A_65 = arith.constant 0 : i32
    %scan3A_66 = arith.constant 31 : i32
    %scan3A_67 = arith.addi %scan3A_65, %scan3A_66 : i32
    %scan3A_68 = arith.constant 1 : i32
    scf.for %scan3A_83 = %scan3A_65 to %scan3A_67 step %scan3A_68  : i32 {
      %mul3A_84 = arith.constant 1 : i32
      %mul3A_85 = arith.muli %scan3A_83, %mul3A_84 : i32
      %add3A_86 = arith.constant 0 : i32
      %add3A_87 = arith.addi %add3A_86, %mul3A_85 : i32
      %mul3A_88 = arith.constant 4 : i32
      %mul3A_89 = arith.muli %add3A_87, %mul3A_88 : i32
      %add3A_90 = arith.constant 0 : i32
      %add3A_91 = arith.addi %mul3A_89, %add3A_90 : i32
      %dma_wait3A_92 = arith.constant 0 : i32
      %dma_wait3A_93 = arith.constant 0 : i32
      %dma_wait3A_94 = tpu.memref_slice %arg2[%dma_wait3A_92, %dma_wait3A_93] : memref<10240x128xf32, #tpu.memory_space<hbm>> -> memref<10240x128xf32, #tpu.memory_space<hbm>>
      tpu.wait_indirect_dma semaphore(%arg20 : memref<!tpu.dma_semaphore, #tpu.memory_space<semaphore_mem>>) src(%dma_wait3A_94 : memref<10240x128xf32, #tpu.memory_space<hbm>>) dst(%arg16 : memref<80x128xf32, #tpu.memory_space<vmem>>)
      %mul3A_95 = arith.constant 80 : i32
      %mul3A_96 = arith.muli %add3A_91, %mul3A_95 : i32
      %add3A_97 = arith.addi %mul3A_2, %mul3A_96 : i32
      %dma_wait3A_98 = tpu.memref_slice %arg3[%add3A_97] : memref<320000xi32, #tpu.memory_space<hbm>> -> memref<80xi32, #tpu.memory_space<hbm>>
      %dma_wait3A_99 = tpu.memref_slice %arg3[%add3A_97] : memref<320000xi32, #tpu.memory_space<hbm>> -> memref<80xi32, #tpu.memory_space<hbm>>
      tpu.wait_dma2 semaphore(%arg32 : memref<!tpu.dma_semaphore, #tpu.memory_space<semaphore_mem>>) src(%dma_wait3A_99 : memref<80xi32, #tpu.memory_space<hbm>>) dst(%arg12 : memref<80xi32, #tpu.memory_space<vmem>>)
      %dma_start3A_100 = arith.constant 0 : i32
      %dma_start3A_101 = arith.constant 0 : i32
      %dma_start3A_102 = tpu.memref_slice %arg7[%dma_start3A_100, %dma_start3A_101] : memref<10240x128xf32, #tpu.memory_space<vmem_shared>> -> memref<10240x128xf32, #tpu.memory_space<vmem_shared>>
      tpu.enqueue_indirect_dma source(%arg16 : memref<80x128xf32, #tpu.memory_space<vmem>>) target(%dma_start3A_102 : memref<10240x128xf32, #tpu.memory_space<vmem_shared>>) offsets(%arg12 : memref<80xi32, #tpu.memory_space<vmem>>) semaphore(%arg24 : memref<!tpu.dma_semaphore, #tpu.memory_space<semaphore_mem>>) {add = true}
      %dma_wait3A_103 = arith.constant 0 : i32
      %dma_wait3A_104 = arith.constant 0 : i32
      %dma_wait3A_105 = tpu.memref_slice %arg7[%dma_wait3A_103, %dma_wait3A_104] : memref<10240x128xf32, #tpu.memory_space<vmem_shared>> -> memref<10240x128xf32, #tpu.memory_space<vmem_shared>>
      tpu.wait_indirect_dma semaphore(%arg24 : memref<!tpu.dma_semaphore, #tpu.memory_space<semaphore_mem>>) src(%arg16 : memref<80x128xf32, #tpu.memory_space<vmem>>) dst(%dma_wait3A_105 : memref<10240x128xf32, #tpu.memory_space<vmem_shared>>)
      %add3A_106 = arith.constant 4 : i32
      %add3A_107 = arith.addi %add3A_91, %add3A_106 : i32
      %lt3A = arith.constant 125 : i32
      %lt3A_108 = arith.cmpi slt, %add3A_107, %lt3A : i32
      %convert_element_type3A = arith.extui %lt3A_108 : i1 to i32
      %cond3A = arith.constant 0 : i32
      %cond3A_109 = arith.cmpi ne, %convert_element_type3A, %cond3A : i32
      scf.if %cond3A_109 {
        %add3A_185 = arith.constant 4 : i32
        %add3A_186 = arith.addi %add3A_91, %add3A_185 : i32
        %mul3A_187 = arith.constant 80 : i32
        %mul3A_188 = arith.muli %add3A_186, %mul3A_187 : i32
        %add3A_189 = arith.addi %mul3A_2, %mul3A_188 : i32
        %dma_start3A_190 = tpu.memref_slice %arg3[%add3A_189] : memref<320000xi32, #tpu.memory_space<hbm>> -> memref<80xi32, #tpu.memory_space<hbm>>
        %dma_start3A_191 = tpu.memref_slice %arg3[%add3A_189] : memref<320000xi32, #tpu.memory_space<hbm>> -> memref<80xi32, #tpu.memory_space<hbm>>
        tpu.enqueue_dma source(%dma_start3A_191 : memref<80xi32, #tpu.memory_space<hbm>>) target(%arg8 : memref<80xi32, #tpu.memory_space<vmem>>) target_semaphore(%arg28 : memref<!tpu.dma_semaphore, #tpu.memory_space<semaphore_mem>>)
        %mul3A_192 = arith.constant 80 : i32
        %mul3A_193 = arith.muli %add3A_186, %mul3A_192 : i32
        %add3A_194 = arith.addi %mul3A_2, %mul3A_193 : i32
        %dma_start3A_195 = tpu.memref_slice %arg4[%add3A_194] : memref<320000xi32, #tpu.memory_space<hbm>> -> memref<80xi32, #tpu.memory_space<hbm>>
        %dma_start3A_196 = tpu.memref_slice %arg4[%add3A_194] : memref<320000xi32, #tpu.memory_space<hbm>> -> memref<80xi32, #tpu.memory_space<hbm>>
        tpu.enqueue_dma source(%dma_start3A_196 : memref<80xi32, #tpu.memory_space<hbm>>) target(%arg12 : memref<80xi32, #tpu.memory_space<vmem>>) target_semaphore(%arg32 : memref<!tpu.dma_semaphore, #tpu.memory_space<semaphore_mem>>)
        %add3A_197 = arith.constant 4 : i32
        %add3A_198 = arith.addi %add3A_91, %add3A_197 : i32
        %mul3A_199 = arith.constant 80 : i32
        %mul3A_200 = arith.muli %add3A_198, %mul3A_199 : i32
        %add3A_201 = arith.addi %mul3A_2, %mul3A_200 : i32
        %dma_wait3A_202 = tpu.memref_slice %arg3[%add3A_201] : memref<320000xi32, #tpu.memory_space<hbm>> -> memref<80xi32, #tpu.memory_space<hbm>>
        %dma_wait3A_203 = tpu.memref_slice %arg3[%add3A_201] : memref<320000xi32, #tpu.memory_space<hbm>> -> memref<80xi32, #tpu.memory_space<hbm>>
        tpu.wait_dma2 semaphore(%arg28 : memref<!tpu.dma_semaphore, #tpu.memory_space<semaphore_mem>>) src(%dma_wait3A_203 : memref<80xi32, #tpu.memory_space<hbm>>) dst(%arg8 : memref<80xi32, #tpu.memory_space<vmem>>)
        %dma_start3A_204 = arith.constant 0 : i32
        %dma_start3A_205 = arith.constant 0 : i32
        %dma_start3A_206 = tpu.memref_slice %arg2[%dma_start3A_204, %dma_start3A_205] : memref<10240x128xf32, #tpu.memory_space<hbm>> -> memref<10240x128xf32, #tpu.memory_space<hbm>>
        tpu.enqueue_indirect_dma source(%dma_start3A_206 : memref<10240x128xf32, #tpu.memory_space<hbm>>) target(%arg16 : memref<80x128xf32, #tpu.memory_space<vmem>>) offsets(%arg8 : memref<80xi32, #tpu.memory_space<vmem>>) semaphore(%arg20 : memref<!tpu.dma_semaphore, #tpu.memory_space<semaphore_mem>>)
      } else {
      }
      %mul3A_110 = arith.constant 4 : i32
      %mul3A_111 = arith.muli %add3A_87, %mul3A_110 : i32
      %add3A_112 = arith.constant 1 : i32
      %add3A_113 = arith.addi %mul3A_111, %add3A_112 : i32
      %dma_wait3A_114 = arith.constant 0 : i32
      %dma_wait3A_115 = arith.constant 0 : i32
      %dma_wait3A_116 = tpu.memref_slice %arg2[%dma_wait3A_114, %dma_wait3A_115] : memref<10240x128xf32, #tpu.memory_space<hbm>> -> memref<10240x128xf32, #tpu.memory_space<hbm>>
      tpu.wait_indirect_dma semaphore(%arg21 : memref<!tpu.dma_semaphore, #tpu.memory_space<semaphore_mem>>) src(%dma_wait3A_116 : memref<10240x128xf32, #tpu.memory_space<hbm>>) dst(%arg17 : memref<80x128xf32, #tpu.memory_space<vmem>>)
      %mul3A_117 = arith.constant 80 : i32
      %mul3A_118 = arith.muli %add3A_113, %mul3A_117 : i32
      %add3A_119 = arith.addi %mul3A_2, %mul3A_118 : i32
      %dma_wait3A_120 = tpu.memref_slice %arg3[%add3A_119] : memref<320000xi32, #tpu.memory_space<hbm>> -> memref<80xi32, #tpu.memory_space<hbm>>
      %dma_wait3A_121 = tpu.memref_slice %arg3[%add3A_119] : memref<320000xi32, #tpu.memory_space<hbm>> -> memref<80xi32, #tpu.memory_space<hbm>>
      tpu.wait_dma2 semaphore(%arg33 : memref<!tpu.dma_semaphore, #tpu.memory_space<semaphore_mem>>) src(%dma_wait3A_121 : memref<80xi32, #tpu.memory_space<hbm>>) dst(%arg13 : memref<80xi32, #tpu.memory_space<vmem>>)
      %dma_start3A_122 = arith.constant 0 : i32
      %dma_start3A_123 = arith.constant 0 : i32
      %dma_start3A_124 = tpu.memref_slice %arg7[%dma_start3A_122, %dma_start3A_123] : memref<10240x128xf32, #tpu.memory_space<vmem_shared>> -> memref<10240x128xf32, #tpu.memory_space<vmem_shared>>
      tpu.enqueue_indirect_dma source(%arg17 : memref<80x128xf32, #tpu.memory_space<vmem>>) target(%dma_start3A_124 : memref<10240x128xf32, #tpu.memory_space<vmem_shared>>) offsets(%arg13 : memref<80xi32, #tpu.memory_space<vmem>>) semaphore(%arg25 : memref<!tpu.dma_semaphore, #tpu.memory_space<semaphore_mem>>) {add = true}
      %dma_wait3A_125 = arith.constant 0 : i32
      %dma_wait3A_126 = arith.constant 0 : i32
      %dma_wait3A_127 = tpu.memref_slice %arg7[%dma_wait3A_125, %dma_wait3A_126] : memref<10240x128xf32, #tpu.memory_space<vmem_shared>> -> memref<10240x128xf32, #tpu.memory_space<vmem_shared>>
      tpu.wait_indirect_dma semaphore(%arg25 : memref<!tpu.dma_semaphore, #tpu.memory_space<semaphore_mem>>) src(%arg17 : memref<80x128xf32, #tpu.memory_space<vmem>>) dst(%dma_wait3A_127 : memref<10240x128xf32, #tpu.memory_space<vmem_shared>>)
      %add3A_128 = arith.constant 4 : i32
      %add3A_129 = arith.addi %add3A_113, %add3A_128 : i32
      %lt3A_130 = arith.constant 125 : i32
      %lt3A_131 = arith.cmpi slt, %add3A_129, %lt3A_130 : i32
      %convert_element_type3A_132 = arith.extui %lt3A_131 : i1 to i32
      %cond3A_133 = arith.constant 0 : i32
      %cond3A_134 = arith.cmpi ne, %convert_element_type3A_132, %cond3A_133 : i32
      scf.if %cond3A_134 {
        %add3A_185 = arith.constant 4 : i32
        %add3A_186 = arith.addi %add3A_113, %add3A_185 : i32
        %mul3A_187 = arith.constant 80 : i32
        %mul3A_188 = arith.muli %add3A_186, %mul3A_187 : i32
        %add3A_189 = arith.addi %mul3A_2, %mul3A_188 : i32
        %dma_start3A_190 = tpu.memref_slice %arg3[%add3A_189] : memref<320000xi32, #tpu.memory_space<hbm>> -> memref<80xi32, #tpu.memory_space<hbm>>
        %dma_start3A_191 = tpu.memref_slice %arg3[%add3A_189] : memref<320000xi32, #tpu.memory_space<hbm>> -> memref<80xi32, #tpu.memory_space<hbm>>
        tpu.enqueue_dma source(%dma_start3A_191 : memref<80xi32, #tpu.memory_space<hbm>>) target(%arg9 : memref<80xi32, #tpu.memory_space<vmem>>) target_semaphore(%arg29 : memref<!tpu.dma_semaphore, #tpu.memory_space<semaphore_mem>>)
        %mul3A_192 = arith.constant 80 : i32
        %mul3A_193 = arith.muli %add3A_186, %mul3A_192 : i32
        %add3A_194 = arith.addi %mul3A_2, %mul3A_193 : i32
        %dma_start3A_195 = tpu.memref_slice %arg4[%add3A_194] : memref<320000xi32, #tpu.memory_space<hbm>> -> memref<80xi32, #tpu.memory_space<hbm>>
        %dma_start3A_196 = tpu.memref_slice %arg4[%add3A_194] : memref<320000xi32, #tpu.memory_space<hbm>> -> memref<80xi32, #tpu.memory_space<hbm>>
        tpu.enqueue_dma source(%dma_start3A_196 : memref<80xi32, #tpu.memory_space<hbm>>) target(%arg13 : memref<80xi32, #tpu.memory_space<vmem>>) target_semaphore(%arg33 : memref<!tpu.dma_semaphore, #tpu.memory_space<semaphore_mem>>)
        %add3A_197 = arith.constant 4 : i32
        %add3A_198 = arith.addi %add3A_113, %add3A_197 : i32
        %mul3A_199 = arith.constant 80 : i32
        %mul3A_200 = arith.muli %add3A_198, %mul3A_199 : i32
        %add3A_201 = arith.addi %mul3A_2, %mul3A_200 : i32
        %dma_wait3A_202 = tpu.memref_slice %arg3[%add3A_201] : memref<320000xi32, #tpu.memory_space<hbm>> -> memref<80xi32, #tpu.memory_space<hbm>>
        %dma_wait3A_203 = tpu.memref_slice %arg3[%add3A_201] : memref<320000xi32, #tpu.memory_space<hbm>> -> memref<80xi32, #tpu.memory_space<hbm>>
        tpu.wait_dma2 semaphore(%arg29 : memref<!tpu.dma_semaphore, #tpu.memory_space<semaphore_mem>>) src(%dma_wait3A_203 : memref<80xi32, #tpu.memory_space<hbm>>) dst(%arg9 : memref<80xi32, #tpu.memory_space<vmem>>)
        %dma_start3A_204 = arith.constant 0 : i32
        %dma_start3A_205 = arith.constant 0 : i32
        %dma_start3A_206 = tpu.memref_slice %arg2[%dma_start3A_204, %dma_start3A_205] : memref<10240x128xf32, #tpu.memory_space<hbm>> -> memref<10240x128xf32, #tpu.memory_space<hbm>>
        tpu.enqueue_indirect_dma source(%dma_start3A_206 : memref<10240x128xf32, #tpu.memory_space<hbm>>) target(%arg17 : memref<80x128xf32, #tpu.memory_space<vmem>>) offsets(%arg9 : memref<80xi32, #tpu.memory_space<vmem>>) semaphore(%arg21 : memref<!tpu.dma_semaphore, #tpu.memory_space<semaphore_mem>>)
      } else {
      }
      %mul3A_135 = arith.constant 4 : i32
      %mul3A_136 = arith.muli %add3A_87, %mul3A_135 : i32
      %add3A_137 = arith.constant 2 : i32
      %add3A_138 = arith.addi %mul3A_136, %add3A_137 : i32
      %dma_wait3A_139 = arith.constant 0 : i32
      %dma_wait3A_140 = arith.constant 0 : i32
      %dma_wait3A_141 = tpu.memref_slice %arg2[%dma_wait3A_139, %dma_wait3A_140] : memref<10240x128xf32, #tpu.memory_space<hbm>> -> memref<10240x128xf32, #tpu.memory_space<hbm>>
      tpu.wait_indirect_dma semaphore(%arg22 : memref<!tpu.dma_semaphore, #tpu.memory_space<semaphore_mem>>) src(%dma_wait3A_141 : memref<10240x128xf32, #tpu.memory_space<hbm>>) dst(%arg18 : memref<80x128xf32, #tpu.memory_space<vmem>>)
      %mul3A_142 = arith.constant 80 : i32
      %mul3A_143 = arith.muli %add3A_138, %mul3A_142 : i32
      %add3A_144 = arith.addi %mul3A_2, %mul3A_143 : i32
      %dma_wait3A_145 = tpu.memref_slice %arg3[%add3A_144] : memref<320000xi32, #tpu.memory_space<hbm>> -> memref<80xi32, #tpu.memory_space<hbm>>
      %dma_wait3A_146 = tpu.memref_slice %arg3[%add3A_144] : memref<320000xi32, #tpu.memory_space<hbm>> -> memref<80xi32, #tpu.memory_space<hbm>>
      tpu.wait_dma2 semaphore(%arg34 : memref<!tpu.dma_semaphore, #tpu.memory_space<semaphore_mem>>) src(%dma_wait3A_146 : memref<80xi32, #tpu.memory_space<hbm>>) dst(%arg14 : memref<80xi32, #tpu.memory_space<vmem>>)
      %dma_start3A_147 = arith.constant 0 : i32
      %dma_start3A_148 = arith.constant 0 : i32
      %dma_start3A_149 = tpu.memref_slice %arg7[%dma_start3A_147, %dma_start3A_148] : memref<10240x128xf32, #tpu.memory_space<vmem_shared>> -> memref<10240x128xf32, #tpu.memory_space<vmem_shared>>
      tpu.enqueue_indirect_dma source(%arg18 : memref<80x128xf32, #tpu.memory_space<vmem>>) target(%dma_start3A_149 : memref<10240x128xf32, #tpu.memory_space<vmem_shared>>) offsets(%arg14 : memref<80xi32, #tpu.memory_space<vmem>>) semaphore(%arg26 : memref<!tpu.dma_semaphore, #tpu.memory_space<semaphore_mem>>) {add = true}
      %dma_wait3A_150 = arith.constant 0 : i32
      %dma_wait3A_151 = arith.constant 0 : i32
      %dma_wait3A_152 = tpu.memref_slice %arg7[%dma_wait3A_150, %dma_wait3A_151] : memref<10240x128xf32, #tpu.memory_space<vmem_shared>> -> memref<10240x128xf32, #tpu.memory_space<vmem_shared>>
      tpu.wait_indirect_dma semaphore(%arg26 : memref<!tpu.dma_semaphore, #tpu.memory_space<semaphore_mem>>) src(%arg18 : memref<80x128xf32, #tpu.memory_space<vmem>>) dst(%dma_wait3A_152 : memref<10240x128xf32, #tpu.memory_space<vmem_shared>>)
      %add3A_153 = arith.constant 4 : i32
      %add3A_154 = arith.addi %add3A_138, %add3A_153 : i32
      %lt3A_155 = arith.constant 125 : i32
      %lt3A_156 = arith.cmpi slt, %add3A_154, %lt3A_155 : i32
      %convert_element_type3A_157 = arith.extui %lt3A_156 : i1 to i32
      %cond3A_158 = arith.constant 0 : i32
      %cond3A_159 = arith.cmpi ne, %convert_element_type3A_157, %cond3A_158 : i32
      scf.if %cond3A_159 {
        %add3A_185 = arith.constant 4 : i32
        %add3A_186 = arith.addi %add3A_138, %add3A_185 : i32
        %mul3A_187 = arith.constant 80 : i32
        %mul3A_188 = arith.muli %add3A_186, %mul3A_187 : i32
        %add3A_189 = arith.addi %mul3A_2, %mul3A_188 : i32
        %dma_start3A_190 = tpu.memref_slice %arg3[%add3A_189] : memref<320000xi32, #tpu.memory_space<hbm>> -> memref<80xi32, #tpu.memory_space<hbm>>
        %dma_start3A_191 = tpu.memref_slice %arg3[%add3A_189] : memref<320000xi32, #tpu.memory_space<hbm>> -> memref<80xi32, #tpu.memory_space<hbm>>
        tpu.enqueue_dma source(%dma_start3A_191 : memref<80xi32, #tpu.memory_space<hbm>>) target(%arg10 : memref<80xi32, #tpu.memory_space<vmem>>) target_semaphore(%arg30 : memref<!tpu.dma_semaphore, #tpu.memory_space<semaphore_mem>>)
        %mul3A_192 = arith.constant 80 : i32
        %mul3A_193 = arith.muli %add3A_186, %mul3A_192 : i32
        %add3A_194 = arith.addi %mul3A_2, %mul3A_193 : i32
        %dma_start3A_195 = tpu.memref_slice %arg4[%add3A_194] : memref<320000xi32, #tpu.memory_space<hbm>> -> memref<80xi32, #tpu.memory_space<hbm>>
        %dma_start3A_196 = tpu.memref_slice %arg4[%add3A_194] : memref<320000xi32, #tpu.memory_space<hbm>> -> memref<80xi32, #tpu.memory_space<hbm>>
        tpu.enqueue_dma source(%dma_start3A_196 : memref<80xi32, #tpu.memory_space<hbm>>) target(%arg14 : memref<80xi32, #tpu.memory_space<vmem>>) target_semaphore(%arg34 : memref<!tpu.dma_semaphore, #tpu.memory_space<semaphore_mem>>)
        %add3A_197 = arith.constant 4 : i32
        %add3A_198 = arith.addi %add3A_138, %add3A_197 : i32
        %mul3A_199 = arith.constant 80 : i32
        %mul3A_200 = arith.muli %add3A_198, %mul3A_199 : i32
        %add3A_201 = arith.addi %mul3A_2, %mul3A_200 : i32
        %dma_wait3A_202 = tpu.memref_slice %arg3[%add3A_201] : memref<320000xi32, #tpu.memory_space<hbm>> -> memref<80xi32, #tpu.memory_space<hbm>>
        %dma_wait3A_203 = tpu.memref_slice %arg3[%add3A_201] : memref<320000xi32, #tpu.memory_space<hbm>> -> memref<80xi32, #tpu.memory_space<hbm>>
        tpu.wait_dma2 semaphore(%arg30 : memref<!tpu.dma_semaphore, #tpu.memory_space<semaphore_mem>>) src(%dma_wait3A_203 : memref<80xi32, #tpu.memory_space<hbm>>) dst(%arg10 : memref<80xi32, #tpu.memory_space<vmem>>)
        %dma_start3A_204 = arith.constant 0 : i32
        %dma_start3A_205 = arith.constant 0 : i32
        %dma_start3A_206 = tpu.memref_slice %arg2[%dma_start3A_204, %dma_start3A_205] : memref<10240x128xf32, #tpu.memory_space<hbm>> -> memref<10240x128xf32, #tpu.memory_space<hbm>>
        tpu.enqueue_indirect_dma source(%dma_start3A_206 : memref<10240x128xf32, #tpu.memory_space<hbm>>) target(%arg18 : memref<80x128xf32, #tpu.memory_space<vmem>>) offsets(%arg10 : memref<80xi32, #tpu.memory_space<vmem>>) semaphore(%arg22 : memref<!tpu.dma_semaphore, #tpu.memory_space<semaphore_mem>>)
      } else {
      }
      %mul3A_160 = arith.constant 4 : i32
      %mul3A_161 = arith.muli %add3A_87, %mul3A_160 : i32
      %add3A_162 = arith.constant 3 : i32
      %add3A_163 = arith.addi %mul3A_161, %add3A_162 : i32
      %dma_wait3A_164 = arith.constant 0 : i32
      %dma_wait3A_165 = arith.constant 0 : i32
      %dma_wait3A_166 = tpu.memref_slice %arg2[%dma_wait3A_164, %dma_wait3A_165] : memref<10240x128xf32, #tpu.memory_space<hbm>> -> memref<10240x128xf32, #tpu.memory_space<hbm>>
      tpu.wait_indirect_dma semaphore(%arg23 : memref<!tpu.dma_semaphore, #tpu.memory_space<semaphore_mem>>) src(%dma_wait3A_166 : memref<10240x128xf32, #tpu.memory_space<hbm>>) dst(%arg19 : memref<80x128xf32, #tpu.memory_space<vmem>>)
      %mul3A_167 = arith.constant 80 : i32
      %mul3A_168 = arith.muli %add3A_163, %mul3A_167 : i32
      %add3A_169 = arith.addi %mul3A_2, %mul3A_168 : i32
      %dma_wait3A_170 = tpu.memref_slice %arg3[%add3A_169] : memref<320000xi32, #tpu.memory_space<hbm>> -> memref<80xi32, #tpu.memory_space<hbm>>
      %dma_wait3A_171 = tpu.memref_slice %arg3[%add3A_169] : memref<320000xi32, #tpu.memory_space<hbm>> -> memref<80xi32, #tpu.memory_space<hbm>>
      tpu.wait_dma2 semaphore(%arg35 : memref<!tpu.dma_semaphore, #tpu.memory_space<semaphore_mem>>) src(%dma_wait3A_171 : memref<80xi32, #tpu.memory_space<hbm>>) dst(%arg15 : memref<80xi32, #tpu.memory_space<vmem>>)
      %dma_start3A_172 = arith.constant 0 : i32
      %dma_start3A_173 = arith.constant 0 : i32
      %dma_start3A_174 = tpu.memref_slice %arg7[%dma_start3A_172, %dma_start3A_173] : memref<10240x128xf32, #tpu.memory_space<vmem_shared>> -> memref<10240x128xf32, #tpu.memory_space<vmem_shared>>
      tpu.enqueue_indirect_dma source(%arg19 : memref<80x128xf32, #tpu.memory_space<vmem>>) target(%dma_start3A_174 : memref<10240x128xf32, #tpu.memory_space<vmem_shared>>) offsets(%arg15 : memref<80xi32, #tpu.memory_space<vmem>>) semaphore(%arg27 : memref<!tpu.dma_semaphore, #tpu.memory_space<semaphore_mem>>) {add = true}
      %dma_wait3A_175 = arith.constant 0 : i32
      %dma_wait3A_176 = arith.constant 0 : i32
      %dma_wait3A_177 = tpu.memref_slice %arg7[%dma_wait3A_175, %dma_wait3A_176] : memref<10240x128xf32, #tpu.memory_space<vmem_shared>> -> memref<10240x128xf32, #tpu.memory_space<vmem_shared>>
      tpu.wait_indirect_dma semaphore(%arg27 : memref<!tpu.dma_semaphore, #tpu.memory_space<semaphore_mem>>) src(%arg19 : memref<80x128xf32, #tpu.memory_space<vmem>>) dst(%dma_wait3A_177 : memref<10240x128xf32, #tpu.memory_space<vmem_shared>>)
      %add3A_178 = arith.constant 4 : i32
      %add3A_179 = arith.addi %add3A_163, %add3A_178 : i32
      %lt3A_180 = arith.constant 125 : i32
      %lt3A_181 = arith.cmpi slt, %add3A_179, %lt3A_180 : i32
      %convert_element_type3A_182 = arith.extui %lt3A_181 : i1 to i32
      %cond3A_183 = arith.constant 0 : i32
      %cond3A_184 = arith.cmpi ne, %convert_element_type3A_182, %cond3A_183 : i32
      scf.if %cond3A_184 {
        %add3A_185 = arith.constant 4 : i32
        %add3A_186 = arith.addi %add3A_163, %add3A_185 : i32
        %mul3A_187 = arith.constant 80 : i32
        %mul3A_188 = arith.muli %add3A_186, %mul3A_187 : i32
        %add3A_189 = arith.addi %mul3A_2, %mul3A_188 : i32
        %dma_start3A_190 = tpu.memref_slice %arg3[%add3A_189] : memref<320000xi32, #tpu.memory_space<hbm>> -> memref<80xi32, #tpu.memory_space<hbm>>
        %dma_start3A_191 = tpu.memref_slice %arg3[%add3A_189] : memref<320000xi32, #tpu.memory_space<hbm>> -> memref<80xi32, #tpu.memory_space<hbm>>
        tpu.enqueue_dma source(%dma_start3A_191 : memref<80xi32, #tpu.memory_space<hbm>>) target(%arg11 : memref<80xi32, #tpu.memory_space<vmem>>) target_semaphore(%arg31 : memref<!tpu.dma_semaphore, #tpu.memory_space<semaphore_mem>>)
        %mul3A_192 = arith.constant 80 : i32
        %mul3A_193 = arith.muli %add3A_186, %mul3A_192 : i32
        %add3A_194 = arith.addi %mul3A_2, %mul3A_193 : i32
        %dma_start3A_195 = tpu.memref_slice %arg4[%add3A_194] : memref<320000xi32, #tpu.memory_space<hbm>> -> memref<80xi32, #tpu.memory_space<hbm>>
        %dma_start3A_196 = tpu.memref_slice %arg4[%add3A_194] : memref<320000xi32, #tpu.memory_space<hbm>> -> memref<80xi32, #tpu.memory_space<hbm>>
        tpu.enqueue_dma source(%dma_start3A_196 : memref<80xi32, #tpu.memory_space<hbm>>) target(%arg15 : memref<80xi32, #tpu.memory_space<vmem>>) target_semaphore(%arg35 : memref<!tpu.dma_semaphore, #tpu.memory_space<semaphore_mem>>)
        %add3A_197 = arith.constant 4 : i32
        %add3A_198 = arith.addi %add3A_163, %add3A_197 : i32
        %mul3A_199 = arith.constant 80 : i32
        %mul3A_200 = arith.muli %add3A_198, %mul3A_199 : i32
        %add3A_201 = arith.addi %mul3A_2, %mul3A_200 : i32
        %dma_wait3A_202 = tpu.memref_slice %arg3[%add3A_201] : memref<320000xi32, #tpu.memory_space<hbm>> -> memref<80xi32, #tpu.memory_space<hbm>>
        %dma_wait3A_203 = tpu.memref_slice %arg3[%add3A_201] : memref<320000xi32, #tpu.memory_space<hbm>> -> memref<80xi32, #tpu.memory_space<hbm>>
        tpu.wait_dma2 semaphore(%arg31 : memref<!tpu.dma_semaphore, #tpu.memory_space<semaphore_mem>>) src(%dma_wait3A_203 : memref<80xi32, #tpu.memory_space<hbm>>) dst(%arg11 : memref<80xi32, #tpu.memory_space<vmem>>)
        %dma_start3A_204 = arith.constant 0 : i32
        %dma_start3A_205 = arith.constant 0 : i32
        %dma_start3A_206 = tpu.memref_slice %arg2[%dma_start3A_204, %dma_start3A_205] : memref<10240x128xf32, #tpu.memory_space<hbm>> -> memref<10240x128xf32, #tpu.memory_space<hbm>>
        tpu.enqueue_indirect_dma source(%dma_start3A_206 : memref<10240x128xf32, #tpu.memory_space<hbm>>) target(%arg19 : memref<80x128xf32, #tpu.memory_space<vmem>>) offsets(%arg11 : memref<80xi32, #tpu.memory_space<vmem>>) semaphore(%arg23 : memref<!tpu.dma_semaphore, #tpu.memory_space<semaphore_mem>>)
      } else {
      }
    }
    %scan3A_69 = arith.constant 31 : i32
    %dma_wait3A_70 = arith.constant 0 : i32
    %dma_wait3A_71 = arith.constant 0 : i32
    %dma_wait3A_72 = tpu.memref_slice %arg2[%dma_wait3A_70, %dma_wait3A_71] : memref<10240x128xf32, #tpu.memory_space<hbm>> -> memref<10240x128xf32, #tpu.memory_space<hbm>>
    tpu.wait_indirect_dma semaphore(%arg20 : memref<!tpu.dma_semaphore, #tpu.memory_space<semaphore_mem>>) src(%dma_wait3A_72 : memref<10240x128xf32, #tpu.memory_space<hbm>>) dst(%arg16 : memref<80x128xf32, #tpu.memory_space<vmem>>)
    %add3A_73 = arith.constant 9920 : i32
    %add3A_74 = arith.addi %mul3A_2, %add3A_73 : i32
    %dma_wait3A_75 = tpu.memref_slice %arg3[%add3A_74] : memref<320000xi32, #tpu.memory_space<hbm>> -> memref<80xi32, #tpu.memory_space<hbm>>
    %dma_wait3A_76 = tpu.memref_slice %arg3[%add3A_74] : memref<320000xi32, #tpu.memory_space<hbm>> -> memref<80xi32, #tpu.memory_space<hbm>>
    tpu.wait_dma2 semaphore(%arg32 : memref<!tpu.dma_semaphore, #tpu.memory_space<semaphore_mem>>) src(%dma_wait3A_76 : memref<80xi32, #tpu.memory_space<hbm>>) dst(%arg12 : memref<80xi32, #tpu.memory_space<vmem>>)
    "tpu.region"() ({
      %run_scoped3A = tpu.sem_alloc : memref<!tpu.dma_semaphore, #tpu.memory_space<semaphore_mem>>
      %dma_start3A_83 = arith.constant 0 : i32
      %dma_start3A_84 = arith.constant 0 : i32
      %dma_start3A_85 = tpu.memref_slice %arg7[%dma_start3A_83, %dma_start3A_84] : memref<10240x128xf32, #tpu.memory_space<vmem_shared>> -> memref<10240x128xf32, #tpu.memory_space<vmem_shared>>
      tpu.enqueue_indirect_dma source(%arg16 : memref<80x128xf32, #tpu.memory_space<vmem>>) target(%dma_start3A_85 : memref<10240x128xf32, #tpu.memory_space<vmem_shared>>) offsets(%arg12 : memref<80xi32, #tpu.memory_space<vmem>>) semaphore(%run_scoped3A : memref<!tpu.dma_semaphore, #tpu.memory_space<semaphore_mem>>) {add = true}
      %dma_wait3A_86 = arith.constant 0 : i32
      %dma_wait3A_87 = arith.constant 0 : i32
      %dma_wait3A_88 = tpu.memref_slice %arg7[%dma_wait3A_86, %dma_wait3A_87] : memref<10240x128xf32, #tpu.memory_space<vmem_shared>> -> memref<10240x128xf32, #tpu.memory_space<vmem_shared>>
      tpu.wait_indirect_dma semaphore(%run_scoped3A : memref<!tpu.dma_semaphore, #tpu.memory_space<semaphore_mem>>) src(%arg16 : memref<80x128xf32, #tpu.memory_space<vmem>>) dst(%dma_wait3A_88 : memref<10240x128xf32, #tpu.memory_space<vmem_shared>>)
      tpu.yield
    }) : () -> ()
    %barrier3A_77 = arith.constant 0 : index
    tpu.barrier barrier_id(%barrier3A_77)
    %scan3A_78 = arith.constant 0 : i32
    %scan3A_79 = arith.constant 8 : i32
    %scan3A_80 = arith.addi %scan3A_78, %scan3A_79 : i32
    %scan3A_81 = arith.constant 1 : i32
    scf.for %scan3A_83 = %scan3A_78 to %scan3A_80 step %scan3A_81  : i32 {
      %mul3A_84 = arith.constant 1 : i32
      %mul3A_85 = arith.muli %scan3A_83, %mul3A_84 : i32
      %add3A_86 = arith.constant 0 : i32
      %add3A_87 = arith.addi %add3A_86, %mul3A_85 : i32
      %mul3A_88 = arith.constant 640 : i32
      %mul3A_89 = arith.muli %arg1, %mul3A_88 : i32
      %mul3A_90 = arith.constant 80 : i32
      %mul3A_91 = arith.muli %add3A_87, %mul3A_90 : i32
      %add3A_92 = arith.addi %mul3A_89, %mul3A_91 : i32
      "tpu.region"() ({
        %run_scoped3A = tpu.sem_alloc : memref<!tpu.dma_semaphore, #tpu.memory_space<semaphore_mem>>
        %dma_start3A_96 = arith.constant 0 : i32
        %dma_start3A_97 = tpu.memref_slice %arg7[%add3A_92, %dma_start3A_96] : memref<10240x128xf32, #tpu.memory_space<vmem_shared>> -> memref<80x128xf32, #tpu.memory_space<vmem_shared>>
        %dma_start3A_98 = arith.constant 0 : i32
        %dma_start3A_99 = tpu.memref_slice %arg7[%add3A_92, %dma_start3A_98] : memref<10240x128xf32, #tpu.memory_space<vmem_shared>> -> memref<80x128xf32, #tpu.memory_space<vmem_shared>>
        tpu.enqueue_dma source(%dma_start3A_99 : memref<80x128xf32, #tpu.memory_space<vmem_shared>>) target(%arg16 : memref<80x128xf32, #tpu.memory_space<vmem>>) target_semaphore(%run_scoped3A : memref<!tpu.dma_semaphore, #tpu.memory_space<semaphore_mem>>)
        %dma_wait3A_100 = arith.constant 0 : i32
        %dma_wait3A_101 = tpu.memref_slice %arg7[%add3A_92, %dma_wait3A_100] : memref<10240x128xf32, #tpu.memory_space<vmem_shared>> -> memref<80x128xf32, #tpu.memory_space<vmem_shared>>
        %dma_wait3A_102 = arith.constant 0 : i32
        %dma_wait3A_103 = tpu.memref_slice %arg7[%add3A_92, %dma_wait3A_102] : memref<10240x128xf32, #tpu.memory_space<vmem_shared>> -> memref<80x128xf32, #tpu.memory_space<vmem_shared>>
        tpu.wait_dma2 semaphore(%run_scoped3A : memref<!tpu.dma_semaphore, #tpu.memory_space<semaphore_mem>>) src(%dma_wait3A_103 : memref<80x128xf32, #tpu.memory_space<vmem_shared>>) dst(%arg16 : memref<80x128xf32, #tpu.memory_space<vmem>>)
        tpu.yield
      }) : () -> ()
      %mul3A_93 = arith.constant 10240 : i32
      %mul3A_94 = arith.muli %arg0, %mul3A_93 : i32
      %add3A_95 = arith.addi %mul3A_94, %add3A_92 : i32
      "tpu.region"() ({
        %run_scoped3A = tpu.sem_alloc : memref<!tpu.dma_semaphore, #tpu.memory_space<semaphore_mem>>
        %dma_start3A_96 = arith.constant 0 : i32
        %dma_start3A_97 = tpu.memref_slice %arg6[%add3A_95, %dma_start3A_96] : memref<20480x128xf32, #tpu.memory_space<hbm>> -> memref<80x128xf32, #tpu.memory_space<hbm>>
        %dma_start3A_98 = arith.constant 0 : i32
        %dma_start3A_99 = tpu.memref_slice %arg6[%add3A_95, %dma_start3A_98] : memref<20480x128xf32, #tpu.memory_space<hbm>> -> memref<80x128xf32, #tpu.memory_space<hbm>>
        tpu.enqueue_dma source(%arg16 : memref<80x128xf32, #tpu.memory_space<vmem>>) target(%dma_start3A_99 : memref<80x128xf32, #tpu.memory_space<hbm>>) target_semaphore(%run_scoped3A : memref<!tpu.dma_semaphore, #tpu.memory_space<semaphore_mem>>)
        %dma_wait3A_100 = arith.constant 0 : i32
        %dma_wait3A_101 = tpu.memref_slice %arg6[%add3A_95, %dma_wait3A_100] : memref<20480x128xf32, #tpu.memory_space<hbm>> -> memref<80x128xf32, #tpu.memory_space<hbm>>
        %dma_wait3A_102 = arith.constant 0 : i32
        %dma_wait3A_103 = tpu.memref_slice %arg6[%add3A_95, %dma_wait3A_102] : memref<20480x128xf32, #tpu.memory_space<hbm>> -> memref<80x128xf32, #tpu.memory_space<hbm>>
        tpu.wait_dma2 semaphore(%run_scoped3A : memref<!tpu.dma_semaphore, #tpu.memory_space<semaphore_mem>>) src(%arg16 : memref<80x128xf32, #tpu.memory_space<vmem>>) dst(%dma_wait3A_103 : memref<80x128xf32, #tpu.memory_space<hbm>>)
        tpu.yield
      }) : () -> ()
    }
    %scan3A_82 = arith.constant 8 : i32
    return
  }
}

module attributes {stable_mosaic.version = 14 : i64} {
  func.func @_stage1_body(%arg0: i32, %arg1: memref<1024x128xf32, #tpu.memory_space<vmem>>, %arg2: memref<128x128xf32, #tpu.memory_space<vmem>>, %arg3: memref<2x1024x128xf32, #tpu.memory_space<vmem>>, %arg4: memref<1024x128xf32, #tpu.memory_space<vmem>>) attributes {dimension_semantics = [#tpu.dimension_semantics<arbitrary>], iteration_bounds = array<i64: 10>, scalar_prefetch = 0 : i64, scratch_operands = 0 : i64, tpu.core_type = #tpu.core_type<tc>, window_params = [{transform_indices = @transform_0, window_bounds = array<i64: 1024, 128>}, {pipeline_mode = #tpu.pipeline_mode<synchronous>, transform_indices = @transform_1, window_bounds = array<i64: 128, 128>}, {transform_indices = @transform_2, window_bounds = array<i64: 2, 1024, 128>}, {transform_indices = @transform_3, window_bounds = array<i64: 1024, 128>}]} {
    %get3A = arith.constant 0 : index
    %get3A_0 = arith.constant 0 : index
    %get3A_1 = arith.constant 0 : index
    %get3A_2 = vector.load %arg3[%get3A, %get3A_0, %get3A_1] : memref<2x1024x128xf32, #tpu.memory_space<vmem>>, vector<2x1024x128xf32>
    %slice3A = vector.extract_strided_slice %get3A_2 {offsets = [0, 0, 0], sizes = [1, 1024, 1], strides = [1, 1, 1]} : vector<2x1024x128xf32> to vector<1x1024x1xf32>
    %squeeze3A = vector.shape_cast %slice3A : vector<1x1024x1xf32> to vector<1024xf32>
    %slice3A_3 = vector.extract_strided_slice %get3A_2 {offsets = [1, 0, 0], sizes = [1, 1024, 1], strides = [1, 1, 1]} : vector<2x1024x128xf32> to vector<1x1024x1xf32>
    %squeeze3A_4 = vector.shape_cast %slice3A_3 : vector<1x1024x1xf32> to vector<1024xf32>
    %add3A = arith.addf %squeeze3A, %squeeze3A_4 : vector<1024xf32>
    %add3A_5 = arith.constant 1.000000e+00 : f32
    %add3A_6 = vector.broadcast %add3A_5 : f32 to vector<1024xf32>
    %add3A_7 = arith.addf %add3A, %add3A_6 : vector<1024xf32>
    %rsqrt3A = math.rsqrt %add3A_7 : vector<1024xf32>
    %broadcast_in_dim3A = vector.shape_cast %rsqrt3A : vector<1024xf32> to vector<1024x1xf32>
    %get3A_8 = arith.constant 0 : index
    %get3A_9 = arith.constant 0 : index
    %get3A_10 = vector.load %arg1[%get3A_8, %get3A_9] : memref<1024x128xf32, #tpu.memory_space<vmem>>, vector<1024x128xf32>
    %get3A_11 = arith.constant 0 : index
    %get3A_12 = arith.constant 0 : index
    %get3A_13 = vector.load %arg2[%get3A_11, %get3A_12] : memref<128x128xf32, #tpu.memory_space<vmem>>, vector<128x128xf32>
    %dot_general3A = arith.constant dense<0.000000e+00> : vector<1024x128xf32>
    %dot_general3A_14 = tpu.matmul %get3A_10, %get3A_13, %dot_general3A {dimension_numbers = #tpu.dot_dimension_numbers<[1], [0], [0], [1], [0, 0, 1, 1], [], []>, transpose_lhs_hint = false} : vector<1024x128xf32>, vector<128x128xf32>, vector<1024x128xf32> -> vector<1024x128xf32>
    %mul3A = vector.broadcast %broadcast_in_dim3A : vector<1024x1xf32> to vector<1024x128xf32>
    %mul3A_15 = arith.mulf %dot_general3A_14, %mul3A : vector<1024x128xf32>
    %swap3A = arith.constant 0 : index
    %swap3A_16 = arith.constant 0 : index
    %swap3A_17 = vector.load %arg4[%swap3A, %swap3A_16] : memref<1024x128xf32, #tpu.memory_space<vmem>>, vector<1024x128xf32>
    tpu.vector_store %arg4[%swap3A, %swap3A_16], %mul3A_15 {strides = array<i32>} : memref<1024x128xf32, #tpu.memory_space<vmem>>, vector<1024x128xf32>,
    return
  }
  func.func @transform_0(%arg0: i32) -> (i32, i32) {
    %c0_i32 = arith.constant 0 : i32
    %c0_i32_0 = arith.constant 0 : i32
    return %arg0, %c0_i32 : i32, i32
  }
  func.func @transform_1(%arg0: i32) -> (i32, i32) {
    %c0_i32 = arith.constant 0 : i32
    %c0_i32_0 = arith.constant 0 : i32
    %c0_i32_1 = arith.constant 0 : i32
    return %c0_i32, %c0_i32_0 : i32, i32
  }
  func.func @transform_2(%arg0: i32) -> (i32, i32, i32) {
    %c0_i32 = arith.constant 0 : i32
    %c0_i32_0 = arith.constant 0 : i32
    %c0_i32_1 = arith.constant 0 : i32
    return %c0_i32, %arg0, %c0_i32_0 : i32, i32, i32
  }
  func.func @transform_3(%arg0: i32) -> (i32, i32) {
    %c0_i32 = arith.constant 0 : i32
    %c0_i32_0 = arith.constant 0 : i32
    return %arg0, %c0_i32 : i32, i32
  }
}

module attributes {stable_mosaic.version = 14 : i64} {
  func.func @_stage_mid_body(%arg0: i32, %arg1: memref<2x1024x128xf32, #tpu.memory_space<vmem>>, %arg2: memref<1024x128xf32, #tpu.memory_space<vmem>>, %arg3: memref<2x1024x128xf32, #tpu.memory_space<vmem>>, %arg4: memref<1x128xf32, #tpu.memory_space<vmem>>, %arg5: memref<128x128xf32, #tpu.memory_space<vmem>>, %arg6: memref<1024x128xf32, #tpu.memory_space<vmem>>) attributes {dimension_semantics = [#tpu.dimension_semantics<arbitrary>], iteration_bounds = array<i64: 10>, scalar_prefetch = 0 : i64, scratch_operands = 0 : i64, tpu.core_type = #tpu.core_type<tc>, window_params = [{transform_indices = @transform_0, window_bounds = array<i64: 2, 1024, 128>}, {transform_indices = @transform_1, window_bounds = array<i64: 1024, 128>}, {transform_indices = @transform_2, window_bounds = array<i64: 2, 1024, 128>}, {pipeline_mode = #tpu.pipeline_mode<synchronous>, transform_indices = @transform_3, window_bounds = array<i64: 1, 128>}, {pipeline_mode = #tpu.pipeline_mode<synchronous>, transform_indices = @transform_4, window_bounds = array<i64: 128, 128>}, {transform_indices = @transform_5, window_bounds = array<i64: 1024, 128>}]} {
    %get3A = arith.constant 0 : index
    %get3A_0 = arith.constant 0 : index
    %get3A_1 = arith.constant 0 : index
    %get3A_2 = vector.load %arg3[%get3A, %get3A_0, %get3A_1] : memref<2x1024x128xf32, #tpu.memory_space<vmem>>, vector<2x1024x128xf32>
    %slice3A = vector.extract_strided_slice %get3A_2 {offsets = [0, 0, 0], sizes = [1, 1024, 1], strides = [1, 1, 1]} : vector<2x1024x128xf32> to vector<1x1024x1xf32>
    %squeeze3A = vector.shape_cast %slice3A : vector<1x1024x1xf32> to vector<1024xf32>
    %slice3A_3 = vector.extract_strided_slice %get3A_2 {offsets = [1, 0, 0], sizes = [1, 1024, 1], strides = [1, 1, 1]} : vector<2x1024x128xf32> to vector<1x1024x1xf32>
    %squeeze3A_4 = vector.shape_cast %slice3A_3 : vector<1x1024x1xf32> to vector<1024xf32>
    %add3A = arith.addf %squeeze3A, %squeeze3A_4 : vector<1024xf32>
    %add3A_5 = arith.constant 1.000000e+00 : f32
    %add3A_6 = vector.broadcast %add3A_5 : f32 to vector<1024xf32>
    %add3A_7 = arith.addf %add3A, %add3A_6 : vector<1024xf32>
    %rsqrt3A = math.rsqrt %add3A_7 : vector<1024xf32>
    %broadcast_in_dim3A = vector.shape_cast %rsqrt3A : vector<1024xf32> to vector<1024x1xf32>
    %get3A_8 = arith.constant 0 : index
    %get3A_9 = arith.constant 0 : index
    %get3A_10 = arith.constant 0 : index
    %get3A_11 = vector.load %arg1[%get3A_8, %get3A_9, %get3A_10] : memref<2x1024x128xf32, #tpu.memory_space<vmem>>, vector<1x1024x128xf32>
    %get3A_12 = vector.shape_cast %get3A_11 : vector<1x1024x128xf32> to vector<1024x128xf32>
    %get3A_13 = arith.constant 1 : index
    %get3A_14 = arith.constant 0 : index
    %get3A_15 = arith.constant 0 : index
    %get3A_16 = vector.load %arg1[%get3A_13, %get3A_14, %get3A_15] : memref<2x1024x128xf32, #tpu.memory_space<vmem>>, vector<1x1024x128xf32>
    %get3A_17 = vector.shape_cast %get3A_16 : vector<1x1024x128xf32> to vector<1024x128xf32>
    %add3A_18 = arith.addf %get3A_12, %get3A_17 : vector<1024x128xf32>
    %get3A_19 = arith.constant 0 : index
    %get3A_20 = arith.constant 0 : index
    %get3A_21 = vector.load %arg2[%get3A_19, %get3A_20] : memref<1024x128xf32, #tpu.memory_space<vmem>>, vector<1024x128xf32>
    %add3A_22 = arith.addf %add3A_18, %get3A_21 : vector<1024x128xf32>
    %mul3A = vector.broadcast %broadcast_in_dim3A : vector<1024x1xf32> to vector<1024x128xf32>
    %mul3A_23 = arith.mulf %add3A_22, %mul3A : vector<1024x128xf32>
    %get3A_24 = arith.constant 0 : index
    %get3A_25 = arith.constant 0 : index
    %get3A_26 = vector.load %arg4[%get3A_24, %get3A_25] : memref<1x128xf32, #tpu.memory_space<vmem>>, vector<1x128xf32>
    %add3A_27 = vector.broadcast %get3A_26 : vector<1x128xf32> to vector<1024x128xf32>
    %add3A_28 = arith.addf %mul3A_23, %add3A_27 : vector<1024x128xf32>
    %max3A = arith.constant 0.000000e+00 : f32
    %max3A_29 = vector.broadcast %max3A : f32 to vector<1024x128xf32>
    %max3A_30 = arith.maximumf %add3A_28, %max3A_29 : vector<1024x128xf32>
    %get3A_31 = arith.constant 0 : index
    %get3A_32 = arith.constant 0 : index
    %get3A_33 = vector.load %arg5[%get3A_31, %get3A_32] : memref<128x128xf32, #tpu.memory_space<vmem>>, vector<128x128xf32>
    %dot_general3A = arith.constant dense<0.000000e+00> : vector<1024x128xf32>
    %dot_general3A_34 = tpu.matmul %max3A_30, %get3A_33, %dot_general3A {dimension_numbers = #tpu.dot_dimension_numbers<[1], [0], [0], [1], [0, 0, 1, 1], [], []>, transpose_lhs_hint = false} : vector<1024x128xf32>, vector<128x128xf32>, vector<1024x128xf32> -> vector<1024x128xf32>
    %mul3A_35 = vector.broadcast %broadcast_in_dim3A : vector<1024x1xf32> to vector<1024x128xf32>
    %mul3A_36 = arith.mulf %dot_general3A_34, %mul3A_35 : vector<1024x128xf32>
    %swap3A = arith.constant 0 : index
    %swap3A_37 = arith.constant 0 : index
    %swap3A_38 = vector.load %arg6[%swap3A, %swap3A_37] : memref<1024x128xf32, #tpu.memory_space<vmem>>, vector<1024x128xf32>
    tpu.vector_store %arg6[%swap3A, %swap3A_37], %mul3A_36 {strides = array<i32>} : memref<1024x128xf32, #tpu.memory_space<vmem>>, vector<1024x128xf32>,
    return
  }
  func.func @transform_0(%arg0: i32) -> (i32, i32, i32) {
    %c0_i32 = arith.constant 0 : i32
    %c0_i32_0 = arith.constant 0 : i32
    %c0_i32_1 = arith.constant 0 : i32
    return %c0_i32, %arg0, %c0_i32_0 : i32, i32, i32
  }
  func.func @transform_1(%arg0: i32) -> (i32, i32) {
    %c0_i32 = arith.constant 0 : i32
    %c0_i32_0 = arith.constant 0 : i32
    return %arg0, %c0_i32 : i32, i32
  }
  func.func @transform_2(%arg0: i32) -> (i32, i32, i32) {
    %c0_i32 = arith.constant 0 : i32
    %c0_i32_0 = arith.constant 0 : i32
    %c0_i32_1 = arith.constant 0 : i32
    return %c0_i32, %arg0, %c0_i32_0 : i32, i32, i32
  }
  func.func @transform_3(%arg0: i32) -> (i32, i32) {
    %c0_i32 = arith.constant 0 : i32
    %c0_i32_0 = arith.constant 0 : i32
    %c0_i32_1 = arith.constant 0 : i32
    return %c0_i32, %c0_i32_0 : i32, i32
  }
  func.func @transform_4(%arg0: i32) -> (i32, i32) {
    %c0_i32 = arith.constant 0 : i32
    %c0_i32_0 = arith.constant 0 : i32
    %c0_i32_1 = arith.constant 0 : i32
    return %c0_i32, %c0_i32_0 : i32, i32
  }
  func.func @transform_5(%arg0: i32) -> (i32, i32) {
    %c0_i32 = arith.constant 0 : i32
    %c0_i32_0 = arith.constant 0 : i32
    return %arg0, %c0_i32 : i32, i32
  }
}

module attributes {stable_mosaic.version = 14 : i64} {
  func.func @_final_body(%arg0: i32, %arg1: memref<2x1024x128xf32, #tpu.memory_space<vmem>>, %arg2: memref<1024x128xf32, #tpu.memory_space<vmem>>, %arg3: memref<2x1024x128xf32, #tpu.memory_space<vmem>>, %arg4: memref<1x128xf32, #tpu.memory_space<vmem>>, %arg5: memref<1x1x1024xi32, #tpu.memory_space<vmem>>, %arg6: memref<128x19xf32, #tpu.memory_space<vmem>>, %arg7: memref<1x19xf32, #tpu.memory_space<vmem>>, %arg8: memref<64x19xf32, #tpu.memory_space<vmem>>, %arg9: memref<64x128xf32, #tpu.memory_space<vmem>>, %arg10: memref<64x128xf32, #tpu.memory_space<vmem>>) attributes {dimension_semantics = [#tpu.dimension_semantics<arbitrary>], iteration_bounds = array<i64: 10>, scalar_prefetch = 0 : i64, scratch_operands = 2 : i64, tpu.core_type = #tpu.core_type<tc>, window_params = [{transform_indices = @transform_0, window_bounds = array<i64: 2, 1024, 128>}, {transform_indices = @transform_1, window_bounds = array<i64: 1024, 128>}, {transform_indices = @transform_2, window_bounds = array<i64: 2, 1024, 128>}, {pipeline_mode = #tpu.pipeline_mode<synchronous>, transform_indices = @transform_3, window_bounds = array<i64: 1, 128>}, {transform_indices = @transform_4, window_bounds = array<i64: 1, 1, 1024>}, {pipeline_mode = #tpu.pipeline_mode<synchronous>, transform_indices = @transform_5, window_bounds = array<i64: 128, 19>}, {pipeline_mode = #tpu.pipeline_mode<synchronous>, transform_indices = @transform_6, window_bounds = array<i64: 1, 19>}, {pipeline_mode = #tpu.pipeline_mode<synchronous>, transform_indices = @transform_7, window_bounds = array<i64: 64, 19>}]} {
    %eq3A = arith.constant 0 : i32
    %eq3A_0 = arith.cmpi eq, %arg0, %eq3A : i32
    %convert_element_type3A = arith.extui %eq3A_0 : i1 to i32
    %cond3A = arith.constant 0 : i32
    %cond3A_1 = arith.cmpi ne, %convert_element_type3A, %cond3A : i32
    scf.if %cond3A_1 {
      %broadcast_in_dim3A_65 = arith.constant 0.000000e+00 : f32
      %broadcast_in_dim3A_66 = vector.broadcast %broadcast_in_dim3A_65 : f32 to vector<64x128xf32>
      %swap3A_67 = arith.constant 0 : index
      %swap3A_68 = arith.constant 0 : index
      %swap3A_69 = vector.load %arg9[%swap3A_67, %swap3A_68] : memref<64x128xf32, #tpu.memory_space<vmem>>, vector<64x128xf32>
      tpu.vector_store %arg9[%swap3A_67, %swap3A_68], %broadcast_in_dim3A_66 {strides = array<i32>} : memref<64x128xf32, #tpu.memory_space<vmem>>, vector<64x128xf32>,
      %broadcast_in_dim3A_70 = arith.constant 0.000000e+00 : f32
      %broadcast_in_dim3A_71 = vector.broadcast %broadcast_in_dim3A_70 : f32 to vector<64x128xf32>
      %swap3A_72 = arith.constant 0 : index
      %swap3A_73 = arith.constant 0 : index
      %swap3A_74 = vector.load %arg10[%swap3A_72, %swap3A_73] : memref<64x128xf32, #tpu.memory_space<vmem>>, vector<64x128xf32>
      tpu.vector_store %arg10[%swap3A_72, %swap3A_73], %broadcast_in_dim3A_71 {strides = array<i32>} : memref<64x128xf32, #tpu.memory_space<vmem>>, vector<64x128xf32>,
    } else {
    }
    %get3A = arith.constant 0 : index
    %get3A_2 = arith.constant 0 : index
    %get3A_3 = arith.constant 0 : index
    %get3A_4 = vector.load %arg3[%get3A, %get3A_2, %get3A_3] : memref<2x1024x128xf32, #tpu.memory_space<vmem>>, vector<2x1024x128xf32>
    %slice3A = vector.extract_strided_slice %get3A_4 {offsets = [0, 0, 0], sizes = [1, 1024, 1], strides = [1, 1, 1]} : vector<2x1024x128xf32> to vector<1x1024x1xf32>
    %squeeze3A = vector.shape_cast %slice3A : vector<1x1024x1xf32> to vector<1024xf32>
    %slice3A_5 = vector.extract_strided_slice %get3A_4 {offsets = [1, 0, 0], sizes = [1, 1024, 1], strides = [1, 1, 1]} : vector<2x1024x128xf32> to vector<1x1024x1xf32>
    %squeeze3A_6 = vector.shape_cast %slice3A_5 : vector<1x1024x1xf32> to vector<1024xf32>
    %add3A = arith.addf %squeeze3A, %squeeze3A_6 : vector<1024xf32>
    %add3A_7 = arith.constant 1.000000e+00 : f32
    %add3A_8 = vector.broadcast %add3A_7 : f32 to vector<1024xf32>
    %add3A_9 = arith.addf %add3A, %add3A_8 : vector<1024xf32>
    %rsqrt3A = math.rsqrt %add3A_9 : vector<1024xf32>
    %broadcast_in_dim3A = vector.shape_cast %rsqrt3A : vector<1024xf32> to vector<1024x1xf32>
    %get3A_10 = arith.constant 0 : index
    %get3A_11 = arith.constant 0 : index
    %get3A_12 = arith.constant 0 : index
    %get3A_13 = vector.load %arg1[%get3A_10, %get3A_11, %get3A_12] : memref<2x1024x128xf32, #tpu.memory_space<vmem>>, vector<1x1024x128xf32>
    %get3A_14 = vector.shape_cast %get3A_13 : vector<1x1024x128xf32> to vector<1024x128xf32>
    %get3A_15 = arith.constant 1 : index
    %get3A_16 = arith.constant 0 : index
    %get3A_17 = arith.constant 0 : index
    %get3A_18 = vector.load %arg1[%get3A_15, %get3A_16, %get3A_17] : memref<2x1024x128xf32, #tpu.memory_space<vmem>>, vector<1x1024x128xf32>
    %get3A_19 = vector.shape_cast %get3A_18 : vector<1x1024x128xf32> to vector<1024x128xf32>
    %add3A_20 = arith.addf %get3A_14, %get3A_19 : vector<1024x128xf32>
    %get3A_21 = arith.constant 0 : index
    %get3A_22 = arith.constant 0 : index
    %get3A_23 = vector.load %arg2[%get3A_21, %get3A_22] : memref<1024x128xf32, #tpu.memory_space<vmem>>, vector<1024x128xf32>
    %add3A_24 = arith.addf %add3A_20, %get3A_23 : vector<1024x128xf32>
    %mul3A = vector.broadcast %broadcast_in_dim3A : vector<1024x1xf32> to vector<1024x128xf32>
    %mul3A_25 = arith.mulf %add3A_24, %mul3A : vector<1024x128xf32>
    %get3A_26 = arith.constant 0 : index
    %get3A_27 = arith.constant 0 : index
    %get3A_28 = vector.load %arg4[%get3A_26, %get3A_27] : memref<1x128xf32, #tpu.memory_space<vmem>>, vector<1x128xf32>
    %add3A_29 = vector.broadcast %get3A_28 : vector<1x128xf32> to vector<1024x128xf32>
    %add3A_30 = arith.addf %mul3A_25, %add3A_29 : vector<1024x128xf32>
    %get3A_31 = arith.constant 0 : index
    %get3A_32 = arith.constant 0 : index
    %get3A_33 = arith.constant 0 : index
    %get3A_34 = vector.load %arg5[%get3A_31, %get3A_32, %get3A_33] : memref<1x1x1024xi32, #tpu.memory_space<vmem>>, vector<1x1x1024xi32>
    %get3A_35 = vector.shape_cast %get3A_34 : vector<1x1x1024xi32> to vector<1024xi32>
    %iota3A = tpu.iota {dimensions = array<i32: 0>} : vector<64x1xi32>
    %broadcast_in_dim3A_36 = vector.shape_cast %get3A_35 : vector<1024xi32> to vector<1x1024xi32>
    %eq3A_37 = vector.broadcast %broadcast_in_dim3A_36 : vector<1x1024xi32> to vector<64x1024xi32>
    %eq3A_38 = vector.broadcast %iota3A : vector<64x1xi32> to vector<64x1024xi32>
    %eq3A_39 = arith.cmpi eq, %eq3A_37, %eq3A_38 : vector<64x1024xi32>
    %convert_element_type3A_40 = arith.extui %eq3A_39 : vector<64x1024xi1> to vector<64x1024xi32>
    %convert_element_type3A_41 = arith.sitofp %convert_element_type3A_40 : vector<64x1024xi32> to vector<64x1024xf32>
    %get3A_42 = arith.constant 0 : index
    %get3A_43 = arith.constant 0 : index
    %get3A_44 = vector.load %arg9[%get3A_42, %get3A_43] : memref<64x128xf32, #tpu.memory_space<vmem>>, vector<64x128xf32>
    %dot_general3A = arith.constant dense<0.000000e+00> : vector<64x128xf32>
    %dot_general3A_45 = tpu.matmul %convert_element_type3A_41, %add3A_30, %dot_general3A {dimension_numbers = #tpu.dot_dimension_numbers<[1], [0], [0], [1], [0, 0, 1, 1], [], []>, transpose_lhs_hint = false} : vector<64x1024xf32>, vector<1024x128xf32>, vector<64x128xf32> -> vector<64x128xf32>
    %add3A_46 = arith.addf %get3A_44, %dot_general3A_45 : vector<64x128xf32>
    %swap3A = arith.constant 0 : index
    %swap3A_47 = arith.constant 0 : index
    %swap3A_48 = vector.load %arg9[%swap3A, %swap3A_47] : memref<64x128xf32, #tpu.memory_space<vmem>>, vector<64x128xf32>
    tpu.vector_store %arg9[%swap3A, %swap3A_47], %add3A_46 {strides = array<i32>} : memref<64x128xf32, #tpu.memory_space<vmem>>, vector<64x128xf32>,
    %get3A_49 = arith.constant 0 : index
    %get3A_50 = arith.constant 0 : index
    %get3A_51 = vector.load %arg10[%get3A_49, %get3A_50] : memref<64x128xf32, #tpu.memory_space<vmem>>, vector<64x128xf32>
    %reduce_sum3A = arith.constant dense<0.000000e+00> : vector<64xf32>
    %reduce_sum3A_52 = vector.multi_reduction <add>, %convert_element_type3A_41, %reduce_sum3A [1] : vector<64x1024xf32> to vector<64xf32>
    %broadcast_in_dim3A_53 = vector.shape_cast %reduce_sum3A_52 : vector<64xf32> to vector<64x1xf32>
    %broadcast_in_dim3A_54 = vector.shape_cast %broadcast_in_dim3A_53 : vector<64x1xf32> to vector<64x1xf32>
    %broadcast_in_dim3A_55 = vector.broadcast %broadcast_in_dim3A_54 : vector<64x1xf32> to vector<64x128xf32>
    %add3A_56 = arith.addf %get3A_51, %broadcast_in_dim3A_55 : vector<64x128xf32>
    %swap3A_57 = arith.constant 0 : index
    %swap3A_58 = arith.constant 0 : index
    %swap3A_59 = vector.load %arg10[%swap3A_57, %swap3A_58] : memref<64x128xf32, #tpu.memory_space<vmem>>, vector<64x128xf32>
    tpu.vector_store %arg10[%swap3A_57, %swap3A_58], %add3A_56 {strides = array<i32>} : memref<64x128xf32, #tpu.memory_space<vmem>>, vector<64x128xf32>,
    %eq3A_60 = arith.constant 9 : i32
    %eq3A_61 = arith.cmpi eq, %arg0, %eq3A_60 : i32
    %convert_element_type3A_62 = arith.extui %eq3A_61 : i1 to i32
    %cond3A_63 = arith.constant 0 : i32
    %cond3A_64 = arith.cmpi ne, %convert_element_type3A_62, %cond3A_63 : i32
    scf.if %cond3A_64 {
      %get3A_65 = arith.constant 0 : index
      %get3A_66 = arith.constant 0 : index
      %get3A_67 = vector.load %arg9[%get3A_65, %get3A_66] : memref<64x128xf32, #tpu.memory_space<vmem>>, vector<64x128xf32>
      %get3A_68 = arith.constant 0 : index
      %get3A_69 = arith.constant 0 : index
      %get3A_70 = vector.load %arg10[%get3A_68, %get3A_69] : memref<64x128xf32, #tpu.memory_space<vmem>>, vector<64x128xf32>
      %jit3A = arith.constant 1.000000e+00 : f32
      %max3A = vector.broadcast %jit3A : f32 to vector<64x128xf32>
      %max3A_71 = arith.maximumf %max3A, %get3A_70 : vector<64x128xf32>
      %div3A = arith.divf %get3A_67, %max3A_71 : vector<64x128xf32>
      %get3A_72 = arith.constant 0 : index
      %get3A_73 = arith.constant 0 : index
      %get3A_74 = vector.load %arg6[%get3A_72, %get3A_73] : memref<128x19xf32, #tpu.memory_space<vmem>>, vector<128x19xf32>
      %dot_general3A_75 = arith.constant dense<0.000000e+00> : vector<64x19xf32>
      %dot_general3A_76 = tpu.matmul %div3A, %get3A_74, %dot_general3A_75 {dimension_numbers = #tpu.dot_dimension_numbers<[1], [0], [0], [1], [0, 0, 1, 1], [], []>, transpose_lhs_hint = false} : vector<64x128xf32>, vector<128x19xf32>, vector<64x19xf32> -> vector<64x19xf32>
      %get3A_77 = arith.constant 0 : index
      %get3A_78 = arith.constant 0 : index
      %get3A_79 = vector.load %arg7[%get3A_77, %get3A_78] : memref<1x19xf32, #tpu.memory_space<vmem>>, vector<1x19xf32>
      %add3A_80 = vector.broadcast %get3A_79 : vector<1x19xf32> to vector<64x19xf32>
      %add3A_81 = arith.addf %dot_general3A_76, %add3A_80 : vector<64x19xf32>
      %swap3A_82 = arith.constant 0 : index
      %swap3A_83 = arith.constant 0 : index
      %swap3A_84 = vector.load %arg8[%swap3A_82, %swap3A_83] : memref<64x19xf32, #tpu.memory_space<vmem>>, vector<64x19xf32>
      tpu.vector_store %arg8[%swap3A_82, %swap3A_83], %add3A_81 {strides = array<i32>} : memref<64x19xf32, #tpu.memory_space<vmem>>, vector<64x19xf32>,
    } else {
    }
    return
  }
  func.func @transform_0(%arg0: i32) -> (i32, i32, i32) {
    %c0_i32 = arith.constant 0 : i32
    %c0_i32_0 = arith.constant 0 : i32
    %c0_i32_1 = arith.constant 0 : i32
    return %c0_i32, %arg0, %c0_i32_0 : i32, i32, i32
  }
  func.func @transform_1(%arg0: i32) -> (i32, i32) {
    %c0_i32 = arith.constant 0 : i32
    %c0_i32_0 = arith.constant 0 : i32
    return %arg0, %c0_i32 : i32, i32
  }
  func.func @transform_2(%arg0: i32) -> (i32, i32, i32) {
    %c0_i32 = arith.constant 0 : i32
    %c0_i32_0 = arith.constant 0 : i32
    %c0_i32_1 = arith.constant 0 : i32
    return %c0_i32, %arg0, %c0_i32_0 : i32, i32, i32
  }
  func.func @transform_3(%arg0: i32) -> (i32, i32) {
    %c0_i32 = arith.constant 0 : i32
    %c0_i32_0 = arith.constant 0 : i32
    %c0_i32_1 = arith.constant 0 : i32
    return %c0_i32, %c0_i32_0 : i32, i32
  }
  func.func @transform_4(%arg0: i32) -> (i32, i32, i32) {
    %c0_i32 = arith.constant 0 : i32
    %c0_i32_0 = arith.constant 0 : i32
    %c0_i32_1 = arith.constant 0 : i32
    return %arg0, %c0_i32, %c0_i32_0 : i32, i32, i32
  }
  func.func @transform_5(%arg0: i32) -> (i32, i32) {
    %c0_i32 = arith.constant 0 : i32
    %c0_i32_0 = arith.constant 0 : i32
    %c0_i32_1 = arith.constant 0 : i32
    return %c0_i32, %c0_i32_0 : i32, i32
  }
  func.func @transform_6(%arg0: i32) -> (i32, i32) {
    %c0_i32 = arith.constant 0 : i32
    %c0_i32_0 = arith.constant 0 : i32
    %c0_i32_1 = arith.constant 0 : i32
    return %c0_i32, %c0_i32_0 : i32, i32
  }
  func.func @transform_7(%arg0: i32) -> (i32, i32) {
    %c0_i32 = arith.constant 0 : i32
    %c0_i32_0 = arith.constant 0 : i32
    %c0_i32_1 = arith.constant 0 : i32
    return %c0_i32, %c0_i32_0 : i32, i32
  }
}

</mosaic_0001>

<sc_bundles>
// kernel: kernel.10.cloned.1.call-start
scs
__scs_entry_jumppad:
0x0: {  	(pc) =	sbr.rel $0x88, $3  }
0x1: {  	(tag) =	ssettag $0x0;
	lr =	simm.s32 $0x1  }
0x2: {  	[smem:$0x3F96] =	sst lr;
	_ =	strace $0xD0000000  }
0x3: {  	_ = 	snop  }
0x4: {  	_ = 	snop  }
0x5: {  	_ = 	snop  }
0x6: {  	_ = 	snop  }
0x7: {  	_ = 	snop  }
__scs_overlays_trampoline_lowered:
0x8: {  	[smem:$0x3FA5] =	sst s0  }
0x9: {  	[smem:$0x3FA6] =	sst s1  }
0xa: {  	[smem:$0x3FA7] =	sst s2  }
0xb: {  	[smem:$0x3FA8] =	sst s3  }
0xc: {  	[smem:$0x3FA9] =	sst s4  }
0xd: {  	[smem:$0x3FAA] =	sst s5  }
0xe: {  	[smem:$0x3FAB] =	sst s6  }
0xf: {  	[smem:$0x3FAC] =	sst s7  }
0x10: {  	[smem:$0x3FAD] =	sst s8  }
0x11: {  	[smem:$0x3FAE] =	sst s9;
	s0 =	simm.s32 @!p0 $0x0  }
0x12: {  	s1 =	sld [smem:$0x3F94];
	s0 =	simm.s32 @p0 $0x1  }
0x13: {  	[smem:$0x3FAF] =	sst s0;
	s0 =	simm.s32 @!p1 $0x0  }
0x14: {  	s2 =	sld [smem:$0x3F93];
	s0 =	simm.s32 @p1 $0x1  }
0x15: {  	[smem:$0x3FB0] =	sst s0;
	s0 =	simm.s32 @!p2 $0x0  }
0x16: {  	s3 =	sld [smem:$0x3FDB];
	s0 =	simm.s32 @p2 $0x1  }
0x17: {  	s4 =	simm.s32 $0x1BF5;
	[smem:$0x3FB2] =	sst s0  }
0x18: {  	s0 =	sld [smem:$0x3F95];
	_ =	swait.ge [sflag:s4], $0x0  }
0x19: {  	s7 =	sld [smem:$0x3F96]  }
0x1a: {  	s8 =	sadd.s32 $0xFFFFE003, lr  }
0x1b: {  	s9 =	sadd.s32 $0xFFFFFEF7, lr;
	s5 =	simm.s32 $0xFFFFFFFF;
	p2 =	slt.u32 s8, $0xFFFFF086  }
0x1c: {  	p1 =	slt.u32 s9, $0xF7A;
	s5 =	simm.s32 @!p2 $0x0  }
0x1d: {  	s5 =	simm.s32 @p1 $0x1;
	p0 =	seq.s32 s7, s2  }
0x1e: {  	s7 =	smul.u32 @!p0 $0xF7A, s2;
	p2 =	seq.s32 @!p0 s5, $0x0  }
0x1f: {  	s9 =	smul.u32 $0xF7A, s1;
	s8 =	simm.s32 @!p0 $0x1BF5;
	p2 =	por !p2, p0  }
0x20: {  	[sflag:s8] =	ssyncset.s32 @!p0 $0xFFFFF086;
	s6 =	sadd.s32 @!p0 s3, s7;
	s7 =	simm.s32 @!p0 $0x108  }
0x21: {  	s3 =	sadd.s32 s3, s9;
	s6 =	sadd.s32 @!p0 $0x88, s6;
	s7 =	simm.s32 @p2 $0x1082  }
0x22: {  	[simem:s7], [sflag:s8] =	dma.local @!p0 [hbm:s6], $0xF7A  }
0x23: {  	s9 =	sor.u32 $0xD0000000, s2;
	s6 =	simm.s32 $0x108;
	_ =	swait.ge @!p0 [sflag:s8], $0x0  }
0x24: {  	s3 =	sadd.s32 $0x88, s3;
	s6 =	simm.s32 @!p1 $0x1082;
	[sflag:s4] =	ssyncset.s32 $0xFFFFF086  }
0x25: {  	[simem:s6], [sflag:s4] =	dma.local [hbm:s3], $0xF7A  }
0x26: {  	[smem:$0x3F96] =	sst s1;
	(tag) =	ssettag s2;
	_ =	strace s9  }
0x27: {  	s1 =	sld [smem:$0x3FA6]  }
0x28: {  	s2 =	sld [smem:$0x3FA7]  }
0x29: {  	s4 =	sld [smem:$0x3FA9]  }
0x2a: {  	p0 =	seq.s32 s5, $0x0;
	s5 =	sld [smem:$0x3FAA]  }
0x2b: {  	s6 =	sld [smem:$0x3FAB]  }
0x2c: {  	s7 =	sld [smem:$0x3FAC]  }
0x2d: {  	s3 =	simm.s32 $0x108;
	s8 =	sld [smem:$0x3FAD]  }
0x2e: {  	s3 =	simm.s32 @!p0 $0x1082;
	s9 =	sld [smem:$0x3FAE]  }
0x2f: {  	lr =	sadd.s32 s0, s3;
	s0 =	sld [smem:$0x3FA5]  }
0x30: {  	s3 =	sld [smem:$0x3FA8]  }
0x31: {  	[smem:$0x3FB1] =	sst s10  }
0x32: {  	s10 =	sld [smem:$0x3FAF];
	_ =	sdelay $0x3  }
0x33: {  	p0 =	seq.s32 s10, $0x1;
	s10 =	sld [smem:$0x3FB1];
	_ =	sdelay $0x3  }
0x34: {  	[smem:$0x3FB1] =	sst s10  }
0x35: {  	s10 =	sld [smem:$0x3FB0];
	_ =	sdelay $0x3  }
0x36: {  	p1 =	seq.s32 s10, $0x1;
	s10 =	sld [smem:$0x3FB1];
	_ =	sdelay $0x3  }
0x37: {  	[smem:$0x3FB1] =	sst s10  }
0x38: {  	s10 =	sld [smem:$0x3FB2]  }
0x39: {  	_ = 	snop;
	(pc) =	sbr.ind lr, $3  }
0x3a: {  	_ = 	snop  }
0x3b: {  	_ = 	snop  }
0x3c: {  	p2 =	seq.s32 s10, $0x1;
	s10 =	sld [smem:$0x3FB1]  }
0x3d: {  	_ =	shalt  }
0x3e: {  	_ =	shalt  }
0x3f: {  	_ =	shalt  }
0x40: {  	_ =	shalt  }
0x41: {  	_ =	shalt  }
0x42: {  	_ =	shalt  }
0x43: {  	_ =	shalt  }
0x44: {  	_ =	shalt  }
0x45: {  	_ =	shalt  }
0x46: {  	_ =	shalt  }
0x47: {  	_ =	shalt  }
0x48: {  	_ =	shalt  }
0x49: {  	_ =	shalt  }
0x4a: {  	_ =	shalt  }
0x4b: {  	_ =	shalt  }
0x4c: {  	_ =	shalt  }
0x4d: {  	_ =	shalt  }
0x4e: {  	_ =	shalt  }
0x4f: {  	_ =	shalt  }
0x50: {  	_ =	shalt  }
0x51: {  	_ =	shalt  }
0x52: {  	_ =	shalt  }
0x53: {  	_ =	shalt  }
0x54: {  	_ =	shalt  }
0x55: {  	_ =	shalt  }
0x56: {  	_ =	shalt  }
0x57: {  	_ =	shalt  }
0x58: {  	_ =	shalt  }
0x59: {  	_ =	shalt  }
0x5a: {  	_ =	shalt  }
0x5b: {  	_ =	shalt  }
0x5c: {  	_ =	shalt  }
0x5d: {  	_ =	shalt  }
0x5e: {  	_ =	shalt  }
0x5f: {  	_ =	shalt  }
0x60: {  	_ =	shalt  }
0x61: {  	_ =	shalt  }
0x62: {  	_ =	shalt  }
0x63: {  	_ =	shalt  }
0x64: {  	_ =	shalt  }
0x65: {  	_ =	shalt  }
0x66: {  	_ =	shalt  }
0x67: {  	_ =	shalt  }
0x68: {  	_ =	shalt  }
0x69: {  	_ =	shalt  }
0x6a: {  	_ =	shalt  }
0x6b: {  	_ =	shalt  }
0x6c: {  	_ =	shalt  }
0x6d: {  	_ =	shalt  }
0x6e: {  	_ =	shalt  }
0x6f: {  	_ =	shalt  }
0x70: {  	_ =	shalt  }
0x71: {  	_ =	shalt  }
0x72: {  	_ =	shalt  }
0x73: {  	_ =	shalt  }
0x74: {  	_ =	shalt  }
0x75: {  	_ =	shalt  }
0x76: {  	_ =	shalt  }
0x77: {  	_ =	shalt  }
0x78: {  	_ =	shalt  }
0x79: {  	_ =	shalt  }
0x7a: {  	_ =	shalt  }
0x7b: {  	_ =	shalt  }
0x7c: {  	_ =	shalt  }
0x7d: {  	_ =	shalt  }
0x7e: {  	_ =	shalt  }
0x7f: {  	_ =	shalt  }
0x80: {  	_ =	shalt  }
0x81: {  	_ =	shalt  }
0x82: {  	_ =	shalt  }
0x83: {  	_ =	shalt  }
0x84: {  	_ =	shalt  }
0x85: {  	_ =	shalt  }
0x86: {  	_ =	shalt  }
0x87: {  	_ =	shalt  }
.Lfunc_end0:
.L_simem_size_0:
called_computation_lowered:
.L_overlay_start_0:
0x88: {  	s2 =	sld [smem:$0x3FD9]  }
0x89: {  	s3 =	sld [smem:$0x3FFE];
	_ =	sdelay $0x1  }
0x8a: {  	s1 =	srdreg.scid  }
0x8b: {  	s0 =	sand.u32 $0x1, s1  }
0x8c: {  	s16 =	sshll.u32 s0, $0xA;
	s2 =	sadd.s32 s3, s2  }
0x8d: {  	s2 =	sadd.s32 s2, s16  }
0x8e: {  	[smem:$0x3FBD] =	sst s2  }
0x8f: {  	_ = 	snop  }
0x90: {  	(tm) =	ssettm $0x1  }
0x91: {  	s17 =	sld [smem:$0x3FFB];
	_ =	sdelay $0x3  }
0x92: {  	_ =	strace s17  }
0x93: {  	s2 =	sld [smem:$0x3FFC];
	_ =	sdelay $0x3  }
0x94: {  	_ =	strace s2  }
0x95: {  	s2 =	sld [smem:$0x3FFD];
	_ =	sdelay $0x3  }
0x96: {  	_ =	strace s2  }
0x97: {  	_ =	strace $0x8FFFFFFF  }
0x98: {  	s18 =	sld [smem:$0x3FDB];
	_ =	sdelay $0x1  }
0x99: {  	s19 =	simm.s32 $_scs_section_size  }
0x9a: {  	s4 =	simm.s32 $_size__tile_overlayer_lowered;
	s5 =	simm.s32 $_tile_overlayer_lowered  }
0x9b: {  	s22 =	simm.s32 $0x1BFF;
	s21 =	sshll.u32 s5, $0x1;
	s2 =	sadd.s32 s19, s18  }
0x9c: {  	s6 =	simm.s32 $0x0;
	s20 =	sshll.u32 s4, $0x1;
	s4 =	sadd.s32 s21, s2  }
0x9d: {  	[timem:s6], [sflag:s22] =	dma.local [hbm:s4], s20  }
0x9e: {  	_ =	swait.ge [sflag:s22], s20  }
0x9f: {  	s3 =	ssub.s32 $0x0, s20;
	[sflag:s22] =	ssyncset.done $0x0  }
0xa0: {  	[sflag:s22] =	ssyncadd.s32 s3;
	_ =	sdelay $0x1  }
0xa1: {  	s23 =	simm.s32 $0x1B8B  }
0xa2: {  	_ =	swait.ge [sflag:s23], $0x1  }
0xa3: {  	[sflag:s23] =	ssyncset.done $0x0  }
0xa4: {  	s25 =	simm.s32 $0x1B8E;
	s24 =	sld [smem:$0x3FFE];
	[sflag:s23] =	ssyncadd.s32 $0xFFFFFFFF  }
0xa5: {  	s26 =	simm.s32 $execute0_lowered;
	[smem:$0x3FD2] =	sst s25  }
0xa6: {  	s4 =	sshll.u32 s26, $0x1;
	_ =	strace $0x80000046;
	[dreg:$0x1] =	wrdreg $0xFFFFFFFF  }
0xa7: {  	s28 =	simm.s32 $_size_execute0_lowered;
	s2 =	sadd.s32 s2, s4;
	[dreg:$0x0] =	wrdreg $0x0  }
0xa8: {  	s4 =	sshll.u32 s28, $0x1;
	[dreg:$0x2] =	wrdreg s2  }
0xa9: {  	[dreg:$0x3] =	wrdreg s4  }
0xaa: {  	[dreg:$0x4] =	wrdreg $0xC0  }
0xab: {  	_ =	task [dreg:s6], $0x5FFFF  }
0xac: {  	[dreg:$0x1] =	wrdreg $0xFFFFFFFF  }
0xad: {  	[dreg:$0x0] =	wrdreg $0x60  }
0xae: {  	[dreg:$0x2] =	wrdreg s24  }
0xaf: {  	[dreg:$0x3] =	wrdreg $0x0  }
0xb0: {  	[dreg:$0x4] =	wrdreg $0x9  }
0xb1: {  	_ =	task.clear_ibuf [dreg:s6], $0x5FFFF;
	_ =	strace $0x90000046  }
0xb2: {  	s29 =	simm.s32 $0x9;
	_ =	strace $0x80000048  }
0xb3: {  	_ =	swait.ge [sflag:s29], $0x1  }
0xb4: {  	[sflag:s29] =	ssyncadd.s32 $0xFFFFFFFF  }
0xb5: {  	_ =	strace $0x90000048  }
0xb6: {  	_ =	sfence  }
0xb7: {  	s30 =	sld [smem:$0x0];
	_ =	sdelay $0x2  }
0xb8: {  	s31 =	sshll.u32 s1, $0xD;
	s1 =	sshrl.u32 s1, $0x2  }
0xb9: {  	s3 =	sand.u32 $0x4000, s31;
	s1 =	sadd.s32 s1, s30  }
0xba: {  	s0 =	sor.u32 s3, s0;
	s1 =	sshll.u32 s1, $0x11  }
0xbb: {  	s0 =	sor.u32 s1, s0  }
0xbc: {  	s0 =	sadd.s32 $0x8F2B, s0  }
0xbd: {  	[sflag:s0] =	ssyncadd.remote.s32 $0x1  }
0xbe: {  	_ =	sfence.sel $0xFFFF  }
0xbf: {  	[dreg:$0x0] =	wrdreg $0xFFFFFFFF;
	(pc) =	sbr.abs _section_cstart, $3  }
0xc0: {  	[dreg:$0x1] =	wrdreg $0xFFFFFFFF  }
0xc1: {  	_ =	task.clear_ibuf [dreg:s6], $0x2FFFF;
	_ =	strace $0x9FFFFFFF  }
0xc2: {  	(tm) =	ssettm $0x7FFFFFFF  }
0xc3: {  	_ =	shalt  }
tec
execute0_lowered:
.L_overlay_start_1:
0x0: {  	(tag) =	ssettag $0x1  }
0x1: {  	s0 =	rddreg [dreg:$0x0]  }
0x2: {  	s1 =	rddreg [dreg:$0x1];
	s2 =	simm.s32 $0x0;
	s3 =	srdreg.scid  }
0x3: {  	s19 =	stileid.u32;
	s30 =	simm.s32 $0x3;
	s31 =	simm.s32 $0x7  }
0x4: {  	[smem:$0x7FF] =	sst s2;
	s4 =	sadd.s32 $0xD400, s0;
	s3 =	sand.u32 $0x1, s3  }
0x5: {  	s8 =	smul.u32 $0x280, s19;
	s9 =	sadd.s32 $0x17E00, s0;
	_ =	strace $0x80000047  }
0x6: {  	s5 =	ssub.s32 $0x2, s3;
	s6 =	sshll.u32 s3, $0x4;
	s23 =	smul.u32 $0x2800, s3  }
0x7: {  	s3 =	smul.u32 $0x27100, s3;
	s7 =	sshrl.u32 s5, $0x1;
	s6 =	sor.u32 s19, s6  }
0x8: {  	s10 =	sor.u32 $0x50, s8;
	s11 =	sadd.s32 $0xA0, s8;
	s12 =	sadd.s32 $0xF0, s8  }
0x9: {  	s13 =	sadd.s32 $0x140, s8;
	s14 =	sadd.s32 $0x190, s8;
	s15 =	sadd.s32 $0x1E0, s8  }
0xa: {  	s5 =	ssub.s32 s5, s7;
	s6 =	smul.u32 $0x2710, s6;
	s16 =	sadd.s32 s23, s8  }
0xb: {  	s17 =	sadd.s32 s23, s10;
	s8 =	sadd.s32 $0x230, s8;
	s25 =	sadd.s32 s23, s11  }
0xc: {  	s26 =	sadd.s32 s23, s12;
	s18 =	sadd.s32 s23, s13;
	s21 =	sadd.s32 s23, s14  }
0xd: {  	s22 =	sadd.s32 s23, s15;
	s16 =	sshll.u32 s16, $0x4;
	s17 =	sshll.u32 s17, $0x4  }
0xe: {  	s18 =	sshll.u32 s18, $0x4;
	s7 =	sadd.s32 s23, s8;
	s23 =	smul.u32 $0x2710, s19  }
0xf: {  	s8 =	sshll.u32 s8, $0x7;
	s16 =	sadd.s32 s9, s16;
	s24 =	sadd.s32 s9, s17  }
0x10: {  	s17 =	sshll.u32 s26, $0x4;
	s20 =	sadd.s32 s9, s18;
	[dreg:$0x3] =	wrdreg s16  }
0x11: {  	s7 =	sshll.u32 s7, $0x4;
	s26 =	sadd.s32 $0x17800, s0;
	[dreg:$0x4] =	wrdreg s24  }
0x12: {  	s0 =	sadd.s32 $0x17200, s0;
	s16 =	sshll.u32 s25, $0x4;
	[dreg:$0x7] =	wrdreg s20  }
0x13: {  	s7 =	sadd.s32 s9, s7;
	s25 =	smul.u32 $0x50000, s19;
	[dreg:$0xb] =	wrdreg s26  }
0x14: {  	s3 =	sadd.s32 s23, s3;
	[dreg:$0xc] =	wrdreg s0;
	s23 =	smax.u32 s5, $0x1  }
0x15: {  	s26 =	sshll.u32 s13, $0x7;
	s16 =	sadd.s32 s9, s16;
	[dreg:$0xa] =	wrdreg s7  }
0x16: {  	[dreg:$0xe] =	wrdreg s23;
	s29 =	sadd.s32 s26, s1;
	s7 =	sshll.u32 s15, $0x7  }
0x17: {  	s23 =	sadd.s32 s8, s1;
	s13 =	sadd.s32 $0x140, s3;
	[dreg:$0x5] =	wrdreg s16  }
0x18: {  	s8 =	simm.s32 $0x14180;
	s16 =	sadd.s32 s9, s17;
	[dreg:$0x15] =	wrdreg s13  }
0x19: {  	s17 =	sshll.u32 s22, $0x4;
	s22 =	sshll.u32 s10, $0x7;
	[dreg:$0xf] =	wrdreg s29  }
0x1a: {  	s10 =	sadd.s32 $0x230, s3;
	s13 =	simm.s32 $0x5;
	[dreg:$0x13] =	wrdreg s23  }
0x1b: {  	[dreg:$0x6] =	wrdreg s16;
	s16 =	sshll.u32 s21, $0x4;
	s24 =	sadd.s32 s9, s17  }
0x1c: {  	s21 =	sshrl.u32 s25, $0x2;
	s19 =	sadd.s32 s22, s1;
	s25 =	sshll.u32 s12, $0x7  }
0x1d: {  	s22 =	sadd.s32 s7, s1;
	s12 =	sadd.s32 $0x190, s3;
	s0 =	sshrl.u32 s10, $0x3  }
0x1e: {  	s7 =	simm.s32 $0x14100;
	s10 =	simm.s32 $0x9;
	s16 =	sadd.s32 s9, s16  }
0x1f: {  	[dreg:$0x9] =	wrdreg s24;
	s18 =	sadd.s32 s21, s1;
	s24 =	sshll.u32 s11, $0x7  }
0x20: {  	s11 =	sadd.s32 $0x1E0, s3;
	s9 =	simm.s32 $0x14200;
	[dreg:$0x12] =	wrdreg s22  }
0x21: {  	s3 =	simm.s32 $0x8;
	[dreg:$0x8] =	wrdreg s16;
	s16 =	sshrl.u32 s6, $0x3  }
0x22: {  	s20 =	sadd.s32 s24, s1;
	s24 =	sadd.s32 s25, s1;
	s6 =	sshll.u32 s14, $0x7  }
0x23: {  	s5 =	sshrl.u32 s11, $0x3;
	s25 =	sadd.s32 s0, s4;
	[dreg:$0x11] =	wrdreg s24  }
0x24: {  	s11 =	simm.s32 $0x1;
	s17 =	sadd.s32 s4, s16;
	[dreg:$0x14] =	wrdreg s20  }
0x25: {  	s0 =	simm.s32 $0x4;
	s21 =	sadd.s32 s6, s1;
	[dreg:$0xd] =	wrdreg s17  }
0x26: {  	s6 =	sshrl.u32 s12, $0x3;
	s14 =	sadd.s32 $0xA, s17;
	[dreg:$0x10] =	wrdreg s21  }
0x27: {  	s26 =	sadd.s32 s5, s4;
	s15 =	sadd.s32 $0x14, s17;
	[dreg:$0x16] =	wrdreg s14  }
0x28: {  	s5 =	simm.s32 $0x14000;
	s16 =	sadd.s32 $0x1E, s17;
	[dreg:$0x17] =	wrdreg s15  }
0x29: {  	s12 =	simm.s32 $0x50;
	s17 =	sadd.s32 $0x4D8, s17;
	[dreg:$0x18] =	wrdreg s16  }
0x2a: {  	s28 =	sadd.s32 s6, s4;
	s6 =	simm.s32 $0x14080;
	[dreg:$0x19] =	wrdreg s17  }
0x2b: {  	s14 =	simm.s32 $0x2;
	s17 =	simm.s32 $0x6;
	s15 =	simm.s32 $0x0  }
.LBB2_1:
0x2c: {  	s16 =	rddreg [dreg:$0xd]  }
0x2d: {  	[tilespmem:s5], [sflag:$0x1] =	stream.linear.gather [hbm4b:s16+s2], $0x50, $0x38;
	[tilespmem:$0x16A00] =	vst v63  }
0x2e: {  	s16 =	rddreg [dreg:$0x16]  }
0x2f: {  	[tilespmem:s6], [sflag:$0x2] =	stream.linear.gather [hbm4b:s16+s2], $0x50, $0x38;
	[tilespmem:$0x16A00] =	vst v63  }
0x30: {  	s16 =	rddreg [dreg:$0x17]  }
0x31: {  	[tilespmem:s7], [sflag:$0x3] =	stream.linear.gather [hbm4b:s16+s2], $0x50, $0x38;
	[tilespmem:$0x16A00] =	vst v63  }
0x32: {  	s16 =	rddreg [dreg:$0x18]  }
0x33: {  	[tilespmem:s8], [sflag:$0x4] =	stream.linear.gather [hbm4b:s16+s2], $0x50, $0x38;
	[tilespmem:$0x16A00] =	vst v63  }
0x34: {  	s16 =	rddreg [dreg:$0xc]  }
0x35: {  	[tilespmem:s9], [sflag:$0x9] =	stream.linear.gather [hbm4b:s16+s2], $0x2800, $0x38;
	[tilespmem:$0x16A00] =	vst v63  }
0x36: {  	_ =	swait.ge [sflag:s10], $0x2800  }
0x37: {  	[sflag:s10] =	ssyncset.done $0x0  }
0x38: {  	[sflag:s10] =	ssyncadd.s32 $0xFFFFD800  }
0x39: {  	[spmem:s18] =	stream.linear.scatter [tilespmem:s9], [sflag:$0x9], $0x2800, $0x38;
	[tilespmem:$0x16A00] =	vst v63  }
0x3a: {  	_ =	swait.ge [sflag:s10], $0x2800  }
0x3b: {  	[sflag:s10] =	ssyncset.done $0x0  }
0x3c: {  	[sflag:s10] =	ssyncadd.s32 $0xFFFFD800  }
0x3d: {  	[spmem:s19] =	stream.linear.scatter [tilespmem:s9], [sflag:$0x9], $0x2800, $0x38;
	[tilespmem:$0x16A00] =	vst v63  }
0x3e: {  	_ =	swait.ge [sflag:s10], $0x2800  }
0x3f: {  	[sflag:s10] =	ssyncset.done $0x0  }
0x40: {  	[sflag:s10] =	ssyncadd.s32 $0xFFFFD800  }
0x41: {  	[spmem:s20] =	stream.linear.scatter [tilespmem:s9], [sflag:$0x9], $0x2800, $0x38;
	[tilespmem:$0x16A00] =	vst v63  }
0x42: {  	_ =	swait.ge [sflag:s10], $0x2800  }
0x43: {  	[sflag:s10] =	ssyncset.done $0x0  }
0x44: {  	s16 =	smov.u32 s24;
	[sflag:s10] =	ssyncadd.s32 $0xFFFFD800  }
0x45: {  	[spmem:s16] =	stream.linear.scatter [tilespmem:s9], [sflag:$0x9], $0x2800, $0x38;
	[tilespmem:$0x16A00] =	vst v63  }
0x46: {  	_ =	swait.ge [sflag:s10], $0x2800  }
0x47: {  	[sflag:s10] =	ssyncset.done $0x0  }
0x48: {  	[sflag:s10] =	ssyncadd.s32 $0xFFFFD800  }
0x49: {  	[spmem:s29] =	stream.linear.scatter [tilespmem:s9], [sflag:$0x9], $0x2800, $0x38;
	[tilespmem:$0x16A00] =	vst v63  }
0x4a: {  	_ =	swait.ge [sflag:s10], $0x2800  }
0x4b: {  	[sflag:s10] =	ssyncset.done $0x0  }
0x4c: {  	[sflag:s10] =	ssyncadd.s32 $0xFFFFD800  }
0x4d: {  	[spmem:s21] =	stream.linear.scatter [tilespmem:s9], [sflag:$0x9], $0x2800, $0x38;
	[tilespmem:$0x16A00] =	vst v63  }
0x4e: {  	_ =	swait.ge [sflag:s10], $0x2800  }
0x4f: {  	[sflag:s10] =	ssyncset.done $0x0  }
0x50: {  	s24 =	smov.u32 s18;
	s18 =	smov.u32 s22;
	[sflag:s10] =	ssyncadd.s32 $0xFFFFD800  }
0x51: {  	[spmem:s18] =	stream.linear.scatter [tilespmem:s9], [sflag:$0x9], $0x2800, $0x38;
	[tilespmem:$0x16A00] =	vst v63  }
0x52: {  	_ =	swait.ge [sflag:s10], $0x2800  }
0x53: {  	[sflag:s10] =	ssyncset.done $0x0  }
0x54: {  	[sflag:s10] =	ssyncadd.s32 $0xFFFFD800  }
0x55: {  	[spmem:s23] =	stream.linear.scatter [tilespmem:s9], [sflag:$0x9], $0x2800, $0x38;
	[tilespmem:$0x16A00] =	vst v63  }
0x56: {  	_ =	swait.ge [sflag:s10], $0x2800  }
0x57: {  	[sflag:s10] =	ssyncset.done $0x0  }
0x58: {  	[sflag:s10] =	ssyncadd.s32 $0xFFFFD800  }
0x59: {  	[bflag:$0x0] =	sbarrier.arrive $0xFFFF  }
0x5a: {  	s22 =	smov.u32 s19;
	s19 =	rddreg [dreg:$0xb]  }
0x5b: {  	[tilespmem:s9], [sflag:$0x9] =	stream.linear.gather [hbm4b:s19+s2], $0x2800, $0x38;
	[tilespmem:$0x16A00] =	vst v63  }
0x5c: {  	_ =	swait.ge [sflag:s10], $0x2800  }
0x5d: {  	[sflag:s10] =	ssyncset.done $0x0  }
0x5e: {  	[sflag:s10] =	ssyncadd.s32 $0xFFFFD800  }
0x5f: {  	_ =	swait.ge [sflag:s11], $0x50  }
0x60: {  	[sflag:s11] =	ssyncset.done $0x0  }
0x61: {  	[sflag:s11] =	ssyncadd.s32 $0xFFFFFFB0  }
0x62: {  	[spmem:s1] =	stream.indirect.scatter.add.f32 [tilespmem:s9], [sflag:$0x5], $0x80, s5, s12, $0xb8;
	[tilespmem:$0x16A00] =	vst v63  }
0x63: {  	_ =	swait.ge [sflag:s13], $0x2800  }
0x64: {  	s20 =	rddreg [dreg:$0x15]  }
0x65: {  	[sflag:s13] =	ssyncset.done $0x0;
	s21 =	sshrl.u32 s20, $0x3  }
0x66: {  	[sflag:s13] =	ssyncadd.s32 $0xFFFFD800;
	s16 =	sadd.s32 s4, s21  }
0x67: {  	[tilespmem:s5], [sflag:$0x1] =	stream.linear.gather [hbm4b:s16+s2], $0x50, $0x38;
	[tilespmem:$0x16A00] =	vst v63  }
0x68: {  	_ =	swait.ge [sflag:s14], $0x50  }
0x69: {  	[sflag:s14] =	ssyncset.done $0x0  }
0x6a: {  	[sflag:s14] =	ssyncadd.s32 $0xFFFFFFB0  }
0x6b: {  	[spmem:s1] =	stream.indirect.scatter.add.f32 [tilespmem:s9], [sflag:$0x6], $0x80, s6, s12, $0xb8;
	[tilespmem:$0x16A00] =	vst v63  }
0x6c: {  	_ =	swait.ge [sflag:s17], $0x2800  }
0x6d: {  	[sflag:s17] =	ssyncset.done $0x0  }
0x6e: {  	s23 =	sadd.s32 $0x0, s28;
	[sflag:s17] =	ssyncadd.s32 $0xFFFFD800  }
0x6f: {  	[tilespmem:s6], [sflag:$0x2] =	stream.linear.gather [hbm4b:s23+s2], $0x50, $0x38;
	[tilespmem:$0x16A00] =	vst v63  }
0x70: {  	_ =	swait.ge [sflag:s30], $0x50  }
0x71: {  	[sflag:s30] =	ssyncset.done $0x0  }
0x72: {  	[sflag:s30] =	ssyncadd.s32 $0xFFFFFFB0  }
0x73: {  	[spmem:s1] =	stream.indirect.scatter.add.f32 [tilespmem:s9], [sflag:$0x7], $0x80, s7, s12, $0xb8;
	[tilespmem:$0x16A00] =	vst v63  }
0x74: {  	_ =	swait.ge [sflag:s31], $0x2800  }
0x75: {  	[sflag:s31] =	ssyncset.done $0x0  }
0x76: {  	s29 =	sadd.s32 $0x0, s26;
	[sflag:s31] =	ssyncadd.s32 $0xFFFFD800  }
0x77: {  	[tilespmem:s7], [sflag:$0x3] =	stream.linear.gather [hbm4b:s29+s2], $0x50, $0x38;
	[tilespmem:$0x16A00] =	vst v63  }
0x78: {  	_ =	swait.ge [sflag:s0], $0x50  }
0x79: {  	[sflag:s0] =	ssyncset.done $0x0  }
0x7a: {  	[sflag:s0] =	ssyncadd.s32 $0xFFFFFFB0  }
0x7b: {  	[spmem:s1] =	stream.indirect.scatter.add.f32 [tilespmem:s9], [sflag:$0x8], $0x80, s8, s12, $0xb8;
	[tilespmem:$0x16A00] =	vst v63  }
0x7c: {  	_ =	swait.ge [sflag:s3], $0x2800  }
0x7d: {  	s19 =	sadd.s32 $0x0, s25;
	[sflag:s3] =	ssyncset.done $0x0  }
0x7e: {  	s18 =	sadd.s32 $0x140, s20;
	s16 =	simm.s32 $0x28;
	[sflag:s3] =	ssyncadd.s32 $0xFFFFD800  }
.LBB2_2:
0x7f: {  	[tilespmem:s8], [sflag:$0x4] =	stream.linear.gather [hbm4b:s19+s2], $0x50, $0x38;
	[tilespmem:$0x16A00] =	vst v63  }
0x80: {  	s19 =	smov.u32 s16  }
0x81: {  	p0 =	sne.s32 s16, $0x488;
	s16 =	sadd.s32 $0x28, s16;
	_ =	swait.ge [sflag:s11], $0x50  }
0x82: {  	[sflag:s11] =	ssyncset.done $0x0  }
0x83: {  	[sflag:s11] =	ssyncadd.s32 $0xFFFFFFB0  }
0x84: {  	[spmem:s1] =	stream.indirect.scatter.add.f32 [tilespmem:s9], [sflag:$0x5], $0x80, s5, s12, $0xb8;
	[tilespmem:$0x16A00] =	vst v63  }
0x85: {  	_ =	swait.ge [sflag:s13], $0x2800  }
0x86: {  	s20 =	sshrl.u32 s18, $0x3;
	[sflag:s13] =	ssyncset.done $0x0  }
0x87: {  	s20 =	sadd.s32 s4, s20;
	[sflag:s13] =	ssyncadd.s32 $0xFFFFD800  }
0x88: {  	[tilespmem:s5], [sflag:$0x1] =	stream.linear.gather [hbm4b:s20+s2], $0x50, $0x38;
	[tilespmem:$0x16A00] =	vst v63  }
0x89: {  	_ =	swait.ge [sflag:s14], $0x50  }
0x8a: {  	[sflag:s14] =	ssyncset.done $0x0  }
0x8b: {  	[sflag:s14] =	ssyncadd.s32 $0xFFFFFFB0  }
0x8c: {  	[spmem:s1] =	stream.indirect.scatter.add.f32 [tilespmem:s9], [sflag:$0x6], $0x80, s6, s12, $0xb8;
	[tilespmem:$0x16A00] =	vst v63  }
0x8d: {  	_ =	swait.ge [sflag:s17], $0x2800  }
0x8e: {  	[sflag:s17] =	ssyncset.done $0x0  }
0x8f: {  	s20 =	sadd.s32 s19, s28;
	[sflag:s17] =	ssyncadd.s32 $0xFFFFD800  }
0x90: {  	[tilespmem:s6], [sflag:$0x2] =	stream.linear.gather [hbm4b:s20+s2], $0x50, $0x38;
	[tilespmem:$0x16A00] =	vst v63  }
0x91: {  	_ =	swait.ge [sflag:s30], $0x50  }
0x92: {  	[sflag:s30] =	ssyncset.done $0x0  }
0x93: {  	[sflag:s30] =	ssyncadd.s32 $0xFFFFFFB0  }
0x94: {  	[spmem:s1] =	stream.indirect.scatter.add.f32 [tilespmem:s9], [sflag:$0x7], $0x80, s7, s12, $0xb8;
	[tilespmem:$0x16A00] =	vst v63  }
0x95: {  	_ =	swait.ge [sflag:s31], $0x2800  }
0x96: {  	[sflag:s31] =	ssyncset.done $0x0  }
0x97: {  	s20 =	sadd.s32 s19, s26;
	[sflag:s31] =	ssyncadd.s32 $0xFFFFD800  }
0x98: {  	[tilespmem:s7], [sflag:$0x3] =	stream.linear.gather [hbm4b:s20+s2], $0x50, $0x38;
	[tilespmem:$0x16A00] =	vst v63  }
0x99: {  	_ =	swait.ge [sflag:s0], $0x50  }
0x9a: {  	[sflag:s0] =	ssyncset.done $0x0  }
.Ltmp0:
0x9b: {  	[sflag:s0] =	ssyncadd.s32 $0xFFFFFFB0;
	(pc) =	sbr.rel @p0 .LBB2_2-.Ltmp0, $4  }
0x9c: {  	[spmem:s1] =	stream.indirect.scatter.add.f32 [tilespmem:s9], [sflag:$0x8], $0x80, s8, s12, $0xb8;
	[tilespmem:$0x16A00] =	vst v63  }
0x9d: {  	_ =	swait.ge [sflag:s3], $0x2800  }
0x9e: {  	[sflag:s3] =	ssyncset.done $0x0  }
0x9f: {  	s18 =	sadd.s32 $0x140, s18;
	s19 =	sadd.s32 s19, s25;
	[sflag:s3] =	ssyncadd.s32 $0xFFFFD800  }
0xa0: {  	[tilespmem:s8], [sflag:$0x4] =	stream.linear.gather [hbm4b:s19+s2], $0x50, $0x38;
	[tilespmem:$0x16A00] =	vst v63  }
0xa1: {  	_ =	swait.ge [sflag:s11], $0x50  }
0xa2: {  	[sflag:s11] =	ssyncset.done $0x0  }
0xa3: {  	[sflag:s11] =	ssyncadd.s32 $0xFFFFFFB0  }
0xa4: {  	[spmem:s1] =	stream.indirect.scatter.add.f32 [tilespmem:s9], [sflag:$0x5], $0x80, s5, s12, $0xb8;
	[tilespmem:$0x16A00] =	vst v63  }
0xa5: {  	_ =	swait.ge [sflag:s13], $0x2800  }
0xa6: {  	[sflag:s13] =	ssyncset.done $0x0  }
0xa7: {  	s16 =	rddreg [dreg:$0x19];
	[sflag:s13] =	ssyncadd.s32 $0xFFFFD800  }
0xa8: {  	[tilespmem:s5], [sflag:$0x1] =	stream.linear.gather [hbm4b:s16+s2], $0x50, $0x38;
	[tilespmem:$0x16A00] =	vst v63  }
0xa9: {  	_ =	swait.ge [sflag:s14], $0x50  }
0xaa: {  	[sflag:s14] =	ssyncset.done $0x0  }
0xab: {  	[sflag:s14] =	ssyncadd.s32 $0xFFFFFFB0  }
0xac: {  	[spmem:s1] =	stream.indirect.scatter.add.f32 [tilespmem:s9], [sflag:$0x6], $0x80, s6, s12, $0xb8;
	[tilespmem:$0x16A00] =	vst v63  }
0xad: {  	_ =	swait.ge [sflag:s30], $0x50  }
0xae: {  	[sflag:s30] =	ssyncset.done $0x0  }
0xaf: {  	[sflag:s30] =	ssyncadd.s32 $0xFFFFFFB0  }
0xb0: {  	[spmem:s1] =	stream.indirect.scatter.add.f32 [tilespmem:s9], [sflag:$0x7], $0x80, s7, s12, $0xb8;
	[tilespmem:$0x16A00] =	vst v63  }
0xb1: {  	_ =	swait.ge [sflag:s0], $0x50  }
0xb2: {  	[sflag:s0] =	ssyncset.done $0x0  }
0xb3: {  	[sflag:s0] =	ssyncadd.s32 $0xFFFFFFB0  }
0xb4: {  	[spmem:s1] =	stream.indirect.scatter.add.f32 [tilespmem:s9], [sflag:$0x8], $0x80, s8, s12, $0xb8;
	[tilespmem:$0x16A00] =	vst v63  }
0xb5: {  	_ =	swait.ge [sflag:s11], $0x50  }
0xb6: {  	[sflag:s11] =	ssyncset.done $0x0  }
0xb7: {  	[sflag:s11] =	ssyncadd.s32 $0xFFFFFFB0  }
0xb8: {  	[spmem:s1] =	stream.indirect.scatter.add.f32 [tilespmem:s9], [sflag:$0x5], $0x80, s5, s12, $0xb8;
	[tilespmem:$0x16A00] =	vst v63  }
0xb9: {  	_ =	swait.ge [sflag:s13], $0x2800  }
0xba: {  	[sflag:s13] =	ssyncset.done $0x0  }
0xbb: {  	[sflag:s13] =	ssyncadd.s32 $0xFFFFD800  }
0xbc: {  	_ =	swait.ge [sflag:s17], $0x2800  }
0xbd: {  	[sflag:s17] =	ssyncset.done $0x0  }
0xbe: {  	[sflag:s17] =	ssyncadd.s32 $0xFFFFD800  }
0xbf: {  	_ =	swait.ge [sflag:s31], $0x2800  }
0xc0: {  	[sflag:s31] =	ssyncset.done $0x0  }
0xc1: {  	[sflag:s31] =	ssyncadd.s32 $0xFFFFD800  }
0xc2: {  	_ =	swait.ge [sflag:s3], $0x2800  }
0xc3: {  	[sflag:s3] =	ssyncset.done $0x0  }
0xc4: {  	[sflag:s3] =	ssyncadd.s32 $0xFFFFD800  }
0xc5: {  	[bflag:$0x0] =	sbarrier.arrive $0xFFFF  }
0xc6: {  	[tilespmem:s9], [sflag:$0x9] =	stream.linear.gather [spmem:s24], $0x2800, $0x38;
	[tilespmem:$0x16A00] =	vst v63  }
0xc7: {  	_ =	swait.ge [sflag:s10], $0x2800  }
0xc8: {  	[sflag:s10] =	ssyncset.done $0x0  }
0xc9: {  	s20 =	rddreg [dreg:$0x3];
	[sflag:s10] =	ssyncadd.s32 $0xFFFFD800  }
0xca: {  	[hbm4b:s20+s2] =	stream.linear.scatter [tilespmem:s9], [sflag:$0x9], $0x2800, $0x38;
	[tilespmem:$0x16A00] =	vst v63  }
0xcb: {  	_ =	swait.ge [sflag:s10], $0x2800  }
0xcc: {  	[sflag:s10] =	ssyncset.done $0x0  }
0xcd: {  	[sflag:s10] =	ssyncadd.s32 $0xFFFFD800  }
0xce: {  	[tilespmem:s9], [sflag:$0x9] =	stream.linear.gather [spmem:s22], $0x2800, $0x38;
	[tilespmem:$0x16A00] =	vst v63  }
0xcf: {  	_ =	swait.ge [sflag:s10], $0x2800  }
0xd0: {  	[sflag:s10] =	ssyncset.done $0x0  }
0xd1: {  	s21 =	rddreg [dreg:$0x4];
	[sflag:s10] =	ssyncadd.s32 $0xFFFFD800  }
0xd2: {  	[hbm4b:s21+s2] =	stream.linear.scatter [tilespmem:s9], [sflag:$0x9], $0x2800, $0x38;
	[tilespmem:$0x16A00] =	vst v63  }
0xd3: {  	_ =	swait.ge [sflag:s10], $0x2800  }
0xd4: {  	[sflag:s10] =	ssyncset.done $0x0  }
0xd5: {  	s20 =	rddreg [dreg:$0x14];
	[sflag:s10] =	ssyncadd.s32 $0xFFFFD800  }
0xd6: {  	[tilespmem:s9], [sflag:$0x9] =	stream.linear.gather [spmem:s20], $0x2800, $0x38;
	[tilespmem:$0x16A00] =	vst v63  }
0xd7: {  	_ =	swait.ge [sflag:s10], $0x2800  }
0xd8: {  	[sflag:s10] =	ssyncset.done $0x0  }
0xd9: {  	s19 =	smov.u32 s22;
	s22 =	rddreg [dreg:$0x5];
	[sflag:s10] =	ssyncadd.s32 $0xFFFFD800  }
0xda: {  	[hbm4b:s22+s2] =	stream.linear.scatter [tilespmem:s9], [sflag:$0x9], $0x2800, $0x38;
	[tilespmem:$0x16A00] =	vst v63  }
0xdb: {  	_ =	swait.ge [sflag:s10], $0x2800  }
0xdc: {  	[sflag:s10] =	ssyncset.done $0x0  }
0xdd: {  	s18 =	smov.u32 s24;
	s24 =	rddreg [dreg:$0x11];
	[sflag:s10] =	ssyncadd.s32 $0xFFFFD800  }
0xde: {  	[tilespmem:s9], [sflag:$0x9] =	stream.linear.gather [spmem:s24], $0x2800, $0x38;
	[tilespmem:$0x16A00] =	vst v63  }
0xdf: {  	_ =	swait.ge [sflag:s10], $0x2800  }
0xe0: {  	[sflag:s10] =	ssyncset.done $0x0  }
0xe1: {  	s23 =	rddreg [dreg:$0x6];
	[sflag:s10] =	ssyncadd.s32 $0xFFFFD800  }
0xe2: {  	[hbm4b:s23+s2] =	stream.linear.scatter [tilespmem:s9], [sflag:$0x9], $0x2800, $0x38;
	[tilespmem:$0x16A00] =	vst v63  }
0xe3: {  	_ =	swait.ge [sflag:s10], $0x2800  }
0xe4: {  	[sflag:s10] =	ssyncset.done $0x0  }
0xe5: {  	s29 =	rddreg [dreg:$0xf];
	[sflag:s10] =	ssyncadd.s32 $0xFFFFD800  }
0xe6: {  	[tilespmem:s9], [sflag:$0x9] =	stream.linear.gather [spmem:s29], $0x2800, $0x38;
	[tilespmem:$0x16A00] =	vst v63  }
0xe7: {  	_ =	swait.ge [sflag:s10], $0x2800  }
0xe8: {  	[sflag:s10] =	ssyncset.done $0x0  }
0xe9: {  	s21 =	rddreg [dreg:$0x7];
	[sflag:s10] =	ssyncadd.s32 $0xFFFFD800  }
0xea: {  	[hbm4b:s21+s2] =	stream.linear.scatter [tilespmem:s9], [sflag:$0x9], $0x2800, $0x38;
	[tilespmem:$0x16A00] =	vst v63  }
0xeb: {  	_ =	swait.ge [sflag:s10], $0x2800  }
0xec: {  	[sflag:s10] =	ssyncset.done $0x0  }
0xed: {  	s21 =	rddreg [dreg:$0x10];
	[sflag:s10] =	ssyncadd.s32 $0xFFFFD800  }
0xee: {  	[tilespmem:s9], [sflag:$0x9] =	stream.linear.gather [spmem:s21], $0x2800, $0x38;
	[tilespmem:$0x16A00] =	vst v63  }
0xef: {  	_ =	swait.ge [sflag:s10], $0x2800  }
0xf0: {  	[sflag:s10] =	ssyncset.done $0x0  }
0xf1: {  	s22 =	rddreg [dreg:$0x8];
	[sflag:s10] =	ssyncadd.s32 $0xFFFFD800  }
0xf2: {  	[hbm4b:s22+s2] =	stream.linear.scatter [tilespmem:s9], [sflag:$0x9], $0x2800, $0x38;
	[tilespmem:$0x16A00] =	vst v63  }
0xf3: {  	_ =	swait.ge [sflag:s10], $0x2800  }
0xf4: {  	[sflag:s10] =	ssyncset.done $0x0  }
0xf5: {  	s22 =	rddreg [dreg:$0x12];
	[sflag:s10] =	ssyncadd.s32 $0xFFFFD800  }
0xf6: {  	[tilespmem:s9], [sflag:$0x9] =	stream.linear.gather [spmem:s22], $0x2800, $0x38;
	[tilespmem:$0x16A00] =	vst v63  }
0xf7: {  	_ =	swait.ge [sflag:s10], $0x2800  }
0xf8: {  	[sflag:s10] =	ssyncset.done $0x0  }
0xf9: {  	s23 =	rddreg [dreg:$0x9];
	[sflag:s10] =	ssyncadd.s32 $0xFFFFD800  }
0xfa: {  	[hbm4b:s23+s2] =	stream.linear.scatter [tilespmem:s9], [sflag:$0x9], $0x2800, $0x38;
	[tilespmem:$0x16A00] =	vst v63  }
0xfb: {  	_ =	swait.ge [sflag:s10], $0x2800  }
0xfc: {  	[sflag:s10] =	ssyncset.done $0x0  }
0xfd: {  	s23 =	rddreg [dreg:$0x13];
	[sflag:s10] =	ssyncadd.s32 $0xFFFFD800  }
0xfe: {  	[tilespmem:s9], [sflag:$0x9] =	stream.linear.gather [spmem:s23], $0x2800, $0x38;
	[tilespmem:$0x16A00] =	vst v63  }
0xff: {  	_ =	swait.ge [sflag:s10], $0x2800  }
0x100: {  	[sflag:s10] =	ssyncset.done $0x0  }
0x101: {  	s16 =	rddreg [dreg:$0xa];
	[sflag:s10] =	ssyncadd.s32 $0xFFFFD800  }
0x102: {  	[hbm4b:s16+s2] =	stream.linear.scatter [tilespmem:s9], [sflag:$0x9], $0x2800, $0x38;
	[tilespmem:$0x16A00] =	vst v63  }
0x103: {  	_ =	swait.ge [sflag:s10], $0x2800  }
0x104: {  	s15 =	sadd.s32 $0x1, s15;
	s16 =	rddreg [dreg:$0xe]  }
0x105: {  	p0 =	sne.s32 s15, s16  }
.Ltmp1:
0x106: {  	_ = 	snop;
	(pc) =	sbr.rel @p0 .LBB2_1-.Ltmp1, $3  }
0x107: {  	_ =	sdelay $0x1  }
0x108: {  	[sflag:s10] =	ssyncset.done $0x0  }
0x109: {  	[sflag:s10] =	ssyncadd.s32 $0xFFFFD800  }
0x10a: {  	_ =	sfence.sel $0x180000  }
0x10b: {  	[bflag:$0x0] =	sbarrier.arrive $0xFFFF  }
0x10c: {  	_ =	strace $0x90000047  }
0x10d: {  	s0 =	stileid.u32;
	[bflag:$0x2] =	sbarrier.arrive $0xFFFF  }
0x10e: {  	p0 =	sne.s32 s0, $0x0;
	s0 =	rddreg [dreg:$0x2]  }
0x10f: {  	s0 =	sadd.s32 @!p0 $0x100000, s0  }
0x110: {  	[sflag:s0] =	ssyncadd.tile.s32 @!p0 $0x1;
	_ =	shalt  }
.Lfunc_end2:
_tile_overlayer_lowered:
.L_overlay_start_2:
0x111: {  	(tag) =	ssettag $0x2  }
0x112: {  	s0 =	rddreg [dreg:$0x0];
	s2 =	stileid.u32  }
0x113: {  	s1 =	rddreg [dreg:$0x1];
	p0 =	sne.s32 s2, $0x0  }
0x114: {  	s3 =	rddreg [dreg:$0x2];
	[bflag:$0x3] =	sbarrier.arrive $0xFFFF;
	s2 =	simm.s32 @!p0 $0x1C09  }
0x115: {  	[timem:s3], [sflag:s2] =	dma.local @!p0 [hbm:s0], s1  }
0x116: {  	s0 =	simm.s32 @!p0 $0x9  }
0x117: {  	_ =	swait.ge @!p0 [sflag:s0], s1  }
0x118: {  	s1 =	ssub.s32 @!p0 $0x0, s1;
	[sflag:s0] =	ssyncset.done @!p0 $0x0  }
0x119: {  	[sflag:s0] =	ssyncadd.s32 @!p0 s1  }
0x11a: {  	[bflag:$0x3] =	sbarrier.arrive $0xFFFF  }
0x11b: {  	_ =	shalt  }

// kernel: kernel.13.cloned.1.call-start
scs
__scs_entry_jumppad:
0x0: {  	(pc) =	sbr.rel $0x88, $3  }
0x1: {  	(tag) =	ssettag $0x0;
	lr =	simm.s32 $0x1  }
0x2: {  	[smem:$0x3F96] =	sst lr;
	_ =	strace $0xD0000000  }
0x3: {  	_ = 	snop  }
0x4: {  	_ = 	snop  }
0x5: {  	_ = 	snop  }
0x6: {  	_ = 	snop  }
0x7: {  	_ = 	snop  }
__scs_overlays_trampoline_lowered:
0x8: {  	[smem:$0x3FA5] =	sst s0  }
0x9: {  	[smem:$0x3FA6] =	sst s1  }
0xa: {  	[smem:$0x3FA7] =	sst s2  }
0xb: {  	[smem:$0x3FA8] =	sst s3  }
0xc: {  	[smem:$0x3FA9] =	sst s4  }
0xd: {  	[smem:$0x3FAA] =	sst s5  }
0xe: {  	[smem:$0x3FAB] =	sst s6  }
0xf: {  	[smem:$0x3FAC] =	sst s7  }
0x10: {  	[smem:$0x3FAD] =	sst s8  }
0x11: {  	[smem:$0x3FAE] =	sst s9;
	s0 =	simm.s32 @!p0 $0x0  }
0x12: {  	s1 =	sld [smem:$0x3F94];
	s0 =	simm.s32 @p0 $0x1  }
0x13: {  	[smem:$0x3FAF] =	sst s0;
	s0 =	simm.s32 @!p1 $0x0  }
0x14: {  	s2 =	sld [smem:$0x3F93];
	s0 =	simm.s32 @p1 $0x1  }
0x15: {  	[smem:$0x3FB0] =	sst s0;
	s0 =	simm.s32 @!p2 $0x0  }
0x16: {  	s3 =	sld [smem:$0x3FDB];
	s0 =	simm.s32 @p2 $0x1  }
0x17: {  	s4 =	simm.s32 $0x1BF5;
	[smem:$0x3FB2] =	sst s0  }
0x18: {  	s0 =	sld [smem:$0x3F95];
	_ =	swait.ge [sflag:s4], $0x0  }
0x19: {  	s7 =	sld [smem:$0x3F96]  }
0x1a: {  	s8 =	sadd.s32 $0xFFFFE003, lr  }
0x1b: {  	s9 =	sadd.s32 $0xFFFFFEF7, lr;
	s5 =	simm.s32 $0xFFFFFFFF;
	p2 =	slt.u32 s8, $0xFFFFF086  }
0x1c: {  	p1 =	slt.u32 s9, $0xF7A;
	s5 =	simm.s32 @!p2 $0x0  }
0x1d: {  	s5 =	simm.s32 @p1 $0x1;
	p0 =	seq.s32 s7, s2  }
0x1e: {  	s7 =	smul.u32 @!p0 $0xF7A, s2;
	p2 =	seq.s32 @!p0 s5, $0x0  }
0x1f: {  	s9 =	smul.u32 $0xF7A, s1;
	s8 =	simm.s32 @!p0 $0x1BF5;
	p2 =	por !p2, p0  }
0x20: {  	[sflag:s8] =	ssyncset.s32 @!p0 $0xFFFFF086;
	s6 =	sadd.s32 @!p0 s3, s7;
	s7 =	simm.s32 @!p0 $0x108  }
0x21: {  	s3 =	sadd.s32 s3, s9;
	s6 =	sadd.s32 @!p0 $0x88, s6;
	s7 =	simm.s32 @p2 $0x1082  }
0x22: {  	[simem:s7], [sflag:s8] =	dma.local @!p0 [hbm:s6], $0xF7A  }
0x23: {  	s9 =	sor.u32 $0xD0000000, s2;
	s6 =	simm.s32 $0x108;
	_ =	swait.ge @!p0 [sflag:s8], $0x0  }
0x24: {  	s3 =	sadd.s32 $0x88, s3;
	s6 =	simm.s32 @!p1 $0x1082;
	[sflag:s4] =	ssyncset.s32 $0xFFFFF086  }
0x25: {  	[simem:s6], [sflag:s4] =	dma.local [hbm:s3], $0xF7A  }
0x26: {  	[smem:$0x3F96] =	sst s1;
	(tag) =	ssettag s2;
	_ =	strace s9  }
0x27: {  	s1 =	sld [smem:$0x3FA6]  }
0x28: {  	s2 =	sld [smem:$0x3FA7]  }
0x29: {  	s4 =	sld [smem:$0x3FA9]  }
0x2a: {  	p0 =	seq.s32 s5, $0x0;
	s5 =	sld [smem:$0x3FAA]  }
0x2b: {  	s6 =	sld [smem:$0x3FAB]  }
0x2c: {  	s7 =	sld [smem:$0x3FAC]  }
0x2d: {  	s3 =	simm.s32 $0x108;
	s8 =	sld [smem:$0x3FAD]  }
0x2e: {  	s3 =	simm.s32 @!p0 $0x1082;
	s9 =	sld [smem:$0x3FAE]  }
0x2f: {  	lr =	sadd.s32 s0, s3;
	s0 =	sld [smem:$0x3FA5]  }
0x30: {  	s3 =	sld [smem:$0x3FA8]  }
0x31: {  	[smem:$0x3FB1] =	sst s10  }
0x32: {  	s10 =	sld [smem:$0x3FAF];
	_ =	sdelay $0x3  }
0x33: {  	p0 =	seq.s32 s10, $0x1;
	s10 =	sld [smem:$0x3FB1];
	_ =	sdelay $0x3  }
0x34: {  	[smem:$0x3FB1] =	sst s10  }
0x35: {  	s10 =	sld [smem:$0x3FB0];
	_ =	sdelay $0x3  }
0x36: {  	p1 =	seq.s32 s10, $0x1;
	s10 =	sld [smem:$0x3FB1];
	_ =	sdelay $0x3  }
0x37: {  	[smem:$0x3FB1] =	sst s10  }
0x38: {  	s10 =	sld [smem:$0x3FB2]  }
0x39: {  	_ = 	snop;
	(pc) =	sbr.ind lr, $3  }
0x3a: {  	_ = 	snop  }
0x3b: {  	_ = 	snop  }
0x3c: {  	p2 =	seq.s32 s10, $0x1;
	s10 =	sld [smem:$0x3FB1]  }
0x3d: {  	_ =	shalt  }
0x3e: {  	_ =	shalt  }
0x3f: {  	_ =	shalt  }
0x40: {  	_ =	shalt  }
0x41: {  	_ =	shalt  }
0x42: {  	_ =	shalt  }
0x43: {  	_ =	shalt  }
0x44: {  	_ =	shalt  }
0x45: {  	_ =	shalt  }
0x46: {  	_ =	shalt  }
0x47: {  	_ =	shalt  }
0x48: {  	_ =	shalt  }
0x49: {  	_ =	shalt  }
0x4a: {  	_ =	shalt  }
0x4b: {  	_ =	shalt  }
0x4c: {  	_ =	shalt  }
0x4d: {  	_ =	shalt  }
0x4e: {  	_ =	shalt  }
0x4f: {  	_ =	shalt  }
0x50: {  	_ =	shalt  }
0x51: {  	_ =	shalt  }
0x52: {  	_ =	shalt  }
0x53: {  	_ =	shalt  }
0x54: {  	_ =	shalt  }
0x55: {  	_ =	shalt  }
0x56: {  	_ =	shalt  }
0x57: {  	_ =	shalt  }
0x58: {  	_ =	shalt  }
0x59: {  	_ =	shalt  }
0x5a: {  	_ =	shalt  }
0x5b: {  	_ =	shalt  }
0x5c: {  	_ =	shalt  }
0x5d: {  	_ =	shalt  }
0x5e: {  	_ =	shalt  }
0x5f: {  	_ =	shalt  }
0x60: {  	_ =	shalt  }
0x61: {  	_ =	shalt  }
0x62: {  	_ =	shalt  }
0x63: {  	_ =	shalt  }
0x64: {  	_ =	shalt  }
0x65: {  	_ =	shalt  }
0x66: {  	_ =	shalt  }
0x67: {  	_ =	shalt  }
0x68: {  	_ =	shalt  }
0x69: {  	_ =	shalt  }
0x6a: {  	_ =	shalt  }
0x6b: {  	_ =	shalt  }
0x6c: {  	_ =	shalt  }
0x6d: {  	_ =	shalt  }
0x6e: {  	_ =	shalt  }
0x6f: {  	_ =	shalt  }
0x70: {  	_ =	shalt  }
0x71: {  	_ =	shalt  }
0x72: {  	_ =	shalt  }
0x73: {  	_ =	shalt  }
0x74: {  	_ =	shalt  }
0x75: {  	_ =	shalt  }
0x76: {  	_ =	shalt  }
0x77: {  	_ =	shalt  }
0x78: {  	_ =	shalt  }
0x79: {  	_ =	shalt  }
0x7a: {  	_ =	shalt  }
0x7b: {  	_ =	shalt  }
0x7c: {  	_ =	shalt  }
0x7d: {  	_ =	shalt  }
0x7e: {  	_ =	shalt  }
0x7f: {  	_ =	shalt  }
0x80: {  	_ =	shalt  }
0x81: {  	_ =	shalt  }
0x82: {  	_ =	shalt  }
0x83: {  	_ =	shalt  }
0x84: {  	_ =	shalt  }
0x85: {  	_ =	shalt  }
0x86: {  	_ =	shalt  }
0x87: {  	_ =	shalt  }
.Lfunc_end0:
.L_simem_size_0:
called_computation.1_lowered:
.L_overlay_start_0:
0x88: {  	s2 =	sld [smem:$0x3FD9]  }
0x89: {  	s3 =	sld [smem:$0x3FFE];
	_ =	sdelay $0x1  }
0x8a: {  	s1 =	srdreg.scid  }
0x8b: {  	s0 =	sand.u32 $0x1, s1  }
0x8c: {  	s16 =	sshll.u32 s0, $0xA;
	s2 =	sadd.s32 s3, s2  }
0x8d: {  	s2 =	sadd.s32 s2, s16  }
0x8e: {  	[smem:$0x3FBD] =	sst s2  }
0x8f: {  	_ = 	snop  }
0x90: {  	(tm) =	ssettm $0x1  }
0x91: {  	s17 =	sld [smem:$0x3FFB];
	_ =	sdelay $0x3  }
0x92: {  	_ =	strace s17  }
0x93: {  	s2 =	sld [smem:$0x3FFC];
	_ =	sdelay $0x3  }
0x94: {  	_ =	strace s2  }
0x95: {  	s2 =	sld [smem:$0x3FFD];
	_ =	sdelay $0x3  }
0x96: {  	_ =	strace s2  }
0x97: {  	_ =	strace $0x8FFFFFFF  }
0x98: {  	s18 =	sld [smem:$0x3FDB];
	_ =	sdelay $0x1  }
0x99: {  	s19 =	simm.s32 $_scs_section_size  }
0x9a: {  	s4 =	simm.s32 $_size__tile_overlayer_lowered;
	s5 =	simm.s32 $_tile_overlayer_lowered  }
0x9b: {  	s22 =	simm.s32 $0x1BFF;
	s21 =	sshll.u32 s5, $0x1;
	s2 =	sadd.s32 s19, s18  }
0x9c: {  	s6 =	simm.s32 $0x0;
	s20 =	sshll.u32 s4, $0x1;
	s4 =	sadd.s32 s21, s2  }
0x9d: {  	[timem:s6], [sflag:s22] =	dma.local [hbm:s4], s20  }
0x9e: {  	_ =	swait.ge [sflag:s22], s20  }
0x9f: {  	s3 =	ssub.s32 $0x0, s20;
	[sflag:s22] =	ssyncset.done $0x0  }
0xa0: {  	[sflag:s22] =	ssyncadd.s32 s3;
	_ =	sdelay $0x1  }
0xa1: {  	s23 =	simm.s32 $0x1B8B  }
0xa2: {  	_ =	swait.ge [sflag:s23], $0x1  }
0xa3: {  	[sflag:s23] =	ssyncset.done $0x0  }
0xa4: {  	s25 =	simm.s32 $0x1B8E;
	s24 =	sld [smem:$0x3FFE];
	[sflag:s23] =	ssyncadd.s32 $0xFFFFFFFF  }
0xa5: {  	s26 =	simm.s32 $execute0_lowered;
	[smem:$0x3FD2] =	sst s25  }
0xa6: {  	s4 =	sshll.u32 s26, $0x1;
	_ =	strace $0x80000049;
	[dreg:$0x1] =	wrdreg $0xFFFFFFFF  }
0xa7: {  	s28 =	simm.s32 $_size_execute0_lowered;
	s2 =	sadd.s32 s2, s4;
	[dreg:$0x0] =	wrdreg $0x0  }
0xa8: {  	s4 =	sshll.u32 s28, $0x1;
	[dreg:$0x2] =	wrdreg s2  }
0xa9: {  	[dreg:$0x3] =	wrdreg s4  }
0xaa: {  	[dreg:$0x4] =	wrdreg $0xC0  }
0xab: {  	_ =	task [dreg:s6], $0x5FFFF  }
0xac: {  	[dreg:$0x1] =	wrdreg $0xFFFFFFFF  }
0xad: {  	[dreg:$0x0] =	wrdreg $0x60  }
0xae: {  	[dreg:$0x2] =	wrdreg s24  }
0xaf: {  	[dreg:$0x3] =	wrdreg $0x0  }
0xb0: {  	[dreg:$0x4] =	wrdreg $0x9  }
0xb1: {  	_ =	task.clear_ibuf [dreg:s6], $0x5FFFF;
	_ =	strace $0x90000049  }
0xb2: {  	s29 =	simm.s32 $0x9;
	_ =	strace $0x8000004B  }
0xb3: {  	_ =	swait.ge [sflag:s29], $0x1  }
0xb4: {  	[sflag:s29] =	ssyncadd.s32 $0xFFFFFFFF  }
0xb5: {  	_ =	strace $0x9000004B  }
0xb6: {  	_ =	sfence  }
0xb7: {  	s30 =	sld [smem:$0x0];
	_ =	sdelay $0x2  }
0xb8: {  	s31 =	sshll.u32 s1, $0xD;
	s1 =	sshrl.u32 s1, $0x2  }
0xb9: {  	s3 =	sand.u32 $0x4000, s31;
	s1 =	sadd.s32 s1, s30  }
0xba: {  	s0 =	sor.u32 s3, s0;
	s1 =	sshll.u32 s1, $0x11  }
0xbb: {  	s0 =	sor.u32 s1, s0  }
0xbc: {  	s0 =	sadd.s32 $0x8F2B, s0  }
0xbd: {  	[sflag:s0] =	ssyncadd.remote.s32 $0x1  }
0xbe: {  	_ =	sfence.sel $0xFFFF  }
0xbf: {  	[dreg:$0x0] =	wrdreg $0xFFFFFFFF;
	(pc) =	sbr.abs _section_cstart, $3  }
0xc0: {  	[dreg:$0x1] =	wrdreg $0xFFFFFFFF  }
0xc1: {  	_ =	task.clear_ibuf [dreg:s6], $0x2FFFF;
	_ =	strace $0x9FFFFFFF  }
0xc2: {  	(tm) =	ssettm $0x7FFFFFFF  }
0xc3: {  	_ =	shalt  }
tec
execute0_lowered:
.L_overlay_start_1:
0x0: {  	(tag) =	ssettag $0x1  }
0x1: {  	s0 =	rddreg [dreg:$0x0]  }
0x2: {  	s1 =	rddreg [dreg:$0x1];
	s2 =	srdreg.scid  }
0x3: {  	s3 =	simm.s32 $0x0;
	s19 =	stileid.u32;
	s28 =	simm.s32 $0x5  }
0x4: {  	s29 =	simm.s32 $0x2;
	s30 =	simm.s32 $0xE;
	s31 =	simm.s32 $0x6  }
0x5: {  	s2 =	sand.u32 $0x1, s2;
	[smem:$0x7FF] =	sst s3;
	s8 =	smul.u32 $0x280, s19  }
0x6: {  	s9 =	sadd.s32 $0x8FE00, s0;
	s4 =	sshll.u32 s2, $0x4;
	s26 =	smul.u32 $0x2800, s2  }
0x7: {  	_ =	strace $0x8000004A;
	s5 =	ssub.s32 $0x2, s2;
	s2 =	smul.u32 $0x27100, s2  }
0x8: {  	s4 =	sor.u32 s19, s4;
	s7 =	sshrl.u32 s5, $0x1;
	s10 =	sor.u32 $0x50, s8  }
0x9: {  	s11 =	sadd.s32 $0xA0, s8;
	s12 =	sadd.s32 $0xF0, s8;
	s13 =	sadd.s32 $0x140, s8  }
0xa: {  	s15 =	sadd.s32 $0x190, s8;
	s16 =	sadd.s32 $0x1E0, s8;
	s17 =	sadd.s32 $0x230, s8  }
0xb: {  	s6 =	smul.u32 $0x2710, s4;
	s4 =	sadd.s32 $0x67E00, s0;
	s5 =	ssub.s32 s5, s7  }
0xc: {  	s8 =	sadd.s32 s26, s8;
	s14 =	sadd.s32 s26, s10;
	s18 =	sadd.s32 s26, s11  }
0xd: {  	s20 =	sadd.s32 s26, s12;
	s21 =	sadd.s32 s26, s13;
	s22 =	sadd.s32 s26, s15  }
0xe: {  	s25 =	sadd.s32 s26, s16;
	s7 =	sadd.s32 s26, s17;
	s26 =	smul.u32 $0x2710, s19  }
0xf: {  	s8 =	sshll.u32 s8, $0x4;
	s14 =	sshll.u32 s14, $0x4;
	s18 =	sshll.u32 s18, $0x4  }
0x10: {  	s24 =	sshll.u32 s22, $0x4;
	s7 =	sshll.u32 s7, $0x4;
	s5 =	smax.u32 s5, $0x1  }
0x11: {  	s8 =	sadd.s32 s9, s8;
	s14 =	sadd.s32 s9, s14;
	[dreg:$0x16] =	wrdreg s5  }
0x12: {  	s7 =	sadd.s32 s9, s7;
	s6 =	sshrl.u32 s6, $0x3;
	[dreg:$0x3] =	wrdreg s8  }
0x13: {  	s2 =	sadd.s32 s26, s2;
	s5 =	sshll.u32 s16, $0x7;
	[dreg:$0x4] =	wrdreg s14  }
0x14: {  	s8 =	sadd.s32 s9, s18;
	s14 =	sshll.u32 s21, $0x4;
	[dreg:$0xa] =	wrdreg s7  }
0x15: {  	[dreg:$0x5] =	wrdreg s8;
	s8 =	sshll.u32 s20, $0x4;
	s23 =	sadd.s32 s9, s14  }
0x16: {  	s14 =	sshll.u32 s25, $0x4;
	s8 =	sadd.s32 s9, s8;
	[dreg:$0x7] =	wrdreg s23  }
0x17: {  	s18 =	sadd.s32 $0xA, s6;
	s14 =	sadd.s32 s9, s14;
	[dreg:$0x6] =	wrdreg s8  }
0x18: {  	s8 =	sadd.s32 s9, s24;
	[dreg:$0x9] =	wrdreg s14;
	s9 =	sadd.s32 $0x3600, s0  }
0x19: {  	s14 =	sadd.s32 $0xD400, s0;
	s0 =	sadd.s32 $0x17200, s0;
	[dreg:$0x8] =	wrdreg s8  }
0x1a: {  	s21 =	sadd.s32 $0x14, s6;
	s7 =	sshll.u32 s10, $0x7;
	[dreg:$0xc] =	wrdreg s0  }
0x1b: {  	s10 =	sadd.s32 s7, s1;
	s20 =	sadd.s32 s9, s18;
	[dreg:$0xb] =	wrdreg s14  }
0x1c: {  	s23 =	smul.u32 $0x50000, s19;
	s0 =	sadd.s32 s14, s18;
	[dreg:$0xd] =	wrdreg s20  }
0x1d: {  	s19 =	sadd.s32 $0x1E0, s2;
	s22 =	sadd.s32 s9, s21;
	[dreg:$0xe] =	wrdreg s0  }
0x1e: {  	s24 =	sadd.s32 s9, s6;
	s25 =	sadd.s32 s14, s6;
	[dreg:$0xf] =	wrdreg s22  }
0x1f: {  	s6 =	sadd.s32 $0x1E, s6;
	s8 =	sshll.u32 s11, $0x7;
	[dreg:$0x11] =	wrdreg s24  }
0x20: {  	s0 =	sadd.s32 s14, s21;
	[dreg:$0x12] =	wrdreg s25;
	s26 =	sadd.s32 s9, s6  }
0x21: {  	s6 =	sadd.s32 s14, s6;
	s11 =	sadd.s32 s8, s1;
	s22 =	sshll.u32 s12, $0x7  }
0x22: {  	s24 =	sshll.u32 s15, $0x7;
	s8 =	sadd.s32 $0x230, s2;
	s20 =	sadd.s32 $0x190, s2  }
0x23: {  	s21 =	sshrl.u32 s19, $0x3;
	s12 =	simm.s32 $0x14000;
	[dreg:$0x10] =	wrdreg s0  }
0x24: {  	s15 =	simm.s32 $0x14200;
	s19 =	simm.s32 $0x14180;
	[dreg:$0x13] =	wrdreg s26  }
0x25: {  	[dreg:$0x14] =	wrdreg s6;
	s0 =	sshrl.u32 s23, $0x2;
	s23 =	sshll.u32 s13, $0x7  }
0x26: {  	s26 =	sadd.s32 s24, s1;
	s6 =	sshll.u32 s17, $0x7;
	s13 =	sadd.s32 s5, s1  }
0x27: {  	s16 =	sshrl.u32 s8, $0x3;
	s7 =	smov.u32 s11;
	s11 =	simm.s32 $0x1BC00  }
0x28: {  	s0 =	sadd.s32 s0, s1;
	s25 =	sadd.s32 s23, s1;
	[dreg:$0x18] =	wrdreg s7  }
0x29: {  	s18 =	sadd.s32 s6, s1;
	s17 =	sadd.s32 s16, s14;
	[dreg:$0x15] =	wrdreg s0  }
0x2a: {  	s6 =	smov.u32 s10;
	s23 =	sadd.s32 s21, s14;
	[dreg:$0x1e] =	wrdreg s17  }
0x2b: {  	s10 =	smov.u32 s9;
	s0 =	sadd.s32 s22, s1;
	[smem:$0x7F9] =	sst s23  }
0x2c: {  	s22 =	sshrl.u32 s20, $0x3;
	s8 =	smov.u32 s25;
	[dreg:$0x17] =	wrdreg s6  }
0x2d: {  	s20 =	simm.s32 $0x14380;
	s23 =	simm.s32 $0x9;
	[dreg:$0x1d] =	wrdreg s18  }
0x2e: {  	s17 =	simm.s32 $0x8;
	[dreg:$0x19] =	wrdreg s0;
	s0 =	sadd.s32 s16, s9  }
0x2f: {  	s24 =	sadd.s32 s22, s14;
	s14 =	smov.u32 s13;
	[dreg:$0x1a] =	wrdreg s8  }
0x30: {  	s25 =	sadd.s32 s22, s9;
	s22 =	simm.s32 $0x11;
	[dreg:$0x1f] =	wrdreg s0  }
0x31: {  	s16 =	simm.s32 $0xC;
	s13 =	simm.s32 $0x0;
	[smem:$0x7FB] =	sst s24  }
.Ltmp0:
0x32: {  	s0 =	sadd.s32 s21, s9;
	[smem:$0x7FC] =	sst s25;
	(pc) =	sbr.rel .LBB2_1-.Ltmp0, $4  }
0x33: {  	s9 =	smov.u32 s26;
	s26 =	sadd.s32 $0x140, s2;
	[dreg:$0x1c] =	wrdreg s14  }
0x34: {  	s21 =	simm.s32 $0x14400;
	s25 =	simm.s32 $0x50;
	[smem:$0x7FA] =	sst s0  }
0x35: {  	s24 =	simm.s32 $0x1;
	s2 =	simm.s32 $0x10;
	[smem:$0x7FD] =	sst s26  }
0x36: {  	s26 =	simm.s32 $0xD;
	s0 =	simm.s32 $0x4;
	[dreg:$0x1b] =	wrdreg s9  }
.LBB2_4:
0x37: {  	_ =	swait.ge [sflag:s24], $0x2800  }
0x38: {  	[sflag:s24] =	ssyncset.done $0x0  }
0x39: {  	[sflag:s24] =	ssyncadd.s32 $0xFFFFD800  }
0x3a: {  	_ =	swait.ge [sflag:s26], $0x50  }
0x3b: {  	[sflag:s26] =	ssyncset.done $0x0  }
0x3c: {  	[sflag:s26] =	ssyncadd.s32 $0xFFFFFFB0  }
0x3d: {  	[spmem:s1] =	stream.indirect.scatter.add.f32 [tilespmem:s21], [sflag:$0x11], $0x80, s15, s25, $0xb8;
	[tilespmem:$0x1E400] =	vst v63  }
0x3e: {  	_ =	swait.ge [sflag:s22], $0x2800  }
0x3f: {  	[sflag:s22] =	ssyncset.done $0x0  }
0x40: {  	[sflag:s22] =	ssyncadd.s32 $0xFFFFD800  }
0x41: {  	[bflag:$0x0] =	sbarrier.arrive $0xFFFF  }
0x42: {  	s5 =	rddreg [dreg:$0x15]  }
0x43: {  	[tilespmem:s21], [sflag:$0x11] =	stream.linear.gather [spmem:s5], $0x2800, $0x38;
	[tilespmem:$0x1E400] =	vst v63  }
0x44: {  	_ =	swait.ge [sflag:s22], $0x2800  }
0x45: {  	[sflag:s22] =	ssyncset.done $0x0  }
0x46: {  	s13 =	rddreg [dreg:$0x3];
	[sflag:s22] =	ssyncadd.s32 $0xFFFFD800  }
0x47: {  	[hbm4b:s13+s3] =	stream.linear.scatter [tilespmem:s21], [sflag:$0x11], $0x2800, $0x38;
	[tilespmem:$0x1E400] =	vst v63  }
0x48: {  	_ =	swait.ge [sflag:s22], $0x2800  }
0x49: {  	[sflag:s22] =	ssyncset.done $0x0  }
0x4a: {  	s6 =	rddreg [dreg:$0x17];
	[sflag:s22] =	ssyncadd.s32 $0xFFFFD800  }
0x4b: {  	[tilespmem:s21], [sflag:$0x11] =	stream.linear.gather [spmem:s6], $0x2800, $0x38;
	[tilespmem:$0x1E400] =	vst v63  }
0x4c: {  	_ =	swait.ge [sflag:s22], $0x2800  }
0x4d: {  	[sflag:s22] =	ssyncset.done $0x0  }
0x4e: {  	s14 =	rddreg [dreg:$0x4];
	[sflag:s22] =	ssyncadd.s32 $0xFFFFD800  }
0x4f: {  	[hbm4b:s14+s3] =	stream.linear.scatter [tilespmem:s21], [sflag:$0x11], $0x2800, $0x38;
	[tilespmem:$0x1E400] =	vst v63  }
0x50: {  	_ =	swait.ge [sflag:s22], $0x2800  }
0x51: {  	[sflag:s22] =	ssyncset.done $0x0  }
0x52: {  	s7 =	rddreg [dreg:$0x18];
	[sflag:s22] =	ssyncadd.s32 $0xFFFFD800  }
0x53: {  	[tilespmem:s21], [sflag:$0x11] =	stream.linear.gather [spmem:s7], $0x2800, $0x38;
	[tilespmem:$0x1E400] =	vst v63  }
0x54: {  	_ =	swait.ge [sflag:s22], $0x2800  }
0x55: {  	[sflag:s22] =	ssyncset.done $0x0  }
0x56: {  	s18 =	rddreg [dreg:$0x5];
	[sflag:s22] =	ssyncadd.s32 $0xFFFFD800  }
0x57: {  	[hbm4b:s18+s3] =	stream.linear.scatter [tilespmem:s21], [sflag:$0x11], $0x2800, $0x38;
	[tilespmem:$0x1E400] =	vst v63  }
0x58: {  	_ =	swait.ge [sflag:s22], $0x2800  }
0x59: {  	[sflag:s22] =	ssyncset.done $0x0  }
0x5a: {  	s8 =	rddreg [dreg:$0x19];
	[sflag:s22] =	ssyncadd.s32 $0xFFFFD800  }
0x5b: {  	[tilespmem:s21], [sflag:$0x11] =	stream.linear.gather [spmem:s8], $0x2800, $0x38;
	[tilespmem:$0x1E400] =	vst v63  }
0x5c: {  	_ =	swait.ge [sflag:s22], $0x2800  }
0x5d: {  	[sflag:s22] =	ssyncset.done $0x0  }
0x5e: {  	s9 =	rddreg [dreg:$0x6];
	[sflag:s22] =	ssyncadd.s32 $0xFFFFD800  }
0x5f: {  	[hbm4b:s9+s3] =	stream.linear.scatter [tilespmem:s21], [sflag:$0x11], $0x2800, $0x38;
	[tilespmem:$0x1E400] =	vst v63  }
0x60: {  	_ =	swait.ge [sflag:s22], $0x2800  }
0x61: {  	[sflag:s22] =	ssyncset.done $0x0  }
0x62: {  	s8 =	rddreg [dreg:$0x1a];
	[sflag:s22] =	ssyncadd.s32 $0xFFFFD800  }
0x63: {  	[tilespmem:s21], [sflag:$0x11] =	stream.linear.gather [spmem:s8], $0x2800, $0x38;
	[tilespmem:$0x1E400] =	vst v63  }
0x64: {  	_ =	swait.ge [sflag:s22], $0x2800  }
0x65: {  	[sflag:s22] =	ssyncset.done $0x0  }
0x66: {  	s13 =	rddreg [dreg:$0x7];
	[sflag:s22] =	ssyncadd.s32 $0xFFFFD800  }
0x67: {  	[hbm4b:s13+s3] =	stream.linear.scatter [tilespmem:s21], [sflag:$0x11], $0x2800, $0x38;
	[tilespmem:$0x1E400] =	vst v63  }
0x68: {  	_ =	swait.ge [sflag:s22], $0x2800  }
0x69: {  	[sflag:s22] =	ssyncset.done $0x0  }
0x6a: {  	s9 =	rddreg [dreg:$0x1b];
	[sflag:s22] =	ssyncadd.s32 $0xFFFFD800  }
0x6b: {  	[tilespmem:s21], [sflag:$0x11] =	stream.linear.gather [spmem:s9], $0x2800, $0x38;
	[tilespmem:$0x1E400] =	vst v63  }
0x6c: {  	_ =	swait.ge [sflag:s22], $0x2800  }
0x6d: {  	[sflag:s22] =	ssyncset.done $0x0  }
0x6e: {  	s14 =	rddreg [dreg:$0x8];
	[sflag:s22] =	ssyncadd.s32 $0xFFFFD800  }
0x6f: {  	[hbm4b:s14+s3] =	stream.linear.scatter [tilespmem:s21], [sflag:$0x11], $0x2800, $0x38;
	[tilespmem:$0x1E400] =	vst v63  }
0x70: {  	_ =	swait.ge [sflag:s22], $0x2800  }
0x71: {  	[sflag:s22] =	ssyncset.done $0x0  }
0x72: {  	s14 =	rddreg [dreg:$0x1c];
	[sflag:s22] =	ssyncadd.s32 $0xFFFFD800  }
0x73: {  	[tilespmem:s21], [sflag:$0x11] =	stream.linear.gather [spmem:s14], $0x2800, $0x38;
	[tilespmem:$0x1E400] =	vst v63  }
0x74: {  	_ =	swait.ge [sflag:s22], $0x2800  }
0x75: {  	[sflag:s22] =	ssyncset.done $0x0  }
0x76: {  	s18 =	rddreg [dreg:$0x9];
	[sflag:s22] =	ssyncadd.s32 $0xFFFFD800  }
0x77: {  	[hbm4b:s18+s3] =	stream.linear.scatter [tilespmem:s21], [sflag:$0x11], $0x2800, $0x38;
	[tilespmem:$0x1E400] =	vst v63  }
0x78: {  	_ =	swait.ge [sflag:s22], $0x2800  }
0x79: {  	[sflag:s22] =	ssyncset.done $0x0  }
0x7a: {  	s18 =	rddreg [dreg:$0x1d];
	[sflag:s22] =	ssyncadd.s32 $0xFFFFD800  }
0x7b: {  	[tilespmem:s21], [sflag:$0x11] =	stream.linear.gather [spmem:s18], $0x2800, $0x38;
	[tilespmem:$0x1E400] =	vst v63  }
0x7c: {  	_ =	swait.ge [sflag:s22], $0x2800  }
0x7d: {  	[sflag:s22] =	ssyncset.done $0x0  }
0x7e: {  	s13 =	rddreg [dreg:$0xa];
	[sflag:s22] =	ssyncadd.s32 $0xFFFFD800  }
0x7f: {  	[hbm4b:s13+s3] =	stream.linear.scatter [tilespmem:s21], [sflag:$0x11], $0x2800, $0x38;
	[tilespmem:$0x1E400] =	vst v63  }
0x80: {  	_ =	swait.ge [sflag:s22], $0x2800  }
0x81: {  	s13 =	sld [smem:$0x7F8];
	_ =	sdelay $0x2  }
0x82: {  	s5 =	rddreg [dreg:$0x16];
	s13 =	sadd.s32 $0x1, s13  }
0x83: {  	p0 =	sne.s32 s13, s5  }
.Ltmp1:
0x84: {  	_ = 	snop;
	(pc) =	sbr.rel @!p0 .LBB2_5-.Ltmp1, $3  }
0x85: {  	_ =	sdelay $0x1  }
0x86: {  	[sflag:s22] =	ssyncset.done $0x0  }
0x87: {  	[sflag:s22] =	ssyncadd.s32 $0xFFFFD800  }
.LBB2_1:
0x88: {  	[smem:$0x7F8] =	sst s13  }
0x89: {  	s5 =	rddreg [dreg:$0x11]  }
0x8a: {  	[tilespmem:s12], [sflag:$0x9] =	stream.linear.gather [hbm4b:s5+s3], $0x50, $0x38;
	[tilespmem:$0x1E400] =	vst v63  }
0x8b: {  	s13 =	rddreg [dreg:$0x12]  }
0x8c: {  	[tilespmem:s15], [sflag:$0xD] =	stream.linear.gather [hbm4b:s13+s3], $0x50, $0x38;
	[tilespmem:$0x1E400] =	vst v63  }
0x8d: {  	s5 =	rddreg [dreg:$0xd];
	s13 =	simm.s32 $0x14080  }
0x8e: {  	[tilespmem:s13], [sflag:$0xA] =	stream.linear.gather [hbm4b:s5+s3], $0x50, $0x38;
	[tilespmem:$0x1E400] =	vst v63  }
0x8f: {  	s5 =	rddreg [dreg:$0xe];
	s13 =	simm.s32 $0x14280  }
0x90: {  	[tilespmem:s13], [sflag:$0xE] =	stream.linear.gather [hbm4b:s5+s3], $0x50, $0x38;
	[tilespmem:$0x1E400] =	vst v63  }
0x91: {  	s5 =	rddreg [dreg:$0xf];
	s13 =	simm.s32 $0x14100  }
0x92: {  	[tilespmem:s13], [sflag:$0xB] =	stream.linear.gather [hbm4b:s5+s3], $0x50, $0x38;
	[tilespmem:$0x1E400] =	vst v63  }
0x93: {  	s5 =	rddreg [dreg:$0x10];
	s13 =	simm.s32 $0x14300  }
0x94: {  	[tilespmem:s13], [sflag:$0xF] =	stream.linear.gather [hbm4b:s5+s3], $0x50, $0x38;
	[tilespmem:$0x1E400] =	vst v63  }
0x95: {  	s13 =	rddreg [dreg:$0x13]  }
0x96: {  	[tilespmem:s19], [sflag:$0xC] =	stream.linear.gather [hbm4b:s13+s3], $0x50, $0x38;
	[tilespmem:$0x1E400] =	vst v63  }
0x97: {  	s13 =	rddreg [dreg:$0x14]  }
0x98: {  	[tilespmem:s20], [sflag:$0x10] =	stream.linear.gather [hbm4b:s13+s3], $0x50, $0x38;
	[tilespmem:$0x1E400] =	vst v63  }
0x99: {  	s13 =	rddreg [dreg:$0xc]  }
0x9a: {  	[tilespmem:s21], [sflag:$0x11] =	stream.linear.gather [hbm4b:s13+s3], $0x2800, $0x38;
	[tilespmem:$0x1E400] =	vst v63  }
0x9b: {  	_ =	swait.ge [sflag:s22], $0x2800  }
0x9c: {  	[sflag:s22] =	ssyncset.done $0x0  }
0x9d: {  	s13 =	rddreg [dreg:$0x15];
	[sflag:s22] =	ssyncadd.s32 $0xFFFFD800  }
0x9e: {  	[spmem:s13] =	stream.linear.scatter [tilespmem:s21], [sflag:$0x11], $0x2800, $0x38;
	[tilespmem:$0x1E400] =	vst v63  }
0x9f: {  	_ =	swait.ge [sflag:s22], $0x2800  }
0xa0: {  	[sflag:s22] =	ssyncset.done $0x0  }
0xa1: {  	[sflag:s22] =	ssyncadd.s32 $0xFFFFD800  }
0xa2: {  	[spmem:s6] =	stream.linear.scatter [tilespmem:s21], [sflag:$0x11], $0x2800, $0x38;
	[tilespmem:$0x1E400] =	vst v63  }
0xa3: {  	_ =	swait.ge [sflag:s22], $0x2800  }
0xa4: {  	[sflag:s22] =	ssyncset.done $0x0  }
0xa5: {  	[sflag:s22] =	ssyncadd.s32 $0xFFFFD800  }
0xa6: {  	[spmem:s7] =	stream.linear.scatter [tilespmem:s21], [sflag:$0x11], $0x2800, $0x38;
	[tilespmem:$0x1E400] =	vst v63  }
0xa7: {  	_ =	swait.ge [sflag:s22], $0x2800  }
0xa8: {  	[sflag:s22] =	ssyncset.done $0x0  }
0xa9: {  	s6 =	rddreg [dreg:$0x19];
	[sflag:s22] =	ssyncadd.s32 $0xFFFFD800  }
0xaa: {  	[spmem:s6] =	stream.linear.scatter [tilespmem:s21], [sflag:$0x11], $0x2800, $0x38;
	[tilespmem:$0x1E400] =	vst v63  }
0xab: {  	_ =	swait.ge [sflag:s22], $0x2800  }
0xac: {  	[sflag:s22] =	ssyncset.done $0x0  }
0xad: {  	[sflag:s22] =	ssyncadd.s32 $0xFFFFD800  }
0xae: {  	[spmem:s8] =	stream.linear.scatter [tilespmem:s21], [sflag:$0x11], $0x2800, $0x38;
	[tilespmem:$0x1E400] =	vst v63  }
0xaf: {  	_ =	swait.ge [sflag:s22], $0x2800  }
0xb0: {  	[sflag:s22] =	ssyncset.done $0x0  }
0xb1: {  	[sflag:s22] =	ssyncadd.s32 $0xFFFFD800  }
0xb2: {  	[spmem:s9] =	stream.linear.scatter [tilespmem:s21], [sflag:$0x11], $0x2800, $0x38;
	[tilespmem:$0x1E400] =	vst v63  }
0xb3: {  	_ =	swait.ge [sflag:s22], $0x2800  }
0xb4: {  	[sflag:s22] =	ssyncset.done $0x0  }
0xb5: {  	[sflag:s22] =	ssyncadd.s32 $0xFFFFD800  }
0xb6: {  	[spmem:s14] =	stream.linear.scatter [tilespmem:s21], [sflag:$0x11], $0x2800, $0x38;
	[tilespmem:$0x1E400] =	vst v63  }
0xb7: {  	_ =	swait.ge [sflag:s22], $0x2800  }
0xb8: {  	[sflag:s22] =	ssyncset.done $0x0  }
0xb9: {  	[sflag:s22] =	ssyncadd.s32 $0xFFFFD800  }
0xba: {  	[spmem:s18] =	stream.linear.scatter [tilespmem:s21], [sflag:$0x11], $0x2800, $0x38;
	[tilespmem:$0x1E400] =	vst v63  }
0xbb: {  	_ =	swait.ge [sflag:s22], $0x2800  }
0xbc: {  	[sflag:s22] =	ssyncset.done $0x0  }
0xbd: {  	[sflag:s22] =	ssyncadd.s32 $0xFFFFD800  }
0xbe: {  	[bflag:$0x0] =	sbarrier.arrive $0xFFFF  }
0xbf: {  	_ =	swait.ge [sflag:s23], $0x50  }
0xc0: {  	[sflag:s23] =	ssyncset.done $0x0  }
0xc1: {  	s7 =	simm.s32 $0xA;
	[sflag:s23] =	ssyncadd.s32 $0xFFFFFFB0  }
0xc2: {  	[tilespmem:s21], [sflag:$0x1] =	stream.indirect.gather [hbm4b:s4+s25], $0x80, s12, s25, $0xb8;
	[tilespmem:$0x1E400] =	vst v63  }
0xc3: {  	_ =	swait.ge [sflag:s7], $0x50  }
0xc4: {  	s13 =	simm.s32 $0xB;
	[sflag:s7] =	ssyncset.done $0x0  }
0xc5: {  	s8 =	simm.s32 $0x16C00;
	s9 =	simm.s32 $0x14080;
	[sflag:s7] =	ssyncadd.s32 $0xFFFFFFB0  }
0xc6: {  	[tilespmem:s8], [sflag:$0x2] =	stream.indirect.gather [hbm4b:s4+s25], $0x80, s9, s25, $0xb8;
	[tilespmem:$0x1E400] =	vst v63  }
0xc7: {  	_ =	swait.ge [sflag:s13], $0x50  }
0xc8: {  	[sflag:s13] =	ssyncset.done $0x0  }
0xc9: {  	s14 =	simm.s32 $0x19400;
	s18 =	simm.s32 $0x14100;
	[sflag:s13] =	ssyncadd.s32 $0xFFFFFFB0  }
0xca: {  	[tilespmem:s14], [sflag:$0x3] =	stream.indirect.gather [hbm4b:s4+s25], $0x80, s18, s25, $0xb8;
	[tilespmem:$0x1E400] =	vst v63  }
0xcb: {  	_ =	swait.ge [sflag:s16], $0x50  }
0xcc: {  	[sflag:s16] =	ssyncset.done $0x0  }
0xcd: {  	s13 =	simm.s32 $0x0;
	s18 =	sld [smem:$0x7FD];
	[sflag:s16] =	ssyncadd.s32 $0xFFFFFFB0  }
0xce: {  	[tilespmem:s11], [sflag:$0x4] =	stream.indirect.gather [hbm4b:s4+s25], $0x80, s19, s25, $0xb8;
	[tilespmem:$0x1E400] =	vst v63  }
.LBB2_2:
0xcf: {  	_ =	swait.ge [sflag:s24], $0x2800  }
0xd0: {  	[sflag:s24] =	ssyncset.done $0x0  }
0xd1: {  	[sflag:s24] =	ssyncadd.s32 $0xFFFFD800  }
0xd2: {  	_ =	swait.ge [sflag:s26], $0x50  }
0xd3: {  	[sflag:s26] =	ssyncset.done $0x0  }
0xd4: {  	[sflag:s26] =	ssyncadd.s32 $0xFFFFFFB0  }
0xd5: {  	[spmem:s1] =	stream.indirect.scatter.add.f32 [tilespmem:s21], [sflag:$0x5], $0x80, s15, s25, $0xb8;
	[tilespmem:$0x1E400] =	vst v63  }
0xd6: {  	_ =	swait.ge [sflag:s28], $0x2800  }
0xd7: {  	s14 =	sshrl.u32 s18, $0x3;
	[sflag:s28] =	ssyncset.done $0x0  }
0xd8: {  	s5 =	sadd.s32 s10, s14;
	s9 =	rddreg [dreg:$0xb];
	[sflag:s28] =	ssyncadd.s32 $0xFFFFD800  }
0xd9: {  	[tilespmem:s12], [sflag:$0x9] =	stream.linear.gather [hbm4b:s5+s3], $0x50, $0x38;
	[tilespmem:$0x1E400] =	vst v63  }
0xda: {  	s5 =	sadd.s32 s9, s14  }
0xdb: {  	[tilespmem:s15], [sflag:$0xD] =	stream.linear.gather [hbm4b:s5+s3], $0x50, $0x38;
	[tilespmem:$0x1E400] =	vst v63  }
0xdc: {  	_ =	swait.ge [sflag:s23], $0x50  }
0xdd: {  	[sflag:s23] =	ssyncset.done $0x0  }
0xde: {  	[sflag:s23] =	ssyncadd.s32 $0xFFFFFFB0  }
0xdf: {  	[tilespmem:s21], [sflag:$0x1] =	stream.indirect.gather [hbm4b:s4+s25], $0x80, s12, s25, $0xb8;
	[tilespmem:$0x1E400] =	vst v63  }
0xe0: {  	_ =	swait.ge [sflag:s29], $0x2800  }
0xe1: {  	[sflag:s29] =	ssyncset.done $0x0  }
0xe2: {  	[sflag:s29] =	ssyncadd.s32 $0xFFFFD800  }
0xe3: {  	_ =	swait.ge [sflag:s30], $0x50  }
0xe4: {  	[sflag:s30] =	ssyncset.done $0x0  }
0xe5: {  	s6 =	simm.s32 $0x16C00;
	s14 =	simm.s32 $0x14280;
	[sflag:s30] =	ssyncadd.s32 $0xFFFFFFB0  }
0xe6: {  	[spmem:s1] =	stream.indirect.scatter.add.f32 [tilespmem:s6], [sflag:$0x6], $0x80, s14, s25, $0xb8;
	[tilespmem:$0x1E400] =	vst v63  }
0xe7: {  	_ =	swait.ge [sflag:s31], $0x2800  }
0xe8: {  	p0 =	seq.s32 s13, $0x4B0;
	[sflag:s31] =	ssyncset.done $0x0  }
0xe9: {  	s5 =	simm.s32 @p0 $0x3;
	[sflag:s31] =	ssyncadd.s32 $0xFFFFD800  }
0xea: {  	_ =	swait.ge @p0 [sflag:s5], $0x2800  }
0xeb: {  	[sflag:s5] =	ssyncset.done @p0 $0x0  }
0xec: {  	[sflag:s5] =	ssyncadd.s32 @p0 $0xFFFFD800;
	s5 =	simm.s32 @p0 $0xF  }
0xed: {  	_ =	swait.ge @p0 [sflag:s5], $0x50  }
0xee: {  	s14 =	simm.s32 @p0 $0x14300;
	[sflag:s5] =	ssyncset.done @p0 $0x0  }
0xef: {  	s6 =	simm.s32 @p0 $0x19400;
	[sflag:s5] =	ssyncadd.s32 @p0 $0xFFFFFFB0;
	s5 =	simm.s32 @p0 $0x50  }
0xf0: {  	[spmem:s1] =	stream.indirect.scatter.add.f32 @p0 [tilespmem:s6], [sflag:$0x7], $0x80, s14, s5, $0xb8;
	[tilespmem:$0x1E400] =	vst v63  }
0xf1: {  	s5 =	simm.s32 @p0 $0x7  }
0xf2: {  	_ =	swait.ge @p0 [sflag:s5], $0x2800  }
0xf3: {  	[sflag:s5] =	ssyncset.done @p0 $0x0  }
0xf4: {  	[sflag:s5] =	ssyncadd.s32 @p0 $0xFFFFD800;
	s5 =	sld [smem:$0x7FC];
	_ =	sdelay $0x2  }
0xf5: {  	s6 =	simm.s32 @!p0 $0x0;
	s14 =	simm.s32 @!p0 $0x14080;
	s5 =	sadd.s32 @!p0 s13, s5  }
0xf6: {  	[tilespmem:s14], [sflag:$0xA] =	stream.linear.gather @!p0 [hbm4b:s5+s6], $0x50, $0x38;
	[tilespmem:$0x1E400] =	vst v63  }
0xf7: {  	s5 =	sld [smem:$0x7FB];
	_ =	sdelay $0x2  }
0xf8: {  	s7 =	simm.s32 @!p0 $0x14280;
	s5 =	sadd.s32 @!p0 s13, s5  }
0xf9: {  	[tilespmem:s7], [sflag:$0xE] =	stream.linear.gather @!p0 [hbm4b:s5+s6], $0x50, $0x38;
	[tilespmem:$0x1E400] =	vst v63  }
0xfa: {  	s5 =	simm.s32 @!p0 $0xA  }
0xfb: {  	_ =	swait.ge @!p0 [sflag:s5], $0x50  }
0xfc: {  	[sflag:s5] =	ssyncset.done @!p0 $0x0  }
0xfd: {  	s7 =	simm.s32 @!p0 $0x16C00;
	[sflag:s5] =	ssyncadd.s32 @!p0 $0xFFFFFFB0;
	s5 =	simm.s32 @!p0 $0x50  }
0xfe: {  	[tilespmem:s7], [sflag:$0x2] =	stream.indirect.gather @!p0 [hbm4b:s4+s5], $0x80, s14, s5, $0xb8;
	[tilespmem:$0x1E400] =	vst v63  }
0xff: {  	s7 =	simm.s32 @!p0 $0x3  }
0x100: {  	_ =	swait.ge @!p0 [sflag:s7], $0x2800  }
0x101: {  	[sflag:s7] =	ssyncset.done @!p0 $0x0  }
0x102: {  	[sflag:s7] =	ssyncadd.s32 @!p0 $0xFFFFD800;
	s7 =	simm.s32 @!p0 $0xF  }
0x103: {  	_ =	swait.ge @!p0 [sflag:s7], $0x50  }
0x104: {  	s8 =	simm.s32 @!p0 $0x7;
	[sflag:s7] =	ssyncset.done @!p0 $0x0  }
0x105: {  	s14 =	simm.s32 @!p0 $0x19400;
	[sflag:s7] =	ssyncadd.s32 @!p0 $0xFFFFFFB0;
	s7 =	simm.s32 @!p0 $0x14300  }
0x106: {  	[spmem:s1] =	stream.indirect.scatter.add.f32 @!p0 [tilespmem:s14], [sflag:$0x7], $0x80, s7, s5, $0xb8;
	[tilespmem:$0x1E400] =	vst v63  }
0x107: {  	_ =	swait.ge @!p0 [sflag:s8], $0x2800  }
0x108: {  	[sflag:s8] =	ssyncset.done @!p0 $0x0  }
0x109: {  	[sflag:s8] =	ssyncadd.s32 @!p0 $0xFFFFD800;
	s8 =	sld [smem:$0x7FA];
	_ =	sdelay $0x2  }
0x10a: {  	s9 =	simm.s32 @!p0 $0x14100;
	s8 =	sadd.s32 @!p0 s13, s8  }
0x10b: {  	[tilespmem:s9], [sflag:$0xB] =	stream.linear.gather @!p0 [hbm4b:s8+s6], $0x50, $0x38;
	[tilespmem:$0x1E400] =	vst v63  }
0x10c: {  	s8 =	sld [smem:$0x7F9];
	_ =	sdelay $0x2  }
0x10d: {  	s8 =	sadd.s32 @!p0 s13, s8  }
0x10e: {  	[tilespmem:s7], [sflag:$0xF] =	stream.linear.gather @!p0 [hbm4b:s8+s6], $0x50, $0x38;
	[tilespmem:$0x1E400] =	vst v63  }
0x10f: {  	s6 =	simm.s32 @!p0 $0xB  }
0x110: {  	_ =	swait.ge @!p0 [sflag:s6], $0x50  }
0x111: {  	[sflag:s6] =	ssyncset.done @!p0 $0x0  }
0x112: {  	[sflag:s6] =	ssyncadd.s32 @!p0 $0xFFFFFFB0  }
0x113: {  	[tilespmem:s14], [sflag:$0x3] =	stream.indirect.gather @!p0 [hbm4b:s4+s5], $0x80, s9, s5, $0xb8;
	[tilespmem:$0x1E400] =	vst v63  }
0x114: {  	_ =	swait.ge [sflag:s0], $0x2800  }
0x115: {  	[sflag:s0] =	ssyncset.done $0x0  }
0x116: {  	[sflag:s0] =	ssyncadd.s32 $0xFFFFD800  }
0x117: {  	_ =	swait.ge [sflag:s2], $0x50  }
0x118: {  	[sflag:s2] =	ssyncset.done $0x0  }
.Ltmp2:
0x119: {  	[sflag:s2] =	ssyncadd.s32 $0xFFFFFFB0;
	(pc) =	sbr.rel @p0 .LBB2_4-.Ltmp2, $4  }
0x11a: {  	[spmem:s1] =	stream.indirect.scatter.add.f32 [tilespmem:s11], [sflag:$0x8], $0x80, s20, s25, $0xb8;
	[tilespmem:$0x1E400] =	vst v63  }
0x11b: {  	_ =	swait.ge [sflag:s17], $0x2800  }
0x11c: {  	[sflag:s17] =	ssyncset.done $0x0  }
0x11d: {  	[sflag:s17] =	ssyncadd.s32 $0xFFFFD800  }
0x11e: {  	s5 =	rddreg [dreg:$0x1f]  }
0x11f: {  	s14 =	rddreg [dreg:$0x1e];
	s5 =	sadd.s32 s13, s5  }
0x120: {  	[tilespmem:s19], [sflag:$0xC] =	stream.linear.gather [hbm4b:s5+s3], $0x50, $0x38;
	[tilespmem:$0x1E400] =	vst v63  }
0x121: {  	s5 =	sadd.s32 s13, s14  }
0x122: {  	[tilespmem:s20], [sflag:$0x10] =	stream.linear.gather [hbm4b:s5+s3], $0x50, $0x38;
	[tilespmem:$0x1E400] =	vst v63  }
.Ltmp3:
0x123: {  	_ = 	snop;
	(pc) =	sbr.rel .LBB2_2-.Ltmp3, $4  }
0x124: {  	_ =	swait.ge [sflag:s16], $0x50  }
0x125: {  	[sflag:s16] =	ssyncset.done $0x0  }
0x126: {  	s18 =	sadd.s32 $0x140, s18;
	s13 =	sadd.s32 $0x28, s13;
	[sflag:s16] =	ssyncadd.s32 $0xFFFFFFB0  }
0x127: {  	[tilespmem:s11], [sflag:$0x4] =	stream.indirect.gather [hbm4b:s4+s25], $0x80, s19, s25, $0xb8;
	[tilespmem:$0x1E400] =	vst v63  }
.LBB2_5:
0x128: {  	_ =	sfence.sel $0x180000  }
0x129: {  	[bflag:$0x0] =	sbarrier.arrive $0xFFFF  }
0x12a: {  	_ =	strace $0x9000004A  }
0x12b: {  	s0 =	stileid.u32;
	[bflag:$0x2] =	sbarrier.arrive $0xFFFF  }
0x12c: {  	p0 =	sne.s32 s0, $0x0;
	s0 =	rddreg [dreg:$0x2]  }
0x12d: {  	s0 =	sadd.s32 @!p0 $0x100000, s0  }
0x12e: {  	[sflag:s0] =	ssyncadd.tile.s32 @!p0 $0x1;
	_ =	shalt  }
.Lfunc_end2:
_tile_overlayer_lowered:
.L_overlay_start_2:
0x12f: {  	(tag) =	ssettag $0x2  }
0x130: {  	s0 =	rddreg [dreg:$0x0];
	s2 =	stileid.u32  }
0x131: {  	s1 =	rddreg [dreg:$0x1];
	p0 =	sne.s32 s2, $0x0  }
0x132: {  	s3 =	rddreg [dreg:$0x2];
	[bflag:$0x3] =	sbarrier.arrive $0xFFFF;
	s2 =	simm.s32 @!p0 $0x1C11  }
0x133: {  	[timem:s3], [sflag:s2] =	dma.local @!p0 [hbm:s0], s1  }
0x134: {  	s0 =	simm.s32 @!p0 $0x11  }
0x135: {  	_ =	swait.ge @!p0 [sflag:s0], s1  }
0x136: {  	s1 =	ssub.s32 @!p0 $0x0, s1;
	[sflag:s0] =	ssyncset.done @!p0 $0x0  }
0x137: {  	[sflag:s0] =	ssyncadd.s32 @!p0 s1  }
0x138: {  	[bflag:$0x3] =	sbarrier.arrive $0xFFFF  }
0x139: {  	_ =	shalt  }

// kernel: kernel.16.cloned.1.call-start
scs
__scs_entry_jumppad:
0x0: {  	(pc) =	sbr.rel $0x88, $3  }
0x1: {  	(tag) =	ssettag $0x0;
	lr =	simm.s32 $0x1  }
0x2: {  	[smem:$0x3F96] =	sst lr;
	_ =	strace $0xD0000000  }
0x3: {  	_ = 	snop  }
0x4: {  	_ = 	snop  }
0x5: {  	_ = 	snop  }
0x6: {  	_ = 	snop  }
0x7: {  	_ = 	snop  }
__scs_overlays_trampoline_lowered:
0x8: {  	[smem:$0x3FA5] =	sst s0  }
0x9: {  	[smem:$0x3FA6] =	sst s1  }
0xa: {  	[smem:$0x3FA7] =	sst s2  }
0xb: {  	[smem:$0x3FA8] =	sst s3  }
0xc: {  	[smem:$0x3FA9] =	sst s4  }
0xd: {  	[smem:$0x3FAA] =	sst s5  }
0xe: {  	[smem:$0x3FAB] =	sst s6  }
0xf: {  	[smem:$0x3FAC] =	sst s7  }
0x10: {  	[smem:$0x3FAD] =	sst s8  }
0x11: {  	[smem:$0x3FAE] =	sst s9;
	s0 =	simm.s32 @!p0 $0x0  }
0x12: {  	s1 =	sld [smem:$0x3F94];
	s0 =	simm.s32 @p0 $0x1  }
0x13: {  	[smem:$0x3FAF] =	sst s0;
	s0 =	simm.s32 @!p1 $0x0  }
0x14: {  	s2 =	sld [smem:$0x3F93];
	s0 =	simm.s32 @p1 $0x1  }
0x15: {  	[smem:$0x3FB0] =	sst s0;
	s0 =	simm.s32 @!p2 $0x0  }
0x16: {  	s3 =	sld [smem:$0x3FDB];
	s0 =	simm.s32 @p2 $0x1  }
0x17: {  	s4 =	simm.s32 $0x1BF5;
	[smem:$0x3FB2] =	sst s0  }
0x18: {  	s0 =	sld [smem:$0x3F95];
	_ =	swait.ge [sflag:s4], $0x0  }
0x19: {  	s7 =	sld [smem:$0x3F96]  }
0x1a: {  	s8 =	sadd.s32 $0xFFFFE003, lr  }
0x1b: {  	s9 =	sadd.s32 $0xFFFFFEF7, lr;
	s5 =	simm.s32 $0xFFFFFFFF;
	p2 =	slt.u32 s8, $0xFFFFF086  }
0x1c: {  	p1 =	slt.u32 s9, $0xF7A;
	s5 =	simm.s32 @!p2 $0x0  }
0x1d: {  	s5 =	simm.s32 @p1 $0x1;
	p0 =	seq.s32 s7, s2  }
0x1e: {  	s7 =	smul.u32 @!p0 $0xF7A, s2;
	p2 =	seq.s32 @!p0 s5, $0x0  }
0x1f: {  	s9 =	smul.u32 $0xF7A, s1;
	s8 =	simm.s32 @!p0 $0x1BF5;
	p2 =	por !p2, p0  }
0x20: {  	[sflag:s8] =	ssyncset.s32 @!p0 $0xFFFFF086;
	s6 =	sadd.s32 @!p0 s3, s7;
	s7 =	simm.s32 @!p0 $0x108  }
0x21: {  	s3 =	sadd.s32 s3, s9;
	s6 =	sadd.s32 @!p0 $0x88, s6;
	s7 =	simm.s32 @p2 $0x1082  }
0x22: {  	[simem:s7], [sflag:s8] =	dma.local @!p0 [hbm:s6], $0xF7A  }
0x23: {  	s9 =	sor.u32 $0xD0000000, s2;
	s6 =	simm.s32 $0x108;
	_ =	swait.ge @!p0 [sflag:s8], $0x0  }
0x24: {  	s3 =	sadd.s32 $0x88, s3;
	s6 =	simm.s32 @!p1 $0x1082;
	[sflag:s4] =	ssyncset.s32 $0xFFFFF086  }
0x25: {  	[simem:s6], [sflag:s4] =	dma.local [hbm:s3], $0xF7A  }
0x26: {  	[smem:$0x3F96] =	sst s1;
	(tag) =	ssettag s2;
	_ =	strace s9  }
0x27: {  	s1 =	sld [smem:$0x3FA6]  }
0x28: {  	s2 =	sld [smem:$0x3FA7]  }
0x29: {  	s4 =	sld [smem:$0x3FA9]  }
0x2a: {  	p0 =	seq.s32 s5, $0x0;
	s5 =	sld [smem:$0x3FAA]  }
0x2b: {  	s6 =	sld [smem:$0x3FAB]  }
0x2c: {  	s7 =	sld [smem:$0x3FAC]  }
0x2d: {  	s3 =	simm.s32 $0x108;
	s8 =	sld [smem:$0x3FAD]  }
0x2e: {  	s3 =	simm.s32 @!p0 $0x1082;
	s9 =	sld [smem:$0x3FAE]  }
0x2f: {  	lr =	sadd.s32 s0, s3;
	s0 =	sld [smem:$0x3FA5]  }
0x30: {  	s3 =	sld [smem:$0x3FA8]  }
0x31: {  	[smem:$0x3FB1] =	sst s10  }
0x32: {  	s10 =	sld [smem:$0x3FAF];
	_ =	sdelay $0x3  }
0x33: {  	p0 =	seq.s32 s10, $0x1;
	s10 =	sld [smem:$0x3FB1];
	_ =	sdelay $0x3  }
0x34: {  	[smem:$0x3FB1] =	sst s10  }
0x35: {  	s10 =	sld [smem:$0x3FB0];
	_ =	sdelay $0x3  }
0x36: {  	p1 =	seq.s32 s10, $0x1;
	s10 =	sld [smem:$0x3FB1];
	_ =	sdelay $0x3  }
0x37: {  	[smem:$0x3FB1] =	sst s10  }
0x38: {  	s10 =	sld [smem:$0x3FB2]  }
0x39: {  	_ = 	snop;
	(pc) =	sbr.ind lr, $3  }
0x3a: {  	_ = 	snop  }
0x3b: {  	_ = 	snop  }
0x3c: {  	p2 =	seq.s32 s10, $0x1;
	s10 =	sld [smem:$0x3FB1]  }
0x3d: {  	_ =	shalt  }
0x3e: {  	_ =	shalt  }
0x3f: {  	_ =	shalt  }
0x40: {  	_ =	shalt  }
0x41: {  	_ =	shalt  }
0x42: {  	_ =	shalt  }
0x43: {  	_ =	shalt  }
0x44: {  	_ =	shalt  }
0x45: {  	_ =	shalt  }
0x46: {  	_ =	shalt  }
0x47: {  	_ =	shalt  }
0x48: {  	_ =	shalt  }
0x49: {  	_ =	shalt  }
0x4a: {  	_ =	shalt  }
0x4b: {  	_ =	shalt  }
0x4c: {  	_ =	shalt  }
0x4d: {  	_ =	shalt  }
0x4e: {  	_ =	shalt  }
0x4f: {  	_ =	shalt  }
0x50: {  	_ =	shalt  }
0x51: {  	_ =	shalt  }
0x52: {  	_ =	shalt  }
0x53: {  	_ =	shalt  }
0x54: {  	_ =	shalt  }
0x55: {  	_ =	shalt  }
0x56: {  	_ =	shalt  }
0x57: {  	_ =	shalt  }
0x58: {  	_ =	shalt  }
0x59: {  	_ =	shalt  }
0x5a: {  	_ =	shalt  }
0x5b: {  	_ =	shalt  }
0x5c: {  	_ =	shalt  }
0x5d: {  	_ =	shalt  }
0x5e: {  	_ =	shalt  }
0x5f: {  	_ =	shalt  }
0x60: {  	_ =	shalt  }
0x61: {  	_ =	shalt  }
0x62: {  	_ =	shalt  }
0x63: {  	_ =	shalt  }
0x64: {  	_ =	shalt  }
0x65: {  	_ =	shalt  }
0x66: {  	_ =	shalt  }
0x67: {  	_ =	shalt  }
0x68: {  	_ =	shalt  }
0x69: {  	_ =	shalt  }
0x6a: {  	_ =	shalt  }
0x6b: {  	_ =	shalt  }
0x6c: {  	_ =	shalt  }
0x6d: {  	_ =	shalt  }
0x6e: {  	_ =	shalt  }
0x6f: {  	_ =	shalt  }
0x70: {  	_ =	shalt  }
0x71: {  	_ =	shalt  }
0x72: {  	_ =	shalt  }
0x73: {  	_ =	shalt  }
0x74: {  	_ =	shalt  }
0x75: {  	_ =	shalt  }
0x76: {  	_ =	shalt  }
0x77: {  	_ =	shalt  }
0x78: {  	_ =	shalt  }
0x79: {  	_ =	shalt  }
0x7a: {  	_ =	shalt  }
0x7b: {  	_ =	shalt  }
0x7c: {  	_ =	shalt  }
0x7d: {  	_ =	shalt  }
0x7e: {  	_ =	shalt  }
0x7f: {  	_ =	shalt  }
0x80: {  	_ =	shalt  }
0x81: {  	_ =	shalt  }
0x82: {  	_ =	shalt  }
0x83: {  	_ =	shalt  }
0x84: {  	_ =	shalt  }
0x85: {  	_ =	shalt  }
0x86: {  	_ =	shalt  }
0x87: {  	_ =	shalt  }
.Lfunc_end0:
.L_simem_size_0:
called_computation.2_lowered:
.L_overlay_start_0:
0x88: {  	s2 =	sld [smem:$0x3FD9]  }
0x89: {  	s3 =	sld [smem:$0x3FFE];
	_ =	sdelay $0x1  }
0x8a: {  	s1 =	srdreg.scid  }
0x8b: {  	s0 =	sand.u32 $0x1, s1  }
0x8c: {  	s16 =	sshll.u32 s0, $0xA;
	s2 =	sadd.s32 s3, s2  }
0x8d: {  	s2 =	sadd.s32 s2, s16  }
0x8e: {  	[smem:$0x3FBD] =	sst s2  }
0x8f: {  	_ = 	snop  }
0x90: {  	(tm) =	ssettm $0x1  }
0x91: {  	s17 =	sld [smem:$0x3FFB];
	_ =	sdelay $0x3  }
0x92: {  	_ =	strace s17  }
0x93: {  	s2 =	sld [smem:$0x3FFC];
	_ =	sdelay $0x3  }
0x94: {  	_ =	strace s2  }
0x95: {  	s2 =	sld [smem:$0x3FFD];
	_ =	sdelay $0x3  }
0x96: {  	_ =	strace s2  }
0x97: {  	_ =	strace $0x8FFFFFFF  }
0x98: {  	s18 =	sld [smem:$0x3FDB];
	_ =	sdelay $0x1  }
0x99: {  	s19 =	simm.s32 $_scs_section_size  }
0x9a: {  	s4 =	simm.s32 $_size__tile_overlayer_lowered;
	s5 =	simm.s32 $_tile_overlayer_lowered  }
0x9b: {  	s22 =	simm.s32 $0x1BFF;
	s21 =	sshll.u32 s5, $0x1;
	s2 =	sadd.s32 s19, s18  }
0x9c: {  	s6 =	simm.s32 $0x0;
	s20 =	sshll.u32 s4, $0x1;
	s4 =	sadd.s32 s21, s2  }
0x9d: {  	[timem:s6], [sflag:s22] =	dma.local [hbm:s4], s20  }
0x9e: {  	_ =	swait.ge [sflag:s22], s20  }
0x9f: {  	s3 =	ssub.s32 $0x0, s20;
	[sflag:s22] =	ssyncset.done $0x0  }
0xa0: {  	[sflag:s22] =	ssyncadd.s32 s3;
	_ =	sdelay $0x1  }
0xa1: {  	s23 =	simm.s32 $0x1B8B  }
0xa2: {  	_ =	swait.ge [sflag:s23], $0x1  }
0xa3: {  	[sflag:s23] =	ssyncset.done $0x0  }
0xa4: {  	s25 =	simm.s32 $0x1B8E;
	s24 =	sld [smem:$0x3FFE];
	[sflag:s23] =	ssyncadd.s32 $0xFFFFFFFF  }
0xa5: {  	s26 =	simm.s32 $execute0_lowered;
	[smem:$0x3FD2] =	sst s25  }
0xa6: {  	s4 =	sshll.u32 s26, $0x1;
	_ =	strace $0x8000004C;
	[dreg:$0x1] =	wrdreg $0xFFFFFFFF  }
0xa7: {  	s28 =	simm.s32 $_size_execute0_lowered;
	s2 =	sadd.s32 s2, s4;
	[dreg:$0x0] =	wrdreg $0x0  }
0xa8: {  	s4 =	sshll.u32 s28, $0x1;
	[dreg:$0x2] =	wrdreg s2  }
0xa9: {  	[dreg:$0x3] =	wrdreg s4  }
0xaa: {  	[dreg:$0x4] =	wrdreg $0xC0  }
0xab: {  	_ =	task [dreg:s6], $0x5FFFF  }
0xac: {  	[dreg:$0x1] =	wrdreg $0xFFFFFFFF  }
0xad: {  	[dreg:$0x0] =	wrdreg $0x60  }
0xae: {  	[dreg:$0x2] =	wrdreg s24  }
0xaf: {  	[dreg:$0x3] =	wrdreg $0x0  }
0xb0: {  	[dreg:$0x4] =	wrdreg $0x9  }
0xb1: {  	_ =	task.clear_ibuf [dreg:s6], $0x5FFFF;
	_ =	strace $0x9000004C  }
0xb2: {  	s29 =	simm.s32 $0x9;
	_ =	strace $0x8000004E  }
0xb3: {  	_ =	swait.ge [sflag:s29], $0x1  }
0xb4: {  	[sflag:s29] =	ssyncadd.s32 $0xFFFFFFFF  }
0xb5: {  	_ =	strace $0x9000004E  }
0xb6: {  	_ =	sfence  }
0xb7: {  	s30 =	sld [smem:$0x0];
	_ =	sdelay $0x2  }
0xb8: {  	s31 =	sshll.u32 s1, $0xD;
	s1 =	sshrl.u32 s1, $0x2  }
0xb9: {  	s3 =	sand.u32 $0x4000, s31;
	s1 =	sadd.s32 s1, s30  }
0xba: {  	s0 =	sor.u32 s3, s0;
	s1 =	sshll.u32 s1, $0x11  }
0xbb: {  	s0 =	sor.u32 s1, s0  }
0xbc: {  	s0 =	sadd.s32 $0x8F2B, s0  }
0xbd: {  	[sflag:s0] =	ssyncadd.remote.s32 $0x1  }
0xbe: {  	_ =	sfence.sel $0xFFFF  }
0xbf: {  	[dreg:$0x0] =	wrdreg $0xFFFFFFFF;
	(pc) =	sbr.abs _section_cstart, $3  }
0xc0: {  	[dreg:$0x1] =	wrdreg $0xFFFFFFFF  }
0xc1: {  	_ =	task.clear_ibuf [dreg:s6], $0x2FFFF;
	_ =	strace $0x9FFFFFFF  }
0xc2: {  	(tm) =	ssettm $0x7FFFFFFF  }
0xc3: {  	_ =	shalt  }
tec
execute0_lowered:
.L_overlay_start_1:
0x0: {  	(tag) =	ssettag $0x1  }
0x1: {  	s0 =	rddreg [dreg:$0x0]  }
0x2: {  	s1 =	rddreg [dreg:$0x1];
	s2 =	srdreg.scid  }
0x3: {  	s3 =	simm.s32 $0x0;
	s19 =	stileid.u32;
	s28 =	simm.s32 $0x5  }
0x4: {  	s29 =	simm.s32 $0x2;
	s30 =	simm.s32 $0xE;
	s31 =	simm.s32 $0x6  }
0x5: {  	s2 =	sand.u32 $0x1, s2;
	[smem:$0x7FF] =	sst s3;
	s8 =	smul.u32 $0x280, s19  }
0x6: {  	s9 =	sadd.s32 $0x8FE00, s0;
	s4 =	sshll.u32 s2, $0x4;
	s26 =	smul.u32 $0x2800, s2  }
0x7: {  	_ =	strace $0x8000004D;
	s5 =	ssub.s32 $0x2, s2;
	s2 =	smul.u32 $0x27100, s2  }
0x8: {  	s4 =	sor.u32 s19, s4;
	s7 =	sshrl.u32 s5, $0x1;
	s10 =	sor.u32 $0x50, s8  }
0x9: {  	s11 =	sadd.s32 $0xA0, s8;
	s12 =	sadd.s32 $0xF0, s8;
	s13 =	sadd.s32 $0x140, s8  }
0xa: {  	s15 =	sadd.s32 $0x190, s8;
	s16 =	sadd.s32 $0x1E0, s8;
	s17 =	sadd.s32 $0x230, s8  }
0xb: {  	s6 =	smul.u32 $0x2710, s4;
	s4 =	sadd.s32 $0x67E00, s0;
	s5 =	ssub.s32 s5, s7  }
0xc: {  	s8 =	sadd.s32 s26, s8;
	s14 =	sadd.s32 s26, s10;
	s18 =	sadd.s32 s26, s11  }
0xd: {  	s20 =	sadd.s32 s26, s12;
	s21 =	sadd.s32 s26, s13;
	s22 =	sadd.s32 s26, s15  }
0xe: {  	s25 =	sadd.s32 s26, s16;
	s7 =	sadd.s32 s26, s17;
	s26 =	smul.u32 $0x2710, s19  }
0xf: {  	s8 =	sshll.u32 s8, $0x4;
	s14 =	sshll.u32 s14, $0x4;
	s18 =	sshll.u32 s18, $0x4  }
0x10: {  	s24 =	sshll.u32 s22, $0x4;
	s7 =	sshll.u32 s7, $0x4;
	s5 =	smax.u32 s5, $0x1  }
0x11: {  	s8 =	sadd.s32 s9, s8;
	s14 =	sadd.s32 s9, s14;
	[dreg:$0x16] =	wrdreg s5  }
0x12: {  	s7 =	sadd.s32 s9, s7;
	s6 =	sshrl.u32 s6, $0x3;
	[dreg:$0x3] =	wrdreg s8  }
0x13: {  	s2 =	sadd.s32 s26, s2;
	s5 =	sshll.u32 s16, $0x7;
	[dreg:$0x4] =	wrdreg s14  }
0x14: {  	s8 =	sadd.s32 s9, s18;
	s14 =	sshll.u32 s21, $0x4;
	[dreg:$0xa] =	wrdreg s7  }
0x15: {  	[dreg:$0x5] =	wrdreg s8;
	s8 =	sshll.u32 s20, $0x4;
	s23 =	sadd.s32 s9, s14  }
0x16: {  	s14 =	sshll.u32 s25, $0x4;
	s8 =	sadd.s32 s9, s8;
	[dreg:$0x7] =	wrdreg s23  }
0x17: {  	s18 =	sadd.s32 $0xA, s6;
	s14 =	sadd.s32 s9, s14;
	[dreg:$0x6] =	wrdreg s8  }
0x18: {  	s8 =	sadd.s32 s9, s24;
	[dreg:$0x9] =	wrdreg s14;
	s9 =	sadd.s32 $0x3600, s0  }
0x19: {  	s14 =	sadd.s32 $0xD400, s0;
	s0 =	sadd.s32 $0x17200, s0;
	[dreg:$0x8] =	wrdreg s8  }
0x1a: {  	s21 =	sadd.s32 $0x14, s6;
	s7 =	sshll.u32 s10, $0x7;
	[dreg:$0xc] =	wrdreg s0  }
0x1b: {  	s10 =	sadd.s32 s7, s1;
	s20 =	sadd.s32 s9, s18;
	[dreg:$0xb] =	wrdreg s14  }
0x1c: {  	s23 =	smul.u32 $0x50000, s19;
	s0 =	sadd.s32 s14, s18;
	[dreg:$0xd] =	wrdreg s20  }
0x1d: {  	s19 =	sadd.s32 $0x1E0, s2;
	s22 =	sadd.s32 s9, s21;
	[dreg:$0xe] =	wrdreg s0  }
0x1e: {  	s24 =	sadd.s32 s9, s6;
	s25 =	sadd.s32 s14, s6;
	[dreg:$0xf] =	wrdreg s22  }
0x1f: {  	s6 =	sadd.s32 $0x1E, s6;
	s8 =	sshll.u32 s11, $0x7;
	[dreg:$0x11] =	wrdreg s24  }
0x20: {  	s0 =	sadd.s32 s14, s21;
	[dreg:$0x12] =	wrdreg s25;
	s26 =	sadd.s32 s9, s6  }
0x21: {  	s6 =	sadd.s32 s14, s6;
	s11 =	sadd.s32 s8, s1;
	s22 =	sshll.u32 s12, $0x7  }
0x22: {  	s24 =	sshll.u32 s15, $0x7;
	s8 =	sadd.s32 $0x230, s2;
	s20 =	sadd.s32 $0x190, s2  }
0x23: {  	s21 =	sshrl.u32 s19, $0x3;
	s12 =	simm.s32 $0x14000;
	[dreg:$0x10] =	wrdreg s0  }
0x24: {  	s15 =	simm.s32 $0x14200;
	s19 =	simm.s32 $0x14180;
	[dreg:$0x13] =	wrdreg s26  }
0x25: {  	[dreg:$0x14] =	wrdreg s6;
	s0 =	sshrl.u32 s23, $0x2;
	s23 =	sshll.u32 s13, $0x7  }
0x26: {  	s26 =	sadd.s32 s24, s1;
	s6 =	sshll.u32 s17, $0x7;
	s13 =	sadd.s32 s5, s1  }
0x27: {  	s16 =	sshrl.u32 s8, $0x3;
	s7 =	smov.u32 s11;
	s11 =	simm.s32 $0x1BC00  }
0x28: {  	s0 =	sadd.s32 s0, s1;
	s25 =	sadd.s32 s23, s1;
	[dreg:$0x18] =	wrdreg s7  }
0x29: {  	s18 =	sadd.s32 s6, s1;
	s17 =	sadd.s32 s16, s14;
	[dreg:$0x15] =	wrdreg s0  }
0x2a: {  	s6 =	smov.u32 s10;
	s23 =	sadd.s32 s21, s14;
	[dreg:$0x1e] =	wrdreg s17  }
0x2b: {  	s10 =	smov.u32 s9;
	s0 =	sadd.s32 s22, s1;
	[smem:$0x7F9] =	sst s23  }
0x2c: {  	s22 =	sshrl.u32 s20, $0x3;
	s8 =	smov.u32 s25;
	[dreg:$0x17] =	wrdreg s6  }
0x2d: {  	s20 =	simm.s32 $0x14380;
	s23 =	simm.s32 $0x9;
	[dreg:$0x1d] =	wrdreg s18  }
0x2e: {  	s17 =	simm.s32 $0x8;
	[dreg:$0x19] =	wrdreg s0;
	s0 =	sadd.s32 s16, s9  }
0x2f: {  	s24 =	sadd.s32 s22, s14;
	s14 =	smov.u32 s13;
	[dreg:$0x1a] =	wrdreg s8  }
0x30: {  	s25 =	sadd.s32 s22, s9;
	s22 =	simm.s32 $0x11;
	[dreg:$0x1f] =	wrdreg s0  }
0x31: {  	s16 =	simm.s32 $0xC;
	s13 =	simm.s32 $0x0;
	[smem:$0x7FB] =	sst s24  }
.Ltmp0:
0x32: {  	s0 =	sadd.s32 s21, s9;
	[smem:$0x7FC] =	sst s25;
	(pc) =	sbr.rel .LBB2_1-.Ltmp0, $4  }
0x33: {  	s9 =	smov.u32 s26;
	s26 =	sadd.s32 $0x140, s2;
	[dreg:$0x1c] =	wrdreg s14  }
0x34: {  	s21 =	simm.s32 $0x14400;
	s25 =	simm.s32 $0x50;
	[smem:$0x7FA] =	sst s0  }
0x35: {  	s24 =	simm.s32 $0x1;
	s2 =	simm.s32 $0x10;
	[smem:$0x7FD] =	sst s26  }
0x36: {  	s26 =	simm.s32 $0xD;
	s0 =	simm.s32 $0x4;
	[dreg:$0x1b] =	wrdreg s9  }
.LBB2_4:
0x37: {  	_ =	swait.ge [sflag:s24], $0x2800  }
0x38: {  	[sflag:s24] =	ssyncset.done $0x0  }
0x39: {  	[sflag:s24] =	ssyncadd.s32 $0xFFFFD800  }
0x3a: {  	_ =	swait.ge [sflag:s26], $0x50  }
0x3b: {  	[sflag:s26] =	ssyncset.done $0x0  }
0x3c: {  	[sflag:s26] =	ssyncadd.s32 $0xFFFFFFB0  }
0x3d: {  	[spmem:s1] =	stream.indirect.scatter.add.f32 [tilespmem:s21], [sflag:$0x11], $0x80, s15, s25, $0xb8;
	[tilespmem:$0x1E400] =	vst v63  }
0x3e: {  	_ =	swait.ge [sflag:s22], $0x2800  }
0x3f: {  	[sflag:s22] =	ssyncset.done $0x0  }
0x40: {  	[sflag:s22] =	ssyncadd.s32 $0xFFFFD800  }
0x41: {  	[bflag:$0x0] =	sbarrier.arrive $0xFFFF  }
0x42: {  	s5 =	rddreg [dreg:$0x15]  }
0x43: {  	[tilespmem:s21], [sflag:$0x11] =	stream.linear.gather [spmem:s5], $0x2800, $0x38;
	[tilespmem:$0x1E400] =	vst v63  }
0x44: {  	_ =	swait.ge [sflag:s22], $0x2800  }
0x45: {  	[sflag:s22] =	ssyncset.done $0x0  }
0x46: {  	s13 =	rddreg [dreg:$0x3];
	[sflag:s22] =	ssyncadd.s32 $0xFFFFD800  }
0x47: {  	[hbm4b:s13+s3] =	stream.linear.scatter [tilespmem:s21], [sflag:$0x11], $0x2800, $0x38;
	[tilespmem:$0x1E400] =	vst v63  }
0x48: {  	_ =	swait.ge [sflag:s22], $0x2800  }
0x49: {  	[sflag:s22] =	ssyncset.done $0x0  }
0x4a: {  	s6 =	rddreg [dreg:$0x17];
	[sflag:s22] =	ssyncadd.s32 $0xFFFFD800  }
0x4b: {  	[tilespmem:s21], [sflag:$0x11] =	stream.linear.gather [spmem:s6], $0x2800, $0x38;
	[tilespmem:$0x1E400] =	vst v63  }
0x4c: {  	_ =	swait.ge [sflag:s22], $0x2800  }
0x4d: {  	[sflag:s22] =	ssyncset.done $0x0  }
0x4e: {  	s14 =	rddreg [dreg:$0x4];
	[sflag:s22] =	ssyncadd.s32 $0xFFFFD800  }
0x4f: {  	[hbm4b:s14+s3] =	stream.linear.scatter [tilespmem:s21], [sflag:$0x11], $0x2800, $0x38;
	[tilespmem:$0x1E400] =	vst v63  }
0x50: {  	_ =	swait.ge [sflag:s22], $0x2800  }
0x51: {  	[sflag:s22] =	ssyncset.done $0x0  }
0x52: {  	s7 =	rddreg [dreg:$0x18];
	[sflag:s22] =	ssyncadd.s32 $0xFFFFD800  }
0x53: {  	[tilespmem:s21], [sflag:$0x11] =	stream.linear.gather [spmem:s7], $0x2800, $0x38;
	[tilespmem:$0x1E400] =	vst v63  }
0x54: {  	_ =	swait.ge [sflag:s22], $0x2800  }
0x55: {  	[sflag:s22] =	ssyncset.done $0x0  }
0x56: {  	s18 =	rddreg [dreg:$0x5];
	[sflag:s22] =	ssyncadd.s32 $0xFFFFD800  }
0x57: {  	[hbm4b:s18+s3] =	stream.linear.scatter [tilespmem:s21], [sflag:$0x11], $0x2800, $0x38;
	[tilespmem:$0x1E400] =	vst v63  }
0x58: {  	_ =	swait.ge [sflag:s22], $0x2800  }
0x59: {  	[sflag:s22] =	ssyncset.done $0x0  }
0x5a: {  	s8 =	rddreg [dreg:$0x19];
	[sflag:s22] =	ssyncadd.s32 $0xFFFFD800  }
0x5b: {  	[tilespmem:s21], [sflag:$0x11] =	stream.linear.gather [spmem:s8], $0x2800, $0x38;
	[tilespmem:$0x1E400] =	vst v63  }
0x5c: {  	_ =	swait.ge [sflag:s22], $0x2800  }
0x5d: {  	[sflag:s22] =	ssyncset.done $0x0  }
0x5e: {  	s9 =	rddreg [dreg:$0x6];
	[sflag:s22] =	ssyncadd.s32 $0xFFFFD800  }
0x5f: {  	[hbm4b:s9+s3] =	stream.linear.scatter [tilespmem:s21], [sflag:$0x11], $0x2800, $0x38;
	[tilespmem:$0x1E400] =	vst v63  }
0x60: {  	_ =	swait.ge [sflag:s22], $0x2800  }
0x61: {  	[sflag:s22] =	ssyncset.done $0x0  }
0x62: {  	s8 =	rddreg [dreg:$0x1a];
	[sflag:s22] =	ssyncadd.s32 $0xFFFFD800  }
0x63: {  	[tilespmem:s21], [sflag:$0x11] =	stream.linear.gather [spmem:s8], $0x2800, $0x38;
	[tilespmem:$0x1E400] =	vst v63  }
0x64: {  	_ =	swait.ge [sflag:s22], $0x2800  }
0x65: {  	[sflag:s22] =	ssyncset.done $0x0  }
0x66: {  	s13 =	rddreg [dreg:$0x7];
	[sflag:s22] =	ssyncadd.s32 $0xFFFFD800  }
0x67: {  	[hbm4b:s13+s3] =	stream.linear.scatter [tilespmem:s21], [sflag:$0x11], $0x2800, $0x38;
	[tilespmem:$0x1E400] =	vst v63  }
0x68: {  	_ =	swait.ge [sflag:s22], $0x2800  }
0x69: {  	[sflag:s22] =	ssyncset.done $0x0  }
0x6a: {  	s9 =	rddreg [dreg:$0x1b];
	[sflag:s22] =	ssyncadd.s32 $0xFFFFD800  }
0x6b: {  	[tilespmem:s21], [sflag:$0x11] =	stream.linear.gather [spmem:s9], $0x2800, $0x38;
	[tilespmem:$0x1E400] =	vst v63  }
0x6c: {  	_ =	swait.ge [sflag:s22], $0x2800  }
0x6d: {  	[sflag:s22] =	ssyncset.done $0x0  }
0x6e: {  	s14 =	rddreg [dreg:$0x8];
	[sflag:s22] =	ssyncadd.s32 $0xFFFFD800  }
0x6f: {  	[hbm4b:s14+s3] =	stream.linear.scatter [tilespmem:s21], [sflag:$0x11], $0x2800, $0x38;
	[tilespmem:$0x1E400] =	vst v63  }
0x70: {  	_ =	swait.ge [sflag:s22], $0x2800  }
0x71: {  	[sflag:s22] =	ssyncset.done $0x0  }
0x72: {  	s14 =	rddreg [dreg:$0x1c];
	[sflag:s22] =	ssyncadd.s32 $0xFFFFD800  }
0x73: {  	[tilespmem:s21], [sflag:$0x11] =	stream.linear.gather [spmem:s14], $0x2800, $0x38;
	[tilespmem:$0x1E400] =	vst v63  }
0x74: {  	_ =	swait.ge [sflag:s22], $0x2800  }
0x75: {  	[sflag:s22] =	ssyncset.done $0x0  }
0x76: {  	s18 =	rddreg [dreg:$0x9];
	[sflag:s22] =	ssyncadd.s32 $0xFFFFD800  }
0x77: {  	[hbm4b:s18+s3] =	stream.linear.scatter [tilespmem:s21], [sflag:$0x11], $0x2800, $0x38;
	[tilespmem:$0x1E400] =	vst v63  }
0x78: {  	_ =	swait.ge [sflag:s22], $0x2800  }
0x79: {  	[sflag:s22] =	ssyncset.done $0x0  }
0x7a: {  	s18 =	rddreg [dreg:$0x1d];
	[sflag:s22] =	ssyncadd.s32 $0xFFFFD800  }
0x7b: {  	[tilespmem:s21], [sflag:$0x11] =	stream.linear.gather [spmem:s18], $0x2800, $0x38;
	[tilespmem:$0x1E400] =	vst v63  }
0x7c: {  	_ =	swait.ge [sflag:s22], $0x2800  }
0x7d: {  	[sflag:s22] =	ssyncset.done $0x0  }
0x7e: {  	s13 =	rddreg [dreg:$0xa];
	[sflag:s22] =	ssyncadd.s32 $0xFFFFD800  }
0x7f: {  	[hbm4b:s13+s3] =	stream.linear.scatter [tilespmem:s21], [sflag:$0x11], $0x2800, $0x38;
	[tilespmem:$0x1E400] =	vst v63  }
0x80: {  	_ =	swait.ge [sflag:s22], $0x2800  }
0x81: {  	s13 =	sld [smem:$0x7F8];
	_ =	sdelay $0x2  }
0x82: {  	s5 =	rddreg [dreg:$0x16];
	s13 =	sadd.s32 $0x1, s13  }
0x83: {  	p0 =	sne.s32 s13, s5  }
.Ltmp1:
0x84: {  	_ = 	snop;
	(pc) =	sbr.rel @!p0 .LBB2_5-.Ltmp1, $3  }
0x85: {  	_ =	sdelay $0x1  }
0x86: {  	[sflag:s22] =	ssyncset.done $0x0  }
0x87: {  	[sflag:s22] =	ssyncadd.s32 $0xFFFFD800  }
.LBB2_1:
0x88: {  	[smem:$0x7F8] =	sst s13  }
0x89: {  	s5 =	rddreg [dreg:$0x11]  }
0x8a: {  	[tilespmem:s12], [sflag:$0x9] =	stream.linear.gather [hbm4b:s5+s3], $0x50, $0x38;
	[tilespmem:$0x1E400] =	vst v63  }
0x8b: {  	s13 =	rddreg [dreg:$0x12]  }
0x8c: {  	[tilespmem:s15], [sflag:$0xD] =	stream.linear.gather [hbm4b:s13+s3], $0x50, $0x38;
	[tilespmem:$0x1E400] =	vst v63  }
0x8d: {  	s5 =	rddreg [dreg:$0xd];
	s13 =	simm.s32 $0x14080  }
0x8e: {  	[tilespmem:s13], [sflag:$0xA] =	stream.linear.gather [hbm4b:s5+s3], $0x50, $0x38;
	[tilespmem:$0x1E400] =	vst v63  }
0x8f: {  	s5 =	rddreg [dreg:$0xe];
	s13 =	simm.s32 $0x14280  }
0x90: {  	[tilespmem:s13], [sflag:$0xE] =	stream.linear.gather [hbm4b:s5+s3], $0x50, $0x38;
	[tilespmem:$0x1E400] =	vst v63  }
0x91: {  	s5 =	rddreg [dreg:$0xf];
	s13 =	simm.s32 $0x14100  }
0x92: {  	[tilespmem:s13], [sflag:$0xB] =	stream.linear.gather [hbm4b:s5+s3], $0x50, $0x38;
	[tilespmem:$0x1E400] =	vst v63  }
0x93: {  	s5 =	rddreg [dreg:$0x10];
	s13 =	simm.s32 $0x14300  }
0x94: {  	[tilespmem:s13], [sflag:$0xF] =	stream.linear.gather [hbm4b:s5+s3], $0x50, $0x38;
	[tilespmem:$0x1E400] =	vst v63  }
0x95: {  	s13 =	rddreg [dreg:$0x13]  }
0x96: {  	[tilespmem:s19], [sflag:$0xC] =	stream.linear.gather [hbm4b:s13+s3], $0x50, $0x38;
	[tilespmem:$0x1E400] =	vst v63  }
0x97: {  	s13 =	rddreg [dreg:$0x14]  }
0x98: {  	[tilespmem:s20], [sflag:$0x10] =	stream.linear.gather [hbm4b:s13+s3], $0x50, $0x38;
	[tilespmem:$0x1E400] =	vst v63  }
0x99: {  	s13 =	rddreg [dreg:$0xc]  }
0x9a: {  	[tilespmem:s21], [sflag:$0x11] =	stream.linear.gather [hbm4b:s13+s3], $0x2800, $0x38;
	[tilespmem:$0x1E400] =	vst v63  }
0x9b: {  	_ =	swait.ge [sflag:s22], $0x2800  }
0x9c: {  	[sflag:s22] =	ssyncset.done $0x0  }
0x9d: {  	s13 =	rddreg [dreg:$0x15];
	[sflag:s22] =	ssyncadd.s32 $0xFFFFD800  }
0x9e: {  	[spmem:s13] =	stream.linear.scatter [tilespmem:s21], [sflag:$0x11], $0x2800, $0x38;
	[tilespmem:$0x1E400] =	vst v63  }
0x9f: {  	_ =	swait.ge [sflag:s22], $0x2800  }
0xa0: {  	[sflag:s22] =	ssyncset.done $0x0  }
0xa1: {  	[sflag:s22] =	ssyncadd.s32 $0xFFFFD800  }
0xa2: {  	[spmem:s6] =	stream.linear.scatter [tilespmem:s21], [sflag:$0x11], $0x2800, $0x38;
	[tilespmem:$0x1E400] =	vst v63  }
0xa3: {  	_ =	swait.ge [sflag:s22], $0x2800  }
0xa4: {  	[sflag:s22] =	ssyncset.done $0x0  }
0xa5: {  	[sflag:s22] =	ssyncadd.s32 $0xFFFFD800  }
0xa6: {  	[spmem:s7] =	stream.linear.scatter [tilespmem:s21], [sflag:$0x11], $0x2800, $0x38;
	[tilespmem:$0x1E400] =	vst v63  }
0xa7: {  	_ =	swait.ge [sflag:s22], $0x2800  }
0xa8: {  	[sflag:s22] =	ssyncset.done $0x0  }
0xa9: {  	s6 =	rddreg [dreg:$0x19];
	[sflag:s22] =	ssyncadd.s32 $0xFFFFD800  }
0xaa: {  	[spmem:s6] =	stream.linear.scatter [tilespmem:s21], [sflag:$0x11], $0x2800, $0x38;
	[tilespmem:$0x1E400] =	vst v63  }
0xab: {  	_ =	swait.ge [sflag:s22], $0x2800  }
0xac: {  	[sflag:s22] =	ssyncset.done $0x0  }
0xad: {  	[sflag:s22] =	ssyncadd.s32 $0xFFFFD800  }
0xae: {  	[spmem:s8] =	stream.linear.scatter [tilespmem:s21], [sflag:$0x11], $0x2800, $0x38;
	[tilespmem:$0x1E400] =	vst v63  }
0xaf: {  	_ =	swait.ge [sflag:s22], $0x2800  }
0xb0: {  	[sflag:s22] =	ssyncset.done $0x0  }
0xb1: {  	[sflag:s22] =	ssyncadd.s32 $0xFFFFD800  }
0xb2: {  	[spmem:s9] =	stream.linear.scatter [tilespmem:s21], [sflag:$0x11], $0x2800, $0x38;
	[tilespmem:$0x1E400] =	vst v63  }
0xb3: {  	_ =	swait.ge [sflag:s22], $0x2800  }
0xb4: {  	[sflag:s22] =	ssyncset.done $0x0  }
0xb5: {  	[sflag:s22] =	ssyncadd.s32 $0xFFFFD800  }
0xb6: {  	[spmem:s14] =	stream.linear.scatter [tilespmem:s21], [sflag:$0x11], $0x2800, $0x38;
	[tilespmem:$0x1E400] =	vst v63  }
0xb7: {  	_ =	swait.ge [sflag:s22], $0x2800  }
0xb8: {  	[sflag:s22] =	ssyncset.done $0x0  }
0xb9: {  	[sflag:s22] =	ssyncadd.s32 $0xFFFFD800  }
0xba: {  	[spmem:s18] =	stream.linear.scatter [tilespmem:s21], [sflag:$0x11], $0x2800, $0x38;
	[tilespmem:$0x1E400] =	vst v63  }
0xbb: {  	_ =	swait.ge [sflag:s22], $0x2800  }
0xbc: {  	[sflag:s22] =	ssyncset.done $0x0  }
0xbd: {  	[sflag:s22] =	ssyncadd.s32 $0xFFFFD800  }
0xbe: {  	[bflag:$0x0] =	sbarrier.arrive $0xFFFF  }
0xbf: {  	_ =	swait.ge [sflag:s23], $0x50  }
0xc0: {  	[sflag:s23] =	ssyncset.done $0x0  }
0xc1: {  	s7 =	simm.s32 $0xA;
	[sflag:s23] =	ssyncadd.s32 $0xFFFFFFB0  }
0xc2: {  	[tilespmem:s21], [sflag:$0x1] =	stream.indirect.gather [hbm4b:s4+s25], $0x80, s12, s25, $0xb8;
	[tilespmem:$0x1E400] =	vst v63  }
0xc3: {  	_ =	swait.ge [sflag:s7], $0x50  }
0xc4: {  	s13 =	simm.s32 $0xB;
	[sflag:s7] =	ssyncset.done $0x0  }
0xc5: {  	s8 =	simm.s32 $0x16C00;
	s9 =	simm.s32 $0x14080;
	[sflag:s7] =	ssyncadd.s32 $0xFFFFFFB0  }
0xc6: {  	[tilespmem:s8], [sflag:$0x2] =	stream.indirect.gather [hbm4b:s4+s25], $0x80, s9, s25, $0xb8;
	[tilespmem:$0x1E400] =	vst v63  }
0xc7: {  	_ =	swait.ge [sflag:s13], $0x50  }
0xc8: {  	[sflag:s13] =	ssyncset.done $0x0  }
0xc9: {  	s14 =	simm.s32 $0x19400;
	s18 =	simm.s32 $0x14100;
	[sflag:s13] =	ssyncadd.s32 $0xFFFFFFB0  }
0xca: {  	[tilespmem:s14], [sflag:$0x3] =	stream.indirect.gather [hbm4b:s4+s25], $0x80, s18, s25, $0xb8;
	[tilespmem:$0x1E400] =	vst v63  }
0xcb: {  	_ =	swait.ge [sflag:s16], $0x50  }
0xcc: {  	[sflag:s16] =	ssyncset.done $0x0  }
0xcd: {  	s13 =	simm.s32 $0x0;
	s18 =	sld [smem:$0x7FD];
	[sflag:s16] =	ssyncadd.s32 $0xFFFFFFB0  }
0xce: {  	[tilespmem:s11], [sflag:$0x4] =	stream.indirect.gather [hbm4b:s4+s25], $0x80, s19, s25, $0xb8;
	[tilespmem:$0x1E400] =	vst v63  }
.LBB2_2:
0xcf: {  	_ =	swait.ge [sflag:s24], $0x2800  }
0xd0: {  	[sflag:s24] =	ssyncset.done $0x0  }
0xd1: {  	[sflag:s24] =	ssyncadd.s32 $0xFFFFD800  }
0xd2: {  	_ =	swait.ge [sflag:s26], $0x50  }
0xd3: {  	[sflag:s26] =	ssyncset.done $0x0  }
0xd4: {  	[sflag:s26] =	ssyncadd.s32 $0xFFFFFFB0  }
0xd5: {  	[spmem:s1] =	stream.indirect.scatter.add.f32 [tilespmem:s21], [sflag:$0x5], $0x80, s15, s25, $0xb8;
	[tilespmem:$0x1E400] =	vst v63  }
0xd6: {  	_ =	swait.ge [sflag:s28], $0x2800  }
0xd7: {  	s14 =	sshrl.u32 s18, $0x3;
	[sflag:s28] =	ssyncset.done $0x0  }
0xd8: {  	s5 =	sadd.s32 s10, s14;
	s9 =	rddreg [dreg:$0xb];
	[sflag:s28] =	ssyncadd.s32 $0xFFFFD800  }
0xd9: {  	[tilespmem:s12], [sflag:$0x9] =	stream.linear.gather [hbm4b:s5+s3], $0x50, $0x38;
	[tilespmem:$0x1E400] =	vst v63  }
0xda: {  	s5 =	sadd.s32 s9, s14  }
0xdb: {  	[tilespmem:s15], [sflag:$0xD] =	stream.linear.gather [hbm4b:s5+s3], $0x50, $0x38;
	[tilespmem:$0x1E400] =	vst v63  }
0xdc: {  	_ =	swait.ge [sflag:s23], $0x50  }
0xdd: {  	[sflag:s23] =	ssyncset.done $0x0  }
0xde: {  	[sflag:s23] =	ssyncadd.s32 $0xFFFFFFB0  }
0xdf: {  	[tilespmem:s21], [sflag:$0x1] =	stream.indirect.gather [hbm4b:s4+s25], $0x80, s12, s25, $0xb8;
	[tilespmem:$0x1E400] =	vst v63  }
0xe0: {  	_ =	swait.ge [sflag:s29], $0x2800  }
0xe1: {  	[sflag:s29] =	ssyncset.done $0x0  }
0xe2: {  	[sflag:s29] =	ssyncadd.s32 $0xFFFFD800  }
0xe3: {  	_ =	swait.ge [sflag:s30], $0x50  }
0xe4: {  	[sflag:s30] =	ssyncset.done $0x0  }
0xe5: {  	s6 =	simm.s32 $0x16C00;
	s14 =	simm.s32 $0x14280;
	[sflag:s30] =	ssyncadd.s32 $0xFFFFFFB0  }
0xe6: {  	[spmem:s1] =	stream.indirect.scatter.add.f32 [tilespmem:s6], [sflag:$0x6], $0x80, s14, s25, $0xb8;
	[tilespmem:$0x1E400] =	vst v63  }
0xe7: {  	_ =	swait.ge [sflag:s31], $0x2800  }
0xe8: {  	p0 =	seq.s32 s13, $0x4B0;
	[sflag:s31] =	ssyncset.done $0x0  }
0xe9: {  	s5 =	simm.s32 @p0 $0x3;
	[sflag:s31] =	ssyncadd.s32 $0xFFFFD800  }
0xea: {  	_ =	swait.ge @p0 [sflag:s5], $0x2800  }
0xeb: {  	[sflag:s5] =	ssyncset.done @p0 $0x0  }
0xec: {  	[sflag:s5] =	ssyncadd.s32 @p0 $0xFFFFD800;
	s5 =	simm.s32 @p0 $0xF  }
0xed: {  	_ =	swait.ge @p0 [sflag:s5], $0x50  }
0xee: {  	s14 =	simm.s32 @p0 $0x14300;
	[sflag:s5] =	ssyncset.done @p0 $0x0  }
0xef: {  	s6 =	simm.s32 @p0 $0x19400;
	[sflag:s5] =	ssyncadd.s32 @p0 $0xFFFFFFB0;
	s5 =	simm.s32 @p0 $0x50  }
0xf0: {  	[spmem:s1] =	stream.indirect.scatter.add.f32 @p0 [tilespmem:s6], [sflag:$0x7], $0x80, s14, s5, $0xb8;
	[tilespmem:$0x1E400] =	vst v63  }
0xf1: {  	s5 =	simm.s32 @p0 $0x7  }
0xf2: {  	_ =	swait.ge @p0 [sflag:s5], $0x2800  }
0xf3: {  	[sflag:s5] =	ssyncset.done @p0 $0x0  }
0xf4: {  	[sflag:s5] =	ssyncadd.s32 @p0 $0xFFFFD800;
	s5 =	sld [smem:$0x7FC];
	_ =	sdelay $0x2  }
0xf5: {  	s6 =	simm.s32 @!p0 $0x0;
	s14 =	simm.s32 @!p0 $0x14080;
	s5 =	sadd.s32 @!p0 s13, s5  }
0xf6: {  	[tilespmem:s14], [sflag:$0xA] =	stream.linear.gather @!p0 [hbm4b:s5+s6], $0x50, $0x38;
	[tilespmem:$0x1E400] =	vst v63  }
0xf7: {  	s5 =	sld [smem:$0x7FB];
	_ =	sdelay $0x2  }
0xf8: {  	s7 =	simm.s32 @!p0 $0x14280;
	s5 =	sadd.s32 @!p0 s13, s5  }
0xf9: {  	[tilespmem:s7], [sflag:$0xE] =	stream.linear.gather @!p0 [hbm4b:s5+s6], $0x50, $0x38;
	[tilespmem:$0x1E400] =	vst v63  }
0xfa: {  	s5 =	simm.s32 @!p0 $0xA  }
0xfb: {  	_ =	swait.ge @!p0 [sflag:s5], $0x50  }
0xfc: {  	[sflag:s5] =	ssyncset.done @!p0 $0x0  }
0xfd: {  	s7 =	simm.s32 @!p0 $0x16C00;
	[sflag:s5] =	ssyncadd.s32 @!p0 $0xFFFFFFB0;
	s5 =	simm.s32 @!p0 $0x50  }
0xfe: {  	[tilespmem:s7], [sflag:$0x2] =	stream.indirect.gather @!p0 [hbm4b:s4+s5], $0x80, s14, s5, $0xb8;
	[tilespmem:$0x1E400] =	vst v63  }
0xff: {  	s7 =	simm.s32 @!p0 $0x3  }
0x100: {  	_ =	swait.ge @!p0 [sflag:s7], $0x2800  }
0x101: {  	[sflag:s7] =	ssyncset.done @!p0 $0x0  }
0x102: {  	[sflag:s7] =	ssyncadd.s32 @!p0 $0xFFFFD800;
	s7 =	simm.s32 @!p0 $0xF  }
0x103: {  	_ =	swait.ge @!p0 [sflag:s7], $0x50  }
0x104: {  	s8 =	simm.s32 @!p0 $0x7;
	[sflag:s7] =	ssyncset.done @!p0 $0x0  }
0x105: {  	s14 =	simm.s32 @!p0 $0x19400;
	[sflag:s7] =	ssyncadd.s32 @!p0 $0xFFFFFFB0;
	s7 =	simm.s32 @!p0 $0x14300  }
0x106: {  	[spmem:s1] =	stream.indirect.scatter.add.f32 @!p0 [tilespmem:s14], [sflag:$0x7], $0x80, s7, s5, $0xb8;
	[tilespmem:$0x1E400] =	vst v63  }
0x107: {  	_ =	swait.ge @!p0 [sflag:s8], $0x2800  }
0x108: {  	[sflag:s8] =	ssyncset.done @!p0 $0x0  }
0x109: {  	[sflag:s8] =	ssyncadd.s32 @!p0 $0xFFFFD800;
	s8 =	sld [smem:$0x7FA];
	_ =	sdelay $0x2  }
0x10a: {  	s9 =	simm.s32 @!p0 $0x14100;
	s8 =	sadd.s32 @!p0 s13, s8  }
0x10b: {  	[tilespmem:s9], [sflag:$0xB] =	stream.linear.gather @!p0 [hbm4b:s8+s6], $0x50, $0x38;
	[tilespmem:$0x1E400] =	vst v63  }
0x10c: {  	s8 =	sld [smem:$0x7F9];
	_ =	sdelay $0x2  }
0x10d: {  	s8 =	sadd.s32 @!p0 s13, s8  }
0x10e: {  	[tilespmem:s7], [sflag:$0xF] =	stream.linear.gather @!p0 [hbm4b:s8+s6], $0x50, $0x38;
	[tilespmem:$0x1E400] =	vst v63  }
0x10f: {  	s6 =	simm.s32 @!p0 $0xB  }
0x110: {  	_ =	swait.ge @!p0 [sflag:s6], $0x50  }
0x111: {  	[sflag:s6] =	ssyncset.done @!p0 $0x0  }
0x112: {  	[sflag:s6] =	ssyncadd.s32 @!p0 $0xFFFFFFB0  }
0x113: {  	[tilespmem:s14], [sflag:$0x3] =	stream.indirect.gather @!p0 [hbm4b:s4+s5], $0x80, s9, s5, $0xb8;
	[tilespmem:$0x1E400] =	vst v63  }
0x114: {  	_ =	swait.ge [sflag:s0], $0x2800  }
0x115: {  	[sflag:s0] =	ssyncset.done $0x0  }
0x116: {  	[sflag:s0] =	ssyncadd.s32 $0xFFFFD800  }
0x117: {  	_ =	swait.ge [sflag:s2], $0x50  }
0x118: {  	[sflag:s2] =	ssyncset.done $0x0  }
.Ltmp2:
0x119: {  	[sflag:s2] =	ssyncadd.s32 $0xFFFFFFB0;
	(pc) =	sbr.rel @p0 .LBB2_4-.Ltmp2, $4  }
0x11a: {  	[spmem:s1] =	stream.indirect.scatter.add.f32 [tilespmem:s11], [sflag:$0x8], $0x80, s20, s25, $0xb8;
	[tilespmem:$0x1E400] =	vst v63  }
0x11b: {  	_ =	swait.ge [sflag:s17], $0x2800  }
0x11c: {  	[sflag:s17] =	ssyncset.done $0x0  }
0x11d: {  	[sflag:s17] =	ssyncadd.s32 $0xFFFFD800  }
0x11e: {  	s5 =	rddreg [dreg:$0x1f]  }
0x11f: {  	s14 =	rddreg [dreg:$0x1e];
	s5 =	sadd.s32 s13, s5  }
0x120: {  	[tilespmem:s19], [sflag:$0xC] =	stream.linear.gather [hbm4b:s5+s3], $0x50, $0x38;
	[tilespmem:$0x1E400] =	vst v63  }
0x121: {  	s5 =	sadd.s32 s13, s14  }
0x122: {  	[tilespmem:s20], [sflag:$0x10] =	stream.linear.gather [hbm4b:s5+s3], $0x50, $0x38;
	[tilespmem:$0x1E400] =	vst v63  }
.Ltmp3:
0x123: {  	_ = 	snop;
	(pc) =	sbr.rel .LBB2_2-.Ltmp3, $4  }
0x124: {  	_ =	swait.ge [sflag:s16], $0x50  }
0x125: {  	[sflag:s16] =	ssyncset.done $0x0  }
0x126: {  	s18 =	sadd.s32 $0x140, s18;
	s13 =	sadd.s32 $0x28, s13;
	[sflag:s16] =	ssyncadd.s32 $0xFFFFFFB0  }
0x127: {  	[tilespmem:s11], [sflag:$0x4] =	stream.indirect.gather [hbm4b:s4+s25], $0x80, s19, s25, $0xb8;
	[tilespmem:$0x1E400] =	vst v63  }
.LBB2_5:
0x128: {  	_ =	sfence.sel $0x180000  }
0x129: {  	[bflag:$0x0] =	sbarrier.arrive $0xFFFF  }
0x12a: {  	_ =	strace $0x9000004D  }
0x12b: {  	s0 =	stileid.u32;
	[bflag:$0x2] =	sbarrier.arrive $0xFFFF  }
0x12c: {  	p0 =	sne.s32 s0, $0x0;
	s0 =	rddreg [dreg:$0x2]  }
0x12d: {  	s0 =	sadd.s32 @!p0 $0x100000, s0  }
0x12e: {  	[sflag:s0] =	ssyncadd.tile.s32 @!p0 $0x1;
	_ =	shalt  }
.Lfunc_end2:
_tile_overlayer_lowered:
.L_overlay_start_2:
0x12f: {  	(tag) =	ssettag $0x2  }
0x130: {  	s0 =	rddreg [dreg:$0x0];
	s2 =	stileid.u32  }
0x131: {  	s1 =	rddreg [dreg:$0x1];
	p0 =	sne.s32 s2, $0x0  }
0x132: {  	s3 =	rddreg [dreg:$0x2];
	[bflag:$0x3] =	sbarrier.arrive $0xFFFF;
	s2 =	simm.s32 @!p0 $0x1C11  }
0x133: {  	[timem:s3], [sflag:s2] =	dma.local @!p0 [hbm:s0], s1  }
0x134: {  	s0 =	simm.s32 @!p0 $0x11  }
0x135: {  	_ =	swait.ge @!p0 [sflag:s0], s1  }
0x136: {  	s1 =	ssub.s32 @!p0 $0x0, s1;
	[sflag:s0] =	ssyncset.done @!p0 $0x0  }
0x137: {  	[sflag:s0] =	ssyncadd.s32 @!p0 s1  }
0x138: {  	[bflag:$0x3] =	sbarrier.arrive $0xFFFF  }
0x139: {  	_ =	shalt  }

// kernel: kernel.19.cloned.1.call-start
scs
__scs_entry_jumppad:
0x0: {  	(pc) =	sbr.rel $0x88, $3  }
0x1: {  	(tag) =	ssettag $0x0;
	lr =	simm.s32 $0x1  }
0x2: {  	[smem:$0x3F96] =	sst lr;
	_ =	strace $0xD0000000  }
0x3: {  	_ = 	snop  }
0x4: {  	_ = 	snop  }
0x5: {  	_ = 	snop  }
0x6: {  	_ = 	snop  }
0x7: {  	_ = 	snop  }
__scs_overlays_trampoline_lowered:
0x8: {  	[smem:$0x3FA5] =	sst s0  }
0x9: {  	[smem:$0x3FA6] =	sst s1  }
0xa: {  	[smem:$0x3FA7] =	sst s2  }
0xb: {  	[smem:$0x3FA8] =	sst s3  }
0xc: {  	[smem:$0x3FA9] =	sst s4  }
0xd: {  	[smem:$0x3FAA] =	sst s5  }
0xe: {  	[smem:$0x3FAB] =	sst s6  }
0xf: {  	[smem:$0x3FAC] =	sst s7  }
0x10: {  	[smem:$0x3FAD] =	sst s8  }
0x11: {  	[smem:$0x3FAE] =	sst s9;
	s0 =	simm.s32 @!p0 $0x0  }
0x12: {  	s1 =	sld [smem:$0x3F94];
	s0 =	simm.s32 @p0 $0x1  }
0x13: {  	[smem:$0x3FAF] =	sst s0;
	s0 =	simm.s32 @!p1 $0x0  }
0x14: {  	s2 =	sld [smem:$0x3F93];
	s0 =	simm.s32 @p1 $0x1  }
0x15: {  	[smem:$0x3FB0] =	sst s0;
	s0 =	simm.s32 @!p2 $0x0  }
0x16: {  	s3 =	sld [smem:$0x3FDB];
	s0 =	simm.s32 @p2 $0x1  }
0x17: {  	s4 =	simm.s32 $0x1BF5;
	[smem:$0x3FB2] =	sst s0  }
0x18: {  	s0 =	sld [smem:$0x3F95];
	_ =	swait.ge [sflag:s4], $0x0  }
0x19: {  	s7 =	sld [smem:$0x3F96]  }
0x1a: {  	s8 =	sadd.s32 $0xFFFFE003, lr  }
0x1b: {  	s9 =	sadd.s32 $0xFFFFFEF7, lr;
	s5 =	simm.s32 $0xFFFFFFFF;
	p2 =	slt.u32 s8, $0xFFFFF086  }
0x1c: {  	p1 =	slt.u32 s9, $0xF7A;
	s5 =	simm.s32 @!p2 $0x0  }
0x1d: {  	s5 =	simm.s32 @p1 $0x1;
	p0 =	seq.s32 s7, s2  }
0x1e: {  	s7 =	smul.u32 @!p0 $0xF7A, s2;
	p2 =	seq.s32 @!p0 s5, $0x0  }
0x1f: {  	s9 =	smul.u32 $0xF7A, s1;
	s8 =	simm.s32 @!p0 $0x1BF5;
	p2 =	por !p2, p0  }
0x20: {  	[sflag:s8] =	ssyncset.s32 @!p0 $0xFFFFF086;
	s6 =	sadd.s32 @!p0 s3, s7;
	s7 =	simm.s32 @!p0 $0x108  }
0x21: {  	s3 =	sadd.s32 s3, s9;
	s6 =	sadd.s32 @!p0 $0x88, s6;
	s7 =	simm.s32 @p2 $0x1082  }
0x22: {  	[simem:s7], [sflag:s8] =	dma.local @!p0 [hbm:s6], $0xF7A  }
0x23: {  	s9 =	sor.u32 $0xD0000000, s2;
	s6 =	simm.s32 $0x108;
	_ =	swait.ge @!p0 [sflag:s8], $0x0  }
0x24: {  	s3 =	sadd.s32 $0x88, s3;
	s6 =	simm.s32 @!p1 $0x1082;
	[sflag:s4] =	ssyncset.s32 $0xFFFFF086  }
0x25: {  	[simem:s6], [sflag:s4] =	dma.local [hbm:s3], $0xF7A  }
0x26: {  	[smem:$0x3F96] =	sst s1;
	(tag) =	ssettag s2;
	_ =	strace s9  }
0x27: {  	s1 =	sld [smem:$0x3FA6]  }
0x28: {  	s2 =	sld [smem:$0x3FA7]  }
0x29: {  	s4 =	sld [smem:$0x3FA9]  }
0x2a: {  	p0 =	seq.s32 s5, $0x0;
	s5 =	sld [smem:$0x3FAA]  }
0x2b: {  	s6 =	sld [smem:$0x3FAB]  }
0x2c: {  	s7 =	sld [smem:$0x3FAC]  }
0x2d: {  	s3 =	simm.s32 $0x108;
	s8 =	sld [smem:$0x3FAD]  }
0x2e: {  	s3 =	simm.s32 @!p0 $0x1082;
	s9 =	sld [smem:$0x3FAE]  }
0x2f: {  	lr =	sadd.s32 s0, s3;
	s0 =	sld [smem:$0x3FA5]  }
0x30: {  	s3 =	sld [smem:$0x3FA8]  }
0x31: {  	[smem:$0x3FB1] =	sst s10  }
0x32: {  	s10 =	sld [smem:$0x3FAF];
	_ =	sdelay $0x3  }
0x33: {  	p0 =	seq.s32 s10, $0x1;
	s10 =	sld [smem:$0x3FB1];
	_ =	sdelay $0x3  }
0x34: {  	[smem:$0x3FB1] =	sst s10  }
0x35: {  	s10 =	sld [smem:$0x3FB0];
	_ =	sdelay $0x3  }
0x36: {  	p1 =	seq.s32 s10, $0x1;
	s10 =	sld [smem:$0x3FB1];
	_ =	sdelay $0x3  }
0x37: {  	[smem:$0x3FB1] =	sst s10  }
0x38: {  	s10 =	sld [smem:$0x3FB2]  }
0x39: {  	_ = 	snop;
	(pc) =	sbr.ind lr, $3  }
0x3a: {  	_ = 	snop  }
0x3b: {  	_ = 	snop  }
0x3c: {  	p2 =	seq.s32 s10, $0x1;
	s10 =	sld [smem:$0x3FB1]  }
0x3d: {  	_ =	shalt  }
0x3e: {  	_ =	shalt  }
0x3f: {  	_ =	shalt  }
0x40: {  	_ =	shalt  }
0x41: {  	_ =	shalt  }
0x42: {  	_ =	shalt  }
0x43: {  	_ =	shalt  }
0x44: {  	_ =	shalt  }
0x45: {  	_ =	shalt  }
0x46: {  	_ =	shalt  }
0x47: {  	_ =	shalt  }
0x48: {  	_ =	shalt  }
0x49: {  	_ =	shalt  }
0x4a: {  	_ =	shalt  }
0x4b: {  	_ =	shalt  }
0x4c: {  	_ =	shalt  }
0x4d: {  	_ =	shalt  }
0x4e: {  	_ =	shalt  }
0x4f: {  	_ =	shalt  }
0x50: {  	_ =	shalt  }
0x51: {  	_ =	shalt  }
0x52: {  	_ =	shalt  }
0x53: {  	_ =	shalt  }
0x54: {  	_ =	shalt  }
0x55: {  	_ =	shalt  }
0x56: {  	_ =	shalt  }
0x57: {  	_ =	shalt  }
0x58: {  	_ =	shalt  }
0x59: {  	_ =	shalt  }
0x5a: {  	_ =	shalt  }
0x5b: {  	_ =	shalt  }
0x5c: {  	_ =	shalt  }
0x5d: {  	_ =	shalt  }
0x5e: {  	_ =	shalt  }
0x5f: {  	_ =	shalt  }
0x60: {  	_ =	shalt  }
0x61: {  	_ =	shalt  }
0x62: {  	_ =	shalt  }
0x63: {  	_ =	shalt  }
0x64: {  	_ =	shalt  }
0x65: {  	_ =	shalt  }
0x66: {  	_ =	shalt  }
0x67: {  	_ =	shalt  }
0x68: {  	_ =	shalt  }
0x69: {  	_ =	shalt  }
0x6a: {  	_ =	shalt  }
0x6b: {  	_ =	shalt  }
0x6c: {  	_ =	shalt  }
0x6d: {  	_ =	shalt  }
0x6e: {  	_ =	shalt  }
0x6f: {  	_ =	shalt  }
0x70: {  	_ =	shalt  }
0x71: {  	_ =	shalt  }
0x72: {  	_ =	shalt  }
0x73: {  	_ =	shalt  }
0x74: {  	_ =	shalt  }
0x75: {  	_ =	shalt  }
0x76: {  	_ =	shalt  }
0x77: {  	_ =	shalt  }
0x78: {  	_ =	shalt  }
0x79: {  	_ =	shalt  }
0x7a: {  	_ =	shalt  }
0x7b: {  	_ =	shalt  }
0x7c: {  	_ =	shalt  }
0x7d: {  	_ =	shalt  }
0x7e: {  	_ =	shalt  }
0x7f: {  	_ =	shalt  }
0x80: {  	_ =	shalt  }
0x81: {  	_ =	shalt  }
0x82: {  	_ =	shalt  }
0x83: {  	_ =	shalt  }
0x84: {  	_ =	shalt  }
0x85: {  	_ =	shalt  }
0x86: {  	_ =	shalt  }
0x87: {  	_ =	shalt  }
.Lfunc_end0:
.L_simem_size_0:
called_computation.3_lowered:
.L_overlay_start_0:
0x88: {  	s2 =	sld [smem:$0x3FD9]  }
0x89: {  	s3 =	sld [smem:$0x3FFE];
	_ =	sdelay $0x1  }
0x8a: {  	s1 =	srdreg.scid  }
0x8b: {  	s0 =	sand.u32 $0x1, s1  }
0x8c: {  	s16 =	sshll.u32 s0, $0xA;
	s2 =	sadd.s32 s3, s2  }
0x8d: {  	s2 =	sadd.s32 s2, s16  }
0x8e: {  	[smem:$0x3FBD] =	sst s2  }
0x8f: {  	_ = 	snop  }
0x90: {  	(tm) =	ssettm $0x1  }
0x91: {  	s17 =	sld [smem:$0x3FFB];
	_ =	sdelay $0x3  }
0x92: {  	_ =	strace s17  }
0x93: {  	s2 =	sld [smem:$0x3FFC];
	_ =	sdelay $0x3  }
0x94: {  	_ =	strace s2  }
0x95: {  	s2 =	sld [smem:$0x3FFD];
	_ =	sdelay $0x3  }
0x96: {  	_ =	strace s2  }
0x97: {  	_ =	strace $0x8FFFFFFF  }
0x98: {  	s18 =	sld [smem:$0x3FDB];
	_ =	sdelay $0x1  }
0x99: {  	s19 =	simm.s32 $_scs_section_size  }
0x9a: {  	s4 =	simm.s32 $_size__tile_overlayer_lowered;
	s5 =	simm.s32 $_tile_overlayer_lowered  }
0x9b: {  	s22 =	simm.s32 $0x1BFF;
	s21 =	sshll.u32 s5, $0x1;
	s2 =	sadd.s32 s19, s18  }
0x9c: {  	s6 =	simm.s32 $0x0;
	s20 =	sshll.u32 s4, $0x1;
	s4 =	sadd.s32 s21, s2  }
0x9d: {  	[timem:s6], [sflag:s22] =	dma.local [hbm:s4], s20  }
0x9e: {  	_ =	swait.ge [sflag:s22], s20  }
0x9f: {  	s3 =	ssub.s32 $0x0, s20;
	[sflag:s22] =	ssyncset.done $0x0  }
0xa0: {  	[sflag:s22] =	ssyncadd.s32 s3;
	_ =	sdelay $0x1  }
0xa1: {  	s23 =	simm.s32 $0x1B8B  }
0xa2: {  	_ =	swait.ge [sflag:s23], $0x1  }
0xa3: {  	[sflag:s23] =	ssyncset.done $0x0  }
0xa4: {  	s25 =	simm.s32 $0x1B8E;
	s24 =	sld [smem:$0x3FFE];
	[sflag:s23] =	ssyncadd.s32 $0xFFFFFFFF  }
0xa5: {  	s26 =	simm.s32 $execute0_lowered;
	[smem:$0x3FD2] =	sst s25  }
0xa6: {  	s4 =	sshll.u32 s26, $0x1;
	_ =	strace $0x8000004F;
	[dreg:$0x1] =	wrdreg $0xFFFFFFFF  }
0xa7: {  	s28 =	simm.s32 $_size_execute0_lowered;
	s2 =	sadd.s32 s2, s4;
	[dreg:$0x0] =	wrdreg $0x0  }
0xa8: {  	s4 =	sshll.u32 s28, $0x1;
	[dreg:$0x2] =	wrdreg s2  }
0xa9: {  	[dreg:$0x3] =	wrdreg s4  }
0xaa: {  	[dreg:$0x4] =	wrdreg $0xC0  }
0xab: {  	_ =	task [dreg:s6], $0x5FFFF  }
0xac: {  	[dreg:$0x1] =	wrdreg $0xFFFFFFFF  }
0xad: {  	[dreg:$0x0] =	wrdreg $0x60  }
0xae: {  	[dreg:$0x2] =	wrdreg s24  }
0xaf: {  	[dreg:$0x3] =	wrdreg $0x0  }
0xb0: {  	[dreg:$0x4] =	wrdreg $0x9  }
0xb1: {  	_ =	task.clear_ibuf [dreg:s6], $0x5FFFF;
	_ =	strace $0x9000004F  }
0xb2: {  	s29 =	simm.s32 $0x9;
	_ =	strace $0x80000051  }
0xb3: {  	_ =	swait.ge [sflag:s29], $0x1  }
0xb4: {  	[sflag:s29] =	ssyncadd.s32 $0xFFFFFFFF  }
0xb5: {  	_ =	strace $0x90000051  }
0xb6: {  	_ =	sfence  }
0xb7: {  	s30 =	sld [smem:$0x0];
	_ =	sdelay $0x2  }
0xb8: {  	s31 =	sshll.u32 s1, $0xD;
	s1 =	sshrl.u32 s1, $0x2  }
0xb9: {  	s3 =	sand.u32 $0x4000, s31;
	s1 =	sadd.s32 s1, s30  }
0xba: {  	s0 =	sor.u32 s3, s0;
	s1 =	sshll.u32 s1, $0x11  }
0xbb: {  	s0 =	sor.u32 s1, s0  }
0xbc: {  	s0 =	sadd.s32 $0x8F2B, s0  }
0xbd: {  	[sflag:s0] =	ssyncadd.remote.s32 $0x1  }
0xbe: {  	_ =	sfence.sel $0xFFFF  }
0xbf: {  	[dreg:$0x0] =	wrdreg $0xFFFFFFFF;
	(pc) =	sbr.abs _section_cstart, $3  }
0xc0: {  	[dreg:$0x1] =	wrdreg $0xFFFFFFFF  }
0xc1: {  	_ =	task.clear_ibuf [dreg:s6], $0x2FFFF;
	_ =	strace $0x9FFFFFFF  }
0xc2: {  	(tm) =	ssettm $0x7FFFFFFF  }
0xc3: {  	_ =	shalt  }
tec
execute0_lowered:
.L_overlay_start_1:
0x0: {  	(tag) =	ssettag $0x1  }
0x1: {  	s0 =	rddreg [dreg:$0x0]  }
0x2: {  	s1 =	rddreg [dreg:$0x1];
	s2 =	srdreg.scid  }
0x3: {  	s3 =	simm.s32 $0x0;
	s19 =	stileid.u32;
	s28 =	simm.s32 $0x5  }
0x4: {  	s29 =	simm.s32 $0x2;
	s30 =	simm.s32 $0xE;
	s31 =	simm.s32 $0x6  }
0x5: {  	s2 =	sand.u32 $0x1, s2;
	[smem:$0x7FF] =	sst s3;
	s8 =	smul.u32 $0x280, s19  }
0x6: {  	s9 =	sadd.s32 $0x8FE00, s0;
	s4 =	sshll.u32 s2, $0x4;
	s26 =	smul.u32 $0x2800, s2  }
0x7: {  	_ =	strace $0x80000050;
	s5 =	ssub.s32 $0x2, s2;
	s2 =	smul.u32 $0x27100, s2  }
0x8: {  	s4 =	sor.u32 s19, s4;
	s7 =	sshrl.u32 s5, $0x1;
	s10 =	sor.u32 $0x50, s8  }
0x9: {  	s11 =	sadd.s32 $0xA0, s8;
	s12 =	sadd.s32 $0xF0, s8;
	s13 =	sadd.s32 $0x140, s8  }
0xa: {  	s15 =	sadd.s32 $0x190, s8;
	s16 =	sadd.s32 $0x1E0, s8;
	s17 =	sadd.s32 $0x230, s8  }
0xb: {  	s6 =	smul.u32 $0x2710, s4;
	s4 =	sadd.s32 $0x67E00, s0;
	s5 =	ssub.s32 s5, s7  }
0xc: {  	s8 =	sadd.s32 s26, s8;
	s14 =	sadd.s32 s26, s10;
	s18 =	sadd.s32 s26, s11  }
0xd: {  	s20 =	sadd.s32 s26, s12;
	s21 =	sadd.s32 s26, s13;
	s22 =	sadd.s32 s26, s15  }
0xe: {  	s25 =	sadd.s32 s26, s16;
	s7 =	sadd.s32 s26, s17;
	s26 =	smul.u32 $0x2710, s19  }
0xf: {  	s8 =	sshll.u32 s8, $0x4;
	s14 =	sshll.u32 s14, $0x4;
	s18 =	sshll.u32 s18, $0x4  }
0x10: {  	s24 =	sshll.u32 s22, $0x4;
	s7 =	sshll.u32 s7, $0x4;
	s5 =	smax.u32 s5, $0x1  }
0x11: {  	s8 =	sadd.s32 s9, s8;
	s14 =	sadd.s32 s9, s14;
	[dreg:$0x16] =	wrdreg s5  }
0x12: {  	s7 =	sadd.s32 s9, s7;
	s6 =	sshrl.u32 s6, $0x3;
	[dreg:$0x3] =	wrdreg s8  }
0x13: {  	s2 =	sadd.s32 s26, s2;
	s5 =	sshll.u32 s16, $0x7;
	[dreg:$0x4] =	wrdreg s14  }
0x14: {  	s8 =	sadd.s32 s9, s18;
	s14 =	sshll.u32 s21, $0x4;
	[dreg:$0xa] =	wrdreg s7  }
0x15: {  	[dreg:$0x5] =	wrdreg s8;
	s8 =	sshll.u32 s20, $0x4;
	s23 =	sadd.s32 s9, s14  }
0x16: {  	s14 =	sshll.u32 s25, $0x4;
	s8 =	sadd.s32 s9, s8;
	[dreg:$0x7] =	wrdreg s23  }
0x17: {  	s18 =	sadd.s32 $0xA, s6;
	s14 =	sadd.s32 s9, s14;
	[dreg:$0x6] =	wrdreg s8  }
0x18: {  	s8 =	sadd.s32 s9, s24;
	[dreg:$0x9] =	wrdreg s14;
	s9 =	sadd.s32 $0x3600, s0  }
0x19: {  	s14 =	sadd.s32 $0xD400, s0;
	s0 =	sadd.s32 $0x17200, s0;
	[dreg:$0x8] =	wrdreg s8  }
0x1a: {  	s21 =	sadd.s32 $0x14, s6;
	s7 =	sshll.u32 s10, $0x7;
	[dreg:$0xc] =	wrdreg s0  }
0x1b: {  	s10 =	sadd.s32 s7, s1;
	s20 =	sadd.s32 s9, s18;
	[dreg:$0xb] =	wrdreg s14  }
0x1c: {  	s23 =	smul.u32 $0x50000, s19;
	s0 =	sadd.s32 s14, s18;
	[dreg:$0xd] =	wrdreg s20  }
0x1d: {  	s19 =	sadd.s32 $0x1E0, s2;
	s22 =	sadd.s32 s9, s21;
	[dreg:$0xe] =	wrdreg s0  }
0x1e: {  	s24 =	sadd.s32 s9, s6;
	s25 =	sadd.s32 s14, s6;
	[dreg:$0xf] =	wrdreg s22  }
0x1f: {  	s6 =	sadd.s32 $0x1E, s6;
	s8 =	sshll.u32 s11, $0x7;
	[dreg:$0x11] =	wrdreg s24  }
0x20: {  	s0 =	sadd.s32 s14, s21;
	[dreg:$0x12] =	wrdreg s25;
	s26 =	sadd.s32 s9, s6  }
0x21: {  	s6 =	sadd.s32 s14, s6;
	s11 =	sadd.s32 s8, s1;
	s22 =	sshll.u32 s12, $0x7  }
0x22: {  	s24 =	sshll.u32 s15, $0x7;
	s8 =	sadd.s32 $0x230, s2;
	s20 =	sadd.s32 $0x190, s2  }
0x23: {  	s21 =	sshrl.u32 s19, $0x3;
	s12 =	simm.s32 $0x14000;
	[dreg:$0x10] =	wrdreg s0  }
0x24: {  	s15 =	simm.s32 $0x14200;
	s19 =	simm.s32 $0x14180;
	[dreg:$0x13] =	wrdreg s26  }
0x25: {  	[dreg:$0x14] =	wrdreg s6;
	s0 =	sshrl.u32 s23, $0x2;
	s23 =	sshll.u32 s13, $0x7  }
0x26: {  	s26 =	sadd.s32 s24, s1;
	s6 =	sshll.u32 s17, $0x7;
	s13 =	sadd.s32 s5, s1  }
0x27: {  	s16 =	sshrl.u32 s8, $0x3;
	s7 =	smov.u32 s11;
	s11 =	simm.s32 $0x1BC00  }
0x28: {  	s0 =	sadd.s32 s0, s1;
	s25 =	sadd.s32 s23, s1;
	[dreg:$0x18] =	wrdreg s7  }
0x29: {  	s18 =	sadd.s32 s6, s1;
	s17 =	sadd.s32 s16, s14;
	[dreg:$0x15] =	wrdreg s0  }
0x2a: {  	s6 =	smov.u32 s10;
	s23 =	sadd.s32 s21, s14;
	[dreg:$0x1e] =	wrdreg s17  }
0x2b: {  	s10 =	smov.u32 s9;
	s0 =	sadd.s32 s22, s1;
	[smem:$0x7F9] =	sst s23  }
0x2c: {  	s22 =	sshrl.u32 s20, $0x3;
	s8 =	smov.u32 s25;
	[dreg:$0x17] =	wrdreg s6  }
0x2d: {  	s20 =	simm.s32 $0x14380;
	s23 =	simm.s32 $0x9;
	[dreg:$0x1d] =	wrdreg s18  }
0x2e: {  	s17 =	simm.s32 $0x8;
	[dreg:$0x19] =	wrdreg s0;
	s0 =	sadd.s32 s16, s9  }
0x2f: {  	s24 =	sadd.s32 s22, s14;
	s14 =	smov.u32 s13;
	[dreg:$0x1a] =	wrdreg s8  }
0x30: {  	s25 =	sadd.s32 s22, s9;
	s22 =	simm.s32 $0x11;
	[dreg:$0x1f] =	wrdreg s0  }
0x31: {  	s16 =	simm.s32 $0xC;
	s13 =	simm.s32 $0x0;
	[smem:$0x7FB] =	sst s24  }
.Ltmp0:
0x32: {  	s0 =	sadd.s32 s21, s9;
	[smem:$0x7FC] =	sst s25;
	(pc) =	sbr.rel .LBB2_1-.Ltmp0, $4  }
0x33: {  	s9 =	smov.u32 s26;
	s26 =	sadd.s32 $0x140, s2;
	[dreg:$0x1c] =	wrdreg s14  }
0x34: {  	s21 =	simm.s32 $0x14400;
	s25 =	simm.s32 $0x50;
	[smem:$0x7FA] =	sst s0  }
0x35: {  	s24 =	simm.s32 $0x1;
	s2 =	simm.s32 $0x10;
	[smem:$0x7FD] =	sst s26  }
0x36: {  	s26 =	simm.s32 $0xD;
	s0 =	simm.s32 $0x4;
	[dreg:$0x1b] =	wrdreg s9  }
.LBB2_4:
0x37: {  	_ =	swait.ge [sflag:s24], $0x2800  }
0x38: {  	[sflag:s24] =	ssyncset.done $0x0  }
0x39: {  	[sflag:s24] =	ssyncadd.s32 $0xFFFFD800  }
0x3a: {  	_ =	swait.ge [sflag:s26], $0x50  }
0x3b: {  	[sflag:s26] =	ssyncset.done $0x0  }
0x3c: {  	[sflag:s26] =	ssyncadd.s32 $0xFFFFFFB0  }
0x3d: {  	[spmem:s1] =	stream.indirect.scatter.add.f32 [tilespmem:s21], [sflag:$0x11], $0x80, s15, s25, $0xb8;
	[tilespmem:$0x1E400] =	vst v63  }
0x3e: {  	_ =	swait.ge [sflag:s22], $0x2800  }
0x3f: {  	[sflag:s22] =	ssyncset.done $0x0  }
0x40: {  	[sflag:s22] =	ssyncadd.s32 $0xFFFFD800  }
0x41: {  	[bflag:$0x0] =	sbarrier.arrive $0xFFFF  }
0x42: {  	s5 =	rddreg [dreg:$0x15]  }
0x43: {  	[tilespmem:s21], [sflag:$0x11] =	stream.linear.gather [spmem:s5], $0x2800, $0x38;
	[tilespmem:$0x1E400] =	vst v63  }
0x44: {  	_ =	swait.ge [sflag:s22], $0x2800  }
0x45: {  	[sflag:s22] =	ssyncset.done $0x0  }
0x46: {  	s13 =	rddreg [dreg:$0x3];
	[sflag:s22] =	ssyncadd.s32 $0xFFFFD800  }
0x47: {  	[hbm4b:s13+s3] =	stream.linear.scatter [tilespmem:s21], [sflag:$0x11], $0x2800, $0x38;
	[tilespmem:$0x1E400] =	vst v63  }
0x48: {  	_ =	swait.ge [sflag:s22], $0x2800  }
0x49: {  	[sflag:s22] =	ssyncset.done $0x0  }
0x4a: {  	s6 =	rddreg [dreg:$0x17];
	[sflag:s22] =	ssyncadd.s32 $0xFFFFD800  }
0x4b: {  	[tilespmem:s21], [sflag:$0x11] =	stream.linear.gather [spmem:s6], $0x2800, $0x38;
	[tilespmem:$0x1E400] =	vst v63  }
0x4c: {  	_ =	swait.ge [sflag:s22], $0x2800  }
0x4d: {  	[sflag:s22] =	ssyncset.done $0x0  }
0x4e: {  	s14 =	rddreg [dreg:$0x4];
	[sflag:s22] =	ssyncadd.s32 $0xFFFFD800  }
0x4f: {  	[hbm4b:s14+s3] =	stream.linear.scatter [tilespmem:s21], [sflag:$0x11], $0x2800, $0x38;
	[tilespmem:$0x1E400] =	vst v63  }
0x50: {  	_ =	swait.ge [sflag:s22], $0x2800  }
0x51: {  	[sflag:s22] =	ssyncset.done $0x0  }
0x52: {  	s7 =	rddreg [dreg:$0x18];
	[sflag:s22] =	ssyncadd.s32 $0xFFFFD800  }
0x53: {  	[tilespmem:s21], [sflag:$0x11] =	stream.linear.gather [spmem:s7], $0x2800, $0x38;
	[tilespmem:$0x1E400] =	vst v63  }
0x54: {  	_ =	swait.ge [sflag:s22], $0x2800  }
0x55: {  	[sflag:s22] =	ssyncset.done $0x0  }
0x56: {  	s18 =	rddreg [dreg:$0x5];
	[sflag:s22] =	ssyncadd.s32 $0xFFFFD800  }
0x57: {  	[hbm4b:s18+s3] =	stream.linear.scatter [tilespmem:s21], [sflag:$0x11], $0x2800, $0x38;
	[tilespmem:$0x1E400] =	vst v63  }
0x58: {  	_ =	swait.ge [sflag:s22], $0x2800  }
0x59: {  	[sflag:s22] =	ssyncset.done $0x0  }
0x5a: {  	s8 =	rddreg [dreg:$0x19];
	[sflag:s22] =	ssyncadd.s32 $0xFFFFD800  }
0x5b: {  	[tilespmem:s21], [sflag:$0x11] =	stream.linear.gather [spmem:s8], $0x2800, $0x38;
	[tilespmem:$0x1E400] =	vst v63  }
0x5c: {  	_ =	swait.ge [sflag:s22], $0x2800  }
0x5d: {  	[sflag:s22] =	ssyncset.done $0x0  }
0x5e: {  	s9 =	rddreg [dreg:$0x6];
	[sflag:s22] =	ssyncadd.s32 $0xFFFFD800  }
0x5f: {  	[hbm4b:s9+s3] =	stream.linear.scatter [tilespmem:s21], [sflag:$0x11], $0x2800, $0x38;
	[tilespmem:$0x1E400] =	vst v63  }
0x60: {  	_ =	swait.ge [sflag:s22], $0x2800  }
0x61: {  	[sflag:s22] =	ssyncset.done $0x0  }
0x62: {  	s8 =	rddreg [dreg:$0x1a];
	[sflag:s22] =	ssyncadd.s32 $0xFFFFD800  }
0x63: {  	[tilespmem:s21], [sflag:$0x11] =	stream.linear.gather [spmem:s8], $0x2800, $0x38;
	[tilespmem:$0x1E400] =	vst v63  }
0x64: {  	_ =	swait.ge [sflag:s22], $0x2800  }
0x65: {  	[sflag:s22] =	ssyncset.done $0x0  }
0x66: {  	s13 =	rddreg [dreg:$0x7];
	[sflag:s22] =	ssyncadd.s32 $0xFFFFD800  }
0x67: {  	[hbm4b:s13+s3] =	stream.linear.scatter [tilespmem:s21], [sflag:$0x11], $0x2800, $0x38;
	[tilespmem:$0x1E400] =	vst v63  }
0x68: {  	_ =	swait.ge [sflag:s22], $0x2800  }
0x69: {  	[sflag:s22] =	ssyncset.done $0x0  }
0x6a: {  	s9 =	rddreg [dreg:$0x1b];
	[sflag:s22] =	ssyncadd.s32 $0xFFFFD800  }
0x6b: {  	[tilespmem:s21], [sflag:$0x11] =	stream.linear.gather [spmem:s9], $0x2800, $0x38;
	[tilespmem:$0x1E400] =	vst v63  }
0x6c: {  	_ =	swait.ge [sflag:s22], $0x2800  }
0x6d: {  	[sflag:s22] =	ssyncset.done $0x0  }
0x6e: {  	s14 =	rddreg [dreg:$0x8];
	[sflag:s22] =	ssyncadd.s32 $0xFFFFD800  }
0x6f: {  	[hbm4b:s14+s3] =	stream.linear.scatter [tilespmem:s21], [sflag:$0x11], $0x2800, $0x38;
	[tilespmem:$0x1E400] =	vst v63  }
0x70: {  	_ =	swait.ge [sflag:s22], $0x2800  }
0x71: {  	[sflag:s22] =	ssyncset.done $0x0  }
0x72: {  	s14 =	rddreg [dreg:$0x1c];
	[sflag:s22] =	ssyncadd.s32 $0xFFFFD800  }
0x73: {  	[tilespmem:s21], [sflag:$0x11] =	stream.linear.gather [spmem:s14], $0x2800, $0x38;
	[tilespmem:$0x1E400] =	vst v63  }
0x74: {  	_ =	swait.ge [sflag:s22], $0x2800  }
0x75: {  	[sflag:s22] =	ssyncset.done $0x0  }
0x76: {  	s18 =	rddreg [dreg:$0x9];
	[sflag:s22] =	ssyncadd.s32 $0xFFFFD800  }
0x77: {  	[hbm4b:s18+s3] =	stream.linear.scatter [tilespmem:s21], [sflag:$0x11], $0x2800, $0x38;
	[tilespmem:$0x1E400] =	vst v63  }
0x78: {  	_ =	swait.ge [sflag:s22], $0x2800  }
0x79: {  	[sflag:s22] =	ssyncset.done $0x0  }
0x7a: {  	s18 =	rddreg [dreg:$0x1d];
	[sflag:s22] =	ssyncadd.s32 $0xFFFFD800  }
0x7b: {  	[tilespmem:s21], [sflag:$0x11] =	stream.linear.gather [spmem:s18], $0x2800, $0x38;
	[tilespmem:$0x1E400] =	vst v63  }
0x7c: {  	_ =	swait.ge [sflag:s22], $0x2800  }
0x7d: {  	[sflag:s22] =	ssyncset.done $0x0  }
0x7e: {  	s13 =	rddreg [dreg:$0xa];
	[sflag:s22] =	ssyncadd.s32 $0xFFFFD800  }
0x7f: {  	[hbm4b:s13+s3] =	stream.linear.scatter [tilespmem:s21], [sflag:$0x11], $0x2800, $0x38;
	[tilespmem:$0x1E400] =	vst v63  }
0x80: {  	_ =	swait.ge [sflag:s22], $0x2800  }
0x81: {  	s13 =	sld [smem:$0x7F8];
	_ =	sdelay $0x2  }
0x82: {  	s5 =	rddreg [dreg:$0x16];
	s13 =	sadd.s32 $0x1, s13  }
0x83: {  	p0 =	sne.s32 s13, s5  }
.Ltmp1:
0x84: {  	_ = 	snop;
	(pc) =	sbr.rel @!p0 .LBB2_5-.Ltmp1, $3  }
0x85: {  	_ =	sdelay $0x1  }
0x86: {  	[sflag:s22] =	ssyncset.done $0x0  }
0x87: {  	[sflag:s22] =	ssyncadd.s32 $0xFFFFD800  }
.LBB2_1:
0x88: {  	[smem:$0x7F8] =	sst s13  }
0x89: {  	s5 =	rddreg [dreg:$0x11]  }
0x8a: {  	[tilespmem:s12], [sflag:$0x9] =	stream.linear.gather [hbm4b:s5+s3], $0x50, $0x38;
	[tilespmem:$0x1E400] =	vst v63  }
0x8b: {  	s13 =	rddreg [dreg:$0x12]  }
0x8c: {  	[tilespmem:s15], [sflag:$0xD] =	stream.linear.gather [hbm4b:s13+s3], $0x50, $0x38;
	[tilespmem:$0x1E400] =	vst v63  }
0x8d: {  	s5 =	rddreg [dreg:$0xd];
	s13 =	simm.s32 $0x14080  }
0x8e: {  	[tilespmem:s13], [sflag:$0xA] =	stream.linear.gather [hbm4b:s5+s3], $0x50, $0x38;
	[tilespmem:$0x1E400] =	vst v63  }
0x8f: {  	s5 =	rddreg [dreg:$0xe];
	s13 =	simm.s32 $0x14280  }
0x90: {  	[tilespmem:s13], [sflag:$0xE] =	stream.linear.gather [hbm4b:s5+s3], $0x50, $0x38;
	[tilespmem:$0x1E400] =	vst v63  }
0x91: {  	s5 =	rddreg [dreg:$0xf];
	s13 =	simm.s32 $0x14100  }
0x92: {  	[tilespmem:s13], [sflag:$0xB] =	stream.linear.gather [hbm4b:s5+s3], $0x50, $0x38;
	[tilespmem:$0x1E400] =	vst v63  }
0x93: {  	s5 =	rddreg [dreg:$0x10];
	s13 =	simm.s32 $0x14300  }
0x94: {  	[tilespmem:s13], [sflag:$0xF] =	stream.linear.gather [hbm4b:s5+s3], $0x50, $0x38;
	[tilespmem:$0x1E400] =	vst v63  }
0x95: {  	s13 =	rddreg [dreg:$0x13]  }
0x96: {  	[tilespmem:s19], [sflag:$0xC] =	stream.linear.gather [hbm4b:s13+s3], $0x50, $0x38;
	[tilespmem:$0x1E400] =	vst v63  }
0x97: {  	s13 =	rddreg [dreg:$0x14]  }
0x98: {  	[tilespmem:s20], [sflag:$0x10] =	stream.linear.gather [hbm4b:s13+s3], $0x50, $0x38;
	[tilespmem:$0x1E400] =	vst v63  }
0x99: {  	s13 =	rddreg [dreg:$0xc]  }
0x9a: {  	[tilespmem:s21], [sflag:$0x11] =	stream.linear.gather [hbm4b:s13+s3], $0x2800, $0x38;
	[tilespmem:$0x1E400] =	vst v63  }
0x9b: {  	_ =	swait.ge [sflag:s22], $0x2800  }
0x9c: {  	[sflag:s22] =	ssyncset.done $0x0  }
0x9d: {  	s13 =	rddreg [dreg:$0x15];
	[sflag:s22] =	ssyncadd.s32 $0xFFFFD800  }
0x9e: {  	[spmem:s13] =	stream.linear.scatter [tilespmem:s21], [sflag:$0x11], $0x2800, $0x38;
	[tilespmem:$0x1E400] =	vst v63  }
0x9f: {  	_ =	swait.ge [sflag:s22], $0x2800  }
0xa0: {  	[sflag:s22] =	ssyncset.done $0x0  }
0xa1: {  	[sflag:s22] =	ssyncadd.s32 $0xFFFFD800  }
0xa2: {  	[spmem:s6] =	stream.linear.scatter [tilespmem:s21], [sflag:$0x11], $0x2800, $0x38;
	[tilespmem:$0x1E400] =	vst v63  }
0xa3: {  	_ =	swait.ge [sflag:s22], $0x2800  }
0xa4: {  	[sflag:s22] =	ssyncset.done $0x0  }
0xa5: {  	[sflag:s22] =	ssyncadd.s32 $0xFFFFD800  }
0xa6: {  	[spmem:s7] =	stream.linear.scatter [tilespmem:s21], [sflag:$0x11], $0x2800, $0x38;
	[tilespmem:$0x1E400] =	vst v63  }
0xa7: {  	_ =	swait.ge [sflag:s22], $0x2800  }
0xa8: {  	[sflag:s22] =	ssyncset.done $0x0  }
0xa9: {  	s6 =	rddreg [dreg:$0x19];
	[sflag:s22] =	ssyncadd.s32 $0xFFFFD800  }
0xaa: {  	[spmem:s6] =	stream.linear.scatter [tilespmem:s21], [sflag:$0x11], $0x2800, $0x38;
	[tilespmem:$0x1E400] =	vst v63  }
0xab: {  	_ =	swait.ge [sflag:s22], $0x2800  }
0xac: {  	[sflag:s22] =	ssyncset.done $0x0  }
0xad: {  	[sflag:s22] =	ssyncadd.s32 $0xFFFFD800  }
0xae: {  	[spmem:s8] =	stream.linear.scatter [tilespmem:s21], [sflag:$0x11], $0x2800, $0x38;
	[tilespmem:$0x1E400] =	vst v63  }
0xaf: {  	_ =	swait.ge [sflag:s22], $0x2800  }
0xb0: {  	[sflag:s22] =	ssyncset.done $0x0  }
0xb1: {  	[sflag:s22] =	ssyncadd.s32 $0xFFFFD800  }
0xb2: {  	[spmem:s9] =	stream.linear.scatter [tilespmem:s21], [sflag:$0x11], $0x2800, $0x38;
	[tilespmem:$0x1E400] =	vst v63  }
0xb3: {  	_ =	swait.ge [sflag:s22], $0x2800  }
0xb4: {  	[sflag:s22] =	ssyncset.done $0x0  }
0xb5: {  	[sflag:s22] =	ssyncadd.s32 $0xFFFFD800  }
0xb6: {  	[spmem:s14] =	stream.linear.scatter [tilespmem:s21], [sflag:$0x11], $0x2800, $0x38;
	[tilespmem:$0x1E400] =	vst v63  }
0xb7: {  	_ =	swait.ge [sflag:s22], $0x2800  }
0xb8: {  	[sflag:s22] =	ssyncset.done $0x0  }
0xb9: {  	[sflag:s22] =	ssyncadd.s32 $0xFFFFD800  }
0xba: {  	[spmem:s18] =	stream.linear.scatter [tilespmem:s21], [sflag:$0x11], $0x2800, $0x38;
	[tilespmem:$0x1E400] =	vst v63  }
0xbb: {  	_ =	swait.ge [sflag:s22], $0x2800  }
0xbc: {  	[sflag:s22] =	ssyncset.done $0x0  }
0xbd: {  	[sflag:s22] =	ssyncadd.s32 $0xFFFFD800  }
0xbe: {  	[bflag:$0x0] =	sbarrier.arrive $0xFFFF  }
0xbf: {  	_ =	swait.ge [sflag:s23], $0x50  }
0xc0: {  	[sflag:s23] =	ssyncset.done $0x0  }
0xc1: {  	s7 =	simm.s32 $0xA;
	[sflag:s23] =	ssyncadd.s32 $0xFFFFFFB0  }
0xc2: {  	[tilespmem:s21], [sflag:$0x1] =	stream.indirect.gather [hbm4b:s4+s25], $0x80, s12, s25, $0xb8;
	[tilespmem:$0x1E400] =	vst v63  }
0xc3: {  	_ =	swait.ge [sflag:s7], $0x50  }
0xc4: {  	s13 =	simm.s32 $0xB;
	[sflag:s7] =	ssyncset.done $0x0  }
0xc5: {  	s8 =	simm.s32 $0x16C00;
	s9 =	simm.s32 $0x14080;
	[sflag:s7] =	ssyncadd.s32 $0xFFFFFFB0  }
0xc6: {  	[tilespmem:s8], [sflag:$0x2] =	stream.indirect.gather [hbm4b:s4+s25], $0x80, s9, s25, $0xb8;
	[tilespmem:$0x1E400] =	vst v63  }
0xc7: {  	_ =	swait.ge [sflag:s13], $0x50  }
0xc8: {  	[sflag:s13] =	ssyncset.done $0x0  }
0xc9: {  	s14 =	simm.s32 $0x19400;
	s18 =	simm.s32 $0x14100;
	[sflag:s13] =	ssyncadd.s32 $0xFFFFFFB0  }
0xca: {  	[tilespmem:s14], [sflag:$0x3] =	stream.indirect.gather [hbm4b:s4+s25], $0x80, s18, s25, $0xb8;
	[tilespmem:$0x1E400] =	vst v63  }
0xcb: {  	_ =	swait.ge [sflag:s16], $0x50  }
0xcc: {  	[sflag:s16] =	ssyncset.done $0x0  }
0xcd: {  	s13 =	simm.s32 $0x0;
	s18 =	sld [smem:$0x7FD];
	[sflag:s16] =	ssyncadd.s32 $0xFFFFFFB0  }
0xce: {  	[tilespmem:s11], [sflag:$0x4] =	stream.indirect.gather [hbm4b:s4+s25], $0x80, s19, s25, $0xb8;
	[tilespmem:$0x1E400] =	vst v63  }
.LBB2_2:
0xcf: {  	_ =	swait.ge [sflag:s24], $0x2800  }
0xd0: {  	[sflag:s24] =	ssyncset.done $0x0  }
0xd1: {  	[sflag:s24] =	ssyncadd.s32 $0xFFFFD800  }
0xd2: {  	_ =	swait.ge [sflag:s26], $0x50  }
0xd3: {  	[sflag:s26] =	ssyncset.done $0x0  }
0xd4: {  	[sflag:s26] =	ssyncadd.s32 $0xFFFFFFB0  }
0xd5: {  	[spmem:s1] =	stream.indirect.scatter.add.f32 [tilespmem:s21], [sflag:$0x5], $0x80, s15, s25, $0xb8;
	[tilespmem:$0x1E400] =	vst v63  }
0xd6: {  	_ =	swait.ge [sflag:s28], $0x2800  }
0xd7: {  	s14 =	sshrl.u32 s18, $0x3;
	[sflag:s28] =	ssyncset.done $0x0  }
0xd8: {  	s5 =	sadd.s32 s10, s14;
	s9 =	rddreg [dreg:$0xb];
	[sflag:s28] =	ssyncadd.s32 $0xFFFFD800  }
0xd9: {  	[tilespmem:s12], [sflag:$0x9] =	stream.linear.gather [hbm4b:s5+s3], $0x50, $0x38;
	[tilespmem:$0x1E400] =	vst v63  }
0xda: {  	s5 =	sadd.s32 s9, s14  }
0xdb: {  	[tilespmem:s15], [sflag:$0xD] =	stream.linear.gather [hbm4b:s5+s3], $0x50, $0x38;
	[tilespmem:$0x1E400] =	vst v63  }
0xdc: {  	_ =	swait.ge [sflag:s23], $0x50  }
0xdd: {  	[sflag:s23] =	ssyncset.done $0x0  }
0xde: {  	[sflag:s23] =	ssyncadd.s32 $0xFFFFFFB0  }
0xdf: {  	[tilespmem:s21], [sflag:$0x1] =	stream.indirect.gather [hbm4b:s4+s25], $0x80, s12, s25, $0xb8;
	[tilespmem:$0x1E400] =	vst v63  }
0xe0: {  	_ =	swait.ge [sflag:s29], $0x2800  }
0xe1: {  	[sflag:s29] =	ssyncset.done $0x0  }
0xe2: {  	[sflag:s29] =	ssyncadd.s32 $0xFFFFD800  }
0xe3: {  	_ =	swait.ge [sflag:s30], $0x50  }
0xe4: {  	[sflag:s30] =	ssyncset.done $0x0  }
0xe5: {  	s6 =	simm.s32 $0x16C00;
	s14 =	simm.s32 $0x14280;
	[sflag:s30] =	ssyncadd.s32 $0xFFFFFFB0  }
0xe6: {  	[spmem:s1] =	stream.indirect.scatter.add.f32 [tilespmem:s6], [sflag:$0x6], $0x80, s14, s25, $0xb8;
	[tilespmem:$0x1E400] =	vst v63  }
0xe7: {  	_ =	swait.ge [sflag:s31], $0x2800  }
0xe8: {  	p0 =	seq.s32 s13, $0x4B0;
	[sflag:s31] =	ssyncset.done $0x0  }
0xe9: {  	s5 =	simm.s32 @p0 $0x3;
	[sflag:s31] =	ssyncadd.s32 $0xFFFFD800  }
0xea: {  	_ =	swait.ge @p0 [sflag:s5], $0x2800  }
0xeb: {  	[sflag:s5] =	ssyncset.done @p0 $0x0  }
0xec: {  	[sflag:s5] =	ssyncadd.s32 @p0 $0xFFFFD800;
	s5 =	simm.s32 @p0 $0xF  }
0xed: {  	_ =	swait.ge @p0 [sflag:s5], $0x50  }
0xee: {  	s14 =	simm.s32 @p0 $0x14300;
	[sflag:s5] =	ssyncset.done @p0 $0x0  }
0xef: {  	s6 =	simm.s32 @p0 $0x19400;
	[sflag:s5] =	ssyncadd.s32 @p0 $0xFFFFFFB0;
	s5 =	simm.s32 @p0 $0x50  }
0xf0: {  	[spmem:s1] =	stream.indirect.scatter.add.f32 @p0 [tilespmem:s6], [sflag:$0x7], $0x80, s14, s5, $0xb8;
	[tilespmem:$0x1E400] =	vst v63  }
0xf1: {  	s5 =	simm.s32 @p0 $0x7  }
0xf2: {  	_ =	swait.ge @p0 [sflag:s5], $0x2800  }
0xf3: {  	[sflag:s5] =	ssyncset.done @p0 $0x0  }
0xf4: {  	[sflag:s5] =	ssyncadd.s32 @p0 $0xFFFFD800;
	s5 =	sld [smem:$0x7FC];
	_ =	sdelay $0x2  }
0xf5: {  	s6 =	simm.s32 @!p0 $0x0;
	s14 =	simm.s32 @!p0 $0x14080;
	s5 =	sadd.s32 @!p0 s13, s5  }
0xf6: {  	[tilespmem:s14], [sflag:$0xA] =	stream.linear.gather @!p0 [hbm4b:s5+s6], $0x50, $0x38;
	[tilespmem:$0x1E400] =	vst v63  }
0xf7: {  	s5 =	sld [smem:$0x7FB];
	_ =	sdelay $0x2  }
0xf8: {  	s7 =	simm.s32 @!p0 $0x14280;
	s5 =	sadd.s32 @!p0 s13, s5  }
0xf9: {  	[tilespmem:s7], [sflag:$0xE] =	stream.linear.gather @!p0 [hbm4b:s5+s6], $0x50, $0x38;
	[tilespmem:$0x1E400] =	vst v63  }
0xfa: {  	s5 =	simm.s32 @!p0 $0xA  }
0xfb: {  	_ =	swait.ge @!p0 [sflag:s5], $0x50  }
0xfc: {  	[sflag:s5] =	ssyncset.done @!p0 $0x0  }
0xfd: {  	s7 =	simm.s32 @!p0 $0x16C00;
	[sflag:s5] =	ssyncadd.s32 @!p0 $0xFFFFFFB0;
	s5 =	simm.s32 @!p0 $0x50  }
0xfe: {  	[tilespmem:s7], [sflag:$0x2] =	stream.indirect.gather @!p0 [hbm4b:s4+s5], $0x80, s14, s5, $0xb8;
	[tilespmem:$0x1E400] =	vst v63  }
0xff: {  	s7 =	simm.s32 @!p0 $0x3  }
0x100: {  	_ =	swait.ge @!p0 [sflag:s7], $0x2800  }
0x101: {  	[sflag:s7] =	ssyncset.done @!p0 $0x0  }
0x102: {  	[sflag:s7] =	ssyncadd.s32 @!p0 $0xFFFFD800;
	s7 =	simm.s32 @!p0 $0xF  }
0x103: {  	_ =	swait.ge @!p0 [sflag:s7], $0x50  }
0x104: {  	s8 =	simm.s32 @!p0 $0x7;
	[sflag:s7] =	ssyncset.done @!p0 $0x0  }
0x105: {  	s14 =	simm.s32 @!p0 $0x19400;
	[sflag:s7] =	ssyncadd.s32 @!p0 $0xFFFFFFB0;
	s7 =	simm.s32 @!p0 $0x14300  }
0x106: {  	[spmem:s1] =	stream.indirect.scatter.add.f32 @!p0 [tilespmem:s14], [sflag:$0x7], $0x80, s7, s5, $0xb8;
	[tilespmem:$0x1E400] =	vst v63  }
0x107: {  	_ =	swait.ge @!p0 [sflag:s8], $0x2800  }
0x108: {  	[sflag:s8] =	ssyncset.done @!p0 $0x0  }
0x109: {  	[sflag:s8] =	ssyncadd.s32 @!p0 $0xFFFFD800;
	s8 =	sld [smem:$0x7FA];
	_ =	sdelay $0x2  }
0x10a: {  	s9 =	simm.s32 @!p0 $0x14100;
	s8 =	sadd.s32 @!p0 s13, s8  }
0x10b: {  	[tilespmem:s9], [sflag:$0xB] =	stream.linear.gather @!p0 [hbm4b:s8+s6], $0x50, $0x38;
	[tilespmem:$0x1E400] =	vst v63  }
0x10c: {  	s8 =	sld [smem:$0x7F9];
	_ =	sdelay $0x2  }
0x10d: {  	s8 =	sadd.s32 @!p0 s13, s8  }
0x10e: {  	[tilespmem:s7], [sflag:$0xF] =	stream.linear.gather @!p0 [hbm4b:s8+s6], $0x50, $0x38;
	[tilespmem:$0x1E400] =	vst v63  }
0x10f: {  	s6 =	simm.s32 @!p0 $0xB  }
0x110: {  	_ =	swait.ge @!p0 [sflag:s6], $0x50  }
0x111: {  	[sflag:s6] =	ssyncset.done @!p0 $0x0  }
0x112: {  	[sflag:s6] =	ssyncadd.s32 @!p0 $0xFFFFFFB0  }
0x113: {  	[tilespmem:s14], [sflag:$0x3] =	stream.indirect.gather @!p0 [hbm4b:s4+s5], $0x80, s9, s5, $0xb8;
	[tilespmem:$0x1E400] =	vst v63  }
0x114: {  	_ =	swait.ge [sflag:s0], $0x2800  }
0x115: {  	[sflag:s0] =	ssyncset.done $0x0  }
0x116: {  	[sflag:s0] =	ssyncadd.s32 $0xFFFFD800  }
0x117: {  	_ =	swait.ge [sflag:s2], $0x50  }
0x118: {  	[sflag:s2] =	ssyncset.done $0x0  }
.Ltmp2:
0x119: {  	[sflag:s2] =	ssyncadd.s32 $0xFFFFFFB0;
	(pc) =	sbr.rel @p0 .LBB2_4-.Ltmp2, $4  }
0x11a: {  	[spmem:s1] =	stream.indirect.scatter.add.f32 [tilespmem:s11], [sflag:$0x8], $0x80, s20, s25, $0xb8;
	[tilespmem:$0x1E400] =	vst v63  }
0x11b: {  	_ =	swait.ge [sflag:s17], $0x2800  }
0x11c: {  	[sflag:s17] =	ssyncset.done $0x0  }
0x11d: {  	[sflag:s17] =	ssyncadd.s32 $0xFFFFD800  }
0x11e: {  	s5 =	rddreg [dreg:$0x1f]  }
0x11f: {  	s14 =	rddreg [dreg:$0x1e];
	s5 =	sadd.s32 s13, s5  }
0x120: {  	[tilespmem:s19], [sflag:$0xC] =	stream.linear.gather [hbm4b:s5+s3], $0x50, $0x38;
	[tilespmem:$0x1E400] =	vst v63  }
0x121: {  	s5 =	sadd.s32 s13, s14  }
0x122: {  	[tilespmem:s20], [sflag:$0x10] =	stream.linear.gather [hbm4b:s5+s3], $0x50, $0x38;
	[tilespmem:$0x1E400] =	vst v63  }
.Ltmp3:
0x123: {  	_ = 	snop;
	(pc) =	sbr.rel .LBB2_2-.Ltmp3, $4  }
0x124: {  	_ =	swait.ge [sflag:s16], $0x50  }
0x125: {  	[sflag:s16] =	ssyncset.done $0x0  }
0x126: {  	s18 =	sadd.s32 $0x140, s18;
	s13 =	sadd.s32 $0x28, s13;
	[sflag:s16] =	ssyncadd.s32 $0xFFFFFFB0  }
0x127: {  	[tilespmem:s11], [sflag:$0x4] =	stream.indirect.gather [hbm4b:s4+s25], $0x80, s19, s25, $0xb8;
	[tilespmem:$0x1E400] =	vst v63  }
.LBB2_5:
0x128: {  	_ =	sfence.sel $0x180000  }
0x129: {  	[bflag:$0x0] =	sbarrier.arrive $0xFFFF  }
0x12a: {  	_ =	strace $0x90000050  }
0x12b: {  	s0 =	stileid.u32;
	[bflag:$0x2] =	sbarrier.arrive $0xFFFF  }
0x12c: {  	p0 =	sne.s32 s0, $0x0;
	s0 =	rddreg [dreg:$0x2]  }
0x12d: {  	s0 =	sadd.s32 @!p0 $0x100000, s0  }
0x12e: {  	[sflag:s0] =	ssyncadd.tile.s32 @!p0 $0x1;
	_ =	shalt  }
.Lfunc_end2:
_tile_overlayer_lowered:
.L_overlay_start_2:
0x12f: {  	(tag) =	ssettag $0x2  }
0x130: {  	s0 =	rddreg [dreg:$0x0];
	s2 =	stileid.u32  }
0x131: {  	s1 =	rddreg [dreg:$0x1];
	p0 =	sne.s32 s2, $0x0  }
0x132: {  	s3 =	rddreg [dreg:$0x2];
	[bflag:$0x3] =	sbarrier.arrive $0xFFFF;
	s2 =	simm.s32 @!p0 $0x1C11  }
0x133: {  	[timem:s3], [sflag:s2] =	dma.local @!p0 [hbm:s0], s1  }
0x134: {  	s0 =	simm.s32 @!p0 $0x11  }
0x135: {  	_ =	swait.ge @!p0 [sflag:s0], s1  }
0x136: {  	s1 =	ssub.s32 @!p0 $0x0, s1;
	[sflag:s0] =	ssyncset.done @!p0 $0x0  }
0x137: {  	[sflag:s0] =	ssyncadd.s32 @!p0 s1  }
0x138: {  	[bflag:$0x3] =	sbarrier.arrive $0xFFFF  }
0x139: {  	_ =	shalt  }

</sc_bundles>
